<compile_context>
chip_gen: v7x
topology: tpu7x:2x2x1
jax: 0.10.2.dev20260603
libtpu: 0.0.44.dev20260713+nightly
codegen_flags: <defaults>
</compile_context>

<pallas_src>
import functools

import jax
import jax.numpy as jnp
from jax import lax
from jax.experimental import pallas as pl
from jax.experimental.pallas import tpu as pltpu
from jax.experimental.pallas import tpu_sc as plsc

_N = 10000
_DE = 16
_NW = 32
_G = 128
_E = 320000
_NG = _E // _G
_GQ = _NG // _NW
_GR = _NG % _NW
_CG = 16
_EC = _CG * _G
_NGP = 2504
_NPAD = 10240
_NPS = _NPAD // 16


def _sc_segment_sum(idx3, attr1):
    mesh = plsc.VectorSubcoreMesh(core_axis_name="c", subcore_axis_name="s")

    @functools.partial(
        pl.kernel,
        mesh=mesh,
        out_type=jax.ShapeDtypeStruct((2, _NPAD // 8, 128), jnp.float32),
        scratch_types=[
            pltpu.VMEM((_GQ + 2, 1, _G), jnp.int32),
            pltpu.VMEM((2, 2 * _CG * 8 * _G), jnp.float32),
            pltpu.VMEM((_EC, _DE), jnp.float32),
            pltpu.VMEM((_NPS // 8, 128), jnp.float32),
            pltpu.VMEM_SHARED((_NPAD, _DE), jnp.float32),
            pltpu.SemaphoreType.DMA,
            pltpu.SemaphoreType.DMA,
            pltpu.SemaphoreType.DMA,
        ],
        compiler_params=pltpu.CompilerParams(use_tc_tiling_on_sc=False,
                                             needs_layout_passes=False),
    )
    def seg_sum(idx_hbm, attr_hbm, out_hbm, idx_v, buf_t, buf16, buf_o, acc,
                lsem0, lsem1, ssem):
        half = 2560000
        cw = _CG * 8 * _G
        c = lax.axis_index("c")
        s = lax.axis_index("s")
        w = s * 2 + c
        ng = _GQ + jnp.where(w < _GR, 1, 0)
        start = _GQ * w + jnp.minimum(w, _GR)
        zvec = jnp.zeros((_DE,), jnp.float32)
        lane = lax.iota(jnp.int32, _DE)
        lsems = [lsem0, lsem1]

        def chunk_base(k):
            if k < 4:
                return (start + k * _CG) * (8 * _G)
            return (start + ng - _CG) * (8 * _G)

        def fire_load(k):
            p = k & 1
            b = chunk_base(k)
            return [
                pltpu.async_copy(attr_hbm.at[pl.ds(b, cw)],
                                 buf_t.at[p, pl.ds(0, cw)], lsems[p]),
                pltpu.async_copy(attr_hbm.at[pl.ds(half + b, cw)],
                                 buf_t.at[p, pl.ds(cw, cw)], lsems[p]),
            ]

        load_h = fire_load(0)

        def zero_body(i, _):
            buf16[i, :] = zvec
            return 0

        lax.fori_loop(0, _NPS, zero_body, 0, unroll=8)
        pltpu.sync_copy(buf16.at[pl.ds(0, _NPS)], acc.at[pl.ds(s * _NPS, _NPS)])
        pltpu.sync_copy(idx_hbm.at[pl.ds(start, 64), pl.ds(0, 1)],
                        idx_v.at[pl.ds(0, 64)])
        pltpu.sync_copy(idx_hbm.at[pl.ds(start + ng - _CG, _CG), pl.ds(0, 1)],
                        idx_v.at[pl.ds(64, _CG)])
        plsc.subcore_barrier()

        def transpose_chunk(p):
            src = buf_t.at[p]
            v16 = jnp.full((_DE,), _DE, jnp.int32)
            v896 = jnp.full((_DE,), 8 * _G - _G, jnp.int32)

            def diag_f(f0, _):
                cv = (lane + f0) & 15
                dl = ((cv >> 3) * cw + (cv & 7) * _G + lane)

                def slab_t(j, carry):
                    fv, rv = carry
                    xs = [plsc.load_gather(src, [fv + b * _DE])
                          for b in range(_G // _DE)]
                    for b in range(_G // _DE):
                        plsc.store_scatter(buf16, [rv + b * _DE, cv], xs[b])
                    return (fv + v896 + v16 * 8, rv + v16 * 8)

                lax.fori_loop(0, _CG, slab_t, (dl, lane))
                return 0

            lax.fori_loop(0, _DE, diag_f, 0)

        off = (_CG + 64) - ng

        def scatter_refs(k, j):
            if k < 4:
                return (buf16.at[pl.ds(j * _G, _G)],
                        acc.at[idx_v.at[k * _CG + j, 0]])
            return (buf16.at[pl.ds((off + j) * _G, _G)],
                    acc.at[idx_v.at[64 + off + j, 0]])

        scat_h = []
        for k in range(5):
            if k < 4:
                next_h = fire_load(k + 1)
            for h in load_h:
                h.wait()
            if k < 4:
                load_h = next_h
            for (kk, j, pred) in scat_h:
                if pred is None:
                    srcr, dstr = scatter_refs(kk, j)
                    pltpu.make_async_copy(srcr, dstr, ssem).wait()
            scat_h = []
            transpose_chunk(k & 1)
            if k < 4:
                for j in range(_CG):
                    srcr, dstr = scatter_refs(k, j)
                    pltpu.async_copy(srcr, dstr, ssem, add=True)
                    scat_h.append((k, j, None))
            else:
                for j in range(_CG - 1):
                    @pl.when(64 + j < ng)
                    def _(j=j):
                        srcr, dstr = scatter_refs(4, j)
                        pltpu.async_copy(srcr, dstr, ssem, add=True)

        for j in range(_CG - 1):
            @pl.when(64 + j < ng)
            def _(j=j):
                srcr, dstr = scatter_refs(4, j)
                pltpu.make_async_copy(srcr, dstr, ssem).wait()

        plsc.subcore_barrier()
        pltpu.sync_copy(acc.at[pl.ds(s * _NPS, _NPS)], buf16.at[pl.ds(0, _NPS)])

        def wb_body(i, _):
            for l in range(8):
                buf_o[i, pl.ds(l * _DE, _DE)] = buf16[i * 8 + l, :]
            return 0

        lax.fori_loop(0, _NPS // 8, wb_body, 0)
        pltpu.sync_copy(buf_o,
                        out_hbm.at[c, pl.ds(s * (_NPS // 8), _NPS // 8)])

    return seg_sum(idx3, attr1)


def _tc_mlp_body(nf_ref, p0_ref, p1_ref, w1a_ref, w1b_ref, w2_ref,
                 b1_ref, b2_ref, o_ref):
    agg = p0_ref[...] + p1_ref[...]
    h = jnp.dot(nf_ref[...], w1a_ref[...], preferred_element_type=jnp.float32)
    h = h + jnp.dot(agg, w1b_ref[...], preferred_element_type=jnp.float32)
    h = h + b1_ref[...]
    o = jnp.dot(h, w2_ref[...], preferred_element_type=jnp.float32)
    o_ref[...] = o + b2_ref[...]


def _tc_mlp(node_feats, partials, W1, b1, W2, b2):
    n, d = node_feats.shape
    h_nf = W1.shape[1]
    out_nf = W2.shape[1]
    W1a = W1[:d]
    W1b = W1[d:]
    p0 = partials[0]
    p1 = partials[1]
    blk = 2000
    grid = (n // blk,)
    return pl.pallas_call(
        _tc_mlp_body,
        grid=grid,
        in_specs=[
            pl.BlockSpec((blk, d), lambda i: (i, 0)),
            pl.BlockSpec((blk, _DE), lambda i: (i, 0)),
            pl.BlockSpec((blk, _DE), lambda i: (i, 0)),
            pl.BlockSpec((d, h_nf), lambda i: (0, 0)),
            pl.BlockSpec((_DE, h_nf), lambda i: (0, 0)),
            pl.BlockSpec((h_nf, out_nf), lambda i: (0, 0)),
            pl.BlockSpec((1, h_nf), lambda i: (0, 0)),
            pl.BlockSpec((1, out_nf), lambda i: (0, 0)),
        ],
        out_specs=pl.BlockSpec((blk, out_nf), lambda i: (i, 0)),
        out_shape=jax.ShapeDtypeStruct((n, out_nf), jnp.float32),
    )(node_feats, p0, p1, W1a, W1b, W2,
      b1.reshape(1, h_nf), b2.reshape(1, out_nf))


@jax.jit
def kernel(node_feats, edge_index, edge_attr, W1, b1, W2, b2):
    idx3 = edge_index.reshape(2, _NG, _G).transpose(1, 0, 2)
    attr1 = edge_attr.T.reshape(2, 8, _NG, _G).transpose(0, 2, 1, 3).reshape(-1)
    partials = _sc_segment_sum(idx3, attr1)
    partials = partials.reshape(2, _NPAD, _DE)[:, :_N]
    return _tc_mlp(node_feats, partials, W1, b1, W2, b2)

# --- scband reference (transcript-rebuilt; emitter-appended) ---
"""Pipeline reference for scband-node-layer-14499809591359 (READ-ONLY COPY).

The authoritative reference and input builder live on the scoring server;
editing this copy changes nothing except your own understanding.
"""

import jax, jax.numpy as jnp
import numpy as np

N_NODES = 10000
N_EDGES = 320000
D_FEAT = 128
D_EDGE = 16
IN_NF = D_FEAT + D_EDGE  # 144
H_NF = 128
OUT_NF = 128


def setup_inputs(seed: int = 0) -> dict:
    key = jax.random.key(seed)
    k1, k2, k3, k4, k5, k6, k7 = jax.random.split(key, 7)
    node_feats = jax.random.normal(k1, (N_NODES, D_FEAT), dtype=jnp.float32)
    edge_index = jax.random.randint(k2, (2, N_EDGES), 0, N_NODES, dtype=jnp.int64)
    edge_attr = jax.random.normal(k3, (N_EDGES, D_EDGE), dtype=jnp.float32)
    # Parameters for node_mlp: Linear(IN_NF, H_NF) -> Linear(H_NF, OUT_NF)
    s1 = 1.0 / np.sqrt(IN_NF)
    s2 = 1.0 / np.sqrt(H_NF)
    W1 = jax.random.uniform(k4, (IN_NF, H_NF), dtype=jnp.float32, minval=-s1, maxval=s1)
    b1 = jax.random.uniform(k5, (H_NF,), dtype=jnp.float32, minval=-s1, maxval=s1)
    W2 = jax.random.uniform(k6, (H_NF, OUT_NF), dtype=jnp.float32, minval=-s2, maxval=s2)
    b2 = jax.random.uniform(k7, (OUT_NF,), dtype=jnp.float32, minval=-s2, maxval=s2)
    return {"node_feats": node_feats, "edge_index": edge_index, "edge_attr": edge_attr,
            "W1": W1, "b1": b1, "W2": W2, "b2": b2}


def reference(node_feats, edge_index, edge_attr, W1, b1, W2, b2):
    # unsorted_segment_sum: scatter-add edge_attr into rows given by edge_index[0]
    row = edge_index[0]
    agg = jax.ops.segment_sum(edge_attr, row, num_segments=node_feats.shape[0])
    node_in = jnp.concatenate([node_feats, agg], axis=1)
    # node_mlp: two stacked Linear layers (no nonlinearity in between, per Sequential)
    h = node_in @ W1 + b1
    out = h @ W2 + b2
    return out

if __name__ == "__main__":
    import jax
    _d = setup_inputs()
    print(jax.jit(kernel)(*tuple(_d.values())))

</pallas_src>

<mosaic_0001>
#map = affine_map<(d0, d1) -> (0, 0, 0)>
#map1 = affine_map<(d0, d1) -> (0)>
module attributes {stable_mosaic.version = 14 : i64} {
  func.func @seg_sum(%arg0: i32, %arg1: i32, %arg2: memref<2500x2x128xi32, #tpu.memory_space<hbm>>, %arg3: memref<5120000xf32, #tpu.memory_space<hbm>>, %arg4: memref<2x1280x128xf32, #tpu.memory_space<hbm>>, %arg5: memref<80x1x128xi32, #tpu.memory_space<vmem>>, %arg6: memref<2x32768xf32, #tpu.memory_space<vmem>>, %arg7: memref<2048x16xf32, #tpu.memory_space<vmem>>, %arg8: memref<80x128xf32, #tpu.memory_space<vmem>>, %arg9: memref<10240x16xf32, #tpu.memory_space<vmem_shared>>, %arg10: memref<!tpu.dma_semaphore, #tpu.memory_space<semaphore_mem>>, %arg11: memref<!tpu.dma_semaphore, #tpu.memory_space<semaphore_mem>>, %arg12: memref<!tpu.dma_semaphore, #tpu.memory_space<semaphore_mem>>) attributes {dimension_semantics = [#tpu.dimension_semantics<core_parallel>, #tpu.dimension_semantics<subcore_parallel>], iteration_bounds = array<i64: 2, 16>, scalar_prefetch = 0 : i64, scratch_operands = 8 : i64, tpu.core_type = #tpu.core_type<sc_vector_subcore>, window_params = [{transform_indices = #map}, {transform_indices = #map1}, {transform_indices = #map}]} {
    %mul3A = arith.constant 2 : i32
    %mul3A_0 = arith.muli %arg1, %mul3A : i32
    %add3A = arith.addi %mul3A_0, %arg0 : i32
    %lt3A = arith.constant 4 : i32
    %lt3A_1 = arith.cmpi slt, %add3A, %lt3A : i32
    %jit3A = arith.constant 1 : i32
    %jit3A_2 = arith.constant 0 : i32
    %select_n3A = arith.select %lt3A_1, %jit3A, %jit3A_2 : i32
    %add3A_3 = arith.constant 78 : i32
    %add3A_4 = arith.addi %add3A_3, %select_n3A : i32
    %mul3A_5 = arith.constant 78 : i32
    %mul3A_6 = arith.muli %mul3A_5, %add3A : i32
    %min3A = arith.constant 4 : i32
    %min3A_7 = arith.minsi %add3A, %min3A : i32
    %add3A_8 = arith.addi %mul3A_6, %min3A_7 : i32
    %broadcast_in_dim3A = arith.constant 0.000000e+00 : f32
    %broadcast_in_dim3A_9 = vector.broadcast %broadcast_in_dim3A : f32 to vector<16xf32>
    %iota3A = tpu.iota {dimensions = array<i32: 0>} : vector<16xi32>
    %add3A_10 = arith.constant 0 : i32
    %add3A_11 = arith.addi %add3A_8, %add3A_10 : i32
    %mul3A_12 = arith.constant 1024 : i32
    %mul3A_13 = arith.muli %add3A_11, %mul3A_12 : i32
    %dma_start3A = arith.constant 0 : i32
    %dma_start3A_14 = arith.constant 0 : i32
    %dma_start3A_15 = tpu.memref_slice %arg6[%dma_start3A, %dma_start3A_14] : memref<2x32768xf32, #tpu.memory_space<vmem>> -> memref<1x16384xf32, #tpu.memory_space<vmem>>
    %dma_start3A_16 = tpu.memref_squeeze %dma_start3A_15 : memref<1x16384xf32, #tpu.memory_space<vmem>> -> memref<16384xf32, #tpu.memory_space<vmem>>
    %dma_start3A_17 = tpu.memref_slice %arg3[%mul3A_13] : memref<5120000xf32, #tpu.memory_space<hbm>> -> memref<16384xf32, #tpu.memory_space<hbm>>
    %dma_start3A_18 = arith.constant 0 : i32
    %dma_start3A_19 = tpu.memref_slice %arg6[%dma_start3A, %dma_start3A_18] : memref<2x32768xf32, #tpu.memory_space<vmem>> -> memref<1x16384xf32, #tpu.memory_space<vmem>>
    %dma_start3A_20 = tpu.memref_squeeze %dma_start3A_19 : memref<1x16384xf32, #tpu.memory_space<vmem>> -> memref<16384xf32, #tpu.memory_space<vmem>>
    %dma_start3A_21 = tpu.memref_slice %arg3[%mul3A_13] : memref<5120000xf32, #tpu.memory_space<hbm>> -> memref<16384xf32, #tpu.memory_space<hbm>>
    tpu.enqueue_dma source(%dma_start3A_21 : memref<16384xf32, #tpu.memory_space<hbm>>) target(%dma_start3A_20 : memref<16384xf32, #tpu.memory_space<vmem>>) target_semaphore(%arg10 : memref<!tpu.dma_semaphore, #tpu.memory_space<semaphore_mem>>)
    %add3A_22 = arith.constant 2560000 : i32
    %add3A_23 = arith.addi %add3A_22, %mul3A_13 : i32
    %dma_start3A_24 = arith.constant 0 : i32
    %dma_start3A_25 = arith.constant 16384 : i32
    %dma_start3A_26 = tpu.memref_slice %arg6[%dma_start3A_24, %dma_start3A_25] : memref<2x32768xf32, #tpu.memory_space<vmem>> -> memref<1x16384xf32, #tpu.memory_space<vmem>>
    %dma_start3A_27 = tpu.memref_squeeze %dma_start3A_26 : memref<1x16384xf32, #tpu.memory_space<vmem>> -> memref<16384xf32, #tpu.memory_space<vmem>>
    %dma_start3A_28 = tpu.memref_slice %arg3[%add3A_23] : memref<5120000xf32, #tpu.memory_space<hbm>> -> memref<16384xf32, #tpu.memory_space<hbm>>
    %dma_start3A_29 = arith.constant 16384 : i32
    %dma_start3A_30 = tpu.memref_slice %arg6[%dma_start3A_24, %dma_start3A_29] : memref<2x32768xf32, #tpu.memory_space<vmem>> -> memref<1x16384xf32, #tpu.memory_space<vmem>>
    %dma_start3A_31 = tpu.memref_squeeze %dma_start3A_30 : memref<1x16384xf32, #tpu.memory_space<vmem>> -> memref<16384xf32, #tpu.memory_space<vmem>>
    %dma_start3A_32 = tpu.memref_slice %arg3[%add3A_23] : memref<5120000xf32, #tpu.memory_space<hbm>> -> memref<16384xf32, #tpu.memory_space<hbm>>
    tpu.enqueue_dma source(%dma_start3A_32 : memref<16384xf32, #tpu.memory_space<hbm>>) target(%dma_start3A_31 : memref<16384xf32, #tpu.memory_space<vmem>>) target_semaphore(%arg10 : memref<!tpu.dma_semaphore, #tpu.memory_space<semaphore_mem>>)
    %scan3A = arith.constant 0 : i32
    %scan3A_33 = arith.constant 0 : i32
    %scan3A_34 = arith.constant 640 : i32
    %scan3A_35 = arith.addi %scan3A_33, %scan3A_34 : i32
    %scan3A_36 = arith.constant 8 : i32
    %scan3A_37 = scf.for %scan3A_1858 = %scan3A_33 to %scan3A_35 step %scan3A_36 iter_args(%scan3A_1859 = %scan3A) -> (i32)  : i32 {
      %swap3A = arith.index_cast %scan3A_1858 : i32 to index
      %swap3A_1860 = arith.constant 0 : index
      %swap3A_1861 = tpu.vector_load %arg7[%swap3A, %swap3A_1860] {strides = array<i32>} : memref<2048x16xf32, #tpu.memory_space<vmem>>, vector<16xf32>,
      tpu.vector_store %arg7[%swap3A, %swap3A_1860], %broadcast_in_dim3A_9 {strides = array<i32>} : memref<2048x16xf32, #tpu.memory_space<vmem>>, vector<16xf32>,
      %scan3A_1862 = arith.constant 0 : i32
      %scan3A_1863 = arith.constant 1 : i32
      %scan3A_1864 = arith.addi %scan3A_1858, %scan3A_1863 : i32
      %swap3A_1865 = arith.index_cast %scan3A_1864 : i32 to index
      %swap3A_1866 = arith.constant 0 : index
      %swap3A_1867 = tpu.vector_load %arg7[%swap3A_1865, %swap3A_1866] {strides = array<i32>} : memref<2048x16xf32, #tpu.memory_space<vmem>>, vector<16xf32>,
      tpu.vector_store %arg7[%swap3A_1865, %swap3A_1866], %broadcast_in_dim3A_9 {strides = array<i32>} : memref<2048x16xf32, #tpu.memory_space<vmem>>, vector<16xf32>,
      %scan3A_1868 = arith.constant 0 : i32
      %scan3A_1869 = arith.constant 2 : i32
      %scan3A_1870 = arith.addi %scan3A_1858, %scan3A_1869 : i32
      %swap3A_1871 = arith.index_cast %scan3A_1870 : i32 to index
      %swap3A_1872 = arith.constant 0 : index
      %swap3A_1873 = tpu.vector_load %arg7[%swap3A_1871, %swap3A_1872] {strides = array<i32>} : memref<2048x16xf32, #tpu.memory_space<vmem>>, vector<16xf32>,
      tpu.vector_store %arg7[%swap3A_1871, %swap3A_1872], %broadcast_in_dim3A_9 {strides = array<i32>} : memref<2048x16xf32, #tpu.memory_space<vmem>>, vector<16xf32>,
      %scan3A_1874 = arith.constant 0 : i32
      %scan3A_1875 = arith.constant 3 : i32
      %scan3A_1876 = arith.addi %scan3A_1858, %scan3A_1875 : i32
      %swap3A_1877 = arith.index_cast %scan3A_1876 : i32 to index
      %swap3A_1878 = arith.constant 0 : index
      %swap3A_1879 = tpu.vector_load %arg7[%swap3A_1877, %swap3A_1878] {strides = array<i32>} : memref<2048x16xf32, #tpu.memory_space<vmem>>, vector<16xf32>,
      tpu.vector_store %arg7[%swap3A_1877, %swap3A_1878], %broadcast_in_dim3A_9 {strides = array<i32>} : memref<2048x16xf32, #tpu.memory_space<vmem>>, vector<16xf32>,
      %scan3A_1880 = arith.constant 0 : i32
      %scan3A_1881 = arith.constant 4 : i32
      %scan3A_1882 = arith.addi %scan3A_1858, %scan3A_1881 : i32
      %swap3A_1883 = arith.index_cast %scan3A_1882 : i32 to index
      %swap3A_1884 = arith.constant 0 : index
      %swap3A_1885 = tpu.vector_load %arg7[%swap3A_1883, %swap3A_1884] {strides = array<i32>} : memref<2048x16xf32, #tpu.memory_space<vmem>>, vector<16xf32>,
      tpu.vector_store %arg7[%swap3A_1883, %swap3A_1884], %broadcast_in_dim3A_9 {strides = array<i32>} : memref<2048x16xf32, #tpu.memory_space<vmem>>, vector<16xf32>,
      %scan3A_1886 = arith.constant 0 : i32
      %scan3A_1887 = arith.constant 5 : i32
      %scan3A_1888 = arith.addi %scan3A_1858, %scan3A_1887 : i32
      %swap3A_1889 = arith.index_cast %scan3A_1888 : i32 to index
      %swap3A_1890 = arith.constant 0 : index
      %swap3A_1891 = tpu.vector_load %arg7[%swap3A_1889, %swap3A_1890] {strides = array<i32>} : memref<2048x16xf32, #tpu.memory_space<vmem>>, vector<16xf32>,
      tpu.vector_store %arg7[%swap3A_1889, %swap3A_1890], %broadcast_in_dim3A_9 {strides = array<i32>} : memref<2048x16xf32, #tpu.memory_space<vmem>>, vector<16xf32>,
      %scan3A_1892 = arith.constant 0 : i32
      %scan3A_1893 = arith.constant 6 : i32
      %scan3A_1894 = arith.addi %scan3A_1858, %scan3A_1893 : i32
      %swap3A_1895 = arith.index_cast %scan3A_1894 : i32 to index
      %swap3A_1896 = arith.constant 0 : index
      %swap3A_1897 = tpu.vector_load %arg7[%swap3A_1895, %swap3A_1896] {strides = array<i32>} : memref<2048x16xf32, #tpu.memory_space<vmem>>, vector<16xf32>,
      tpu.vector_store %arg7[%swap3A_1895, %swap3A_1896], %broadcast_in_dim3A_9 {strides = array<i32>} : memref<2048x16xf32, #tpu.memory_space<vmem>>, vector<16xf32>,
      %scan3A_1898 = arith.constant 0 : i32
      %scan3A_1899 = arith.constant 7 : i32
      %scan3A_1900 = arith.addi %scan3A_1858, %scan3A_1899 : i32
      %swap3A_1901 = arith.index_cast %scan3A_1900 : i32 to index
      %swap3A_1902 = arith.constant 0 : index
      %swap3A_1903 = tpu.vector_load %arg7[%swap3A_1901, %swap3A_1902] {strides = array<i32>} : memref<2048x16xf32, #tpu.memory_space<vmem>>, vector<16xf32>,
      tpu.vector_store %arg7[%swap3A_1901, %swap3A_1902], %broadcast_in_dim3A_9 {strides = array<i32>} : memref<2048x16xf32, #tpu.memory_space<vmem>>, vector<16xf32>,
      %scan3A_1904 = arith.constant 0 : i32
      scf.yield %scan3A_1904 : i32
    }
    %scan3A_38 = arith.constant 640 : i32
    %mul3A_39 = arith.constant 640 : i32
    %mul3A_40 = arith.muli %arg1, %mul3A_39 : i32
    "tpu.region"() ({
      %run_scoped3A = tpu.sem_alloc : memref<!tpu.dma_semaphore, #tpu.memory_space<semaphore_mem>>
      %dma_start3A_1858 = arith.constant 0 : i32
      %dma_start3A_1859 = arith.constant 0 : i32
      %dma_start3A_1860 = tpu.memref_slice %arg7[%dma_start3A_1858, %dma_start3A_1859] : memref<2048x16xf32, #tpu.memory_space<vmem>> -> memref<640x16xf32, #tpu.memory_space<vmem>>
      %dma_start3A_1861 = arith.constant 0 : i32
      %dma_start3A_1862 = tpu.memref_slice %arg9[%mul3A_40, %dma_start3A_1861] : memref<10240x16xf32, #tpu.memory_space<vmem_shared>> -> memref<640x16xf32, #tpu.memory_space<vmem_shared>>
      %dma_start3A_1863 = arith.constant 0 : i32
      %dma_start3A_1864 = tpu.memref_slice %arg9[%mul3A_40, %dma_start3A_1863] : memref<10240x16xf32, #tpu.memory_space<vmem_shared>> -> memref<640x16xf32, #tpu.memory_space<vmem_shared>>
      %dma_start3A_1865 = arith.constant 0 : i32
      %dma_start3A_1866 = arith.constant 0 : i32
      %dma_start3A_1867 = tpu.memref_slice %arg7[%dma_start3A_1865, %dma_start3A_1866] : memref<2048x16xf32, #tpu.memory_space<vmem>> -> memref<640x16xf32, #tpu.memory_space<vmem>>
      tpu.enqueue_dma source(%dma_start3A_1867 : memref<640x16xf32, #tpu.memory_space<vmem>>) target(%dma_start3A_1864 : memref<640x16xf32, #tpu.memory_space<vmem_shared>>) target_semaphore(%run_scoped3A : memref<!tpu.dma_semaphore, #tpu.memory_space<semaphore_mem>>)
      %dma_wait3A_1868 = arith.constant 0 : i32
      %dma_wait3A_1869 = arith.constant 0 : i32
      %dma_wait3A_1870 = tpu.memref_slice %arg7[%dma_wait3A_1868, %dma_wait3A_1869] : memref<2048x16xf32, #tpu.memory_space<vmem>> -> memref<640x16xf32, #tpu.memory_space<vmem>>
      %dma_wait3A_1871 = arith.constant 0 : i32
      %dma_wait3A_1872 = tpu.memref_slice %arg9[%mul3A_40, %dma_wait3A_1871] : memref<10240x16xf32, #tpu.memory_space<vmem_shared>> -> memref<640x16xf32, #tpu.memory_space<vmem_shared>>
      %dma_wait3A_1873 = arith.constant 0 : i32
      %dma_wait3A_1874 = tpu.memref_slice %arg9[%mul3A_40, %dma_wait3A_1873] : memref<10240x16xf32, #tpu.memory_space<vmem_shared>> -> memref<640x16xf32, #tpu.memory_space<vmem_shared>>
      %dma_wait3A_1875 = arith.constant 0 : i32
      %dma_wait3A_1876 = arith.constant 0 : i32
      %dma_wait3A_1877 = tpu.memref_slice %arg7[%dma_wait3A_1875, %dma_wait3A_1876] : memref<2048x16xf32, #tpu.memory_space<vmem>> -> memref<640x16xf32, #tpu.memory_space<vmem>>
      tpu.wait_dma2 semaphore(%run_scoped3A : memref<!tpu.dma_semaphore, #tpu.memory_space<semaphore_mem>>) src(%dma_wait3A_1877 : memref<640x16xf32, #tpu.memory_space<vmem>>) dst(%dma_wait3A_1874 : memref<640x16xf32, #tpu.memory_space<vmem_shared>>)
      tpu.yield
    }) : () -> ()
    "tpu.region"() ({
      %run_scoped3A = tpu.sem_alloc : memref<!tpu.dma_semaphore, #tpu.memory_space<semaphore_mem>>
      %dma_start3A_1858 = arith.constant 0 : i32
      %dma_start3A_1859 = arith.constant 0 : i32
      %dma_start3A_1860 = arith.constant 0 : i32
      %dma_start3A_1861 = tpu.memref_slice %arg5[%dma_start3A_1858, %dma_start3A_1859, %dma_start3A_1860] : memref<80x1x128xi32, #tpu.memory_space<vmem>> -> memref<64x1x128xi32, #tpu.memory_space<vmem>>
      %dma_start3A_1862 = arith.constant 0 : i32
      %dma_start3A_1863 = arith.constant 0 : i32
      %dma_start3A_1864 = tpu.memref_slice %arg2[%add3A_8, %dma_start3A_1862, %dma_start3A_1863] : memref<2500x2x128xi32, #tpu.memory_space<hbm>> -> memref<64x1x128xi32, #tpu.memory_space<hbm>>
      %dma_start3A_1865 = arith.constant 0 : i32
      %dma_start3A_1866 = arith.constant 0 : i32
      %dma_start3A_1867 = arith.constant 0 : i32
      %dma_start3A_1868 = tpu.memref_slice %arg5[%dma_start3A_1865, %dma_start3A_1866, %dma_start3A_1867] : memref<80x1x128xi32, #tpu.memory_space<vmem>> -> memref<64x1x128xi32, #tpu.memory_space<vmem>>
      %dma_start3A_1869 = arith.constant 0 : i32
      %dma_start3A_1870 = arith.constant 0 : i32
      %dma_start3A_1871 = tpu.memref_slice %arg2[%add3A_8, %dma_start3A_1869, %dma_start3A_1870] : memref<2500x2x128xi32, #tpu.memory_space<hbm>> -> memref<64x1x128xi32, #tpu.memory_space<hbm>>
      tpu.enqueue_dma source(%dma_start3A_1871 : memref<64x1x128xi32, #tpu.memory_space<hbm>>) target(%dma_start3A_1868 : memref<64x1x128xi32, #tpu.memory_space<vmem>>) target_semaphore(%run_scoped3A : memref<!tpu.dma_semaphore, #tpu.memory_space<semaphore_mem>>)
      %dma_wait3A_1872 = arith.constant 0 : i32
      %dma_wait3A_1873 = arith.constant 0 : i32
      %dma_wait3A_1874 = arith.constant 0 : i32
      %dma_wait3A_1875 = tpu.memref_slice %arg5[%dma_wait3A_1872, %dma_wait3A_1873, %dma_wait3A_1874] : memref<80x1x128xi32, #tpu.memory_space<vmem>> -> memref<64x1x128xi32, #tpu.memory_space<vmem>>
      %dma_wait3A_1876 = arith.constant 0 : i32
      %dma_wait3A_1877 = arith.constant 0 : i32
      %dma_wait3A_1878 = tpu.memref_slice %arg2[%add3A_8, %dma_wait3A_1876, %dma_wait3A_1877] : memref<2500x2x128xi32, #tpu.memory_space<hbm>> -> memref<64x1x128xi32, #tpu.memory_space<hbm>>
      %dma_wait3A_1879 = arith.constant 0 : i32
      %dma_wait3A_1880 = arith.constant 0 : i32
      %dma_wait3A_1881 = arith.constant 0 : i32
      %dma_wait3A_1882 = tpu.memref_slice %arg5[%dma_wait3A_1879, %dma_wait3A_1880, %dma_wait3A_1881] : memref<80x1x128xi32, #tpu.memory_space<vmem>> -> memref<64x1x128xi32, #tpu.memory_space<vmem>>
      %dma_wait3A_1883 = arith.constant 0 : i32
      %dma_wait3A_1884 = arith.constant 0 : i32
      %dma_wait3A_1885 = tpu.memref_slice %arg2[%add3A_8, %dma_wait3A_1883, %dma_wait3A_1884] : memref<2500x2x128xi32, #tpu.memory_space<hbm>> -> memref<64x1x128xi32, #tpu.memory_space<hbm>>
      tpu.wait_dma2 semaphore(%run_scoped3A : memref<!tpu.dma_semaphore, #tpu.memory_space<semaphore_mem>>) src(%dma_wait3A_1885 : memref<64x1x128xi32, #tpu.memory_space<hbm>>) dst(%dma_wait3A_1882 : memref<64x1x128xi32, #tpu.memory_space<vmem>>)
      tpu.yield
    }) : () -> ()
    %add3A_41 = arith.addi %add3A_8, %add3A_4 : i32
    %sub3A = arith.constant 16 : i32
    %sub3A_42 = arith.subi %add3A_41, %sub3A : i32
    "tpu.region"() ({
      %run_scoped3A = tpu.sem_alloc : memref<!tpu.dma_semaphore, #tpu.memory_space<semaphore_mem>>
      %dma_start3A_1858 = arith.constant 64 : i32
      %dma_start3A_1859 = arith.constant 0 : i32
      %dma_start3A_1860 = arith.constant 0 : i32
      %dma_start3A_1861 = tpu.memref_slice %arg5[%dma_start3A_1858, %dma_start3A_1859, %dma_start3A_1860] : memref<80x1x128xi32, #tpu.memory_space<vmem>> -> memref<16x1x128xi32, #tpu.memory_space<vmem>>
      %dma_start3A_1862 = arith.constant 0 : i32
      %dma_start3A_1863 = arith.constant 0 : i32
      %dma_start3A_1864 = tpu.memref_slice %arg2[%sub3A_42, %dma_start3A_1862, %dma_start3A_1863] : memref<2500x2x128xi32, #tpu.memory_space<hbm>> -> memref<16x1x128xi32, #tpu.memory_space<hbm>>
      %dma_start3A_1865 = arith.constant 64 : i32
      %dma_start3A_1866 = arith.constant 0 : i32
      %dma_start3A_1867 = arith.constant 0 : i32
      %dma_start3A_1868 = tpu.memref_slice %arg5[%dma_start3A_1865, %dma_start3A_1866, %dma_start3A_1867] : memref<80x1x128xi32, #tpu.memory_space<vmem>> -> memref<16x1x128xi32, #tpu.memory_space<vmem>>
      %dma_start3A_1869 = arith.constant 0 : i32
      %dma_start3A_1870 = arith.constant 0 : i32
      %dma_start3A_1871 = tpu.memref_slice %arg2[%sub3A_42, %dma_start3A_1869, %dma_start3A_1870] : memref<2500x2x128xi32, #tpu.memory_space<hbm>> -> memref<16x1x128xi32, #tpu.memory_space<hbm>>
      tpu.enqueue_dma source(%dma_start3A_1871 : memref<16x1x128xi32, #tpu.memory_space<hbm>>) target(%dma_start3A_1868 : memref<16x1x128xi32, #tpu.memory_space<vmem>>) target_semaphore(%run_scoped3A : memref<!tpu.dma_semaphore, #tpu.memory_space<semaphore_mem>>)
      %dma_wait3A_1872 = arith.constant 64 : i32
      %dma_wait3A_1873 = arith.constant 0 : i32
      %dma_wait3A_1874 = arith.constant 0 : i32
      %dma_wait3A_1875 = tpu.memref_slice %arg5[%dma_wait3A_1872, %dma_wait3A_1873, %dma_wait3A_1874] : memref<80x1x128xi32, #tpu.memory_space<vmem>> -> memref<16x1x128xi32, #tpu.memory_space<vmem>>
      %dma_wait3A_1876 = arith.constant 0 : i32
      %dma_wait3A_1877 = arith.constant 0 : i32
      %dma_wait3A_1878 = tpu.memref_slice %arg2[%sub3A_42, %dma_wait3A_1876, %dma_wait3A_1877] : memref<2500x2x128xi32, #tpu.memory_space<hbm>> -> memref<16x1x128xi32, #tpu.memory_space<hbm>>
      %dma_wait3A_1879 = arith.constant 64 : i32
      %dma_wait3A_1880 = arith.constant 0 : i32
      %dma_wait3A_1881 = arith.constant 0 : i32
      %dma_wait3A_1882 = tpu.memref_slice %arg5[%dma_wait3A_1879, %dma_wait3A_1880, %dma_wait3A_1881] : memref<80x1x128xi32, #tpu.memory_space<vmem>> -> memref<16x1x128xi32, #tpu.memory_space<vmem>>
      %dma_wait3A_1883 = arith.constant 0 : i32
      %dma_wait3A_1884 = arith.constant 0 : i32
      %dma_wait3A_1885 = tpu.memref_slice %arg2[%sub3A_42, %dma_wait3A_1883, %dma_wait3A_1884] : memref<2500x2x128xi32, #tpu.memory_space<hbm>> -> memref<16x1x128xi32, #tpu.memory_space<hbm>>
      tpu.wait_dma2 semaphore(%run_scoped3A : memref<!tpu.dma_semaphore, #tpu.memory_space<semaphore_mem>>) src(%dma_wait3A_1885 : memref<16x1x128xi32, #tpu.memory_space<hbm>>) dst(%dma_wait3A_1882 : memref<16x1x128xi32, #tpu.memory_space<vmem>>)
      tpu.yield
    }) : () -> ()
    %barrier3A = arith.constant 0 : index
    tpu.barrier barrier_id(%barrier3A)
    %sub3A_43 = arith.constant 80 : i32
    %sub3A_44 = arith.subi %sub3A_43, %add3A_4 : i32
    %add3A_45 = arith.constant 16 : i32
    %add3A_46 = arith.addi %add3A_8, %add3A_45 : i32
    %mul3A_47 = arith.constant 1024 : i32
    %mul3A_48 = arith.muli %add3A_46, %mul3A_47 : i32
    %dma_start3A_49 = arith.constant 1 : i32
    %dma_start3A_50 = arith.constant 0 : i32
    %dma_start3A_51 = tpu.memref_slice %arg6[%dma_start3A_49, %dma_start3A_50] : memref<2x32768xf32, #tpu.memory_space<vmem>> -> memref<1x16384xf32, #tpu.memory_space<vmem>>
    %dma_start3A_52 = tpu.memref_squeeze %dma_start3A_51 : memref<1x16384xf32, #tpu.memory_space<vmem>> -> memref<16384xf32, #tpu.memory_space<vmem>>
    %dma_start3A_53 = tpu.memref_slice %arg3[%mul3A_48] : memref<5120000xf32, #tpu.memory_space<hbm>> -> memref<16384xf32, #tpu.memory_space<hbm>>
    %dma_start3A_54 = arith.constant 0 : i32
    %dma_start3A_55 = tpu.memref_slice %arg6[%dma_start3A_49, %dma_start3A_54] : memref<2x32768xf32, #tpu.memory_space<vmem>> -> memref<1x16384xf32, #tpu.memory_space<vmem>>
    %dma_start3A_56 = tpu.memref_squeeze %dma_start3A_55 : memref<1x16384xf32, #tpu.memory_space<vmem>> -> memref<16384xf32, #tpu.memory_space<vmem>>
    %dma_start3A_57 = tpu.memref_slice %arg3[%mul3A_48] : memref<5120000xf32, #tpu.memory_space<hbm>> -> memref<16384xf32, #tpu.memory_space<hbm>>
    tpu.enqueue_dma source(%dma_start3A_57 : memref<16384xf32, #tpu.memory_space<hbm>>) target(%dma_start3A_56 : memref<16384xf32, #tpu.memory_space<vmem>>) target_semaphore(%arg11 : memref<!tpu.dma_semaphore, #tpu.memory_space<semaphore_mem>>)
    %add3A_58 = arith.constant 2560000 : i32
    %add3A_59 = arith.addi %add3A_58, %mul3A_48 : i32
    %dma_start3A_60 = arith.constant 1 : i32
    %dma_start3A_61 = arith.constant 16384 : i32
    %dma_start3A_62 = tpu.memref_slice %arg6[%dma_start3A_60, %dma_start3A_61] : memref<2x32768xf32, #tpu.memory_space<vmem>> -> memref<1x16384xf32, #tpu.memory_space<vmem>>
    %dma_start3A_63 = tpu.memref_squeeze %dma_start3A_62 : memref<1x16384xf32, #tpu.memory_space<vmem>> -> memref<16384xf32, #tpu.memory_space<vmem>>
    %dma_start3A_64 = tpu.memref_slice %arg3[%add3A_59] : memref<5120000xf32, #tpu.memory_space<hbm>> -> memref<16384xf32, #tpu.memory_space<hbm>>
    %dma_start3A_65 = arith.constant 16384 : i32
    %dma_start3A_66 = tpu.memref_slice %arg6[%dma_start3A_60, %dma_start3A_65] : memref<2x32768xf32, #tpu.memory_space<vmem>> -> memref<1x16384xf32, #tpu.memory_space<vmem>>
    %dma_start3A_67 = tpu.memref_squeeze %dma_start3A_66 : memref<1x16384xf32, #tpu.memory_space<vmem>> -> memref<16384xf32, #tpu.memory_space<vmem>>
    %dma_start3A_68 = tpu.memref_slice %arg3[%add3A_59] : memref<5120000xf32, #tpu.memory_space<hbm>> -> memref<16384xf32, #tpu.memory_space<hbm>>
    tpu.enqueue_dma source(%dma_start3A_68 : memref<16384xf32, #tpu.memory_space<hbm>>) target(%dma_start3A_67 : memref<16384xf32, #tpu.memory_space<vmem>>) target_semaphore(%arg11 : memref<!tpu.dma_semaphore, #tpu.memory_space<semaphore_mem>>)
    %dma_wait3A = arith.constant 0 : i32
    %dma_wait3A_69 = arith.constant 0 : i32
    %dma_wait3A_70 = tpu.memref_slice %arg6[%dma_wait3A, %dma_wait3A_69] : memref<2x32768xf32, #tpu.memory_space<vmem>> -> memref<1x16384xf32, #tpu.memory_space<vmem>>
    %dma_wait3A_71 = tpu.memref_squeeze %dma_wait3A_70 : memref<1x16384xf32, #tpu.memory_space<vmem>> -> memref<16384xf32, #tpu.memory_space<vmem>>
    %dma_wait3A_72 = tpu.memref_slice %arg3[%mul3A_13] : memref<5120000xf32, #tpu.memory_space<hbm>> -> memref<16384xf32, #tpu.memory_space<hbm>>
    %dma_wait3A_73 = arith.constant 0 : i32
    %dma_wait3A_74 = tpu.memref_slice %arg6[%dma_wait3A, %dma_wait3A_73] : memref<2x32768xf32, #tpu.memory_space<vmem>> -> memref<1x16384xf32, #tpu.memory_space<vmem>>
    %dma_wait3A_75 = tpu.memref_squeeze %dma_wait3A_74 : memref<1x16384xf32, #tpu.memory_space<vmem>> -> memref<16384xf32, #tpu.memory_space<vmem>>
    %dma_wait3A_76 = tpu.memref_slice %arg3[%mul3A_13] : memref<5120000xf32, #tpu.memory_space<hbm>> -> memref<16384xf32, #tpu.memory_space<hbm>>
    tpu.wait_dma2 semaphore(%arg10 : memref<!tpu.dma_semaphore, #tpu.memory_space<semaphore_mem>>) src(%dma_wait3A_76 : memref<16384xf32, #tpu.memory_space<hbm>>) dst(%dma_wait3A_75 : memref<16384xf32, #tpu.memory_space<vmem>>)
    %dma_wait3A_77 = arith.constant 0 : i32
    %dma_wait3A_78 = arith.constant 16384 : i32
    %dma_wait3A_79 = tpu.memref_slice %arg6[%dma_wait3A_77, %dma_wait3A_78] : memref<2x32768xf32, #tpu.memory_space<vmem>> -> memref<1x16384xf32, #tpu.memory_space<vmem>>
    %dma_wait3A_80 = tpu.memref_squeeze %dma_wait3A_79 : memref<1x16384xf32, #tpu.memory_space<vmem>> -> memref<16384xf32, #tpu.memory_space<vmem>>
    %dma_wait3A_81 = tpu.memref_slice %arg3[%add3A_23] : memref<5120000xf32, #tpu.memory_space<hbm>> -> memref<16384xf32, #tpu.memory_space<hbm>>
    %dma_wait3A_82 = arith.constant 16384 : i32
    %dma_wait3A_83 = tpu.memref_slice %arg6[%dma_wait3A_77, %dma_wait3A_82] : memref<2x32768xf32, #tpu.memory_space<vmem>> -> memref<1x16384xf32, #tpu.memory_space<vmem>>
    %dma_wait3A_84 = tpu.memref_squeeze %dma_wait3A_83 : memref<1x16384xf32, #tpu.memory_space<vmem>> -> memref<16384xf32, #tpu.memory_space<vmem>>
    %dma_wait3A_85 = tpu.memref_slice %arg3[%add3A_23] : memref<5120000xf32, #tpu.memory_space<hbm>> -> memref<16384xf32, #tpu.memory_space<hbm>>
    tpu.wait_dma2 semaphore(%arg10 : memref<!tpu.dma_semaphore, #tpu.memory_space<semaphore_mem>>) src(%dma_wait3A_85 : memref<16384xf32, #tpu.memory_space<hbm>>) dst(%dma_wait3A_84 : memref<16384xf32, #tpu.memory_space<vmem>>)
    %broadcast_in_dim3A_86 = arith.constant 16 : i32
    %broadcast_in_dim3A_87 = vector.broadcast %broadcast_in_dim3A_86 : i32 to vector<16xi32>
    %broadcast_in_dim3A_88 = arith.constant 896 : i32
    %broadcast_in_dim3A_89 = vector.broadcast %broadcast_in_dim3A_88 : i32 to vector<16xi32>
    %scan3A_90 = arith.constant 0 : i32
    %scan3A_91 = arith.constant 0 : i32
    %scan3A_92 = arith.constant 0 : i32
    %scan3A_93 = arith.constant 16 : i32
    %scan3A_94 = arith.addi %scan3A_92, %scan3A_93 : i32
    %scan3A_95 = arith.constant 1 : i32
    %scan3A_96 = scf.for %scan3A_1858 = %scan3A_92 to %scan3A_94 step %scan3A_95 iter_args(%scan3A_1859 = %scan3A_91) -> (i32)  : i32 {
      %add3A_1860 = vector.broadcast %scan3A_1858 : i32 to vector<16xi32>
      %add3A_1861 = arith.addi %iota3A, %add3A_1860 : vector<16xi32>
      %and3A = arith.constant 15 : i32
      %and3A_1862 = vector.broadcast %and3A : i32 to vector<16xi32>
      %and3A_1863 = arith.andi %add3A_1861, %and3A_1862 : vector<16xi32>
      %shift_right_arithmetic3A = arith.constant 3 : i32
      %shift_right_arithmetic3A_1864 = vector.broadcast %shift_right_arithmetic3A : i32 to vector<16xi32>
      %shift_right_arithmetic3A_1865 = arith.shrsi %and3A_1863, %shift_right_arithmetic3A_1864 : vector<16xi32>
      %mul3A_1866 = arith.constant 16384 : i32
      %mul3A_1867 = vector.broadcast %mul3A_1866 : i32 to vector<16xi32>
      %mul3A_1868 = arith.muli %shift_right_arithmetic3A_1865, %mul3A_1867 : vector<16xi32>
      %and3A_1869 = arith.constant 7 : i32
      %and3A_1870 = vector.broadcast %and3A_1869 : i32 to vector<16xi32>
      %and3A_1871 = arith.andi %and3A_1863, %and3A_1870 : vector<16xi32>
      %mul3A_1872 = arith.constant 128 : i32
      %mul3A_1873 = vector.broadcast %mul3A_1872 : i32 to vector<16xi32>
      %mul3A_1874 = arith.muli %and3A_1871, %mul3A_1873 : vector<16xi32>
      %add3A_1875 = arith.addi %mul3A_1868, %mul3A_1874 : vector<16xi32>
      %add3A_1876 = arith.addi %add3A_1875, %iota3A : vector<16xi32>
      %scan3A_1877 = arith.constant 0 : i32
      %scan3A_1878 = arith.constant 16 : i32
      %scan3A_1879 = arith.addi %scan3A_1877, %scan3A_1878 : i32
      %scan3A_1880 = arith.constant 1 : i32
      %scan3A_1881:2 = scf.for %scan3A_1884 = %scan3A_1877 to %scan3A_1879 step %scan3A_1880 iter_args(%scan3A_1885 = %add3A_1876, %scan3A_1886 = %iota3A) -> (vector<16xi32>, vector<16xi32>)  : i32 {
        %add3A_1887 = arith.constant 0 : i32
        %add3A_1888 = vector.broadcast %add3A_1887 : i32 to vector<16xi32>
        %add3A_1889 = arith.addi %scan3A_1885, %add3A_1888 : vector<16xi32>
        %gather3A = arith.constant 0 : i32
        %gather3A_1890 = tpu.memref_slice %arg6[%scan3A_90, %gather3A] : memref<2x32768xf32, #tpu.memory_space<vmem>> -> memref<1x32768xf32, #tpu.memory_space<vmem>>
        %gather3A_1891 = tpu.memref_squeeze %gather3A_1890 : memref<1x32768xf32, #tpu.memory_space<vmem>> -> memref<32768xf32, #tpu.memory_space<vmem>>
        %gather3A_1892 = tpu.vector_load_idx %gather3A_1891[%add3A_1889] : memref<32768xf32, #tpu.memory_space<vmem>>[vector<16xi32>], vector<16xf32>,
        %add3A_1893 = arith.constant 16 : i32
        %add3A_1894 = vector.broadcast %add3A_1893 : i32 to vector<16xi32>
        %add3A_1895 = arith.addi %scan3A_1885, %add3A_1894 : vector<16xi32>
        %gather3A_1896 = arith.constant 0 : i32
        %gather3A_1897 = tpu.memref_slice %arg6[%scan3A_90, %gather3A_1896] : memref<2x32768xf32, #tpu.memory_space<vmem>> -> memref<1x32768xf32, #tpu.memory_space<vmem>>
        %gather3A_1898 = tpu.memref_squeeze %gather3A_1897 : memref<1x32768xf32, #tpu.memory_space<vmem>> -> memref<32768xf32, #tpu.memory_space<vmem>>
        %gather3A_1899 = tpu.vector_load_idx %gather3A_1898[%add3A_1895] : memref<32768xf32, #tpu.memory_space<vmem>>[vector<16xi32>], vector<16xf32>,
        %add3A_1900 = arith.constant 32 : i32
        %add3A_1901 = vector.broadcast %add3A_1900 : i32 to vector<16xi32>
        %add3A_1902 = arith.addi %scan3A_1885, %add3A_1901 : vector<16xi32>
        %gather3A_1903 = arith.constant 0 : i32
        %gather3A_1904 = tpu.memref_slice %arg6[%scan3A_90, %gather3A_1903] : memref<2x32768xf32, #tpu.memory_space<vmem>> -> memref<1x32768xf32, #tpu.memory_space<vmem>>
        %gather3A_1905 = tpu.memref_squeeze %gather3A_1904 : memref<1x32768xf32, #tpu.memory_space<vmem>> -> memref<32768xf32, #tpu.memory_space<vmem>>
        %gather3A_1906 = tpu.vector_load_idx %gather3A_1905[%add3A_1902] : memref<32768xf32, #tpu.memory_space<vmem>>[vector<16xi32>], vector<16xf32>,
        %add3A_1907 = arith.constant 48 : i32
        %add3A_1908 = vector.broadcast %add3A_1907 : i32 to vector<16xi32>
        %add3A_1909 = arith.addi %scan3A_1885, %add3A_1908 : vector<16xi32>
        %gather3A_1910 = arith.constant 0 : i32
        %gather3A_1911 = tpu.memref_slice %arg6[%scan3A_90, %gather3A_1910] : memref<2x32768xf32, #tpu.memory_space<vmem>> -> memref<1x32768xf32, #tpu.memory_space<vmem>>
        %gather3A_1912 = tpu.memref_squeeze %gather3A_1911 : memref<1x32768xf32, #tpu.memory_space<vmem>> -> memref<32768xf32, #tpu.memory_space<vmem>>
        %gather3A_1913 = tpu.vector_load_idx %gather3A_1912[%add3A_1909] : memref<32768xf32, #tpu.memory_space<vmem>>[vector<16xi32>], vector<16xf32>,
        %add3A_1914 = arith.constant 64 : i32
        %add3A_1915 = vector.broadcast %add3A_1914 : i32 to vector<16xi32>
        %add3A_1916 = arith.addi %scan3A_1885, %add3A_1915 : vector<16xi32>
        %gather3A_1917 = arith.constant 0 : i32
        %gather3A_1918 = tpu.memref_slice %arg6[%scan3A_90, %gather3A_1917] : memref<2x32768xf32, #tpu.memory_space<vmem>> -> memref<1x32768xf32, #tpu.memory_space<vmem>>
        %gather3A_1919 = tpu.memref_squeeze %gather3A_1918 : memref<1x32768xf32, #tpu.memory_space<vmem>> -> memref<32768xf32, #tpu.memory_space<vmem>>
        %gather3A_1920 = tpu.vector_load_idx %gather3A_1919[%add3A_1916] : memref<32768xf32, #tpu.memory_space<vmem>>[vector<16xi32>], vector<16xf32>,
        %add3A_1921 = arith.constant 80 : i32
        %add3A_1922 = vector.broadcast %add3A_1921 : i32 to vector<16xi32>
        %add3A_1923 = arith.addi %scan3A_1885, %add3A_1922 : vector<16xi32>
        %gather3A_1924 = arith.constant 0 : i32
        %gather3A_1925 = tpu.memref_slice %arg6[%scan3A_90, %gather3A_1924] : memref<2x32768xf32, #tpu.memory_space<vmem>> -> memref<1x32768xf32, #tpu.memory_space<vmem>>
        %gather3A_1926 = tpu.memref_squeeze %gather3A_1925 : memref<1x32768xf32, #tpu.memory_space<vmem>> -> memref<32768xf32, #tpu.memory_space<vmem>>
        %gather3A_1927 = tpu.vector_load_idx %gather3A_1926[%add3A_1923] : memref<32768xf32, #tpu.memory_space<vmem>>[vector<16xi32>], vector<16xf32>,
        %add3A_1928 = arith.constant 96 : i32
        %add3A_1929 = vector.broadcast %add3A_1928 : i32 to vector<16xi32>
        %add3A_1930 = arith.addi %scan3A_1885, %add3A_1929 : vector<16xi32>
        %gather3A_1931 = arith.constant 0 : i32
        %gather3A_1932 = tpu.memref_slice %arg6[%scan3A_90, %gather3A_1931] : memref<2x32768xf32, #tpu.memory_space<vmem>> -> memref<1x32768xf32, #tpu.memory_space<vmem>>
        %gather3A_1933 = tpu.memref_squeeze %gather3A_1932 : memref<1x32768xf32, #tpu.memory_space<vmem>> -> memref<32768xf32, #tpu.memory_space<vmem>>
        %gather3A_1934 = tpu.vector_load_idx %gather3A_1933[%add3A_1930] : memref<32768xf32, #tpu.memory_space<vmem>>[vector<16xi32>], vector<16xf32>,
        %add3A_1935 = arith.constant 112 : i32
        %add3A_1936 = vector.broadcast %add3A_1935 : i32 to vector<16xi32>
        %add3A_1937 = arith.addi %scan3A_1885, %add3A_1936 : vector<16xi32>
        %gather3A_1938 = arith.constant 0 : i32
        %gather3A_1939 = tpu.memref_slice %arg6[%scan3A_90, %gather3A_1938] : memref<2x32768xf32, #tpu.memory_space<vmem>> -> memref<1x32768xf32, #tpu.memory_space<vmem>>
        %gather3A_1940 = tpu.memref_squeeze %gather3A_1939 : memref<1x32768xf32, #tpu.memory_space<vmem>> -> memref<32768xf32, #tpu.memory_space<vmem>>
        %gather3A_1941 = tpu.vector_load_idx %gather3A_1940[%add3A_1937] : memref<32768xf32, #tpu.memory_space<vmem>>[vector<16xi32>], vector<16xf32>,
        %add3A_1942 = arith.constant 0 : i32
        %add3A_1943 = vector.broadcast %add3A_1942 : i32 to vector<16xi32>
        %add3A_1944 = arith.addi %scan3A_1886, %add3A_1943 : vector<16xi32>
        tpu.vector_store_idx %arg7[%add3A_1944, %and3A_1863], %gather3A_1892 : memref<2048x16xf32, #tpu.memory_space<vmem>>[vector<16xi32>, vector<16xi32>], vector<16xf32>,
        %add3A_1945 = arith.constant 16 : i32
        %add3A_1946 = vector.broadcast %add3A_1945 : i32 to vector<16xi32>
        %add3A_1947 = arith.addi %scan3A_1886, %add3A_1946 : vector<16xi32>
        tpu.vector_store_idx %arg7[%add3A_1947, %and3A_1863], %gather3A_1899 : memref<2048x16xf32, #tpu.memory_space<vmem>>[vector<16xi32>, vector<16xi32>], vector<16xf32>,
        %add3A_1948 = arith.constant 32 : i32
        %add3A_1949 = vector.broadcast %add3A_1948 : i32 to vector<16xi32>
        %add3A_1950 = arith.addi %scan3A_1886, %add3A_1949 : vector<16xi32>
        tpu.vector_store_idx %arg7[%add3A_1950, %and3A_1863], %gather3A_1906 : memref<2048x16xf32, #tpu.memory_space<vmem>>[vector<16xi32>, vector<16xi32>], vector<16xf32>,
        %add3A_1951 = arith.constant 48 : i32
        %add3A_1952 = vector.broadcast %add3A_1951 : i32 to vector<16xi32>
        %add3A_1953 = arith.addi %scan3A_1886, %add3A_1952 : vector<16xi32>
        tpu.vector_store_idx %arg7[%add3A_1953, %and3A_1863], %gather3A_1913 : memref<2048x16xf32, #tpu.memory_space<vmem>>[vector<16xi32>, vector<16xi32>], vector<16xf32>,
        %add3A_1954 = arith.constant 64 : i32
        %add3A_1955 = vector.broadcast %add3A_1954 : i32 to vector<16xi32>
        %add3A_1956 = arith.addi %scan3A_1886, %add3A_1955 : vector<16xi32>
        tpu.vector_store_idx %arg7[%add3A_1956, %and3A_1863], %gather3A_1920 : memref<2048x16xf32, #tpu.memory_space<vmem>>[vector<16xi32>, vector<16xi32>], vector<16xf32>,
        %add3A_1957 = arith.constant 80 : i32
        %add3A_1958 = vector.broadcast %add3A_1957 : i32 to vector<16xi32>
        %add3A_1959 = arith.addi %scan3A_1886, %add3A_1958 : vector<16xi32>
        tpu.vector_store_idx %arg7[%add3A_1959, %and3A_1863], %gather3A_1927 : memref<2048x16xf32, #tpu.memory_space<vmem>>[vector<16xi32>, vector<16xi32>], vector<16xf32>,
        %add3A_1960 = arith.constant 96 : i32
        %add3A_1961 = vector.broadcast %add3A_1960 : i32 to vector<16xi32>
        %add3A_1962 = arith.addi %scan3A_1886, %add3A_1961 : vector<16xi32>
        tpu.vector_store_idx %arg7[%add3A_1962, %and3A_1863], %gather3A_1934 : memref<2048x16xf32, #tpu.memory_space<vmem>>[vector<16xi32>, vector<16xi32>], vector<16xf32>,
        %add3A_1963 = arith.constant 112 : i32
        %add3A_1964 = vector.broadcast %add3A_1963 : i32 to vector<16xi32>
        %add3A_1965 = arith.addi %scan3A_1886, %add3A_1964 : vector<16xi32>
        tpu.vector_store_idx %arg7[%add3A_1965, %and3A_1863], %gather3A_1941 : memref<2048x16xf32, #tpu.memory_space<vmem>>[vector<16xi32>, vector<16xi32>], vector<16xf32>,
        %add3A_1966 = arith.addi %scan3A_1885, %broadcast_in_dim3A_89 : vector<16xi32>
        %mul3A_1967 = arith.constant 8 : i32
        %mul3A_1968 = vector.broadcast %mul3A_1967 : i32 to vector<16xi32>
        %mul3A_1969 = arith.muli %broadcast_in_dim3A_87, %mul3A_1968 : vector<16xi32>
        %add3A_1970 = arith.addi %add3A_1966, %mul3A_1969 : vector<16xi32>
        %mul3A_1971 = arith.constant 8 : i32
        %mul3A_1972 = vector.broadcast %mul3A_1971 : i32 to vector<16xi32>
        %mul3A_1973 = arith.muli %broadcast_in_dim3A_87, %mul3A_1972 : vector<16xi32>
        %add3A_1974 = arith.addi %scan3A_1886, %mul3A_1973 : vector<16xi32>
        scf.yield %add3A_1970, %add3A_1974 : vector<16xi32>, vector<16xi32>
      }
      %scan3A_1882 = arith.constant 16 : i32
      %scan3A_1883 = arith.constant 0 : i32
      scf.yield %scan3A_1883 : i32
    }
    %scan3A_97 = arith.constant 16 : i32
    %dma_start3A_98 = arith.constant 0 : i32
    %dma_start3A_99 = arith.constant 0 : i32
    %dma_start3A_100 = arith.constant 0 : i32
    %dma_start3A_101 = arith.constant 0 : i32
    %dma_start3A_102 = tpu.memref_slice %arg7[%dma_start3A_100, %dma_start3A_101] : memref<2048x16xf32, #tpu.memory_space<vmem>> -> memref<128x16xf32, #tpu.memory_space<vmem>>
    %dma_start3A_103 = arith.constant 0 : i32
    %dma_start3A_104 = tpu.memref_slice %arg5[%dma_start3A_98, %dma_start3A_99, %dma_start3A_103] : memref<80x1x128xi32, #tpu.memory_space<vmem>> -> memref<1x1x128xi32, #tpu.memory_space<vmem>>
    %dma_start3A_105 = tpu.memref_squeeze %dma_start3A_104 : memref<1x1x128xi32, #tpu.memory_space<vmem>> -> memref<128xi32, #tpu.memory_space<vmem>>
    %dma_start3A_106 = arith.constant 0 : i32
    %dma_start3A_107 = arith.constant 0 : i32
    %dma_start3A_108 = tpu.memref_slice %arg9[%dma_start3A_106, %dma_start3A_107] : memref<10240x16xf32, #tpu.memory_space<vmem_shared>> -> memref<10240x16xf32, #tpu.memory_space<vmem_shared>>
    tpu.enqueue_indirect_dma source(%dma_start3A_102 : memref<128x16xf32, #tpu.memory_space<vmem>>) target(%dma_start3A_108 : memref<10240x16xf32, #tpu.memory_space<vmem_shared>>) offsets(%dma_start3A_105 : memref<128xi32, #tpu.memory_space<vmem>>) semaphore(%arg12 : memref<!tpu.dma_semaphore, #tpu.memory_space<semaphore_mem>>) {add = true}
    %dma_start3A_109 = arith.constant 1 : i32
    %dma_start3A_110 = arith.constant 0 : i32
    %dma_start3A_111 = arith.constant 128 : i32
    %dma_start3A_112 = arith.constant 0 : i32
    %dma_start3A_113 = tpu.memref_slice %arg7[%dma_start3A_111, %dma_start3A_112] : memref<2048x16xf32, #tpu.memory_space<vmem>> -> memref<128x16xf32, #tpu.memory_space<vmem>>
    %dma_start3A_114 = arith.constant 0 : i32
    %dma_start3A_115 = tpu.memref_slice %arg5[%dma_start3A_109, %dma_start3A_110, %dma_start3A_114] : memref<80x1x128xi32, #tpu.memory_space<vmem>> -> memref<1x1x128xi32, #tpu.memory_space<vmem>>
    %dma_start3A_116 = tpu.memref_squeeze %dma_start3A_115 : memref<1x1x128xi32, #tpu.memory_space<vmem>> -> memref<128xi32, #tpu.memory_space<vmem>>
    %dma_start3A_117 = arith.constant 0 : i32
    %dma_start3A_118 = arith.constant 0 : i32
    %dma_start3A_119 = tpu.memref_slice %arg9[%dma_start3A_117, %dma_start3A_118] : memref<10240x16xf32, #tpu.memory_space<vmem_shared>> -> memref<10240x16xf32, #tpu.memory_space<vmem_shared>>
    tpu.enqueue_indirect_dma source(%dma_start3A_113 : memref<128x16xf32, #tpu.memory_space<vmem>>) target(%dma_start3A_119 : memref<10240x16xf32, #tpu.memory_space<vmem_shared>>) offsets(%dma_start3A_116 : memref<128xi32, #tpu.memory_space<vmem>>) semaphore(%arg12 : memref<!tpu.dma_semaphore, #tpu.memory_space<semaphore_mem>>) {add = true}
    %dma_start3A_120 = arith.constant 2 : i32
    %dma_start3A_121 = arith.constant 0 : i32
    %dma_start3A_122 = arith.constant 256 : i32
    %dma_start3A_123 = arith.constant 0 : i32
    %dma_start3A_124 = tpu.memref_slice %arg7[%dma_start3A_122, %dma_start3A_123] : memref<2048x16xf32, #tpu.memory_space<vmem>> -> memref<128x16xf32, #tpu.memory_space<vmem>>
    %dma_start3A_125 = arith.constant 0 : i32
    %dma_start3A_126 = tpu.memref_slice %arg5[%dma_start3A_120, %dma_start3A_121, %dma_start3A_125] : memref<80x1x128xi32, #tpu.memory_space<vmem>> -> memref<1x1x128xi32, #tpu.memory_space<vmem>>
    %dma_start3A_127 = tpu.memref_squeeze %dma_start3A_126 : memref<1x1x128xi32, #tpu.memory_space<vmem>> -> memref<128xi32, #tpu.memory_space<vmem>>
    %dma_start3A_128 = arith.constant 0 : i32
    %dma_start3A_129 = arith.constant 0 : i32
    %dma_start3A_130 = tpu.memref_slice %arg9[%dma_start3A_128, %dma_start3A_129] : memref<10240x16xf32, #tpu.memory_space<vmem_shared>> -> memref<10240x16xf32, #tpu.memory_space<vmem_shared>>
    tpu.enqueue_indirect_dma source(%dma_start3A_124 : memref<128x16xf32, #tpu.memory_space<vmem>>) target(%dma_start3A_130 : memref<10240x16xf32, #tpu.memory_space<vmem_shared>>) offsets(%dma_start3A_127 : memref<128xi32, #tpu.memory_space<vmem>>) semaphore(%arg12 : memref<!tpu.dma_semaphore, #tpu.memory_space<semaphore_mem>>) {add = true}
    %dma_start3A_131 = arith.constant 3 : i32
    %dma_start3A_132 = arith.constant 0 : i32
    %dma_start3A_133 = arith.constant 384 : i32
    %dma_start3A_134 = arith.constant 0 : i32
    %dma_start3A_135 = tpu.memref_slice %arg7[%dma_start3A_133, %dma_start3A_134] : memref<2048x16xf32, #tpu.memory_space<vmem>> -> memref<128x16xf32, #tpu.memory_space<vmem>>
    %dma_start3A_136 = arith.constant 0 : i32
    %dma_start3A_137 = tpu.memref_slice %arg5[%dma_start3A_131, %dma_start3A_132, %dma_start3A_136] : memref<80x1x128xi32, #tpu.memory_space<vmem>> -> memref<1x1x128xi32, #tpu.memory_space<vmem>>
    %dma_start3A_138 = tpu.memref_squeeze %dma_start3A_137 : memref<1x1x128xi32, #tpu.memory_space<vmem>> -> memref<128xi32, #tpu.memory_space<vmem>>
    %dma_start3A_139 = arith.constant 0 : i32
    %dma_start3A_140 = arith.constant 0 : i32
    %dma_start3A_141 = tpu.memref_slice %arg9[%dma_start3A_139, %dma_start3A_140] : memref<10240x16xf32, #tpu.memory_space<vmem_shared>> -> memref<10240x16xf32, #tpu.memory_space<vmem_shared>>
    tpu.enqueue_indirect_dma source(%dma_start3A_135 : memref<128x16xf32, #tpu.memory_space<vmem>>) target(%dma_start3A_141 : memref<10240x16xf32, #tpu.memory_space<vmem_shared>>) offsets(%dma_start3A_138 : memref<128xi32, #tpu.memory_space<vmem>>) semaphore(%arg12 : memref<!tpu.dma_semaphore, #tpu.memory_space<semaphore_mem>>) {add = true}
    %dma_start3A_142 = arith.constant 4 : i32
    %dma_start3A_143 = arith.constant 0 : i32
    %dma_start3A_144 = arith.constant 512 : i32
    %dma_start3A_145 = arith.constant 0 : i32
    %dma_start3A_146 = tpu.memref_slice %arg7[%dma_start3A_144, %dma_start3A_145] : memref<2048x16xf32, #tpu.memory_space<vmem>> -> memref<128x16xf32, #tpu.memory_space<vmem>>
    %dma_start3A_147 = arith.constant 0 : i32
    %dma_start3A_148 = tpu.memref_slice %arg5[%dma_start3A_142, %dma_start3A_143, %dma_start3A_147] : memref<80x1x128xi32, #tpu.memory_space<vmem>> -> memref<1x1x128xi32, #tpu.memory_space<vmem>>
    %dma_start3A_149 = tpu.memref_squeeze %dma_start3A_148 : memref<1x1x128xi32, #tpu.memory_space<vmem>> -> memref<128xi32, #tpu.memory_space<vmem>>
    %dma_start3A_150 = arith.constant 0 : i32
    %dma_start3A_151 = arith.constant 0 : i32
    %dma_start3A_152 = tpu.memref_slice %arg9[%dma_start3A_150, %dma_start3A_151] : memref<10240x16xf32, #tpu.memory_space<vmem_shared>> -> memref<10240x16xf32, #tpu.memory_space<vmem_shared>>
    tpu.enqueue_indirect_dma source(%dma_start3A_146 : memref<128x16xf32, #tpu.memory_space<vmem>>) target(%dma_start3A_152 : memref<10240x16xf32, #tpu.memory_space<vmem_shared>>) offsets(%dma_start3A_149 : memref<128xi32, #tpu.memory_space<vmem>>) semaphore(%arg12 : memref<!tpu.dma_semaphore, #tpu.memory_space<semaphore_mem>>) {add = true}
    %dma_start3A_153 = arith.constant 5 : i32
    %dma_start3A_154 = arith.constant 0 : i32
    %dma_start3A_155 = arith.constant 640 : i32
    %dma_start3A_156 = arith.constant 0 : i32
    %dma_start3A_157 = tpu.memref_slice %arg7[%dma_start3A_155, %dma_start3A_156] : memref<2048x16xf32, #tpu.memory_space<vmem>> -> memref<128x16xf32, #tpu.memory_space<vmem>>
    %dma_start3A_158 = arith.constant 0 : i32
    %dma_start3A_159 = tpu.memref_slice %arg5[%dma_start3A_153, %dma_start3A_154, %dma_start3A_158] : memref<80x1x128xi32, #tpu.memory_space<vmem>> -> memref<1x1x128xi32, #tpu.memory_space<vmem>>
    %dma_start3A_160 = tpu.memref_squeeze %dma_start3A_159 : memref<1x1x128xi32, #tpu.memory_space<vmem>> -> memref<128xi32, #tpu.memory_space<vmem>>
    %dma_start3A_161 = arith.constant 0 : i32
    %dma_start3A_162 = arith.constant 0 : i32
    %dma_start3A_163 = tpu.memref_slice %arg9[%dma_start3A_161, %dma_start3A_162] : memref<10240x16xf32, #tpu.memory_space<vmem_shared>> -> memref<10240x16xf32, #tpu.memory_space<vmem_shared>>
    tpu.enqueue_indirect_dma source(%dma_start3A_157 : memref<128x16xf32, #tpu.memory_space<vmem>>) target(%dma_start3A_163 : memref<10240x16xf32, #tpu.memory_space<vmem_shared>>) offsets(%dma_start3A_160 : memref<128xi32, #tpu.memory_space<vmem>>) semaphore(%arg12 : memref<!tpu.dma_semaphore, #tpu.memory_space<semaphore_mem>>) {add = true}
    %dma_start3A_164 = arith.constant 6 : i32
    %dma_start3A_165 = arith.constant 0 : i32
    %dma_start3A_166 = arith.constant 768 : i32
    %dma_start3A_167 = arith.constant 0 : i32
    %dma_start3A_168 = tpu.memref_slice %arg7[%dma_start3A_166, %dma_start3A_167] : memref<2048x16xf32, #tpu.memory_space<vmem>> -> memref<128x16xf32, #tpu.memory_space<vmem>>
    %dma_start3A_169 = arith.constant 0 : i32
    %dma_start3A_170 = tpu.memref_slice %arg5[%dma_start3A_164, %dma_start3A_165, %dma_start3A_169] : memref<80x1x128xi32, #tpu.memory_space<vmem>> -> memref<1x1x128xi32, #tpu.memory_space<vmem>>
    %dma_start3A_171 = tpu.memref_squeeze %dma_start3A_170 : memref<1x1x128xi32, #tpu.memory_space<vmem>> -> memref<128xi32, #tpu.memory_space<vmem>>
    %dma_start3A_172 = arith.constant 0 : i32
    %dma_start3A_173 = arith.constant 0 : i32
    %dma_start3A_174 = tpu.memref_slice %arg9[%dma_start3A_172, %dma_start3A_173] : memref<10240x16xf32, #tpu.memory_space<vmem_shared>> -> memref<10240x16xf32, #tpu.memory_space<vmem_shared>>
    tpu.enqueue_indirect_dma source(%dma_start3A_168 : memref<128x16xf32, #tpu.memory_space<vmem>>) target(%dma_start3A_174 : memref<10240x16xf32, #tpu.memory_space<vmem_shared>>) offsets(%dma_start3A_171 : memref<128xi32, #tpu.memory_space<vmem>>) semaphore(%arg12 : memref<!tpu.dma_semaphore, #tpu.memory_space<semaphore_mem>>) {add = true}
    %dma_start3A_175 = arith.constant 7 : i32
    %dma_start3A_176 = arith.constant 0 : i32
    %dma_start3A_177 = arith.constant 896 : i32
    %dma_start3A_178 = arith.constant 0 : i32
    %dma_start3A_179 = tpu.memref_slice %arg7[%dma_start3A_177, %dma_start3A_178] : memref<2048x16xf32, #tpu.memory_space<vmem>> -> memref<128x16xf32, #tpu.memory_space<vmem>>
    %dma_start3A_180 = arith.constant 0 : i32
    %dma_start3A_181 = tpu.memref_slice %arg5[%dma_start3A_175, %dma_start3A_176, %dma_start3A_180] : memref<80x1x128xi32, #tpu.memory_space<vmem>> -> memref<1x1x128xi32, #tpu.memory_space<vmem>>
    %dma_start3A_182 = tpu.memref_squeeze %dma_start3A_181 : memref<1x1x128xi32, #tpu.memory_space<vmem>> -> memref<128xi32, #tpu.memory_space<vmem>>
    %dma_start3A_183 = arith.constant 0 : i32
    %dma_start3A_184 = arith.constant 0 : i32
    %dma_start3A_185 = tpu.memref_slice %arg9[%dma_start3A_183, %dma_start3A_184] : memref<10240x16xf32, #tpu.memory_space<vmem_shared>> -> memref<10240x16xf32, #tpu.memory_space<vmem_shared>>
    tpu.enqueue_indirect_dma source(%dma_start3A_179 : memref<128x16xf32, #tpu.memory_space<vmem>>) target(%dma_start3A_185 : memref<10240x16xf32, #tpu.memory_space<vmem_shared>>) offsets(%dma_start3A_182 : memref<128xi32, #tpu.memory_space<vmem>>) semaphore(%arg12 : memref<!tpu.dma_semaphore, #tpu.memory_space<semaphore_mem>>) {add = true}
    %dma_start3A_186 = arith.constant 8 : i32
    %dma_start3A_187 = arith.constant 0 : i32
    %dma_start3A_188 = arith.constant 1024 : i32
    %dma_start3A_189 = arith.constant 0 : i32
    %dma_start3A_190 = tpu.memref_slice %arg7[%dma_start3A_188, %dma_start3A_189] : memref<2048x16xf32, #tpu.memory_space<vmem>> -> memref<128x16xf32, #tpu.memory_space<vmem>>
    %dma_start3A_191 = arith.constant 0 : i32
    %dma_start3A_192 = tpu.memref_slice %arg5[%dma_start3A_186, %dma_start3A_187, %dma_start3A_191] : memref<80x1x128xi32, #tpu.memory_space<vmem>> -> memref<1x1x128xi32, #tpu.memory_space<vmem>>
    %dma_start3A_193 = tpu.memref_squeeze %dma_start3A_192 : memref<1x1x128xi32, #tpu.memory_space<vmem>> -> memref<128xi32, #tpu.memory_space<vmem>>
    %dma_start3A_194 = arith.constant 0 : i32
    %dma_start3A_195 = arith.constant 0 : i32
    %dma_start3A_196 = tpu.memref_slice %arg9[%dma_start3A_194, %dma_start3A_195] : memref<10240x16xf32, #tpu.memory_space<vmem_shared>> -> memref<10240x16xf32, #tpu.memory_space<vmem_shared>>
    tpu.enqueue_indirect_dma source(%dma_start3A_190 : memref<128x16xf32, #tpu.memory_space<vmem>>) target(%dma_start3A_196 : memref<10240x16xf32, #tpu.memory_space<vmem_shared>>) offsets(%dma_start3A_193 : memref<128xi32, #tpu.memory_space<vmem>>) semaphore(%arg12 : memref<!tpu.dma_semaphore, #tpu.memory_space<semaphore_mem>>) {add = true}
    %dma_start3A_197 = arith.constant 9 : i32
    %dma_start3A_198 = arith.constant 0 : i32
    %dma_start3A_199 = arith.constant 1152 : i32
    %dma_start3A_200 = arith.constant 0 : i32
    %dma_start3A_201 = tpu.memref_slice %arg7[%dma_start3A_199, %dma_start3A_200] : memref<2048x16xf32, #tpu.memory_space<vmem>> -> memref<128x16xf32, #tpu.memory_space<vmem>>
    %dma_start3A_202 = arith.constant 0 : i32
    %dma_start3A_203 = tpu.memref_slice %arg5[%dma_start3A_197, %dma_start3A_198, %dma_start3A_202] : memref<80x1x128xi32, #tpu.memory_space<vmem>> -> memref<1x1x128xi32, #tpu.memory_space<vmem>>
    %dma_start3A_204 = tpu.memref_squeeze %dma_start3A_203 : memref<1x1x128xi32, #tpu.memory_space<vmem>> -> memref<128xi32, #tpu.memory_space<vmem>>
    %dma_start3A_205 = arith.constant 0 : i32
    %dma_start3A_206 = arith.constant 0 : i32
    %dma_start3A_207 = tpu.memref_slice %arg9[%dma_start3A_205, %dma_start3A_206] : memref<10240x16xf32, #tpu.memory_space<vmem_shared>> -> memref<10240x16xf32, #tpu.memory_space<vmem_shared>>
    tpu.enqueue_indirect_dma source(%dma_start3A_201 : memref<128x16xf32, #tpu.memory_space<vmem>>) target(%dma_start3A_207 : memref<10240x16xf32, #tpu.memory_space<vmem_shared>>) offsets(%dma_start3A_204 : memref<128xi32, #tpu.memory_space<vmem>>) semaphore(%arg12 : memref<!tpu.dma_semaphore, #tpu.memory_space<semaphore_mem>>) {add = true}
    %dma_start3A_208 = arith.constant 10 : i32
    %dma_start3A_209 = arith.constant 0 : i32
    %dma_start3A_210 = arith.constant 1280 : i32
    %dma_start3A_211 = arith.constant 0 : i32
    %dma_start3A_212 = tpu.memref_slice %arg7[%dma_start3A_210, %dma_start3A_211] : memref<2048x16xf32, #tpu.memory_space<vmem>> -> memref<128x16xf32, #tpu.memory_space<vmem>>
    %dma_start3A_213 = arith.constant 0 : i32
    %dma_start3A_214 = tpu.memref_slice %arg5[%dma_start3A_208, %dma_start3A_209, %dma_start3A_213] : memref<80x1x128xi32, #tpu.memory_space<vmem>> -> memref<1x1x128xi32, #tpu.memory_space<vmem>>
    %dma_start3A_215 = tpu.memref_squeeze %dma_start3A_214 : memref<1x1x128xi32, #tpu.memory_space<vmem>> -> memref<128xi32, #tpu.memory_space<vmem>>
    %dma_start3A_216 = arith.constant 0 : i32
    %dma_start3A_217 = arith.constant 0 : i32
    %dma_start3A_218 = tpu.memref_slice %arg9[%dma_start3A_216, %dma_start3A_217] : memref<10240x16xf32, #tpu.memory_space<vmem_shared>> -> memref<10240x16xf32, #tpu.memory_space<vmem_shared>>
    tpu.enqueue_indirect_dma source(%dma_start3A_212 : memref<128x16xf32, #tpu.memory_space<vmem>>) target(%dma_start3A_218 : memref<10240x16xf32, #tpu.memory_space<vmem_shared>>) offsets(%dma_start3A_215 : memref<128xi32, #tpu.memory_space<vmem>>) semaphore(%arg12 : memref<!tpu.dma_semaphore, #tpu.memory_space<semaphore_mem>>) {add = true}
    %dma_start3A_219 = arith.constant 11 : i32
    %dma_start3A_220 = arith.constant 0 : i32
    %dma_start3A_221 = arith.constant 1408 : i32
    %dma_start3A_222 = arith.constant 0 : i32
    %dma_start3A_223 = tpu.memref_slice %arg7[%dma_start3A_221, %dma_start3A_222] : memref<2048x16xf32, #tpu.memory_space<vmem>> -> memref<128x16xf32, #tpu.memory_space<vmem>>
    %dma_start3A_224 = arith.constant 0 : i32
    %dma_start3A_225 = tpu.memref_slice %arg5[%dma_start3A_219, %dma_start3A_220, %dma_start3A_224] : memref<80x1x128xi32, #tpu.memory_space<vmem>> -> memref<1x1x128xi32, #tpu.memory_space<vmem>>
    %dma_start3A_226 = tpu.memref_squeeze %dma_start3A_225 : memref<1x1x128xi32, #tpu.memory_space<vmem>> -> memref<128xi32, #tpu.memory_space<vmem>>
    %dma_start3A_227 = arith.constant 0 : i32
    %dma_start3A_228 = arith.constant 0 : i32
    %dma_start3A_229 = tpu.memref_slice %arg9[%dma_start3A_227, %dma_start3A_228] : memref<10240x16xf32, #tpu.memory_space<vmem_shared>> -> memref<10240x16xf32, #tpu.memory_space<vmem_shared>>
    tpu.enqueue_indirect_dma source(%dma_start3A_223 : memref<128x16xf32, #tpu.memory_space<vmem>>) target(%dma_start3A_229 : memref<10240x16xf32, #tpu.memory_space<vmem_shared>>) offsets(%dma_start3A_226 : memref<128xi32, #tpu.memory_space<vmem>>) semaphore(%arg12 : memref<!tpu.dma_semaphore, #tpu.memory_space<semaphore_mem>>) {add = true}
    %dma_start3A_230 = arith.constant 12 : i32
    %dma_start3A_231 = arith.constant 0 : i32
    %dma_start3A_232 = arith.constant 1536 : i32
    %dma_start3A_233 = arith.constant 0 : i32
    %dma_start3A_234 = tpu.memref_slice %arg7[%dma_start3A_232, %dma_start3A_233] : memref<2048x16xf32, #tpu.memory_space<vmem>> -> memref<128x16xf32, #tpu.memory_space<vmem>>
    %dma_start3A_235 = arith.constant 0 : i32
    %dma_start3A_236 = tpu.memref_slice %arg5[%dma_start3A_230, %dma_start3A_231, %dma_start3A_235] : memref<80x1x128xi32, #tpu.memory_space<vmem>> -> memref<1x1x128xi32, #tpu.memory_space<vmem>>
    %dma_start3A_237 = tpu.memref_squeeze %dma_start3A_236 : memref<1x1x128xi32, #tpu.memory_space<vmem>> -> memref<128xi32, #tpu.memory_space<vmem>>
    %dma_start3A_238 = arith.constant 0 : i32
    %dma_start3A_239 = arith.constant 0 : i32
    %dma_start3A_240 = tpu.memref_slice %arg9[%dma_start3A_238, %dma_start3A_239] : memref<10240x16xf32, #tpu.memory_space<vmem_shared>> -> memref<10240x16xf32, #tpu.memory_space<vmem_shared>>
    tpu.enqueue_indirect_dma source(%dma_start3A_234 : memref<128x16xf32, #tpu.memory_space<vmem>>) target(%dma_start3A_240 : memref<10240x16xf32, #tpu.memory_space<vmem_shared>>) offsets(%dma_start3A_237 : memref<128xi32, #tpu.memory_space<vmem>>) semaphore(%arg12 : memref<!tpu.dma_semaphore, #tpu.memory_space<semaphore_mem>>) {add = true}
    %dma_start3A_241 = arith.constant 13 : i32
    %dma_start3A_242 = arith.constant 0 : i32
    %dma_start3A_243 = arith.constant 1664 : i32
    %dma_start3A_244 = arith.constant 0 : i32
    %dma_start3A_245 = tpu.memref_slice %arg7[%dma_start3A_243, %dma_start3A_244] : memref<2048x16xf32, #tpu.memory_space<vmem>> -> memref<128x16xf32, #tpu.memory_space<vmem>>
    %dma_start3A_246 = arith.constant 0 : i32
    %dma_start3A_247 = tpu.memref_slice %arg5[%dma_start3A_241, %dma_start3A_242, %dma_start3A_246] : memref<80x1x128xi32, #tpu.memory_space<vmem>> -> memref<1x1x128xi32, #tpu.memory_space<vmem>>
    %dma_start3A_248 = tpu.memref_squeeze %dma_start3A_247 : memref<1x1x128xi32, #tpu.memory_space<vmem>> -> memref<128xi32, #tpu.memory_space<vmem>>
    %dma_start3A_249 = arith.constant 0 : i32
    %dma_start3A_250 = arith.constant 0 : i32
    %dma_start3A_251 = tpu.memref_slice %arg9[%dma_start3A_249, %dma_start3A_250] : memref<10240x16xf32, #tpu.memory_space<vmem_shared>> -> memref<10240x16xf32, #tpu.memory_space<vmem_shared>>
    tpu.enqueue_indirect_dma source(%dma_start3A_245 : memref<128x16xf32, #tpu.memory_space<vmem>>) target(%dma_start3A_251 : memref<10240x16xf32, #tpu.memory_space<vmem_shared>>) offsets(%dma_start3A_248 : memref<128xi32, #tpu.memory_space<vmem>>) semaphore(%arg12 : memref<!tpu.dma_semaphore, #tpu.memory_space<semaphore_mem>>) {add = true}
    %dma_start3A_252 = arith.constant 14 : i32
    %dma_start3A_253 = arith.constant 0 : i32
    %dma_start3A_254 = arith.constant 1792 : i32
    %dma_start3A_255 = arith.constant 0 : i32
    %dma_start3A_256 = tpu.memref_slice %arg7[%dma_start3A_254, %dma_start3A_255] : memref<2048x16xf32, #tpu.memory_space<vmem>> -> memref<128x16xf32, #tpu.memory_space<vmem>>
    %dma_start3A_257 = arith.constant 0 : i32
    %dma_start3A_258 = tpu.memref_slice %arg5[%dma_start3A_252, %dma_start3A_253, %dma_start3A_257] : memref<80x1x128xi32, #tpu.memory_space<vmem>> -> memref<1x1x128xi32, #tpu.memory_space<vmem>>
    %dma_start3A_259 = tpu.memref_squeeze %dma_start3A_258 : memref<1x1x128xi32, #tpu.memory_space<vmem>> -> memref<128xi32, #tpu.memory_space<vmem>>
    %dma_start3A_260 = arith.constant 0 : i32
    %dma_start3A_261 = arith.constant 0 : i32
    %dma_start3A_262 = tpu.memref_slice %arg9[%dma_start3A_260, %dma_start3A_261] : memref<10240x16xf32, #tpu.memory_space<vmem_shared>> -> memref<10240x16xf32, #tpu.memory_space<vmem_shared>>
    tpu.enqueue_indirect_dma source(%dma_start3A_256 : memref<128x16xf32, #tpu.memory_space<vmem>>) target(%dma_start3A_262 : memref<10240x16xf32, #tpu.memory_space<vmem_shared>>) offsets(%dma_start3A_259 : memref<128xi32, #tpu.memory_space<vmem>>) semaphore(%arg12 : memref<!tpu.dma_semaphore, #tpu.memory_space<semaphore_mem>>) {add = true}
    %dma_start3A_263 = arith.constant 15 : i32
    %dma_start3A_264 = arith.constant 0 : i32
    %dma_start3A_265 = arith.constant 1920 : i32
    %dma_start3A_266 = arith.constant 0 : i32
    %dma_start3A_267 = tpu.memref_slice %arg7[%dma_start3A_265, %dma_start3A_266] : memref<2048x16xf32, #tpu.memory_space<vmem>> -> memref<128x16xf32, #tpu.memory_space<vmem>>
    %dma_start3A_268 = arith.constant 0 : i32
    %dma_start3A_269 = tpu.memref_slice %arg5[%dma_start3A_263, %dma_start3A_264, %dma_start3A_268] : memref<80x1x128xi32, #tpu.memory_space<vmem>> -> memref<1x1x128xi32, #tpu.memory_space<vmem>>
    %dma_start3A_270 = tpu.memref_squeeze %dma_start3A_269 : memref<1x1x128xi32, #tpu.memory_space<vmem>> -> memref<128xi32, #tpu.memory_space<vmem>>
    %dma_start3A_271 = arith.constant 0 : i32
    %dma_start3A_272 = arith.constant 0 : i32
    %dma_start3A_273 = tpu.memref_slice %arg9[%dma_start3A_271, %dma_start3A_272] : memref<10240x16xf32, #tpu.memory_space<vmem_shared>> -> memref<10240x16xf32, #tpu.memory_space<vmem_shared>>
    tpu.enqueue_indirect_dma source(%dma_start3A_267 : memref<128x16xf32, #tpu.memory_space<vmem>>) target(%dma_start3A_273 : memref<10240x16xf32, #tpu.memory_space<vmem_shared>>) offsets(%dma_start3A_270 : memref<128xi32, #tpu.memory_space<vmem>>) semaphore(%arg12 : memref<!tpu.dma_semaphore, #tpu.memory_space<semaphore_mem>>) {add = true}
    %add3A_274 = arith.constant 32 : i32
    %add3A_275 = arith.addi %add3A_8, %add3A_274 : i32
    %mul3A_276 = arith.constant 1024 : i32
    %mul3A_277 = arith.muli %add3A_275, %mul3A_276 : i32
    %dma_start3A_278 = arith.constant 0 : i32
    %dma_start3A_279 = arith.constant 0 : i32
    %dma_start3A_280 = tpu.memref_slice %arg6[%dma_start3A_278, %dma_start3A_279] : memref<2x32768xf32, #tpu.memory_space<vmem>> -> memref<1x16384xf32, #tpu.memory_space<vmem>>
    %dma_start3A_281 = tpu.memref_squeeze %dma_start3A_280 : memref<1x16384xf32, #tpu.memory_space<vmem>> -> memref<16384xf32, #tpu.memory_space<vmem>>
    %dma_start3A_282 = tpu.memref_slice %arg3[%mul3A_277] : memref<5120000xf32, #tpu.memory_space<hbm>> -> memref<16384xf32, #tpu.memory_space<hbm>>
    %dma_start3A_283 = arith.constant 0 : i32
    %dma_start3A_284 = tpu.memref_slice %arg6[%dma_start3A_278, %dma_start3A_283] : memref<2x32768xf32, #tpu.memory_space<vmem>> -> memref<1x16384xf32, #tpu.memory_space<vmem>>
    %dma_start3A_285 = tpu.memref_squeeze %dma_start3A_284 : memref<1x16384xf32, #tpu.memory_space<vmem>> -> memref<16384xf32, #tpu.memory_space<vmem>>
    %dma_start3A_286 = tpu.memref_slice %arg3[%mul3A_277] : memref<5120000xf32, #tpu.memory_space<hbm>> -> memref<16384xf32, #tpu.memory_space<hbm>>
    tpu.enqueue_dma source(%dma_start3A_286 : memref<16384xf32, #tpu.memory_space<hbm>>) target(%dma_start3A_285 : memref<16384xf32, #tpu.memory_space<vmem>>) target_semaphore(%arg10 : memref<!tpu.dma_semaphore, #tpu.memory_space<semaphore_mem>>)
    %add3A_287 = arith.constant 2560000 : i32
    %add3A_288 = arith.addi %add3A_287, %mul3A_277 : i32
    %dma_start3A_289 = arith.constant 0 : i32
    %dma_start3A_290 = arith.constant 16384 : i32
    %dma_start3A_291 = tpu.memref_slice %arg6[%dma_start3A_289, %dma_start3A_290] : memref<2x32768xf32, #tpu.memory_space<vmem>> -> memref<1x16384xf32, #tpu.memory_space<vmem>>
    %dma_start3A_292 = tpu.memref_squeeze %dma_start3A_291 : memref<1x16384xf32, #tpu.memory_space<vmem>> -> memref<16384xf32, #tpu.memory_space<vmem>>
    %dma_start3A_293 = tpu.memref_slice %arg3[%add3A_288] : memref<5120000xf32, #tpu.memory_space<hbm>> -> memref<16384xf32, #tpu.memory_space<hbm>>
    %dma_start3A_294 = arith.constant 16384 : i32
    %dma_start3A_295 = tpu.memref_slice %arg6[%dma_start3A_289, %dma_start3A_294] : memref<2x32768xf32, #tpu.memory_space<vmem>> -> memref<1x16384xf32, #tpu.memory_space<vmem>>
    %dma_start3A_296 = tpu.memref_squeeze %dma_start3A_295 : memref<1x16384xf32, #tpu.memory_space<vmem>> -> memref<16384xf32, #tpu.memory_space<vmem>>
    %dma_start3A_297 = tpu.memref_slice %arg3[%add3A_288] : memref<5120000xf32, #tpu.memory_space<hbm>> -> memref<16384xf32, #tpu.memory_space<hbm>>
    tpu.enqueue_dma source(%dma_start3A_297 : memref<16384xf32, #tpu.memory_space<hbm>>) target(%dma_start3A_296 : memref<16384xf32, #tpu.memory_space<vmem>>) target_semaphore(%arg10 : memref<!tpu.dma_semaphore, #tpu.memory_space<semaphore_mem>>)
    %dma_wait3A_298 = arith.constant 1 : i32
    %dma_wait3A_299 = arith.constant 0 : i32
    %dma_wait3A_300 = tpu.memref_slice %arg6[%dma_wait3A_298, %dma_wait3A_299] : memref<2x32768xf32, #tpu.memory_space<vmem>> -> memref<1x16384xf32, #tpu.memory_space<vmem>>
    %dma_wait3A_301 = tpu.memref_squeeze %dma_wait3A_300 : memref<1x16384xf32, #tpu.memory_space<vmem>> -> memref<16384xf32, #tpu.memory_space<vmem>>
    %dma_wait3A_302 = tpu.memref_slice %arg3[%mul3A_48] : memref<5120000xf32, #tpu.memory_space<hbm>> -> memref<16384xf32, #tpu.memory_space<hbm>>
    %dma_wait3A_303 = arith.constant 0 : i32
    %dma_wait3A_304 = tpu.memref_slice %arg6[%dma_wait3A_298, %dma_wait3A_303] : memref<2x32768xf32, #tpu.memory_space<vmem>> -> memref<1x16384xf32, #tpu.memory_space<vmem>>
    %dma_wait3A_305 = tpu.memref_squeeze %dma_wait3A_304 : memref<1x16384xf32, #tpu.memory_space<vmem>> -> memref<16384xf32, #tpu.memory_space<vmem>>
    %dma_wait3A_306 = tpu.memref_slice %arg3[%mul3A_48] : memref<5120000xf32, #tpu.memory_space<hbm>> -> memref<16384xf32, #tpu.memory_space<hbm>>
    tpu.wait_dma2 semaphore(%arg11 : memref<!tpu.dma_semaphore, #tpu.memory_space<semaphore_mem>>) src(%dma_wait3A_306 : memref<16384xf32, #tpu.memory_space<hbm>>) dst(%dma_wait3A_305 : memref<16384xf32, #tpu.memory_space<vmem>>)
    %dma_wait3A_307 = arith.constant 1 : i32
    %dma_wait3A_308 = arith.constant 16384 : i32
    %dma_wait3A_309 = tpu.memref_slice %arg6[%dma_wait3A_307, %dma_wait3A_308] : memref<2x32768xf32, #tpu.memory_space<vmem>> -> memref<1x16384xf32, #tpu.memory_space<vmem>>
    %dma_wait3A_310 = tpu.memref_squeeze %dma_wait3A_309 : memref<1x16384xf32, #tpu.memory_space<vmem>> -> memref<16384xf32, #tpu.memory_space<vmem>>
    %dma_wait3A_311 = tpu.memref_slice %arg3[%add3A_59] : memref<5120000xf32, #tpu.memory_space<hbm>> -> memref<16384xf32, #tpu.memory_space<hbm>>
    %dma_wait3A_312 = arith.constant 16384 : i32
    %dma_wait3A_313 = tpu.memref_slice %arg6[%dma_wait3A_307, %dma_wait3A_312] : memref<2x32768xf32, #tpu.memory_space<vmem>> -> memref<1x16384xf32, #tpu.memory_space<vmem>>
    %dma_wait3A_314 = tpu.memref_squeeze %dma_wait3A_313 : memref<1x16384xf32, #tpu.memory_space<vmem>> -> memref<16384xf32, #tpu.memory_space<vmem>>
    %dma_wait3A_315 = tpu.memref_slice %arg3[%add3A_59] : memref<5120000xf32, #tpu.memory_space<hbm>> -> memref<16384xf32, #tpu.memory_space<hbm>>
    tpu.wait_dma2 semaphore(%arg11 : memref<!tpu.dma_semaphore, #tpu.memory_space<semaphore_mem>>) src(%dma_wait3A_315 : memref<16384xf32, #tpu.memory_space<hbm>>) dst(%dma_wait3A_314 : memref<16384xf32, #tpu.memory_space<vmem>>)
    %dma_wait3A_316 = arith.constant 0 : i32
    %dma_wait3A_317 = arith.constant 0 : i32
    %dma_wait3A_318 = arith.constant 0 : i32
    %dma_wait3A_319 = arith.constant 0 : i32
    %dma_wait3A_320 = tpu.memref_slice %arg7[%dma_wait3A_318, %dma_wait3A_319] : memref<2048x16xf32, #tpu.memory_space<vmem>> -> memref<128x16xf32, #tpu.memory_space<vmem>>
    %dma_wait3A_321 = arith.constant 0 : i32
    %dma_wait3A_322 = tpu.memref_slice %arg5[%dma_wait3A_316, %dma_wait3A_317, %dma_wait3A_321] : memref<80x1x128xi32, #tpu.memory_space<vmem>> -> memref<1x1x128xi32, #tpu.memory_space<vmem>>
    %dma_wait3A_323 = tpu.memref_squeeze %dma_wait3A_322 : memref<1x1x128xi32, #tpu.memory_space<vmem>> -> memref<128xi32, #tpu.memory_space<vmem>>
    %dma_wait3A_324 = arith.constant 0 : i32
    %dma_wait3A_325 = arith.constant 0 : i32
    %dma_wait3A_326 = tpu.memref_slice %arg9[%dma_wait3A_324, %dma_wait3A_325] : memref<10240x16xf32, #tpu.memory_space<vmem_shared>> -> memref<10240x16xf32, #tpu.memory_space<vmem_shared>>
    tpu.wait_indirect_dma semaphore(%arg12 : memref<!tpu.dma_semaphore, #tpu.memory_space<semaphore_mem>>) src(%dma_wait3A_320 : memref<128x16xf32, #tpu.memory_space<vmem>>) dst(%dma_wait3A_326 : memref<10240x16xf32, #tpu.memory_space<vmem_shared>>)
    %dma_wait3A_327 = arith.constant 1 : i32
    %dma_wait3A_328 = arith.constant 0 : i32
    %dma_wait3A_329 = arith.constant 128 : i32
    %dma_wait3A_330 = arith.constant 0 : i32
    %dma_wait3A_331 = tpu.memref_slice %arg7[%dma_wait3A_329, %dma_wait3A_330] : memref<2048x16xf32, #tpu.memory_space<vmem>> -> memref<128x16xf32, #tpu.memory_space<vmem>>
    %dma_wait3A_332 = arith.constant 0 : i32
    %dma_wait3A_333 = tpu.memref_slice %arg5[%dma_wait3A_327, %dma_wait3A_328, %dma_wait3A_332] : memref<80x1x128xi32, #tpu.memory_space<vmem>> -> memref<1x1x128xi32, #tpu.memory_space<vmem>>
    %dma_wait3A_334 = tpu.memref_squeeze %dma_wait3A_333 : memref<1x1x128xi32, #tpu.memory_space<vmem>> -> memref<128xi32, #tpu.memory_space<vmem>>
    %dma_wait3A_335 = arith.constant 0 : i32
    %dma_wait3A_336 = arith.constant 0 : i32
    %dma_wait3A_337 = tpu.memref_slice %arg9[%dma_wait3A_335, %dma_wait3A_336] : memref<10240x16xf32, #tpu.memory_space<vmem_shared>> -> memref<10240x16xf32, #tpu.memory_space<vmem_shared>>
    tpu.wait_indirect_dma semaphore(%arg12 : memref<!tpu.dma_semaphore, #tpu.memory_space<semaphore_mem>>) src(%dma_wait3A_331 : memref<128x16xf32, #tpu.memory_space<vmem>>) dst(%dma_wait3A_337 : memref<10240x16xf32, #tpu.memory_space<vmem_shared>>)
    %dma_wait3A_338 = arith.constant 2 : i32
    %dma_wait3A_339 = arith.constant 0 : i32
    %dma_wait3A_340 = arith.constant 256 : i32
    %dma_wait3A_341 = arith.constant 0 : i32
    %dma_wait3A_342 = tpu.memref_slice %arg7[%dma_wait3A_340, %dma_wait3A_341] : memref<2048x16xf32, #tpu.memory_space<vmem>> -> memref<128x16xf32, #tpu.memory_space<vmem>>
    %dma_wait3A_343 = arith.constant 0 : i32
    %dma_wait3A_344 = tpu.memref_slice %arg5[%dma_wait3A_338, %dma_wait3A_339, %dma_wait3A_343] : memref<80x1x128xi32, #tpu.memory_space<vmem>> -> memref<1x1x128xi32, #tpu.memory_space<vmem>>
    %dma_wait3A_345 = tpu.memref_squeeze %dma_wait3A_344 : memref<1x1x128xi32, #tpu.memory_space<vmem>> -> memref<128xi32, #tpu.memory_space<vmem>>
    %dma_wait3A_346 = arith.constant 0 : i32
    %dma_wait3A_347 = arith.constant 0 : i32
    %dma_wait3A_348 = tpu.memref_slice %arg9[%dma_wait3A_346, %dma_wait3A_347] : memref<10240x16xf32, #tpu.memory_space<vmem_shared>> -> memref<10240x16xf32, #tpu.memory_space<vmem_shared>>
    tpu.wait_indirect_dma semaphore(%arg12 : memref<!tpu.dma_semaphore, #tpu.memory_space<semaphore_mem>>) src(%dma_wait3A_342 : memref<128x16xf32, #tpu.memory_space<vmem>>) dst(%dma_wait3A_348 : memref<10240x16xf32, #tpu.memory_space<vmem_shared>>)
    %dma_wait3A_349 = arith.constant 3 : i32
    %dma_wait3A_350 = arith.constant 0 : i32
    %dma_wait3A_351 = arith.constant 384 : i32
    %dma_wait3A_352 = arith.constant 0 : i32
    %dma_wait3A_353 = tpu.memref_slice %arg7[%dma_wait3A_351, %dma_wait3A_352] : memref<2048x16xf32, #tpu.memory_space<vmem>> -> memref<128x16xf32, #tpu.memory_space<vmem>>
    %dma_wait3A_354 = arith.constant 0 : i32
    %dma_wait3A_355 = tpu.memref_slice %arg5[%dma_wait3A_349, %dma_wait3A_350, %dma_wait3A_354] : memref<80x1x128xi32, #tpu.memory_space<vmem>> -> memref<1x1x128xi32, #tpu.memory_space<vmem>>
    %dma_wait3A_356 = tpu.memref_squeeze %dma_wait3A_355 : memref<1x1x128xi32, #tpu.memory_space<vmem>> -> memref<128xi32, #tpu.memory_space<vmem>>
    %dma_wait3A_357 = arith.constant 0 : i32
    %dma_wait3A_358 = arith.constant 0 : i32
    %dma_wait3A_359 = tpu.memref_slice %arg9[%dma_wait3A_357, %dma_wait3A_358] : memref<10240x16xf32, #tpu.memory_space<vmem_shared>> -> memref<10240x16xf32, #tpu.memory_space<vmem_shared>>
    tpu.wait_indirect_dma semaphore(%arg12 : memref<!tpu.dma_semaphore, #tpu.memory_space<semaphore_mem>>) src(%dma_wait3A_353 : memref<128x16xf32, #tpu.memory_space<vmem>>) dst(%dma_wait3A_359 : memref<10240x16xf32, #tpu.memory_space<vmem_shared>>)
    %dma_wait3A_360 = arith.constant 4 : i32
    %dma_wait3A_361 = arith.constant 0 : i32
    %dma_wait3A_362 = arith.constant 512 : i32
    %dma_wait3A_363 = arith.constant 0 : i32
    %dma_wait3A_364 = tpu.memref_slice %arg7[%dma_wait3A_362, %dma_wait3A_363] : memref<2048x16xf32, #tpu.memory_space<vmem>> -> memref<128x16xf32, #tpu.memory_space<vmem>>
    %dma_wait3A_365 = arith.constant 0 : i32
    %dma_wait3A_366 = tpu.memref_slice %arg5[%dma_wait3A_360, %dma_wait3A_361, %dma_wait3A_365] : memref<80x1x128xi32, #tpu.memory_space<vmem>> -> memref<1x1x128xi32, #tpu.memory_space<vmem>>
    %dma_wait3A_367 = tpu.memref_squeeze %dma_wait3A_366 : memref<1x1x128xi32, #tpu.memory_space<vmem>> -> memref<128xi32, #tpu.memory_space<vmem>>
    %dma_wait3A_368 = arith.constant 0 : i32
    %dma_wait3A_369 = arith.constant 0 : i32
    %dma_wait3A_370 = tpu.memref_slice %arg9[%dma_wait3A_368, %dma_wait3A_369] : memref<10240x16xf32, #tpu.memory_space<vmem_shared>> -> memref<10240x16xf32, #tpu.memory_space<vmem_shared>>
    tpu.wait_indirect_dma semaphore(%arg12 : memref<!tpu.dma_semaphore, #tpu.memory_space<semaphore_mem>>) src(%dma_wait3A_364 : memref<128x16xf32, #tpu.memory_space<vmem>>) dst(%dma_wait3A_370 : memref<10240x16xf32, #tpu.memory_space<vmem_shared>>)
    %dma_wait3A_371 = arith.constant 5 : i32
    %dma_wait3A_372 = arith.constant 0 : i32
    %dma_wait3A_373 = arith.constant 640 : i32
    %dma_wait3A_374 = arith.constant 0 : i32
    %dma_wait3A_375 = tpu.memref_slice %arg7[%dma_wait3A_373, %dma_wait3A_374] : memref<2048x16xf32, #tpu.memory_space<vmem>> -> memref<128x16xf32, #tpu.memory_space<vmem>>
    %dma_wait3A_376 = arith.constant 0 : i32
    %dma_wait3A_377 = tpu.memref_slice %arg5[%dma_wait3A_371, %dma_wait3A_372, %dma_wait3A_376] : memref<80x1x128xi32, #tpu.memory_space<vmem>> -> memref<1x1x128xi32, #tpu.memory_space<vmem>>
    %dma_wait3A_378 = tpu.memref_squeeze %dma_wait3A_377 : memref<1x1x128xi32, #tpu.memory_space<vmem>> -> memref<128xi32, #tpu.memory_space<vmem>>
    %dma_wait3A_379 = arith.constant 0 : i32
    %dma_wait3A_380 = arith.constant 0 : i32
    %dma_wait3A_381 = tpu.memref_slice %arg9[%dma_wait3A_379, %dma_wait3A_380] : memref<10240x16xf32, #tpu.memory_space<vmem_shared>> -> memref<10240x16xf32, #tpu.memory_space<vmem_shared>>
    tpu.wait_indirect_dma semaphore(%arg12 : memref<!tpu.dma_semaphore, #tpu.memory_space<semaphore_mem>>) src(%dma_wait3A_375 : memref<128x16xf32, #tpu.memory_space<vmem>>) dst(%dma_wait3A_381 : memref<10240x16xf32, #tpu.memory_space<vmem_shared>>)
    %dma_wait3A_382 = arith.constant 6 : i32
    %dma_wait3A_383 = arith.constant 0 : i32
    %dma_wait3A_384 = arith.constant 768 : i32
    %dma_wait3A_385 = arith.constant 0 : i32
    %dma_wait3A_386 = tpu.memref_slice %arg7[%dma_wait3A_384, %dma_wait3A_385] : memref<2048x16xf32, #tpu.memory_space<vmem>> -> memref<128x16xf32, #tpu.memory_space<vmem>>
    %dma_wait3A_387 = arith.constant 0 : i32
    %dma_wait3A_388 = tpu.memref_slice %arg5[%dma_wait3A_382, %dma_wait3A_383, %dma_wait3A_387] : memref<80x1x128xi32, #tpu.memory_space<vmem>> -> memref<1x1x128xi32, #tpu.memory_space<vmem>>
    %dma_wait3A_389 = tpu.memref_squeeze %dma_wait3A_388 : memref<1x1x128xi32, #tpu.memory_space<vmem>> -> memref<128xi32, #tpu.memory_space<vmem>>
    %dma_wait3A_390 = arith.constant 0 : i32
    %dma_wait3A_391 = arith.constant 0 : i32
    %dma_wait3A_392 = tpu.memref_slice %arg9[%dma_wait3A_390, %dma_wait3A_391] : memref<10240x16xf32, #tpu.memory_space<vmem_shared>> -> memref<10240x16xf32, #tpu.memory_space<vmem_shared>>
    tpu.wait_indirect_dma semaphore(%arg12 : memref<!tpu.dma_semaphore, #tpu.memory_space<semaphore_mem>>) src(%dma_wait3A_386 : memref<128x16xf32, #tpu.memory_space<vmem>>) dst(%dma_wait3A_392 : memref<10240x16xf32, #tpu.memory_space<vmem_shared>>)
    %dma_wait3A_393 = arith.constant 7 : i32
    %dma_wait3A_394 = arith.constant 0 : i32
    %dma_wait3A_395 = arith.constant 896 : i32
    %dma_wait3A_396 = arith.constant 0 : i32
    %dma_wait3A_397 = tpu.memref_slice %arg7[%dma_wait3A_395, %dma_wait3A_396] : memref<2048x16xf32, #tpu.memory_space<vmem>> -> memref<128x16xf32, #tpu.memory_space<vmem>>
    %dma_wait3A_398 = arith.constant 0 : i32
    %dma_wait3A_399 = tpu.memref_slice %arg5[%dma_wait3A_393, %dma_wait3A_394, %dma_wait3A_398] : memref<80x1x128xi32, #tpu.memory_space<vmem>> -> memref<1x1x128xi32, #tpu.memory_space<vmem>>
    %dma_wait3A_400 = tpu.memref_squeeze %dma_wait3A_399 : memref<1x1x128xi32, #tpu.memory_space<vmem>> -> memref<128xi32, #tpu.memory_space<vmem>>
    %dma_wait3A_401 = arith.constant 0 : i32
    %dma_wait3A_402 = arith.constant 0 : i32
    %dma_wait3A_403 = tpu.memref_slice %arg9[%dma_wait3A_401, %dma_wait3A_402] : memref<10240x16xf32, #tpu.memory_space<vmem_shared>> -> memref<10240x16xf32, #tpu.memory_space<vmem_shared>>
    tpu.wait_indirect_dma semaphore(%arg12 : memref<!tpu.dma_semaphore, #tpu.memory_space<semaphore_mem>>) src(%dma_wait3A_397 : memref<128x16xf32, #tpu.memory_space<vmem>>) dst(%dma_wait3A_403 : memref<10240x16xf32, #tpu.memory_space<vmem_shared>>)
    %dma_wait3A_404 = arith.constant 8 : i32
    %dma_wait3A_405 = arith.constant 0 : i32
    %dma_wait3A_406 = arith.constant 1024 : i32
    %dma_wait3A_407 = arith.constant 0 : i32
    %dma_wait3A_408 = tpu.memref_slice %arg7[%dma_wait3A_406, %dma_wait3A_407] : memref<2048x16xf32, #tpu.memory_space<vmem>> -> memref<128x16xf32, #tpu.memory_space<vmem>>
    %dma_wait3A_409 = arith.constant 0 : i32
    %dma_wait3A_410 = tpu.memref_slice %arg5[%dma_wait3A_404, %dma_wait3A_405, %dma_wait3A_409] : memref<80x1x128xi32, #tpu.memory_space<vmem>> -> memref<1x1x128xi32, #tpu.memory_space<vmem>>
    %dma_wait3A_411 = tpu.memref_squeeze %dma_wait3A_410 : memref<1x1x128xi32, #tpu.memory_space<vmem>> -> memref<128xi32, #tpu.memory_space<vmem>>
    %dma_wait3A_412 = arith.constant 0 : i32
    %dma_wait3A_413 = arith.constant 0 : i32
    %dma_wait3A_414 = tpu.memref_slice %arg9[%dma_wait3A_412, %dma_wait3A_413] : memref<10240x16xf32, #tpu.memory_space<vmem_shared>> -> memref<10240x16xf32, #tpu.memory_space<vmem_shared>>
    tpu.wait_indirect_dma semaphore(%arg12 : memref<!tpu.dma_semaphore, #tpu.memory_space<semaphore_mem>>) src(%dma_wait3A_408 : memref<128x16xf32, #tpu.memory_space<vmem>>) dst(%dma_wait3A_414 : memref<10240x16xf32, #tpu.memory_space<vmem_shared>>)
    %dma_wait3A_415 = arith.constant 9 : i32
    %dma_wait3A_416 = arith.constant 0 : i32
    %dma_wait3A_417 = arith.constant 1152 : i32
    %dma_wait3A_418 = arith.constant 0 : i32
    %dma_wait3A_419 = tpu.memref_slice %arg7[%dma_wait3A_417, %dma_wait3A_418] : memref<2048x16xf32, #tpu.memory_space<vmem>> -> memref<128x16xf32, #tpu.memory_space<vmem>>
    %dma_wait3A_420 = arith.constant 0 : i32
    %dma_wait3A_421 = tpu.memref_slice %arg5[%dma_wait3A_415, %dma_wait3A_416, %dma_wait3A_420] : memref<80x1x128xi32, #tpu.memory_space<vmem>> -> memref<1x1x128xi32, #tpu.memory_space<vmem>>
    %dma_wait3A_422 = tpu.memref_squeeze %dma_wait3A_421 : memref<1x1x128xi32, #tpu.memory_space<vmem>> -> memref<128xi32, #tpu.memory_space<vmem>>
    %dma_wait3A_423 = arith.constant 0 : i32
    %dma_wait3A_424 = arith.constant 0 : i32
    %dma_wait3A_425 = tpu.memref_slice %arg9[%dma_wait3A_423, %dma_wait3A_424] : memref<10240x16xf32, #tpu.memory_space<vmem_shared>> -> memref<10240x16xf32, #tpu.memory_space<vmem_shared>>
    tpu.wait_indirect_dma semaphore(%arg12 : memref<!tpu.dma_semaphore, #tpu.memory_space<semaphore_mem>>) src(%dma_wait3A_419 : memref<128x16xf32, #tpu.memory_space<vmem>>) dst(%dma_wait3A_425 : memref<10240x16xf32, #tpu.memory_space<vmem_shared>>)
    %dma_wait3A_426 = arith.constant 10 : i32
    %dma_wait3A_427 = arith.constant 0 : i32
    %dma_wait3A_428 = arith.constant 1280 : i32
    %dma_wait3A_429 = arith.constant 0 : i32
    %dma_wait3A_430 = tpu.memref_slice %arg7[%dma_wait3A_428, %dma_wait3A_429] : memref<2048x16xf32, #tpu.memory_space<vmem>> -> memref<128x16xf32, #tpu.memory_space<vmem>>
    %dma_wait3A_431 = arith.constant 0 : i32
    %dma_wait3A_432 = tpu.memref_slice %arg5[%dma_wait3A_426, %dma_wait3A_427, %dma_wait3A_431] : memref<80x1x128xi32, #tpu.memory_space<vmem>> -> memref<1x1x128xi32, #tpu.memory_space<vmem>>
    %dma_wait3A_433 = tpu.memref_squeeze %dma_wait3A_432 : memref<1x1x128xi32, #tpu.memory_space<vmem>> -> memref<128xi32, #tpu.memory_space<vmem>>
    %dma_wait3A_434 = arith.constant 0 : i32
    %dma_wait3A_435 = arith.constant 0 : i32
    %dma_wait3A_436 = tpu.memref_slice %arg9[%dma_wait3A_434, %dma_wait3A_435] : memref<10240x16xf32, #tpu.memory_space<vmem_shared>> -> memref<10240x16xf32, #tpu.memory_space<vmem_shared>>
    tpu.wait_indirect_dma semaphore(%arg12 : memref<!tpu.dma_semaphore, #tpu.memory_space<semaphore_mem>>) src(%dma_wait3A_430 : memref<128x16xf32, #tpu.memory_space<vmem>>) dst(%dma_wait3A_436 : memref<10240x16xf32, #tpu.memory_space<vmem_shared>>)
    %dma_wait3A_437 = arith.constant 11 : i32
    %dma_wait3A_438 = arith.constant 0 : i32
    %dma_wait3A_439 = arith.constant 1408 : i32
    %dma_wait3A_440 = arith.constant 0 : i32
    %dma_wait3A_441 = tpu.memref_slice %arg7[%dma_wait3A_439, %dma_wait3A_440] : memref<2048x16xf32, #tpu.memory_space<vmem>> -> memref<128x16xf32, #tpu.memory_space<vmem>>
    %dma_wait3A_442 = arith.constant 0 : i32
    %dma_wait3A_443 = tpu.memref_slice %arg5[%dma_wait3A_437, %dma_wait3A_438, %dma_wait3A_442] : memref<80x1x128xi32, #tpu.memory_space<vmem>> -> memref<1x1x128xi32, #tpu.memory_space<vmem>>
    %dma_wait3A_444 = tpu.memref_squeeze %dma_wait3A_443 : memref<1x1x128xi32, #tpu.memory_space<vmem>> -> memref<128xi32, #tpu.memory_space<vmem>>
    %dma_wait3A_445 = arith.constant 0 : i32
    %dma_wait3A_446 = arith.constant 0 : i32
    %dma_wait3A_447 = tpu.memref_slice %arg9[%dma_wait3A_445, %dma_wait3A_446] : memref<10240x16xf32, #tpu.memory_space<vmem_shared>> -> memref<10240x16xf32, #tpu.memory_space<vmem_shared>>
    tpu.wait_indirect_dma semaphore(%arg12 : memref<!tpu.dma_semaphore, #tpu.memory_space<semaphore_mem>>) src(%dma_wait3A_441 : memref<128x16xf32, #tpu.memory_space<vmem>>) dst(%dma_wait3A_447 : memref<10240x16xf32, #tpu.memory_space<vmem_shared>>)
    %dma_wait3A_448 = arith.constant 12 : i32
    %dma_wait3A_449 = arith.constant 0 : i32
    %dma_wait3A_450 = arith.constant 1536 : i32
    %dma_wait3A_451 = arith.constant 0 : i32
    %dma_wait3A_452 = tpu.memref_slice %arg7[%dma_wait3A_450, %dma_wait3A_451] : memref<2048x16xf32, #tpu.memory_space<vmem>> -> memref<128x16xf32, #tpu.memory_space<vmem>>
    %dma_wait3A_453 = arith.constant 0 : i32
    %dma_wait3A_454 = tpu.memref_slice %arg5[%dma_wait3A_448, %dma_wait3A_449, %dma_wait3A_453] : memref<80x1x128xi32, #tpu.memory_space<vmem>> -> memref<1x1x128xi32, #tpu.memory_space<vmem>>
    %dma_wait3A_455 = tpu.memref_squeeze %dma_wait3A_454 : memref<1x1x128xi32, #tpu.memory_space<vmem>> -> memref<128xi32, #tpu.memory_space<vmem>>
    %dma_wait3A_456 = arith.constant 0 : i32
    %dma_wait3A_457 = arith.constant 0 : i32
    %dma_wait3A_458 = tpu.memref_slice %arg9[%dma_wait3A_456, %dma_wait3A_457] : memref<10240x16xf32, #tpu.memory_space<vmem_shared>> -> memref<10240x16xf32, #tpu.memory_space<vmem_shared>>
    tpu.wait_indirect_dma semaphore(%arg12 : memref<!tpu.dma_semaphore, #tpu.memory_space<semaphore_mem>>) src(%dma_wait3A_452 : memref<128x16xf32, #tpu.memory_space<vmem>>) dst(%dma_wait3A_458 : memref<10240x16xf32, #tpu.memory_space<vmem_shared>>)
    %dma_wait3A_459 = arith.constant 13 : i32
    %dma_wait3A_460 = arith.constant 0 : i32
    %dma_wait3A_461 = arith.constant 1664 : i32
    %dma_wait3A_462 = arith.constant 0 : i32
    %dma_wait3A_463 = tpu.memref_slice %arg7[%dma_wait3A_461, %dma_wait3A_462] : memref<2048x16xf32, #tpu.memory_space<vmem>> -> memref<128x16xf32, #tpu.memory_space<vmem>>
    %dma_wait3A_464 = arith.constant 0 : i32
    %dma_wait3A_465 = tpu.memref_slice %arg5[%dma_wait3A_459, %dma_wait3A_460, %dma_wait3A_464] : memref<80x1x128xi32, #tpu.memory_space<vmem>> -> memref<1x1x128xi32, #tpu.memory_space<vmem>>
    %dma_wait3A_466 = tpu.memref_squeeze %dma_wait3A_465 : memref<1x1x128xi32, #tpu.memory_space<vmem>> -> memref<128xi32, #tpu.memory_space<vmem>>
    %dma_wait3A_467 = arith.constant 0 : i32
    %dma_wait3A_468 = arith.constant 0 : i32
    %dma_wait3A_469 = tpu.memref_slice %arg9[%dma_wait3A_467, %dma_wait3A_468] : memref<10240x16xf32, #tpu.memory_space<vmem_shared>> -> memref<10240x16xf32, #tpu.memory_space<vmem_shared>>
    tpu.wait_indirect_dma semaphore(%arg12 : memref<!tpu.dma_semaphore, #tpu.memory_space<semaphore_mem>>) src(%dma_wait3A_463 : memref<128x16xf32, #tpu.memory_space<vmem>>) dst(%dma_wait3A_469 : memref<10240x16xf32, #tpu.memory_space<vmem_shared>>)
    %dma_wait3A_470 = arith.constant 14 : i32
    %dma_wait3A_471 = arith.constant 0 : i32
    %dma_wait3A_472 = arith.constant 1792 : i32
    %dma_wait3A_473 = arith.constant 0 : i32
    %dma_wait3A_474 = tpu.memref_slice %arg7[%dma_wait3A_472, %dma_wait3A_473] : memref<2048x16xf32, #tpu.memory_space<vmem>> -> memref<128x16xf32, #tpu.memory_space<vmem>>
    %dma_wait3A_475 = arith.constant 0 : i32
    %dma_wait3A_476 = tpu.memref_slice %arg5[%dma_wait3A_470, %dma_wait3A_471, %dma_wait3A_475] : memref<80x1x128xi32, #tpu.memory_space<vmem>> -> memref<1x1x128xi32, #tpu.memory_space<vmem>>
    %dma_wait3A_477 = tpu.memref_squeeze %dma_wait3A_476 : memref<1x1x128xi32, #tpu.memory_space<vmem>> -> memref<128xi32, #tpu.memory_space<vmem>>
    %dma_wait3A_478 = arith.constant 0 : i32
    %dma_wait3A_479 = arith.constant 0 : i32
    %dma_wait3A_480 = tpu.memref_slice %arg9[%dma_wait3A_478, %dma_wait3A_479] : memref<10240x16xf32, #tpu.memory_space<vmem_shared>> -> memref<10240x16xf32, #tpu.memory_space<vmem_shared>>
    tpu.wait_indirect_dma semaphore(%arg12 : memref<!tpu.dma_semaphore, #tpu.memory_space<semaphore_mem>>) src(%dma_wait3A_474 : memref<128x16xf32, #tpu.memory_space<vmem>>) dst(%dma_wait3A_480 : memref<10240x16xf32, #tpu.memory_space<vmem_shared>>)
    %dma_wait3A_481 = arith.constant 15 : i32
    %dma_wait3A_482 = arith.constant 0 : i32
    %dma_wait3A_483 = arith.constant 1920 : i32
    %dma_wait3A_484 = arith.constant 0 : i32
    %dma_wait3A_485 = tpu.memref_slice %arg7[%dma_wait3A_483, %dma_wait3A_484] : memref<2048x16xf32, #tpu.memory_space<vmem>> -> memref<128x16xf32, #tpu.memory_space<vmem>>
    %dma_wait3A_486 = arith.constant 0 : i32
    %dma_wait3A_487 = tpu.memref_slice %arg5[%dma_wait3A_481, %dma_wait3A_482, %dma_wait3A_486] : memref<80x1x128xi32, #tpu.memory_space<vmem>> -> memref<1x1x128xi32, #tpu.memory_space<vmem>>
    %dma_wait3A_488 = tpu.memref_squeeze %dma_wait3A_487 : memref<1x1x128xi32, #tpu.memory_space<vmem>> -> memref<128xi32, #tpu.memory_space<vmem>>
    %dma_wait3A_489 = arith.constant 0 : i32
    %dma_wait3A_490 = arith.constant 0 : i32
    %dma_wait3A_491 = tpu.memref_slice %arg9[%dma_wait3A_489, %dma_wait3A_490] : memref<10240x16xf32, #tpu.memory_space<vmem_shared>> -> memref<10240x16xf32, #tpu.memory_space<vmem_shared>>
    tpu.wait_indirect_dma semaphore(%arg12 : memref<!tpu.dma_semaphore, #tpu.memory_space<semaphore_mem>>) src(%dma_wait3A_485 : memref<128x16xf32, #tpu.memory_space<vmem>>) dst(%dma_wait3A_491 : memref<10240x16xf32, #tpu.memory_space<vmem_shared>>)
    %broadcast_in_dim3A_492 = arith.constant 16 : i32
    %broadcast_in_dim3A_493 = vector.broadcast %broadcast_in_dim3A_492 : i32 to vector<16xi32>
    %broadcast_in_dim3A_494 = arith.constant 896 : i32
    %broadcast_in_dim3A_495 = vector.broadcast %broadcast_in_dim3A_494 : i32 to vector<16xi32>
    %scan3A_496 = arith.constant 1 : i32
    %scan3A_497 = arith.constant 0 : i32
    %scan3A_498 = arith.constant 0 : i32
    %scan3A_499 = arith.constant 16 : i32
    %scan3A_500 = arith.addi %scan3A_498, %scan3A_499 : i32
    %scan3A_501 = arith.constant 1 : i32
    %scan3A_502 = scf.for %scan3A_1858 = %scan3A_498 to %scan3A_500 step %scan3A_501 iter_args(%scan3A_1859 = %scan3A_497) -> (i32)  : i32 {
      %add3A_1860 = vector.broadcast %scan3A_1858 : i32 to vector<16xi32>
      %add3A_1861 = arith.addi %iota3A, %add3A_1860 : vector<16xi32>
      %and3A = arith.constant 15 : i32
      %and3A_1862 = vector.broadcast %and3A : i32 to vector<16xi32>
      %and3A_1863 = arith.andi %add3A_1861, %and3A_1862 : vector<16xi32>
      %shift_right_arithmetic3A = arith.constant 3 : i32
      %shift_right_arithmetic3A_1864 = vector.broadcast %shift_right_arithmetic3A : i32 to vector<16xi32>
      %shift_right_arithmetic3A_1865 = arith.shrsi %and3A_1863, %shift_right_arithmetic3A_1864 : vector<16xi32>
      %mul3A_1866 = arith.constant 16384 : i32
      %mul3A_1867 = vector.broadcast %mul3A_1866 : i32 to vector<16xi32>
      %mul3A_1868 = arith.muli %shift_right_arithmetic3A_1865, %mul3A_1867 : vector<16xi32>
      %and3A_1869 = arith.constant 7 : i32
      %and3A_1870 = vector.broadcast %and3A_1869 : i32 to vector<16xi32>
      %and3A_1871 = arith.andi %and3A_1863, %and3A_1870 : vector<16xi32>
      %mul3A_1872 = arith.constant 128 : i32
      %mul3A_1873 = vector.broadcast %mul3A_1872 : i32 to vector<16xi32>
      %mul3A_1874 = arith.muli %and3A_1871, %mul3A_1873 : vector<16xi32>
      %add3A_1875 = arith.addi %mul3A_1868, %mul3A_1874 : vector<16xi32>
      %add3A_1876 = arith.addi %add3A_1875, %iota3A : vector<16xi32>
      %scan3A_1877 = arith.constant 0 : i32
      %scan3A_1878 = arith.constant 16 : i32
      %scan3A_1879 = arith.addi %scan3A_1877, %scan3A_1878 : i32
      %scan3A_1880 = arith.constant 1 : i32
      %scan3A_1881:2 = scf.for %scan3A_1884 = %scan3A_1877 to %scan3A_1879 step %scan3A_1880 iter_args(%scan3A_1885 = %add3A_1876, %scan3A_1886 = %iota3A) -> (vector<16xi32>, vector<16xi32>)  : i32 {
        %add3A_1887 = arith.constant 0 : i32
        %add3A_1888 = vector.broadcast %add3A_1887 : i32 to vector<16xi32>
        %add3A_1889 = arith.addi %scan3A_1885, %add3A_1888 : vector<16xi32>
        %gather3A = arith.constant 0 : i32
        %gather3A_1890 = tpu.memref_slice %arg6[%scan3A_496, %gather3A] : memref<2x32768xf32, #tpu.memory_space<vmem>> -> memref<1x32768xf32, #tpu.memory_space<vmem>>
        %gather3A_1891 = tpu.memref_squeeze %gather3A_1890 : memref<1x32768xf32, #tpu.memory_space<vmem>> -> memref<32768xf32, #tpu.memory_space<vmem>>
        %gather3A_1892 = tpu.vector_load_idx %gather3A_1891[%add3A_1889] : memref<32768xf32, #tpu.memory_space<vmem>>[vector<16xi32>], vector<16xf32>,
        %add3A_1893 = arith.constant 16 : i32
        %add3A_1894 = vector.broadcast %add3A_1893 : i32 to vector<16xi32>
        %add3A_1895 = arith.addi %scan3A_1885, %add3A_1894 : vector<16xi32>
        %gather3A_1896 = arith.constant 0 : i32
        %gather3A_1897 = tpu.memref_slice %arg6[%scan3A_496, %gather3A_1896] : memref<2x32768xf32, #tpu.memory_space<vmem>> -> memref<1x32768xf32, #tpu.memory_space<vmem>>
        %gather3A_1898 = tpu.memref_squeeze %gather3A_1897 : memref<1x32768xf32, #tpu.memory_space<vmem>> -> memref<32768xf32, #tpu.memory_space<vmem>>
        %gather3A_1899 = tpu.vector_load_idx %gather3A_1898[%add3A_1895] : memref<32768xf32, #tpu.memory_space<vmem>>[vector<16xi32>], vector<16xf32>,
        %add3A_1900 = arith.constant 32 : i32
        %add3A_1901 = vector.broadcast %add3A_1900 : i32 to vector<16xi32>
        %add3A_1902 = arith.addi %scan3A_1885, %add3A_1901 : vector<16xi32>
        %gather3A_1903 = arith.constant 0 : i32
        %gather3A_1904 = tpu.memref_slice %arg6[%scan3A_496, %gather3A_1903] : memref<2x32768xf32, #tpu.memory_space<vmem>> -> memref<1x32768xf32, #tpu.memory_space<vmem>>
        %gather3A_1905 = tpu.memref_squeeze %gather3A_1904 : memref<1x32768xf32, #tpu.memory_space<vmem>> -> memref<32768xf32, #tpu.memory_space<vmem>>
        %gather3A_1906 = tpu.vector_load_idx %gather3A_1905[%add3A_1902] : memref<32768xf32, #tpu.memory_space<vmem>>[vector<16xi32>], vector<16xf32>,
        %add3A_1907 = arith.constant 48 : i32
        %add3A_1908 = vector.broadcast %add3A_1907 : i32 to vector<16xi32>
        %add3A_1909 = arith.addi %scan3A_1885, %add3A_1908 : vector<16xi32>
        %gather3A_1910 = arith.constant 0 : i32
        %gather3A_1911 = tpu.memref_slice %arg6[%scan3A_496, %gather3A_1910] : memref<2x32768xf32, #tpu.memory_space<vmem>> -> memref<1x32768xf32, #tpu.memory_space<vmem>>
        %gather3A_1912 = tpu.memref_squeeze %gather3A_1911 : memref<1x32768xf32, #tpu.memory_space<vmem>> -> memref<32768xf32, #tpu.memory_space<vmem>>
        %gather3A_1913 = tpu.vector_load_idx %gather3A_1912[%add3A_1909] : memref<32768xf32, #tpu.memory_space<vmem>>[vector<16xi32>], vector<16xf32>,
        %add3A_1914 = arith.constant 64 : i32
        %add3A_1915 = vector.broadcast %add3A_1914 : i32 to vector<16xi32>
        %add3A_1916 = arith.addi %scan3A_1885, %add3A_1915 : vector<16xi32>
        %gather3A_1917 = arith.constant 0 : i32
        %gather3A_1918 = tpu.memref_slice %arg6[%scan3A_496, %gather3A_1917] : memref<2x32768xf32, #tpu.memory_space<vmem>> -> memref<1x32768xf32, #tpu.memory_space<vmem>>
        %gather3A_1919 = tpu.memref_squeeze %gather3A_1918 : memref<1x32768xf32, #tpu.memory_space<vmem>> -> memref<32768xf32, #tpu.memory_space<vmem>>
        %gather3A_1920 = tpu.vector_load_idx %gather3A_1919[%add3A_1916] : memref<32768xf32, #tpu.memory_space<vmem>>[vector<16xi32>], vector<16xf32>,
        %add3A_1921 = arith.constant 80 : i32
        %add3A_1922 = vector.broadcast %add3A_1921 : i32 to vector<16xi32>
        %add3A_1923 = arith.addi %scan3A_1885, %add3A_1922 : vector<16xi32>
        %gather3A_1924 = arith.constant 0 : i32
        %gather3A_1925 = tpu.memref_slice %arg6[%scan3A_496, %gather3A_1924] : memref<2x32768xf32, #tpu.memory_space<vmem>> -> memref<1x32768xf32, #tpu.memory_space<vmem>>
        %gather3A_1926 = tpu.memref_squeeze %gather3A_1925 : memref<1x32768xf32, #tpu.memory_space<vmem>> -> memref<32768xf32, #tpu.memory_space<vmem>>
        %gather3A_1927 = tpu.vector_load_idx %gather3A_1926[%add3A_1923] : memref<32768xf32, #tpu.memory_space<vmem>>[vector<16xi32>], vector<16xf32>,
        %add3A_1928 = arith.constant 96 : i32
        %add3A_1929 = vector.broadcast %add3A_1928 : i32 to vector<16xi32>
        %add3A_1930 = arith.addi %scan3A_1885, %add3A_1929 : vector<16xi32>
        %gather3A_1931 = arith.constant 0 : i32
        %gather3A_1932 = tpu.memref_slice %arg6[%scan3A_496, %gather3A_1931] : memref<2x32768xf32, #tpu.memory_space<vmem>> -> memref<1x32768xf32, #tpu.memory_space<vmem>>
        %gather3A_1933 = tpu.memref_squeeze %gather3A_1932 : memref<1x32768xf32, #tpu.memory_space<vmem>> -> memref<32768xf32, #tpu.memory_space<vmem>>
        %gather3A_1934 = tpu.vector_load_idx %gather3A_1933[%add3A_1930] : memref<32768xf32, #tpu.memory_space<vmem>>[vector<16xi32>], vector<16xf32>,
        %add3A_1935 = arith.constant 112 : i32
        %add3A_1936 = vector.broadcast %add3A_1935 : i32 to vector<16xi32>
        %add3A_1937 = arith.addi %scan3A_1885, %add3A_1936 : vector<16xi32>
        %gather3A_1938 = arith.constant 0 : i32
        %gather3A_1939 = tpu.memref_slice %arg6[%scan3A_496, %gather3A_1938] : memref<2x32768xf32, #tpu.memory_space<vmem>> -> memref<1x32768xf32, #tpu.memory_space<vmem>>
        %gather3A_1940 = tpu.memref_squeeze %gather3A_1939 : memref<1x32768xf32, #tpu.memory_space<vmem>> -> memref<32768xf32, #tpu.memory_space<vmem>>
        %gather3A_1941 = tpu.vector_load_idx %gather3A_1940[%add3A_1937] : memref<32768xf32, #tpu.memory_space<vmem>>[vector<16xi32>], vector<16xf32>,
        %add3A_1942 = arith.constant 0 : i32
        %add3A_1943 = vector.broadcast %add3A_1942 : i32 to vector<16xi32>
        %add3A_1944 = arith.addi %scan3A_1886, %add3A_1943 : vector<16xi32>
        tpu.vector_store_idx %arg7[%add3A_1944, %and3A_1863], %gather3A_1892 : memref<2048x16xf32, #tpu.memory_space<vmem>>[vector<16xi32>, vector<16xi32>], vector<16xf32>,
        %add3A_1945 = arith.constant 16 : i32
        %add3A_1946 = vector.broadcast %add3A_1945 : i32 to vector<16xi32>
        %add3A_1947 = arith.addi %scan3A_1886, %add3A_1946 : vector<16xi32>
        tpu.vector_store_idx %arg7[%add3A_1947, %and3A_1863], %gather3A_1899 : memref<2048x16xf32, #tpu.memory_space<vmem>>[vector<16xi32>, vector<16xi32>], vector<16xf32>,
        %add3A_1948 = arith.constant 32 : i32
        %add3A_1949 = vector.broadcast %add3A_1948 : i32 to vector<16xi32>
        %add3A_1950 = arith.addi %scan3A_1886, %add3A_1949 : vector<16xi32>
        tpu.vector_store_idx %arg7[%add3A_1950, %and3A_1863], %gather3A_1906 : memref<2048x16xf32, #tpu.memory_space<vmem>>[vector<16xi32>, vector<16xi32>], vector<16xf32>,
        %add3A_1951 = arith.constant 48 : i32
        %add3A_1952 = vector.broadcast %add3A_1951 : i32 to vector<16xi32>
        %add3A_1953 = arith.addi %scan3A_1886, %add3A_1952 : vector<16xi32>
        tpu.vector_store_idx %arg7[%add3A_1953, %and3A_1863], %gather3A_1913 : memref<2048x16xf32, #tpu.memory_space<vmem>>[vector<16xi32>, vector<16xi32>], vector<16xf32>,
        %add3A_1954 = arith.constant 64 : i32
        %add3A_1955 = vector.broadcast %add3A_1954 : i32 to vector<16xi32>
        %add3A_1956 = arith.addi %scan3A_1886, %add3A_1955 : vector<16xi32>
        tpu.vector_store_idx %arg7[%add3A_1956, %and3A_1863], %gather3A_1920 : memref<2048x16xf32, #tpu.memory_space<vmem>>[vector<16xi32>, vector<16xi32>], vector<16xf32>,
        %add3A_1957 = arith.constant 80 : i32
        %add3A_1958 = vector.broadcast %add3A_1957 : i32 to vector<16xi32>
        %add3A_1959 = arith.addi %scan3A_1886, %add3A_1958 : vector<16xi32>
        tpu.vector_store_idx %arg7[%add3A_1959, %and3A_1863], %gather3A_1927 : memref<2048x16xf32, #tpu.memory_space<vmem>>[vector<16xi32>, vector<16xi32>], vector<16xf32>,
        %add3A_1960 = arith.constant 96 : i32
        %add3A_1961 = vector.broadcast %add3A_1960 : i32 to vector<16xi32>
        %add3A_1962 = arith.addi %scan3A_1886, %add3A_1961 : vector<16xi32>
        tpu.vector_store_idx %arg7[%add3A_1962, %and3A_1863], %gather3A_1934 : memref<2048x16xf32, #tpu.memory_space<vmem>>[vector<16xi32>, vector<16xi32>], vector<16xf32>,
        %add3A_1963 = arith.constant 112 : i32
        %add3A_1964 = vector.broadcast %add3A_1963 : i32 to vector<16xi32>
        %add3A_1965 = arith.addi %scan3A_1886, %add3A_1964 : vector<16xi32>
        tpu.vector_store_idx %arg7[%add3A_1965, %and3A_1863], %gather3A_1941 : memref<2048x16xf32, #tpu.memory_space<vmem>>[vector<16xi32>, vector<16xi32>], vector<16xf32>,
        %add3A_1966 = arith.addi %scan3A_1885, %broadcast_in_dim3A_495 : vector<16xi32>
        %mul3A_1967 = arith.constant 8 : i32
        %mul3A_1968 = vector.broadcast %mul3A_1967 : i32 to vector<16xi32>
        %mul3A_1969 = arith.muli %broadcast_in_dim3A_493, %mul3A_1968 : vector<16xi32>
        %add3A_1970 = arith.addi %add3A_1966, %mul3A_1969 : vector<16xi32>
        %mul3A_1971 = arith.constant 8 : i32
        %mul3A_1972 = vector.broadcast %mul3A_1971 : i32 to vector<16xi32>
        %mul3A_1973 = arith.muli %broadcast_in_dim3A_493, %mul3A_1972 : vector<16xi32>
        %add3A_1974 = arith.addi %scan3A_1886, %mul3A_1973 : vector<16xi32>
        scf.yield %add3A_1970, %add3A_1974 : vector<16xi32>, vector<16xi32>
      }
      %scan3A_1882 = arith.constant 16 : i32
      %scan3A_1883 = arith.constant 0 : i32
      scf.yield %scan3A_1883 : i32
    }
    %scan3A_503 = arith.constant 16 : i32
    %dma_start3A_504 = arith.constant 16 : i32
    %dma_start3A_505 = arith.constant 0 : i32
    %dma_start3A_506 = arith.constant 0 : i32
    %dma_start3A_507 = arith.constant 0 : i32
    %dma_start3A_508 = tpu.memref_slice %arg7[%dma_start3A_506, %dma_start3A_507] : memref<2048x16xf32, #tpu.memory_space<vmem>> -> memref<128x16xf32, #tpu.memory_space<vmem>>
    %dma_start3A_509 = arith.constant 0 : i32
    %dma_start3A_510 = tpu.memref_slice %arg5[%dma_start3A_504, %dma_start3A_505, %dma_start3A_509] : memref<80x1x128xi32, #tpu.memory_space<vmem>> -> memref<1x1x128xi32, #tpu.memory_space<vmem>>
    %dma_start3A_511 = tpu.memref_squeeze %dma_start3A_510 : memref<1x1x128xi32, #tpu.memory_space<vmem>> -> memref<128xi32, #tpu.memory_space<vmem>>
    %dma_start3A_512 = arith.constant 0 : i32
    %dma_start3A_513 = arith.constant 0 : i32
    %dma_start3A_514 = tpu.memref_slice %arg9[%dma_start3A_512, %dma_start3A_513] : memref<10240x16xf32, #tpu.memory_space<vmem_shared>> -> memref<10240x16xf32, #tpu.memory_space<vmem_shared>>
    tpu.enqueue_indirect_dma source(%dma_start3A_508 : memref<128x16xf32, #tpu.memory_space<vmem>>) target(%dma_start3A_514 : memref<10240x16xf32, #tpu.memory_space<vmem_shared>>) offsets(%dma_start3A_511 : memref<128xi32, #tpu.memory_space<vmem>>) semaphore(%arg12 : memref<!tpu.dma_semaphore, #tpu.memory_space<semaphore_mem>>) {add = true}
    %dma_start3A_515 = arith.constant 17 : i32
    %dma_start3A_516 = arith.constant 0 : i32
    %dma_start3A_517 = arith.constant 128 : i32
    %dma_start3A_518 = arith.constant 0 : i32
    %dma_start3A_519 = tpu.memref_slice %arg7[%dma_start3A_517, %dma_start3A_518] : memref<2048x16xf32, #tpu.memory_space<vmem>> -> memref<128x16xf32, #tpu.memory_space<vmem>>
    %dma_start3A_520 = arith.constant 0 : i32
    %dma_start3A_521 = tpu.memref_slice %arg5[%dma_start3A_515, %dma_start3A_516, %dma_start3A_520] : memref<80x1x128xi32, #tpu.memory_space<vmem>> -> memref<1x1x128xi32, #tpu.memory_space<vmem>>
    %dma_start3A_522 = tpu.memref_squeeze %dma_start3A_521 : memref<1x1x128xi32, #tpu.memory_space<vmem>> -> memref<128xi32, #tpu.memory_space<vmem>>
    %dma_start3A_523 = arith.constant 0 : i32
    %dma_start3A_524 = arith.constant 0 : i32
    %dma_start3A_525 = tpu.memref_slice %arg9[%dma_start3A_523, %dma_start3A_524] : memref<10240x16xf32, #tpu.memory_space<vmem_shared>> -> memref<10240x16xf32, #tpu.memory_space<vmem_shared>>
    tpu.enqueue_indirect_dma source(%dma_start3A_519 : memref<128x16xf32, #tpu.memory_space<vmem>>) target(%dma_start3A_525 : memref<10240x16xf32, #tpu.memory_space<vmem_shared>>) offsets(%dma_start3A_522 : memref<128xi32, #tpu.memory_space<vmem>>) semaphore(%arg12 : memref<!tpu.dma_semaphore, #tpu.memory_space<semaphore_mem>>) {add = true}
    %dma_start3A_526 = arith.constant 18 : i32
    %dma_start3A_527 = arith.constant 0 : i32
    %dma_start3A_528 = arith.constant 256 : i32
    %dma_start3A_529 = arith.constant 0 : i32
    %dma_start3A_530 = tpu.memref_slice %arg7[%dma_start3A_528, %dma_start3A_529] : memref<2048x16xf32, #tpu.memory_space<vmem>> -> memref<128x16xf32, #tpu.memory_space<vmem>>
    %dma_start3A_531 = arith.constant 0 : i32
    %dma_start3A_532 = tpu.memref_slice %arg5[%dma_start3A_526, %dma_start3A_527, %dma_start3A_531] : memref<80x1x128xi32, #tpu.memory_space<vmem>> -> memref<1x1x128xi32, #tpu.memory_space<vmem>>
    %dma_start3A_533 = tpu.memref_squeeze %dma_start3A_532 : memref<1x1x128xi32, #tpu.memory_space<vmem>> -> memref<128xi32, #tpu.memory_space<vmem>>
    %dma_start3A_534 = arith.constant 0 : i32
    %dma_start3A_535 = arith.constant 0 : i32
    %dma_start3A_536 = tpu.memref_slice %arg9[%dma_start3A_534, %dma_start3A_535] : memref<10240x16xf32, #tpu.memory_space<vmem_shared>> -> memref<10240x16xf32, #tpu.memory_space<vmem_shared>>
    tpu.enqueue_indirect_dma source(%dma_start3A_530 : memref<128x16xf32, #tpu.memory_space<vmem>>) target(%dma_start3A_536 : memref<10240x16xf32, #tpu.memory_space<vmem_shared>>) offsets(%dma_start3A_533 : memref<128xi32, #tpu.memory_space<vmem>>) semaphore(%arg12 : memref<!tpu.dma_semaphore, #tpu.memory_space<semaphore_mem>>) {add = true}
    %dma_start3A_537 = arith.constant 19 : i32
    %dma_start3A_538 = arith.constant 0 : i32
    %dma_start3A_539 = arith.constant 384 : i32
    %dma_start3A_540 = arith.constant 0 : i32
    %dma_start3A_541 = tpu.memref_slice %arg7[%dma_start3A_539, %dma_start3A_540] : memref<2048x16xf32, #tpu.memory_space<vmem>> -> memref<128x16xf32, #tpu.memory_space<vmem>>
    %dma_start3A_542 = arith.constant 0 : i32
    %dma_start3A_543 = tpu.memref_slice %arg5[%dma_start3A_537, %dma_start3A_538, %dma_start3A_542] : memref<80x1x128xi32, #tpu.memory_space<vmem>> -> memref<1x1x128xi32, #tpu.memory_space<vmem>>
    %dma_start3A_544 = tpu.memref_squeeze %dma_start3A_543 : memref<1x1x128xi32, #tpu.memory_space<vmem>> -> memref<128xi32, #tpu.memory_space<vmem>>
    %dma_start3A_545 = arith.constant 0 : i32
    %dma_start3A_546 = arith.constant 0 : i32
    %dma_start3A_547 = tpu.memref_slice %arg9[%dma_start3A_545, %dma_start3A_546] : memref<10240x16xf32, #tpu.memory_space<vmem_shared>> -> memref<10240x16xf32, #tpu.memory_space<vmem_shared>>
    tpu.enqueue_indirect_dma source(%dma_start3A_541 : memref<128x16xf32, #tpu.memory_space<vmem>>) target(%dma_start3A_547 : memref<10240x16xf32, #tpu.memory_space<vmem_shared>>) offsets(%dma_start3A_544 : memref<128xi32, #tpu.memory_space<vmem>>) semaphore(%arg12 : memref<!tpu.dma_semaphore, #tpu.memory_space<semaphore_mem>>) {add = true}
    %dma_start3A_548 = arith.constant 20 : i32
    %dma_start3A_549 = arith.constant 0 : i32
    %dma_start3A_550 = arith.constant 512 : i32
    %dma_start3A_551 = arith.constant 0 : i32
    %dma_start3A_552 = tpu.memref_slice %arg7[%dma_start3A_550, %dma_start3A_551] : memref<2048x16xf32, #tpu.memory_space<vmem>> -> memref<128x16xf32, #tpu.memory_space<vmem>>
    %dma_start3A_553 = arith.constant 0 : i32
    %dma_start3A_554 = tpu.memref_slice %arg5[%dma_start3A_548, %dma_start3A_549, %dma_start3A_553] : memref<80x1x128xi32, #tpu.memory_space<vmem>> -> memref<1x1x128xi32, #tpu.memory_space<vmem>>
    %dma_start3A_555 = tpu.memref_squeeze %dma_start3A_554 : memref<1x1x128xi32, #tpu.memory_space<vmem>> -> memref<128xi32, #tpu.memory_space<vmem>>
    %dma_start3A_556 = arith.constant 0 : i32
    %dma_start3A_557 = arith.constant 0 : i32
    %dma_start3A_558 = tpu.memref_slice %arg9[%dma_start3A_556, %dma_start3A_557] : memref<10240x16xf32, #tpu.memory_space<vmem_shared>> -> memref<10240x16xf32, #tpu.memory_space<vmem_shared>>
    tpu.enqueue_indirect_dma source(%dma_start3A_552 : memref<128x16xf32, #tpu.memory_space<vmem>>) target(%dma_start3A_558 : memref<10240x16xf32, #tpu.memory_space<vmem_shared>>) offsets(%dma_start3A_555 : memref<128xi32, #tpu.memory_space<vmem>>) semaphore(%arg12 : memref<!tpu.dma_semaphore, #tpu.memory_space<semaphore_mem>>) {add = true}
    %dma_start3A_559 = arith.constant 21 : i32
    %dma_start3A_560 = arith.constant 0 : i32
    %dma_start3A_561 = arith.constant 640 : i32
    %dma_start3A_562 = arith.constant 0 : i32
    %dma_start3A_563 = tpu.memref_slice %arg7[%dma_start3A_561, %dma_start3A_562] : memref<2048x16xf32, #tpu.memory_space<vmem>> -> memref<128x16xf32, #tpu.memory_space<vmem>>
    %dma_start3A_564 = arith.constant 0 : i32
    %dma_start3A_565 = tpu.memref_slice %arg5[%dma_start3A_559, %dma_start3A_560, %dma_start3A_564] : memref<80x1x128xi32, #tpu.memory_space<vmem>> -> memref<1x1x128xi32, #tpu.memory_space<vmem>>
    %dma_start3A_566 = tpu.memref_squeeze %dma_start3A_565 : memref<1x1x128xi32, #tpu.memory_space<vmem>> -> memref<128xi32, #tpu.memory_space<vmem>>
    %dma_start3A_567 = arith.constant 0 : i32
    %dma_start3A_568 = arith.constant 0 : i32
    %dma_start3A_569 = tpu.memref_slice %arg9[%dma_start3A_567, %dma_start3A_568] : memref<10240x16xf32, #tpu.memory_space<vmem_shared>> -> memref<10240x16xf32, #tpu.memory_space<vmem_shared>>
    tpu.enqueue_indirect_dma source(%dma_start3A_563 : memref<128x16xf32, #tpu.memory_space<vmem>>) target(%dma_start3A_569 : memref<10240x16xf32, #tpu.memory_space<vmem_shared>>) offsets(%dma_start3A_566 : memref<128xi32, #tpu.memory_space<vmem>>) semaphore(%arg12 : memref<!tpu.dma_semaphore, #tpu.memory_space<semaphore_mem>>) {add = true}
    %dma_start3A_570 = arith.constant 22 : i32
    %dma_start3A_571 = arith.constant 0 : i32
    %dma_start3A_572 = arith.constant 768 : i32
    %dma_start3A_573 = arith.constant 0 : i32
    %dma_start3A_574 = tpu.memref_slice %arg7[%dma_start3A_572, %dma_start3A_573] : memref<2048x16xf32, #tpu.memory_space<vmem>> -> memref<128x16xf32, #tpu.memory_space<vmem>>
    %dma_start3A_575 = arith.constant 0 : i32
    %dma_start3A_576 = tpu.memref_slice %arg5[%dma_start3A_570, %dma_start3A_571, %dma_start3A_575] : memref<80x1x128xi32, #tpu.memory_space<vmem>> -> memref<1x1x128xi32, #tpu.memory_space<vmem>>
    %dma_start3A_577 = tpu.memref_squeeze %dma_start3A_576 : memref<1x1x128xi32, #tpu.memory_space<vmem>> -> memref<128xi32, #tpu.memory_space<vmem>>
    %dma_start3A_578 = arith.constant 0 : i32
    %dma_start3A_579 = arith.constant 0 : i32
    %dma_start3A_580 = tpu.memref_slice %arg9[%dma_start3A_578, %dma_start3A_579] : memref<10240x16xf32, #tpu.memory_space<vmem_shared>> -> memref<10240x16xf32, #tpu.memory_space<vmem_shared>>
    tpu.enqueue_indirect_dma source(%dma_start3A_574 : memref<128x16xf32, #tpu.memory_space<vmem>>) target(%dma_start3A_580 : memref<10240x16xf32, #tpu.memory_space<vmem_shared>>) offsets(%dma_start3A_577 : memref<128xi32, #tpu.memory_space<vmem>>) semaphore(%arg12 : memref<!tpu.dma_semaphore, #tpu.memory_space<semaphore_mem>>) {add = true}
    %dma_start3A_581 = arith.constant 23 : i32
    %dma_start3A_582 = arith.constant 0 : i32
    %dma_start3A_583 = arith.constant 896 : i32
    %dma_start3A_584 = arith.constant 0 : i32
    %dma_start3A_585 = tpu.memref_slice %arg7[%dma_start3A_583, %dma_start3A_584] : memref<2048x16xf32, #tpu.memory_space<vmem>> -> memref<128x16xf32, #tpu.memory_space<vmem>>
    %dma_start3A_586 = arith.constant 0 : i32
    %dma_start3A_587 = tpu.memref_slice %arg5[%dma_start3A_581, %dma_start3A_582, %dma_start3A_586] : memref<80x1x128xi32, #tpu.memory_space<vmem>> -> memref<1x1x128xi32, #tpu.memory_space<vmem>>
    %dma_start3A_588 = tpu.memref_squeeze %dma_start3A_587 : memref<1x1x128xi32, #tpu.memory_space<vmem>> -> memref<128xi32, #tpu.memory_space<vmem>>
    %dma_start3A_589 = arith.constant 0 : i32
    %dma_start3A_590 = arith.constant 0 : i32
    %dma_start3A_591 = tpu.memref_slice %arg9[%dma_start3A_589, %dma_start3A_590] : memref<10240x16xf32, #tpu.memory_space<vmem_shared>> -> memref<10240x16xf32, #tpu.memory_space<vmem_shared>>
    tpu.enqueue_indirect_dma source(%dma_start3A_585 : memref<128x16xf32, #tpu.memory_space<vmem>>) target(%dma_start3A_591 : memref<10240x16xf32, #tpu.memory_space<vmem_shared>>) offsets(%dma_start3A_588 : memref<128xi32, #tpu.memory_space<vmem>>) semaphore(%arg12 : memref<!tpu.dma_semaphore, #tpu.memory_space<semaphore_mem>>) {add = true}
    %dma_start3A_592 = arith.constant 24 : i32
    %dma_start3A_593 = arith.constant 0 : i32
    %dma_start3A_594 = arith.constant 1024 : i32
    %dma_start3A_595 = arith.constant 0 : i32
    %dma_start3A_596 = tpu.memref_slice %arg7[%dma_start3A_594, %dma_start3A_595] : memref<2048x16xf32, #tpu.memory_space<vmem>> -> memref<128x16xf32, #tpu.memory_space<vmem>>
    %dma_start3A_597 = arith.constant 0 : i32
    %dma_start3A_598 = tpu.memref_slice %arg5[%dma_start3A_592, %dma_start3A_593, %dma_start3A_597] : memref<80x1x128xi32, #tpu.memory_space<vmem>> -> memref<1x1x128xi32, #tpu.memory_space<vmem>>
    %dma_start3A_599 = tpu.memref_squeeze %dma_start3A_598 : memref<1x1x128xi32, #tpu.memory_space<vmem>> -> memref<128xi32, #tpu.memory_space<vmem>>
    %dma_start3A_600 = arith.constant 0 : i32
    %dma_start3A_601 = arith.constant 0 : i32
    %dma_start3A_602 = tpu.memref_slice %arg9[%dma_start3A_600, %dma_start3A_601] : memref<10240x16xf32, #tpu.memory_space<vmem_shared>> -> memref<10240x16xf32, #tpu.memory_space<vmem_shared>>
    tpu.enqueue_indirect_dma source(%dma_start3A_596 : memref<128x16xf32, #tpu.memory_space<vmem>>) target(%dma_start3A_602 : memref<10240x16xf32, #tpu.memory_space<vmem_shared>>) offsets(%dma_start3A_599 : memref<128xi32, #tpu.memory_space<vmem>>) semaphore(%arg12 : memref<!tpu.dma_semaphore, #tpu.memory_space<semaphore_mem>>) {add = true}
    %dma_start3A_603 = arith.constant 25 : i32
    %dma_start3A_604 = arith.constant 0 : i32
    %dma_start3A_605 = arith.constant 1152 : i32
    %dma_start3A_606 = arith.constant 0 : i32
    %dma_start3A_607 = tpu.memref_slice %arg7[%dma_start3A_605, %dma_start3A_606] : memref<2048x16xf32, #tpu.memory_space<vmem>> -> memref<128x16xf32, #tpu.memory_space<vmem>>
    %dma_start3A_608 = arith.constant 0 : i32
    %dma_start3A_609 = tpu.memref_slice %arg5[%dma_start3A_603, %dma_start3A_604, %dma_start3A_608] : memref<80x1x128xi32, #tpu.memory_space<vmem>> -> memref<1x1x128xi32, #tpu.memory_space<vmem>>
    %dma_start3A_610 = tpu.memref_squeeze %dma_start3A_609 : memref<1x1x128xi32, #tpu.memory_space<vmem>> -> memref<128xi32, #tpu.memory_space<vmem>>
    %dma_start3A_611 = arith.constant 0 : i32
    %dma_start3A_612 = arith.constant 0 : i32
    %dma_start3A_613 = tpu.memref_slice %arg9[%dma_start3A_611, %dma_start3A_612] : memref<10240x16xf32, #tpu.memory_space<vmem_shared>> -> memref<10240x16xf32, #tpu.memory_space<vmem_shared>>
    tpu.enqueue_indirect_dma source(%dma_start3A_607 : memref<128x16xf32, #tpu.memory_space<vmem>>) target(%dma_start3A_613 : memref<10240x16xf32, #tpu.memory_space<vmem_shared>>) offsets(%dma_start3A_610 : memref<128xi32, #tpu.memory_space<vmem>>) semaphore(%arg12 : memref<!tpu.dma_semaphore, #tpu.memory_space<semaphore_mem>>) {add = true}
    %dma_start3A_614 = arith.constant 26 : i32
    %dma_start3A_615 = arith.constant 0 : i32
    %dma_start3A_616 = arith.constant 1280 : i32
    %dma_start3A_617 = arith.constant 0 : i32
    %dma_start3A_618 = tpu.memref_slice %arg7[%dma_start3A_616, %dma_start3A_617] : memref<2048x16xf32, #tpu.memory_space<vmem>> -> memref<128x16xf32, #tpu.memory_space<vmem>>
    %dma_start3A_619 = arith.constant 0 : i32
    %dma_start3A_620 = tpu.memref_slice %arg5[%dma_start3A_614, %dma_start3A_615, %dma_start3A_619] : memref<80x1x128xi32, #tpu.memory_space<vmem>> -> memref<1x1x128xi32, #tpu.memory_space<vmem>>
    %dma_start3A_621 = tpu.memref_squeeze %dma_start3A_620 : memref<1x1x128xi32, #tpu.memory_space<vmem>> -> memref<128xi32, #tpu.memory_space<vmem>>
    %dma_start3A_622 = arith.constant 0 : i32
    %dma_start3A_623 = arith.constant 0 : i32
    %dma_start3A_624 = tpu.memref_slice %arg9[%dma_start3A_622, %dma_start3A_623] : memref<10240x16xf32, #tpu.memory_space<vmem_shared>> -> memref<10240x16xf32, #tpu.memory_space<vmem_shared>>
    tpu.enqueue_indirect_dma source(%dma_start3A_618 : memref<128x16xf32, #tpu.memory_space<vmem>>) target(%dma_start3A_624 : memref<10240x16xf32, #tpu.memory_space<vmem_shared>>) offsets(%dma_start3A_621 : memref<128xi32, #tpu.memory_space<vmem>>) semaphore(%arg12 : memref<!tpu.dma_semaphore, #tpu.memory_space<semaphore_mem>>) {add = true}
    %dma_start3A_625 = arith.constant 27 : i32
    %dma_start3A_626 = arith.constant 0 : i32
    %dma_start3A_627 = arith.constant 1408 : i32
    %dma_start3A_628 = arith.constant 0 : i32
    %dma_start3A_629 = tpu.memref_slice %arg7[%dma_start3A_627, %dma_start3A_628] : memref<2048x16xf32, #tpu.memory_space<vmem>> -> memref<128x16xf32, #tpu.memory_space<vmem>>
    %dma_start3A_630 = arith.constant 0 : i32
    %dma_start3A_631 = tpu.memref_slice %arg5[%dma_start3A_625, %dma_start3A_626, %dma_start3A_630] : memref<80x1x128xi32, #tpu.memory_space<vmem>> -> memref<1x1x128xi32, #tpu.memory_space<vmem>>
    %dma_start3A_632 = tpu.memref_squeeze %dma_start3A_631 : memref<1x1x128xi32, #tpu.memory_space<vmem>> -> memref<128xi32, #tpu.memory_space<vmem>>
    %dma_start3A_633 = arith.constant 0 : i32
    %dma_start3A_634 = arith.constant 0 : i32
    %dma_start3A_635 = tpu.memref_slice %arg9[%dma_start3A_633, %dma_start3A_634] : memref<10240x16xf32, #tpu.memory_space<vmem_shared>> -> memref<10240x16xf32, #tpu.memory_space<vmem_shared>>
    tpu.enqueue_indirect_dma source(%dma_start3A_629 : memref<128x16xf32, #tpu.memory_space<vmem>>) target(%dma_start3A_635 : memref<10240x16xf32, #tpu.memory_space<vmem_shared>>) offsets(%dma_start3A_632 : memref<128xi32, #tpu.memory_space<vmem>>) semaphore(%arg12 : memref<!tpu.dma_semaphore, #tpu.memory_space<semaphore_mem>>) {add = true}
    %dma_start3A_636 = arith.constant 28 : i32
    %dma_start3A_637 = arith.constant 0 : i32
    %dma_start3A_638 = arith.constant 1536 : i32
    %dma_start3A_639 = arith.constant 0 : i32
    %dma_start3A_640 = tpu.memref_slice %arg7[%dma_start3A_638, %dma_start3A_639] : memref<2048x16xf32, #tpu.memory_space<vmem>> -> memref<128x16xf32, #tpu.memory_space<vmem>>
    %dma_start3A_641 = arith.constant 0 : i32
    %dma_start3A_642 = tpu.memref_slice %arg5[%dma_start3A_636, %dma_start3A_637, %dma_start3A_641] : memref<80x1x128xi32, #tpu.memory_space<vmem>> -> memref<1x1x128xi32, #tpu.memory_space<vmem>>
    %dma_start3A_643 = tpu.memref_squeeze %dma_start3A_642 : memref<1x1x128xi32, #tpu.memory_space<vmem>> -> memref<128xi32, #tpu.memory_space<vmem>>
    %dma_start3A_644 = arith.constant 0 : i32
    %dma_start3A_645 = arith.constant 0 : i32
    %dma_start3A_646 = tpu.memref_slice %arg9[%dma_start3A_644, %dma_start3A_645] : memref<10240x16xf32, #tpu.memory_space<vmem_shared>> -> memref<10240x16xf32, #tpu.memory_space<vmem_shared>>
    tpu.enqueue_indirect_dma source(%dma_start3A_640 : memref<128x16xf32, #tpu.memory_space<vmem>>) target(%dma_start3A_646 : memref<10240x16xf32, #tpu.memory_space<vmem_shared>>) offsets(%dma_start3A_643 : memref<128xi32, #tpu.memory_space<vmem>>) semaphore(%arg12 : memref<!tpu.dma_semaphore, #tpu.memory_space<semaphore_mem>>) {add = true}
    %dma_start3A_647 = arith.constant 29 : i32
    %dma_start3A_648 = arith.constant 0 : i32
    %dma_start3A_649 = arith.constant 1664 : i32
    %dma_start3A_650 = arith.constant 0 : i32
    %dma_start3A_651 = tpu.memref_slice %arg7[%dma_start3A_649, %dma_start3A_650] : memref<2048x16xf32, #tpu.memory_space<vmem>> -> memref<128x16xf32, #tpu.memory_space<vmem>>
    %dma_start3A_652 = arith.constant 0 : i32
    %dma_start3A_653 = tpu.memref_slice %arg5[%dma_start3A_647, %dma_start3A_648, %dma_start3A_652] : memref<80x1x128xi32, #tpu.memory_space<vmem>> -> memref<1x1x128xi32, #tpu.memory_space<vmem>>
    %dma_start3A_654 = tpu.memref_squeeze %dma_start3A_653 : memref<1x1x128xi32, #tpu.memory_space<vmem>> -> memref<128xi32, #tpu.memory_space<vmem>>
    %dma_start3A_655 = arith.constant 0 : i32
    %dma_start3A_656 = arith.constant 0 : i32
    %dma_start3A_657 = tpu.memref_slice %arg9[%dma_start3A_655, %dma_start3A_656] : memref<10240x16xf32, #tpu.memory_space<vmem_shared>> -> memref<10240x16xf32, #tpu.memory_space<vmem_shared>>
    tpu.enqueue_indirect_dma source(%dma_start3A_651 : memref<128x16xf32, #tpu.memory_space<vmem>>) target(%dma_start3A_657 : memref<10240x16xf32, #tpu.memory_space<vmem_shared>>) offsets(%dma_start3A_654 : memref<128xi32, #tpu.memory_space<vmem>>) semaphore(%arg12 : memref<!tpu.dma_semaphore, #tpu.memory_space<semaphore_mem>>) {add = true}
    %dma_start3A_658 = arith.constant 30 : i32
    %dma_start3A_659 = arith.constant 0 : i32
    %dma_start3A_660 = arith.constant 1792 : i32
    %dma_start3A_661 = arith.constant 0 : i32
    %dma_start3A_662 = tpu.memref_slice %arg7[%dma_start3A_660, %dma_start3A_661] : memref<2048x16xf32, #tpu.memory_space<vmem>> -> memref<128x16xf32, #tpu.memory_space<vmem>>
    %dma_start3A_663 = arith.constant 0 : i32
    %dma_start3A_664 = tpu.memref_slice %arg5[%dma_start3A_658, %dma_start3A_659, %dma_start3A_663] : memref<80x1x128xi32, #tpu.memory_space<vmem>> -> memref<1x1x128xi32, #tpu.memory_space<vmem>>
    %dma_start3A_665 = tpu.memref_squeeze %dma_start3A_664 : memref<1x1x128xi32, #tpu.memory_space<vmem>> -> memref<128xi32, #tpu.memory_space<vmem>>
    %dma_start3A_666 = arith.constant 0 : i32
    %dma_start3A_667 = arith.constant 0 : i32
    %dma_start3A_668 = tpu.memref_slice %arg9[%dma_start3A_666, %dma_start3A_667] : memref<10240x16xf32, #tpu.memory_space<vmem_shared>> -> memref<10240x16xf32, #tpu.memory_space<vmem_shared>>
    tpu.enqueue_indirect_dma source(%dma_start3A_662 : memref<128x16xf32, #tpu.memory_space<vmem>>) target(%dma_start3A_668 : memref<10240x16xf32, #tpu.memory_space<vmem_shared>>) offsets(%dma_start3A_665 : memref<128xi32, #tpu.memory_space<vmem>>) semaphore(%arg12 : memref<!tpu.dma_semaphore, #tpu.memory_space<semaphore_mem>>) {add = true}
    %dma_start3A_669 = arith.constant 31 : i32
    %dma_start3A_670 = arith.constant 0 : i32
    %dma_start3A_671 = arith.constant 1920 : i32
    %dma_start3A_672 = arith.constant 0 : i32
    %dma_start3A_673 = tpu.memref_slice %arg7[%dma_start3A_671, %dma_start3A_672] : memref<2048x16xf32, #tpu.memory_space<vmem>> -> memref<128x16xf32, #tpu.memory_space<vmem>>
    %dma_start3A_674 = arith.constant 0 : i32
    %dma_start3A_675 = tpu.memref_slice %arg5[%dma_start3A_669, %dma_start3A_670, %dma_start3A_674] : memref<80x1x128xi32, #tpu.memory_space<vmem>> -> memref<1x1x128xi32, #tpu.memory_space<vmem>>
    %dma_start3A_676 = tpu.memref_squeeze %dma_start3A_675 : memref<1x1x128xi32, #tpu.memory_space<vmem>> -> memref<128xi32, #tpu.memory_space<vmem>>
    %dma_start3A_677 = arith.constant 0 : i32
    %dma_start3A_678 = arith.constant 0 : i32
    %dma_start3A_679 = tpu.memref_slice %arg9[%dma_start3A_677, %dma_start3A_678] : memref<10240x16xf32, #tpu.memory_space<vmem_shared>> -> memref<10240x16xf32, #tpu.memory_space<vmem_shared>>
    tpu.enqueue_indirect_dma source(%dma_start3A_673 : memref<128x16xf32, #tpu.memory_space<vmem>>) target(%dma_start3A_679 : memref<10240x16xf32, #tpu.memory_space<vmem_shared>>) offsets(%dma_start3A_676 : memref<128xi32, #tpu.memory_space<vmem>>) semaphore(%arg12 : memref<!tpu.dma_semaphore, #tpu.memory_space<semaphore_mem>>) {add = true}
    %add3A_680 = arith.constant 48 : i32
    %add3A_681 = arith.addi %add3A_8, %add3A_680 : i32
    %mul3A_682 = arith.constant 1024 : i32
    %mul3A_683 = arith.muli %add3A_681, %mul3A_682 : i32
    %dma_start3A_684 = arith.constant 1 : i32
    %dma_start3A_685 = arith.constant 0 : i32
    %dma_start3A_686 = tpu.memref_slice %arg6[%dma_start3A_684, %dma_start3A_685] : memref<2x32768xf32, #tpu.memory_space<vmem>> -> memref<1x16384xf32, #tpu.memory_space<vmem>>
    %dma_start3A_687 = tpu.memref_squeeze %dma_start3A_686 : memref<1x16384xf32, #tpu.memory_space<vmem>> -> memref<16384xf32, #tpu.memory_space<vmem>>
    %dma_start3A_688 = tpu.memref_slice %arg3[%mul3A_683] : memref<5120000xf32, #tpu.memory_space<hbm>> -> memref<16384xf32, #tpu.memory_space<hbm>>
    %dma_start3A_689 = arith.constant 0 : i32
    %dma_start3A_690 = tpu.memref_slice %arg6[%dma_start3A_684, %dma_start3A_689] : memref<2x32768xf32, #tpu.memory_space<vmem>> -> memref<1x16384xf32, #tpu.memory_space<vmem>>
    %dma_start3A_691 = tpu.memref_squeeze %dma_start3A_690 : memref<1x16384xf32, #tpu.memory_space<vmem>> -> memref<16384xf32, #tpu.memory_space<vmem>>
    %dma_start3A_692 = tpu.memref_slice %arg3[%mul3A_683] : memref<5120000xf32, #tpu.memory_space<hbm>> -> memref<16384xf32, #tpu.memory_space<hbm>>
    tpu.enqueue_dma source(%dma_start3A_692 : memref<16384xf32, #tpu.memory_space<hbm>>) target(%dma_start3A_691 : memref<16384xf32, #tpu.memory_space<vmem>>) target_semaphore(%arg11 : memref<!tpu.dma_semaphore, #tpu.memory_space<semaphore_mem>>)
    %add3A_693 = arith.constant 2560000 : i32
    %add3A_694 = arith.addi %add3A_693, %mul3A_683 : i32
    %dma_start3A_695 = arith.constant 1 : i32
    %dma_start3A_696 = arith.constant 16384 : i32
    %dma_start3A_697 = tpu.memref_slice %arg6[%dma_start3A_695, %dma_start3A_696] : memref<2x32768xf32, #tpu.memory_space<vmem>> -> memref<1x16384xf32, #tpu.memory_space<vmem>>
    %dma_start3A_698 = tpu.memref_squeeze %dma_start3A_697 : memref<1x16384xf32, #tpu.memory_space<vmem>> -> memref<16384xf32, #tpu.memory_space<vmem>>
    %dma_start3A_699 = tpu.memref_slice %arg3[%add3A_694] : memref<5120000xf32, #tpu.memory_space<hbm>> -> memref<16384xf32, #tpu.memory_space<hbm>>
    %dma_start3A_700 = arith.constant 16384 : i32
    %dma_start3A_701 = tpu.memref_slice %arg6[%dma_start3A_695, %dma_start3A_700] : memref<2x32768xf32, #tpu.memory_space<vmem>> -> memref<1x16384xf32, #tpu.memory_space<vmem>>
    %dma_start3A_702 = tpu.memref_squeeze %dma_start3A_701 : memref<1x16384xf32, #tpu.memory_space<vmem>> -> memref<16384xf32, #tpu.memory_space<vmem>>
    %dma_start3A_703 = tpu.memref_slice %arg3[%add3A_694] : memref<5120000xf32, #tpu.memory_space<hbm>> -> memref<16384xf32, #tpu.memory_space<hbm>>
    tpu.enqueue_dma source(%dma_start3A_703 : memref<16384xf32, #tpu.memory_space<hbm>>) target(%dma_start3A_702 : memref<16384xf32, #tpu.memory_space<vmem>>) target_semaphore(%arg11 : memref<!tpu.dma_semaphore, #tpu.memory_space<semaphore_mem>>)
    %dma_wait3A_704 = arith.constant 0 : i32
    %dma_wait3A_705 = arith.constant 0 : i32
    %dma_wait3A_706 = tpu.memref_slice %arg6[%dma_wait3A_704, %dma_wait3A_705] : memref<2x32768xf32, #tpu.memory_space<vmem>> -> memref<1x16384xf32, #tpu.memory_space<vmem>>
    %dma_wait3A_707 = tpu.memref_squeeze %dma_wait3A_706 : memref<1x16384xf32, #tpu.memory_space<vmem>> -> memref<16384xf32, #tpu.memory_space<vmem>>
    %dma_wait3A_708 = tpu.memref_slice %arg3[%mul3A_277] : memref<5120000xf32, #tpu.memory_space<hbm>> -> memref<16384xf32, #tpu.memory_space<hbm>>
    %dma_wait3A_709 = arith.constant 0 : i32
    %dma_wait3A_710 = tpu.memref_slice %arg6[%dma_wait3A_704, %dma_wait3A_709] : memref<2x32768xf32, #tpu.memory_space<vmem>> -> memref<1x16384xf32, #tpu.memory_space<vmem>>
    %dma_wait3A_711 = tpu.memref_squeeze %dma_wait3A_710 : memref<1x16384xf32, #tpu.memory_space<vmem>> -> memref<16384xf32, #tpu.memory_space<vmem>>
    %dma_wait3A_712 = tpu.memref_slice %arg3[%mul3A_277] : memref<5120000xf32, #tpu.memory_space<hbm>> -> memref<16384xf32, #tpu.memory_space<hbm>>
    tpu.wait_dma2 semaphore(%arg10 : memref<!tpu.dma_semaphore, #tpu.memory_space<semaphore_mem>>) src(%dma_wait3A_712 : memref<16384xf32, #tpu.memory_space<hbm>>) dst(%dma_wait3A_711 : memref<16384xf32, #tpu.memory_space<vmem>>)
    %dma_wait3A_713 = arith.constant 0 : i32
    %dma_wait3A_714 = arith.constant 16384 : i32
    %dma_wait3A_715 = tpu.memref_slice %arg6[%dma_wait3A_713, %dma_wait3A_714] : memref<2x32768xf32, #tpu.memory_space<vmem>> -> memref<1x16384xf32, #tpu.memory_space<vmem>>
    %dma_wait3A_716 = tpu.memref_squeeze %dma_wait3A_715 : memref<1x16384xf32, #tpu.memory_space<vmem>> -> memref<16384xf32, #tpu.memory_space<vmem>>
    %dma_wait3A_717 = tpu.memref_slice %arg3[%add3A_288] : memref<5120000xf32, #tpu.memory_space<hbm>> -> memref<16384xf32, #tpu.memory_space<hbm>>
    %dma_wait3A_718 = arith.constant 16384 : i32
    %dma_wait3A_719 = tpu.memref_slice %arg6[%dma_wait3A_713, %dma_wait3A_718] : memref<2x32768xf32, #tpu.memory_space<vmem>> -> memref<1x16384xf32, #tpu.memory_space<vmem>>
    %dma_wait3A_720 = tpu.memref_squeeze %dma_wait3A_719 : memref<1x16384xf32, #tpu.memory_space<vmem>> -> memref<16384xf32, #tpu.memory_space<vmem>>
    %dma_wait3A_721 = tpu.memref_slice %arg3[%add3A_288] : memref<5120000xf32, #tpu.memory_space<hbm>> -> memref<16384xf32, #tpu.memory_space<hbm>>
    tpu.wait_dma2 semaphore(%arg10 : memref<!tpu.dma_semaphore, #tpu.memory_space<semaphore_mem>>) src(%dma_wait3A_721 : memref<16384xf32, #tpu.memory_space<hbm>>) dst(%dma_wait3A_720 : memref<16384xf32, #tpu.memory_space<vmem>>)
    %dma_wait3A_722 = arith.constant 16 : i32
    %dma_wait3A_723 = arith.constant 0 : i32
    %dma_wait3A_724 = arith.constant 0 : i32
    %dma_wait3A_725 = arith.constant 0 : i32
    %dma_wait3A_726 = tpu.memref_slice %arg7[%dma_wait3A_724, %dma_wait3A_725] : memref<2048x16xf32, #tpu.memory_space<vmem>> -> memref<128x16xf32, #tpu.memory_space<vmem>>
    %dma_wait3A_727 = arith.constant 0 : i32
    %dma_wait3A_728 = tpu.memref_slice %arg5[%dma_wait3A_722, %dma_wait3A_723, %dma_wait3A_727] : memref<80x1x128xi32, #tpu.memory_space<vmem>> -> memref<1x1x128xi32, #tpu.memory_space<vmem>>
    %dma_wait3A_729 = tpu.memref_squeeze %dma_wait3A_728 : memref<1x1x128xi32, #tpu.memory_space<vmem>> -> memref<128xi32, #tpu.memory_space<vmem>>
    %dma_wait3A_730 = arith.constant 0 : i32
    %dma_wait3A_731 = arith.constant 0 : i32
    %dma_wait3A_732 = tpu.memref_slice %arg9[%dma_wait3A_730, %dma_wait3A_731] : memref<10240x16xf32, #tpu.memory_space<vmem_shared>> -> memref<10240x16xf32, #tpu.memory_space<vmem_shared>>
    tpu.wait_indirect_dma semaphore(%arg12 : memref<!tpu.dma_semaphore, #tpu.memory_space<semaphore_mem>>) src(%dma_wait3A_726 : memref<128x16xf32, #tpu.memory_space<vmem>>) dst(%dma_wait3A_732 : memref<10240x16xf32, #tpu.memory_space<vmem_shared>>)
    %dma_wait3A_733 = arith.constant 17 : i32
    %dma_wait3A_734 = arith.constant 0 : i32
    %dma_wait3A_735 = arith.constant 128 : i32
    %dma_wait3A_736 = arith.constant 0 : i32
    %dma_wait3A_737 = tpu.memref_slice %arg7[%dma_wait3A_735, %dma_wait3A_736] : memref<2048x16xf32, #tpu.memory_space<vmem>> -> memref<128x16xf32, #tpu.memory_space<vmem>>
    %dma_wait3A_738 = arith.constant 0 : i32
    %dma_wait3A_739 = tpu.memref_slice %arg5[%dma_wait3A_733, %dma_wait3A_734, %dma_wait3A_738] : memref<80x1x128xi32, #tpu.memory_space<vmem>> -> memref<1x1x128xi32, #tpu.memory_space<vmem>>
    %dma_wait3A_740 = tpu.memref_squeeze %dma_wait3A_739 : memref<1x1x128xi32, #tpu.memory_space<vmem>> -> memref<128xi32, #tpu.memory_space<vmem>>
    %dma_wait3A_741 = arith.constant 0 : i32
    %dma_wait3A_742 = arith.constant 0 : i32
    %dma_wait3A_743 = tpu.memref_slice %arg9[%dma_wait3A_741, %dma_wait3A_742] : memref<10240x16xf32, #tpu.memory_space<vmem_shared>> -> memref<10240x16xf32, #tpu.memory_space<vmem_shared>>
    tpu.wait_indirect_dma semaphore(%arg12 : memref<!tpu.dma_semaphore, #tpu.memory_space<semaphore_mem>>) src(%dma_wait3A_737 : memref<128x16xf32, #tpu.memory_space<vmem>>) dst(%dma_wait3A_743 : memref<10240x16xf32, #tpu.memory_space<vmem_shared>>)
    %dma_wait3A_744 = arith.constant 18 : i32
    %dma_wait3A_745 = arith.constant 0 : i32
    %dma_wait3A_746 = arith.constant 256 : i32
    %dma_wait3A_747 = arith.constant 0 : i32
    %dma_wait3A_748 = tpu.memref_slice %arg7[%dma_wait3A_746, %dma_wait3A_747] : memref<2048x16xf32, #tpu.memory_space<vmem>> -> memref<128x16xf32, #tpu.memory_space<vmem>>
    %dma_wait3A_749 = arith.constant 0 : i32
    %dma_wait3A_750 = tpu.memref_slice %arg5[%dma_wait3A_744, %dma_wait3A_745, %dma_wait3A_749] : memref<80x1x128xi32, #tpu.memory_space<vmem>> -> memref<1x1x128xi32, #tpu.memory_space<vmem>>
    %dma_wait3A_751 = tpu.memref_squeeze %dma_wait3A_750 : memref<1x1x128xi32, #tpu.memory_space<vmem>> -> memref<128xi32, #tpu.memory_space<vmem>>
    %dma_wait3A_752 = arith.constant 0 : i32
    %dma_wait3A_753 = arith.constant 0 : i32
    %dma_wait3A_754 = tpu.memref_slice %arg9[%dma_wait3A_752, %dma_wait3A_753] : memref<10240x16xf32, #tpu.memory_space<vmem_shared>> -> memref<10240x16xf32, #tpu.memory_space<vmem_shared>>
    tpu.wait_indirect_dma semaphore(%arg12 : memref<!tpu.dma_semaphore, #tpu.memory_space<semaphore_mem>>) src(%dma_wait3A_748 : memref<128x16xf32, #tpu.memory_space<vmem>>) dst(%dma_wait3A_754 : memref<10240x16xf32, #tpu.memory_space<vmem_shared>>)
    %dma_wait3A_755 = arith.constant 19 : i32
    %dma_wait3A_756 = arith.constant 0 : i32
    %dma_wait3A_757 = arith.constant 384 : i32
    %dma_wait3A_758 = arith.constant 0 : i32
    %dma_wait3A_759 = tpu.memref_slice %arg7[%dma_wait3A_757, %dma_wait3A_758] : memref<2048x16xf32, #tpu.memory_space<vmem>> -> memref<128x16xf32, #tpu.memory_space<vmem>>
    %dma_wait3A_760 = arith.constant 0 : i32
    %dma_wait3A_761 = tpu.memref_slice %arg5[%dma_wait3A_755, %dma_wait3A_756, %dma_wait3A_760] : memref<80x1x128xi32, #tpu.memory_space<vmem>> -> memref<1x1x128xi32, #tpu.memory_space<vmem>>
    %dma_wait3A_762 = tpu.memref_squeeze %dma_wait3A_761 : memref<1x1x128xi32, #tpu.memory_space<vmem>> -> memref<128xi32, #tpu.memory_space<vmem>>
    %dma_wait3A_763 = arith.constant 0 : i32
    %dma_wait3A_764 = arith.constant 0 : i32
    %dma_wait3A_765 = tpu.memref_slice %arg9[%dma_wait3A_763, %dma_wait3A_764] : memref<10240x16xf32, #tpu.memory_space<vmem_shared>> -> memref<10240x16xf32, #tpu.memory_space<vmem_shared>>
    tpu.wait_indirect_dma semaphore(%arg12 : memref<!tpu.dma_semaphore, #tpu.memory_space<semaphore_mem>>) src(%dma_wait3A_759 : memref<128x16xf32, #tpu.memory_space<vmem>>) dst(%dma_wait3A_765 : memref<10240x16xf32, #tpu.memory_space<vmem_shared>>)
    %dma_wait3A_766 = arith.constant 20 : i32
    %dma_wait3A_767 = arith.constant 0 : i32
    %dma_wait3A_768 = arith.constant 512 : i32
    %dma_wait3A_769 = arith.constant 0 : i32
    %dma_wait3A_770 = tpu.memref_slice %arg7[%dma_wait3A_768, %dma_wait3A_769] : memref<2048x16xf32, #tpu.memory_space<vmem>> -> memref<128x16xf32, #tpu.memory_space<vmem>>
    %dma_wait3A_771 = arith.constant 0 : i32
    %dma_wait3A_772 = tpu.memref_slice %arg5[%dma_wait3A_766, %dma_wait3A_767, %dma_wait3A_771] : memref<80x1x128xi32, #tpu.memory_space<vmem>> -> memref<1x1x128xi32, #tpu.memory_space<vmem>>
    %dma_wait3A_773 = tpu.memref_squeeze %dma_wait3A_772 : memref<1x1x128xi32, #tpu.memory_space<vmem>> -> memref<128xi32, #tpu.memory_space<vmem>>
    %dma_wait3A_774 = arith.constant 0 : i32
    %dma_wait3A_775 = arith.constant 0 : i32
    %dma_wait3A_776 = tpu.memref_slice %arg9[%dma_wait3A_774, %dma_wait3A_775] : memref<10240x16xf32, #tpu.memory_space<vmem_shared>> -> memref<10240x16xf32, #tpu.memory_space<vmem_shared>>
    tpu.wait_indirect_dma semaphore(%arg12 : memref<!tpu.dma_semaphore, #tpu.memory_space<semaphore_mem>>) src(%dma_wait3A_770 : memref<128x16xf32, #tpu.memory_space<vmem>>) dst(%dma_wait3A_776 : memref<10240x16xf32, #tpu.memory_space<vmem_shared>>)
    %dma_wait3A_777 = arith.constant 21 : i32
    %dma_wait3A_778 = arith.constant 0 : i32
    %dma_wait3A_779 = arith.constant 640 : i32
    %dma_wait3A_780 = arith.constant 0 : i32
    %dma_wait3A_781 = tpu.memref_slice %arg7[%dma_wait3A_779, %dma_wait3A_780] : memref<2048x16xf32, #tpu.memory_space<vmem>> -> memref<128x16xf32, #tpu.memory_space<vmem>>
    %dma_wait3A_782 = arith.constant 0 : i32
    %dma_wait3A_783 = tpu.memref_slice %arg5[%dma_wait3A_777, %dma_wait3A_778, %dma_wait3A_782] : memref<80x1x128xi32, #tpu.memory_space<vmem>> -> memref<1x1x128xi32, #tpu.memory_space<vmem>>
    %dma_wait3A_784 = tpu.memref_squeeze %dma_wait3A_783 : memref<1x1x128xi32, #tpu.memory_space<vmem>> -> memref<128xi32, #tpu.memory_space<vmem>>
    %dma_wait3A_785 = arith.constant 0 : i32
    %dma_wait3A_786 = arith.constant 0 : i32
    %dma_wait3A_787 = tpu.memref_slice %arg9[%dma_wait3A_785, %dma_wait3A_786] : memref<10240x16xf32, #tpu.memory_space<vmem_shared>> -> memref<10240x16xf32, #tpu.memory_space<vmem_shared>>
    tpu.wait_indirect_dma semaphore(%arg12 : memref<!tpu.dma_semaphore, #tpu.memory_space<semaphore_mem>>) src(%dma_wait3A_781 : memref<128x16xf32, #tpu.memory_space<vmem>>) dst(%dma_wait3A_787 : memref<10240x16xf32, #tpu.memory_space<vmem_shared>>)
    %dma_wait3A_788 = arith.constant 22 : i32
    %dma_wait3A_789 = arith.constant 0 : i32
    %dma_wait3A_790 = arith.constant 768 : i32
    %dma_wait3A_791 = arith.constant 0 : i32
    %dma_wait3A_792 = tpu.memref_slice %arg7[%dma_wait3A_790, %dma_wait3A_791] : memref<2048x16xf32, #tpu.memory_space<vmem>> -> memref<128x16xf32, #tpu.memory_space<vmem>>
    %dma_wait3A_793 = arith.constant 0 : i32
    %dma_wait3A_794 = tpu.memref_slice %arg5[%dma_wait3A_788, %dma_wait3A_789, %dma_wait3A_793] : memref<80x1x128xi32, #tpu.memory_space<vmem>> -> memref<1x1x128xi32, #tpu.memory_space<vmem>>
    %dma_wait3A_795 = tpu.memref_squeeze %dma_wait3A_794 : memref<1x1x128xi32, #tpu.memory_space<vmem>> -> memref<128xi32, #tpu.memory_space<vmem>>
    %dma_wait3A_796 = arith.constant 0 : i32
    %dma_wait3A_797 = arith.constant 0 : i32
    %dma_wait3A_798 = tpu.memref_slice %arg9[%dma_wait3A_796, %dma_wait3A_797] : memref<10240x16xf32, #tpu.memory_space<vmem_shared>> -> memref<10240x16xf32, #tpu.memory_space<vmem_shared>>
    tpu.wait_indirect_dma semaphore(%arg12 : memref<!tpu.dma_semaphore, #tpu.memory_space<semaphore_mem>>) src(%dma_wait3A_792 : memref<128x16xf32, #tpu.memory_space<vmem>>) dst(%dma_wait3A_798 : memref<10240x16xf32, #tpu.memory_space<vmem_shared>>)
    %dma_wait3A_799 = arith.constant 23 : i32
    %dma_wait3A_800 = arith.constant 0 : i32
    %dma_wait3A_801 = arith.constant 896 : i32
    %dma_wait3A_802 = arith.constant 0 : i32
    %dma_wait3A_803 = tpu.memref_slice %arg7[%dma_wait3A_801, %dma_wait3A_802] : memref<2048x16xf32, #tpu.memory_space<vmem>> -> memref<128x16xf32, #tpu.memory_space<vmem>>
    %dma_wait3A_804 = arith.constant 0 : i32
    %dma_wait3A_805 = tpu.memref_slice %arg5[%dma_wait3A_799, %dma_wait3A_800, %dma_wait3A_804] : memref<80x1x128xi32, #tpu.memory_space<vmem>> -> memref<1x1x128xi32, #tpu.memory_space<vmem>>
    %dma_wait3A_806 = tpu.memref_squeeze %dma_wait3A_805 : memref<1x1x128xi32, #tpu.memory_space<vmem>> -> memref<128xi32, #tpu.memory_space<vmem>>
    %dma_wait3A_807 = arith.constant 0 : i32
    %dma_wait3A_808 = arith.constant 0 : i32
    %dma_wait3A_809 = tpu.memref_slice %arg9[%dma_wait3A_807, %dma_wait3A_808] : memref<10240x16xf32, #tpu.memory_space<vmem_shared>> -> memref<10240x16xf32, #tpu.memory_space<vmem_shared>>
    tpu.wait_indirect_dma semaphore(%arg12 : memref<!tpu.dma_semaphore, #tpu.memory_space<semaphore_mem>>) src(%dma_wait3A_803 : memref<128x16xf32, #tpu.memory_space<vmem>>) dst(%dma_wait3A_809 : memref<10240x16xf32, #tpu.memory_space<vmem_shared>>)
    %dma_wait3A_810 = arith.constant 24 : i32
    %dma_wait3A_811 = arith.constant 0 : i32
    %dma_wait3A_812 = arith.constant 1024 : i32
    %dma_wait3A_813 = arith.constant 0 : i32
    %dma_wait3A_814 = tpu.memref_slice %arg7[%dma_wait3A_812, %dma_wait3A_813] : memref<2048x16xf32, #tpu.memory_space<vmem>> -> memref<128x16xf32, #tpu.memory_space<vmem>>
    %dma_wait3A_815 = arith.constant 0 : i32
    %dma_wait3A_816 = tpu.memref_slice %arg5[%dma_wait3A_810, %dma_wait3A_811, %dma_wait3A_815] : memref<80x1x128xi32, #tpu.memory_space<vmem>> -> memref<1x1x128xi32, #tpu.memory_space<vmem>>
    %dma_wait3A_817 = tpu.memref_squeeze %dma_wait3A_816 : memref<1x1x128xi32, #tpu.memory_space<vmem>> -> memref<128xi32, #tpu.memory_space<vmem>>
    %dma_wait3A_818 = arith.constant 0 : i32
    %dma_wait3A_819 = arith.constant 0 : i32
    %dma_wait3A_820 = tpu.memref_slice %arg9[%dma_wait3A_818, %dma_wait3A_819] : memref<10240x16xf32, #tpu.memory_space<vmem_shared>> -> memref<10240x16xf32, #tpu.memory_space<vmem_shared>>
    tpu.wait_indirect_dma semaphore(%arg12 : memref<!tpu.dma_semaphore, #tpu.memory_space<semaphore_mem>>) src(%dma_wait3A_814 : memref<128x16xf32, #tpu.memory_space<vmem>>) dst(%dma_wait3A_820 : memref<10240x16xf32, #tpu.memory_space<vmem_shared>>)
    %dma_wait3A_821 = arith.constant 25 : i32
    %dma_wait3A_822 = arith.constant 0 : i32
    %dma_wait3A_823 = arith.constant 1152 : i32
    %dma_wait3A_824 = arith.constant 0 : i32
    %dma_wait3A_825 = tpu.memref_slice %arg7[%dma_wait3A_823, %dma_wait3A_824] : memref<2048x16xf32, #tpu.memory_space<vmem>> -> memref<128x16xf32, #tpu.memory_space<vmem>>
    %dma_wait3A_826 = arith.constant 0 : i32
    %dma_wait3A_827 = tpu.memref_slice %arg5[%dma_wait3A_821, %dma_wait3A_822, %dma_wait3A_826] : memref<80x1x128xi32, #tpu.memory_space<vmem>> -> memref<1x1x128xi32, #tpu.memory_space<vmem>>
    %dma_wait3A_828 = tpu.memref_squeeze %dma_wait3A_827 : memref<1x1x128xi32, #tpu.memory_space<vmem>> -> memref<128xi32, #tpu.memory_space<vmem>>
    %dma_wait3A_829 = arith.constant 0 : i32
    %dma_wait3A_830 = arith.constant 0 : i32
    %dma_wait3A_831 = tpu.memref_slice %arg9[%dma_wait3A_829, %dma_wait3A_830] : memref<10240x16xf32, #tpu.memory_space<vmem_shared>> -> memref<10240x16xf32, #tpu.memory_space<vmem_shared>>
    tpu.wait_indirect_dma semaphore(%arg12 : memref<!tpu.dma_semaphore, #tpu.memory_space<semaphore_mem>>) src(%dma_wait3A_825 : memref<128x16xf32, #tpu.memory_space<vmem>>) dst(%dma_wait3A_831 : memref<10240x16xf32, #tpu.memory_space<vmem_shared>>)
    %dma_wait3A_832 = arith.constant 26 : i32
    %dma_wait3A_833 = arith.constant 0 : i32
    %dma_wait3A_834 = arith.constant 1280 : i32
    %dma_wait3A_835 = arith.constant 0 : i32
    %dma_wait3A_836 = tpu.memref_slice %arg7[%dma_wait3A_834, %dma_wait3A_835] : memref<2048x16xf32, #tpu.memory_space<vmem>> -> memref<128x16xf32, #tpu.memory_space<vmem>>
    %dma_wait3A_837 = arith.constant 0 : i32
    %dma_wait3A_838 = tpu.memref_slice %arg5[%dma_wait3A_832, %dma_wait3A_833, %dma_wait3A_837] : memref<80x1x128xi32, #tpu.memory_space<vmem>> -> memref<1x1x128xi32, #tpu.memory_space<vmem>>
    %dma_wait3A_839 = tpu.memref_squeeze %dma_wait3A_838 : memref<1x1x128xi32, #tpu.memory_space<vmem>> -> memref<128xi32, #tpu.memory_space<vmem>>
    %dma_wait3A_840 = arith.constant 0 : i32
    %dma_wait3A_841 = arith.constant 0 : i32
    %dma_wait3A_842 = tpu.memref_slice %arg9[%dma_wait3A_840, %dma_wait3A_841] : memref<10240x16xf32, #tpu.memory_space<vmem_shared>> -> memref<10240x16xf32, #tpu.memory_space<vmem_shared>>
    tpu.wait_indirect_dma semaphore(%arg12 : memref<!tpu.dma_semaphore, #tpu.memory_space<semaphore_mem>>) src(%dma_wait3A_836 : memref<128x16xf32, #tpu.memory_space<vmem>>) dst(%dma_wait3A_842 : memref<10240x16xf32, #tpu.memory_space<vmem_shared>>)
    %dma_wait3A_843 = arith.constant 27 : i32
    %dma_wait3A_844 = arith.constant 0 : i32
    %dma_wait3A_845 = arith.constant 1408 : i32
    %dma_wait3A_846 = arith.constant 0 : i32
    %dma_wait3A_847 = tpu.memref_slice %arg7[%dma_wait3A_845, %dma_wait3A_846] : memref<2048x16xf32, #tpu.memory_space<vmem>> -> memref<128x16xf32, #tpu.memory_space<vmem>>
    %dma_wait3A_848 = arith.constant 0 : i32
    %dma_wait3A_849 = tpu.memref_slice %arg5[%dma_wait3A_843, %dma_wait3A_844, %dma_wait3A_848] : memref<80x1x128xi32, #tpu.memory_space<vmem>> -> memref<1x1x128xi32, #tpu.memory_space<vmem>>
    %dma_wait3A_850 = tpu.memref_squeeze %dma_wait3A_849 : memref<1x1x128xi32, #tpu.memory_space<vmem>> -> memref<128xi32, #tpu.memory_space<vmem>>
    %dma_wait3A_851 = arith.constant 0 : i32
    %dma_wait3A_852 = arith.constant 0 : i32
    %dma_wait3A_853 = tpu.memref_slice %arg9[%dma_wait3A_851, %dma_wait3A_852] : memref<10240x16xf32, #tpu.memory_space<vmem_shared>> -> memref<10240x16xf32, #tpu.memory_space<vmem_shared>>
    tpu.wait_indirect_dma semaphore(%arg12 : memref<!tpu.dma_semaphore, #tpu.memory_space<semaphore_mem>>) src(%dma_wait3A_847 : memref<128x16xf32, #tpu.memory_space<vmem>>) dst(%dma_wait3A_853 : memref<10240x16xf32, #tpu.memory_space<vmem_shared>>)
    %dma_wait3A_854 = arith.constant 28 : i32
    %dma_wait3A_855 = arith.constant 0 : i32
    %dma_wait3A_856 = arith.constant 1536 : i32
    %dma_wait3A_857 = arith.constant 0 : i32
    %dma_wait3A_858 = tpu.memref_slice %arg7[%dma_wait3A_856, %dma_wait3A_857] : memref<2048x16xf32, #tpu.memory_space<vmem>> -> memref<128x16xf32, #tpu.memory_space<vmem>>
    %dma_wait3A_859 = arith.constant 0 : i32
    %dma_wait3A_860 = tpu.memref_slice %arg5[%dma_wait3A_854, %dma_wait3A_855, %dma_wait3A_859] : memref<80x1x128xi32, #tpu.memory_space<vmem>> -> memref<1x1x128xi32, #tpu.memory_space<vmem>>
    %dma_wait3A_861 = tpu.memref_squeeze %dma_wait3A_860 : memref<1x1x128xi32, #tpu.memory_space<vmem>> -> memref<128xi32, #tpu.memory_space<vmem>>
    %dma_wait3A_862 = arith.constant 0 : i32
    %dma_wait3A_863 = arith.constant 0 : i32
    %dma_wait3A_864 = tpu.memref_slice %arg9[%dma_wait3A_862, %dma_wait3A_863] : memref<10240x16xf32, #tpu.memory_space<vmem_shared>> -> memref<10240x16xf32, #tpu.memory_space<vmem_shared>>
    tpu.wait_indirect_dma semaphore(%arg12 : memref<!tpu.dma_semaphore, #tpu.memory_space<semaphore_mem>>) src(%dma_wait3A_858 : memref<128x16xf32, #tpu.memory_space<vmem>>) dst(%dma_wait3A_864 : memref<10240x16xf32, #tpu.memory_space<vmem_shared>>)
    %dma_wait3A_865 = arith.constant 29 : i32
    %dma_wait3A_866 = arith.constant 0 : i32
    %dma_wait3A_867 = arith.constant 1664 : i32
    %dma_wait3A_868 = arith.constant 0 : i32
    %dma_wait3A_869 = tpu.memref_slice %arg7[%dma_wait3A_867, %dma_wait3A_868] : memref<2048x16xf32, #tpu.memory_space<vmem>> -> memref<128x16xf32, #tpu.memory_space<vmem>>
    %dma_wait3A_870 = arith.constant 0 : i32
    %dma_wait3A_871 = tpu.memref_slice %arg5[%dma_wait3A_865, %dma_wait3A_866, %dma_wait3A_870] : memref<80x1x128xi32, #tpu.memory_space<vmem>> -> memref<1x1x128xi32, #tpu.memory_space<vmem>>
    %dma_wait3A_872 = tpu.memref_squeeze %dma_wait3A_871 : memref<1x1x128xi32, #tpu.memory_space<vmem>> -> memref<128xi32, #tpu.memory_space<vmem>>
    %dma_wait3A_873 = arith.constant 0 : i32
    %dma_wait3A_874 = arith.constant 0 : i32
    %dma_wait3A_875 = tpu.memref_slice %arg9[%dma_wait3A_873, %dma_wait3A_874] : memref<10240x16xf32, #tpu.memory_space<vmem_shared>> -> memref<10240x16xf32, #tpu.memory_space<vmem_shared>>
    tpu.wait_indirect_dma semaphore(%arg12 : memref<!tpu.dma_semaphore, #tpu.memory_space<semaphore_mem>>) src(%dma_wait3A_869 : memref<128x16xf32, #tpu.memory_space<vmem>>) dst(%dma_wait3A_875 : memref<10240x16xf32, #tpu.memory_space<vmem_shared>>)
    %dma_wait3A_876 = arith.constant 30 : i32
    %dma_wait3A_877 = arith.constant 0 : i32
    %dma_wait3A_878 = arith.constant 1792 : i32
    %dma_wait3A_879 = arith.constant 0 : i32
    %dma_wait3A_880 = tpu.memref_slice %arg7[%dma_wait3A_878, %dma_wait3A_879] : memref<2048x16xf32, #tpu.memory_space<vmem>> -> memref<128x16xf32, #tpu.memory_space<vmem>>
    %dma_wait3A_881 = arith.constant 0 : i32
    %dma_wait3A_882 = tpu.memref_slice %arg5[%dma_wait3A_876, %dma_wait3A_877, %dma_wait3A_881] : memref<80x1x128xi32, #tpu.memory_space<vmem>> -> memref<1x1x128xi32, #tpu.memory_space<vmem>>
    %dma_wait3A_883 = tpu.memref_squeeze %dma_wait3A_882 : memref<1x1x128xi32, #tpu.memory_space<vmem>> -> memref<128xi32, #tpu.memory_space<vmem>>
    %dma_wait3A_884 = arith.constant 0 : i32
    %dma_wait3A_885 = arith.constant 0 : i32
    %dma_wait3A_886 = tpu.memref_slice %arg9[%dma_wait3A_884, %dma_wait3A_885] : memref<10240x16xf32, #tpu.memory_space<vmem_shared>> -> memref<10240x16xf32, #tpu.memory_space<vmem_shared>>
    tpu.wait_indirect_dma semaphore(%arg12 : memref<!tpu.dma_semaphore, #tpu.memory_space<semaphore_mem>>) src(%dma_wait3A_880 : memref<128x16xf32, #tpu.memory_space<vmem>>) dst(%dma_wait3A_886 : memref<10240x16xf32, #tpu.memory_space<vmem_shared>>)
    %dma_wait3A_887 = arith.constant 31 : i32
    %dma_wait3A_888 = arith.constant 0 : i32
    %dma_wait3A_889 = arith.constant 1920 : i32
    %dma_wait3A_890 = arith.constant 0 : i32
    %dma_wait3A_891 = tpu.memref_slice %arg7[%dma_wait3A_889, %dma_wait3A_890] : memref<2048x16xf32, #tpu.memory_space<vmem>> -> memref<128x16xf32, #tpu.memory_space<vmem>>
    %dma_wait3A_892 = arith.constant 0 : i32
    %dma_wait3A_893 = tpu.memref_slice %arg5[%dma_wait3A_887, %dma_wait3A_888, %dma_wait3A_892] : memref<80x1x128xi32, #tpu.memory_space<vmem>> -> memref<1x1x128xi32, #tpu.memory_space<vmem>>
    %dma_wait3A_894 = tpu.memref_squeeze %dma_wait3A_893 : memref<1x1x128xi32, #tpu.memory_space<vmem>> -> memref<128xi32, #tpu.memory_space<vmem>>
    %dma_wait3A_895 = arith.constant 0 : i32
    %dma_wait3A_896 = arith.constant 0 : i32
    %dma_wait3A_897 = tpu.memref_slice %arg9[%dma_wait3A_895, %dma_wait3A_896] : memref<10240x16xf32, #tpu.memory_space<vmem_shared>> -> memref<10240x16xf32, #tpu.memory_space<vmem_shared>>
    tpu.wait_indirect_dma semaphore(%arg12 : memref<!tpu.dma_semaphore, #tpu.memory_space<semaphore_mem>>) src(%dma_wait3A_891 : memref<128x16xf32, #tpu.memory_space<vmem>>) dst(%dma_wait3A_897 : memref<10240x16xf32, #tpu.memory_space<vmem_shared>>)
    %broadcast_in_dim3A_898 = arith.constant 16 : i32
    %broadcast_in_dim3A_899 = vector.broadcast %broadcast_in_dim3A_898 : i32 to vector<16xi32>
    %broadcast_in_dim3A_900 = arith.constant 896 : i32
    %broadcast_in_dim3A_901 = vector.broadcast %broadcast_in_dim3A_900 : i32 to vector<16xi32>
    %scan3A_902 = arith.constant 0 : i32
    %scan3A_903 = arith.constant 0 : i32
    %scan3A_904 = arith.constant 0 : i32
    %scan3A_905 = arith.constant 16 : i32
    %scan3A_906 = arith.addi %scan3A_904, %scan3A_905 : i32
    %scan3A_907 = arith.constant 1 : i32
    %scan3A_908 = scf.for %scan3A_1858 = %scan3A_904 to %scan3A_906 step %scan3A_907 iter_args(%scan3A_1859 = %scan3A_903) -> (i32)  : i32 {
      %add3A_1860 = vector.broadcast %scan3A_1858 : i32 to vector<16xi32>
      %add3A_1861 = arith.addi %iota3A, %add3A_1860 : vector<16xi32>
      %and3A = arith.constant 15 : i32
      %and3A_1862 = vector.broadcast %and3A : i32 to vector<16xi32>
      %and3A_1863 = arith.andi %add3A_1861, %and3A_1862 : vector<16xi32>
      %shift_right_arithmetic3A = arith.constant 3 : i32
      %shift_right_arithmetic3A_1864 = vector.broadcast %shift_right_arithmetic3A : i32 to vector<16xi32>
      %shift_right_arithmetic3A_1865 = arith.shrsi %and3A_1863, %shift_right_arithmetic3A_1864 : vector<16xi32>
      %mul3A_1866 = arith.constant 16384 : i32
      %mul3A_1867 = vector.broadcast %mul3A_1866 : i32 to vector<16xi32>
      %mul3A_1868 = arith.muli %shift_right_arithmetic3A_1865, %mul3A_1867 : vector<16xi32>
      %and3A_1869 = arith.constant 7 : i32
      %and3A_1870 = vector.broadcast %and3A_1869 : i32 to vector<16xi32>
      %and3A_1871 = arith.andi %and3A_1863, %and3A_1870 : vector<16xi32>
      %mul3A_1872 = arith.constant 128 : i32
      %mul3A_1873 = vector.broadcast %mul3A_1872 : i32 to vector<16xi32>
      %mul3A_1874 = arith.muli %and3A_1871, %mul3A_1873 : vector<16xi32>
      %add3A_1875 = arith.addi %mul3A_1868, %mul3A_1874 : vector<16xi32>
      %add3A_1876 = arith.addi %add3A_1875, %iota3A : vector<16xi32>
      %scan3A_1877 = arith.constant 0 : i32
      %scan3A_1878 = arith.constant 16 : i32
      %scan3A_1879 = arith.addi %scan3A_1877, %scan3A_1878 : i32
      %scan3A_1880 = arith.constant 1 : i32
      %scan3A_1881:2 = scf.for %scan3A_1884 = %scan3A_1877 to %scan3A_1879 step %scan3A_1880 iter_args(%scan3A_1885 = %add3A_1876, %scan3A_1886 = %iota3A) -> (vector<16xi32>, vector<16xi32>)  : i32 {
        %add3A_1887 = arith.constant 0 : i32
        %add3A_1888 = vector.broadcast %add3A_1887 : i32 to vector<16xi32>
        %add3A_1889 = arith.addi %scan3A_1885, %add3A_1888 : vector<16xi32>
        %gather3A = arith.constant 0 : i32
        %gather3A_1890 = tpu.memref_slice %arg6[%scan3A_902, %gather3A] : memref<2x32768xf32, #tpu.memory_space<vmem>> -> memref<1x32768xf32, #tpu.memory_space<vmem>>
        %gather3A_1891 = tpu.memref_squeeze %gather3A_1890 : memref<1x32768xf32, #tpu.memory_space<vmem>> -> memref<32768xf32, #tpu.memory_space<vmem>>
        %gather3A_1892 = tpu.vector_load_idx %gather3A_1891[%add3A_1889] : memref<32768xf32, #tpu.memory_space<vmem>>[vector<16xi32>], vector<16xf32>,
        %add3A_1893 = arith.constant 16 : i32
        %add3A_1894 = vector.broadcast %add3A_1893 : i32 to vector<16xi32>
        %add3A_1895 = arith.addi %scan3A_1885, %add3A_1894 : vector<16xi32>
        %gather3A_1896 = arith.constant 0 : i32
        %gather3A_1897 = tpu.memref_slice %arg6[%scan3A_902, %gather3A_1896] : memref<2x32768xf32, #tpu.memory_space<vmem>> -> memref<1x32768xf32, #tpu.memory_space<vmem>>
        %gather3A_1898 = tpu.memref_squeeze %gather3A_1897 : memref<1x32768xf32, #tpu.memory_space<vmem>> -> memref<32768xf32, #tpu.memory_space<vmem>>
        %gather3A_1899 = tpu.vector_load_idx %gather3A_1898[%add3A_1895] : memref<32768xf32, #tpu.memory_space<vmem>>[vector<16xi32>], vector<16xf32>,
        %add3A_1900 = arith.constant 32 : i32
        %add3A_1901 = vector.broadcast %add3A_1900 : i32 to vector<16xi32>
        %add3A_1902 = arith.addi %scan3A_1885, %add3A_1901 : vector<16xi32>
        %gather3A_1903 = arith.constant 0 : i32
        %gather3A_1904 = tpu.memref_slice %arg6[%scan3A_902, %gather3A_1903] : memref<2x32768xf32, #tpu.memory_space<vmem>> -> memref<1x32768xf32, #tpu.memory_space<vmem>>
        %gather3A_1905 = tpu.memref_squeeze %gather3A_1904 : memref<1x32768xf32, #tpu.memory_space<vmem>> -> memref<32768xf32, #tpu.memory_space<vmem>>
        %gather3A_1906 = tpu.vector_load_idx %gather3A_1905[%add3A_1902] : memref<32768xf32, #tpu.memory_space<vmem>>[vector<16xi32>], vector<16xf32>,
        %add3A_1907 = arith.constant 48 : i32
        %add3A_1908 = vector.broadcast %add3A_1907 : i32 to vector<16xi32>
        %add3A_1909 = arith.addi %scan3A_1885, %add3A_1908 : vector<16xi32>
        %gather3A_1910 = arith.constant 0 : i32
        %gather3A_1911 = tpu.memref_slice %arg6[%scan3A_902, %gather3A_1910] : memref<2x32768xf32, #tpu.memory_space<vmem>> -> memref<1x32768xf32, #tpu.memory_space<vmem>>
        %gather3A_1912 = tpu.memref_squeeze %gather3A_1911 : memref<1x32768xf32, #tpu.memory_space<vmem>> -> memref<32768xf32, #tpu.memory_space<vmem>>
        %gather3A_1913 = tpu.vector_load_idx %gather3A_1912[%add3A_1909] : memref<32768xf32, #tpu.memory_space<vmem>>[vector<16xi32>], vector<16xf32>,
        %add3A_1914 = arith.constant 64 : i32
        %add3A_1915 = vector.broadcast %add3A_1914 : i32 to vector<16xi32>
        %add3A_1916 = arith.addi %scan3A_1885, %add3A_1915 : vector<16xi32>
        %gather3A_1917 = arith.constant 0 : i32
        %gather3A_1918 = tpu.memref_slice %arg6[%scan3A_902, %gather3A_1917] : memref<2x32768xf32, #tpu.memory_space<vmem>> -> memref<1x32768xf32, #tpu.memory_space<vmem>>
        %gather3A_1919 = tpu.memref_squeeze %gather3A_1918 : memref<1x32768xf32, #tpu.memory_space<vmem>> -> memref<32768xf32, #tpu.memory_space<vmem>>
        %gather3A_1920 = tpu.vector_load_idx %gather3A_1919[%add3A_1916] : memref<32768xf32, #tpu.memory_space<vmem>>[vector<16xi32>], vector<16xf32>,
        %add3A_1921 = arith.constant 80 : i32
        %add3A_1922 = vector.broadcast %add3A_1921 : i32 to vector<16xi32>
        %add3A_1923 = arith.addi %scan3A_1885, %add3A_1922 : vector<16xi32>
        %gather3A_1924 = arith.constant 0 : i32
        %gather3A_1925 = tpu.memref_slice %arg6[%scan3A_902, %gather3A_1924] : memref<2x32768xf32, #tpu.memory_space<vmem>> -> memref<1x32768xf32, #tpu.memory_space<vmem>>
        %gather3A_1926 = tpu.memref_squeeze %gather3A_1925 : memref<1x32768xf32, #tpu.memory_space<vmem>> -> memref<32768xf32, #tpu.memory_space<vmem>>
        %gather3A_1927 = tpu.vector_load_idx %gather3A_1926[%add3A_1923] : memref<32768xf32, #tpu.memory_space<vmem>>[vector<16xi32>], vector<16xf32>,
        %add3A_1928 = arith.constant 96 : i32
        %add3A_1929 = vector.broadcast %add3A_1928 : i32 to vector<16xi32>
        %add3A_1930 = arith.addi %scan3A_1885, %add3A_1929 : vector<16xi32>
        %gather3A_1931 = arith.constant 0 : i32
        %gather3A_1932 = tpu.memref_slice %arg6[%scan3A_902, %gather3A_1931] : memref<2x32768xf32, #tpu.memory_space<vmem>> -> memref<1x32768xf32, #tpu.memory_space<vmem>>
        %gather3A_1933 = tpu.memref_squeeze %gather3A_1932 : memref<1x32768xf32, #tpu.memory_space<vmem>> -> memref<32768xf32, #tpu.memory_space<vmem>>
        %gather3A_1934 = tpu.vector_load_idx %gather3A_1933[%add3A_1930] : memref<32768xf32, #tpu.memory_space<vmem>>[vector<16xi32>], vector<16xf32>,
        %add3A_1935 = arith.constant 112 : i32
        %add3A_1936 = vector.broadcast %add3A_1935 : i32 to vector<16xi32>
        %add3A_1937 = arith.addi %scan3A_1885, %add3A_1936 : vector<16xi32>
        %gather3A_1938 = arith.constant 0 : i32
        %gather3A_1939 = tpu.memref_slice %arg6[%scan3A_902, %gather3A_1938] : memref<2x32768xf32, #tpu.memory_space<vmem>> -> memref<1x32768xf32, #tpu.memory_space<vmem>>
        %gather3A_1940 = tpu.memref_squeeze %gather3A_1939 : memref<1x32768xf32, #tpu.memory_space<vmem>> -> memref<32768xf32, #tpu.memory_space<vmem>>
        %gather3A_1941 = tpu.vector_load_idx %gather3A_1940[%add3A_1937] : memref<32768xf32, #tpu.memory_space<vmem>>[vector<16xi32>], vector<16xf32>,
        %add3A_1942 = arith.constant 0 : i32
        %add3A_1943 = vector.broadcast %add3A_1942 : i32 to vector<16xi32>
        %add3A_1944 = arith.addi %scan3A_1886, %add3A_1943 : vector<16xi32>
        tpu.vector_store_idx %arg7[%add3A_1944, %and3A_1863], %gather3A_1892 : memref<2048x16xf32, #tpu.memory_space<vmem>>[vector<16xi32>, vector<16xi32>], vector<16xf32>,
        %add3A_1945 = arith.constant 16 : i32
        %add3A_1946 = vector.broadcast %add3A_1945 : i32 to vector<16xi32>
        %add3A_1947 = arith.addi %scan3A_1886, %add3A_1946 : vector<16xi32>
        tpu.vector_store_idx %arg7[%add3A_1947, %and3A_1863], %gather3A_1899 : memref<2048x16xf32, #tpu.memory_space<vmem>>[vector<16xi32>, vector<16xi32>], vector<16xf32>,
        %add3A_1948 = arith.constant 32 : i32
        %add3A_1949 = vector.broadcast %add3A_1948 : i32 to vector<16xi32>
        %add3A_1950 = arith.addi %scan3A_1886, %add3A_1949 : vector<16xi32>
        tpu.vector_store_idx %arg7[%add3A_1950, %and3A_1863], %gather3A_1906 : memref<2048x16xf32, #tpu.memory_space<vmem>>[vector<16xi32>, vector<16xi32>], vector<16xf32>,
        %add3A_1951 = arith.constant 48 : i32
        %add3A_1952 = vector.broadcast %add3A_1951 : i32 to vector<16xi32>
        %add3A_1953 = arith.addi %scan3A_1886, %add3A_1952 : vector<16xi32>
        tpu.vector_store_idx %arg7[%add3A_1953, %and3A_1863], %gather3A_1913 : memref<2048x16xf32, #tpu.memory_space<vmem>>[vector<16xi32>, vector<16xi32>], vector<16xf32>,
        %add3A_1954 = arith.constant 64 : i32
        %add3A_1955 = vector.broadcast %add3A_1954 : i32 to vector<16xi32>
        %add3A_1956 = arith.addi %scan3A_1886, %add3A_1955 : vector<16xi32>
        tpu.vector_store_idx %arg7[%add3A_1956, %and3A_1863], %gather3A_1920 : memref<2048x16xf32, #tpu.memory_space<vmem>>[vector<16xi32>, vector<16xi32>], vector<16xf32>,
        %add3A_1957 = arith.constant 80 : i32
        %add3A_1958 = vector.broadcast %add3A_1957 : i32 to vector<16xi32>
        %add3A_1959 = arith.addi %scan3A_1886, %add3A_1958 : vector<16xi32>
        tpu.vector_store_idx %arg7[%add3A_1959, %and3A_1863], %gather3A_1927 : memref<2048x16xf32, #tpu.memory_space<vmem>>[vector<16xi32>, vector<16xi32>], vector<16xf32>,
        %add3A_1960 = arith.constant 96 : i32
        %add3A_1961 = vector.broadcast %add3A_1960 : i32 to vector<16xi32>
        %add3A_1962 = arith.addi %scan3A_1886, %add3A_1961 : vector<16xi32>
        tpu.vector_store_idx %arg7[%add3A_1962, %and3A_1863], %gather3A_1934 : memref<2048x16xf32, #tpu.memory_space<vmem>>[vector<16xi32>, vector<16xi32>], vector<16xf32>,
        %add3A_1963 = arith.constant 112 : i32
        %add3A_1964 = vector.broadcast %add3A_1963 : i32 to vector<16xi32>
        %add3A_1965 = arith.addi %scan3A_1886, %add3A_1964 : vector<16xi32>
        tpu.vector_store_idx %arg7[%add3A_1965, %and3A_1863], %gather3A_1941 : memref<2048x16xf32, #tpu.memory_space<vmem>>[vector<16xi32>, vector<16xi32>], vector<16xf32>,
        %add3A_1966 = arith.addi %scan3A_1885, %broadcast_in_dim3A_901 : vector<16xi32>
        %mul3A_1967 = arith.constant 8 : i32
        %mul3A_1968 = vector.broadcast %mul3A_1967 : i32 to vector<16xi32>
        %mul3A_1969 = arith.muli %broadcast_in_dim3A_899, %mul3A_1968 : vector<16xi32>
        %add3A_1970 = arith.addi %add3A_1966, %mul3A_1969 : vector<16xi32>
        %mul3A_1971 = arith.constant 8 : i32
        %mul3A_1972 = vector.broadcast %mul3A_1971 : i32 to vector<16xi32>
        %mul3A_1973 = arith.muli %broadcast_in_dim3A_899, %mul3A_1972 : vector<16xi32>
        %add3A_1974 = arith.addi %scan3A_1886, %mul3A_1973 : vector<16xi32>
        scf.yield %add3A_1970, %add3A_1974 : vector<16xi32>, vector<16xi32>
      }
      %scan3A_1882 = arith.constant 16 : i32
      %scan3A_1883 = arith.constant 0 : i32
      scf.yield %scan3A_1883 : i32
    }
    %scan3A_909 = arith.constant 16 : i32
    %dma_start3A_910 = arith.constant 32 : i32
    %dma_start3A_911 = arith.constant 0 : i32
    %dma_start3A_912 = arith.constant 0 : i32
    %dma_start3A_913 = arith.constant 0 : i32
    %dma_start3A_914 = tpu.memref_slice %arg7[%dma_start3A_912, %dma_start3A_913] : memref<2048x16xf32, #tpu.memory_space<vmem>> -> memref<128x16xf32, #tpu.memory_space<vmem>>
    %dma_start3A_915 = arith.constant 0 : i32
    %dma_start3A_916 = tpu.memref_slice %arg5[%dma_start3A_910, %dma_start3A_911, %dma_start3A_915] : memref<80x1x128xi32, #tpu.memory_space<vmem>> -> memref<1x1x128xi32, #tpu.memory_space<vmem>>
    %dma_start3A_917 = tpu.memref_squeeze %dma_start3A_916 : memref<1x1x128xi32, #tpu.memory_space<vmem>> -> memref<128xi32, #tpu.memory_space<vmem>>
    %dma_start3A_918 = arith.constant 0 : i32
    %dma_start3A_919 = arith.constant 0 : i32
    %dma_start3A_920 = tpu.memref_slice %arg9[%dma_start3A_918, %dma_start3A_919] : memref<10240x16xf32, #tpu.memory_space<vmem_shared>> -> memref<10240x16xf32, #tpu.memory_space<vmem_shared>>
    tpu.enqueue_indirect_dma source(%dma_start3A_914 : memref<128x16xf32, #tpu.memory_space<vmem>>) target(%dma_start3A_920 : memref<10240x16xf32, #tpu.memory_space<vmem_shared>>) offsets(%dma_start3A_917 : memref<128xi32, #tpu.memory_space<vmem>>) semaphore(%arg12 : memref<!tpu.dma_semaphore, #tpu.memory_space<semaphore_mem>>) {add = true}
    %dma_start3A_921 = arith.constant 33 : i32
    %dma_start3A_922 = arith.constant 0 : i32
    %dma_start3A_923 = arith.constant 128 : i32
    %dma_start3A_924 = arith.constant 0 : i32
    %dma_start3A_925 = tpu.memref_slice %arg7[%dma_start3A_923, %dma_start3A_924] : memref<2048x16xf32, #tpu.memory_space<vmem>> -> memref<128x16xf32, #tpu.memory_space<vmem>>
    %dma_start3A_926 = arith.constant 0 : i32
    %dma_start3A_927 = tpu.memref_slice %arg5[%dma_start3A_921, %dma_start3A_922, %dma_start3A_926] : memref<80x1x128xi32, #tpu.memory_space<vmem>> -> memref<1x1x128xi32, #tpu.memory_space<vmem>>
    %dma_start3A_928 = tpu.memref_squeeze %dma_start3A_927 : memref<1x1x128xi32, #tpu.memory_space<vmem>> -> memref<128xi32, #tpu.memory_space<vmem>>
    %dma_start3A_929 = arith.constant 0 : i32
    %dma_start3A_930 = arith.constant 0 : i32
    %dma_start3A_931 = tpu.memref_slice %arg9[%dma_start3A_929, %dma_start3A_930] : memref<10240x16xf32, #tpu.memory_space<vmem_shared>> -> memref<10240x16xf32, #tpu.memory_space<vmem_shared>>
    tpu.enqueue_indirect_dma source(%dma_start3A_925 : memref<128x16xf32, #tpu.memory_space<vmem>>) target(%dma_start3A_931 : memref<10240x16xf32, #tpu.memory_space<vmem_shared>>) offsets(%dma_start3A_928 : memref<128xi32, #tpu.memory_space<vmem>>) semaphore(%arg12 : memref<!tpu.dma_semaphore, #tpu.memory_space<semaphore_mem>>) {add = true}
    %dma_start3A_932 = arith.constant 34 : i32
    %dma_start3A_933 = arith.constant 0 : i32
    %dma_start3A_934 = arith.constant 256 : i32
    %dma_start3A_935 = arith.constant 0 : i32
    %dma_start3A_936 = tpu.memref_slice %arg7[%dma_start3A_934, %dma_start3A_935] : memref<2048x16xf32, #tpu.memory_space<vmem>> -> memref<128x16xf32, #tpu.memory_space<vmem>>
    %dma_start3A_937 = arith.constant 0 : i32
    %dma_start3A_938 = tpu.memref_slice %arg5[%dma_start3A_932, %dma_start3A_933, %dma_start3A_937] : memref<80x1x128xi32, #tpu.memory_space<vmem>> -> memref<1x1x128xi32, #tpu.memory_space<vmem>>
    %dma_start3A_939 = tpu.memref_squeeze %dma_start3A_938 : memref<1x1x128xi32, #tpu.memory_space<vmem>> -> memref<128xi32, #tpu.memory_space<vmem>>
    %dma_start3A_940 = arith.constant 0 : i32
    %dma_start3A_941 = arith.constant 0 : i32
    %dma_start3A_942 = tpu.memref_slice %arg9[%dma_start3A_940, %dma_start3A_941] : memref<10240x16xf32, #tpu.memory_space<vmem_shared>> -> memref<10240x16xf32, #tpu.memory_space<vmem_shared>>
    tpu.enqueue_indirect_dma source(%dma_start3A_936 : memref<128x16xf32, #tpu.memory_space<vmem>>) target(%dma_start3A_942 : memref<10240x16xf32, #tpu.memory_space<vmem_shared>>) offsets(%dma_start3A_939 : memref<128xi32, #tpu.memory_space<vmem>>) semaphore(%arg12 : memref<!tpu.dma_semaphore, #tpu.memory_space<semaphore_mem>>) {add = true}
    %dma_start3A_943 = arith.constant 35 : i32
    %dma_start3A_944 = arith.constant 0 : i32
    %dma_start3A_945 = arith.constant 384 : i32
    %dma_start3A_946 = arith.constant 0 : i32
    %dma_start3A_947 = tpu.memref_slice %arg7[%dma_start3A_945, %dma_start3A_946] : memref<2048x16xf32, #tpu.memory_space<vmem>> -> memref<128x16xf32, #tpu.memory_space<vmem>>
    %dma_start3A_948 = arith.constant 0 : i32
    %dma_start3A_949 = tpu.memref_slice %arg5[%dma_start3A_943, %dma_start3A_944, %dma_start3A_948] : memref<80x1x128xi32, #tpu.memory_space<vmem>> -> memref<1x1x128xi32, #tpu.memory_space<vmem>>
    %dma_start3A_950 = tpu.memref_squeeze %dma_start3A_949 : memref<1x1x128xi32, #tpu.memory_space<vmem>> -> memref<128xi32, #tpu.memory_space<vmem>>
    %dma_start3A_951 = arith.constant 0 : i32
    %dma_start3A_952 = arith.constant 0 : i32
    %dma_start3A_953 = tpu.memref_slice %arg9[%dma_start3A_951, %dma_start3A_952] : memref<10240x16xf32, #tpu.memory_space<vmem_shared>> -> memref<10240x16xf32, #tpu.memory_space<vmem_shared>>
    tpu.enqueue_indirect_dma source(%dma_start3A_947 : memref<128x16xf32, #tpu.memory_space<vmem>>) target(%dma_start3A_953 : memref<10240x16xf32, #tpu.memory_space<vmem_shared>>) offsets(%dma_start3A_950 : memref<128xi32, #tpu.memory_space<vmem>>) semaphore(%arg12 : memref<!tpu.dma_semaphore, #tpu.memory_space<semaphore_mem>>) {add = true}
    %dma_start3A_954 = arith.constant 36 : i32
    %dma_start3A_955 = arith.constant 0 : i32
    %dma_start3A_956 = arith.constant 512 : i32
    %dma_start3A_957 = arith.constant 0 : i32
    %dma_start3A_958 = tpu.memref_slice %arg7[%dma_start3A_956, %dma_start3A_957] : memref<2048x16xf32, #tpu.memory_space<vmem>> -> memref<128x16xf32, #tpu.memory_space<vmem>>
    %dma_start3A_959 = arith.constant 0 : i32
    %dma_start3A_960 = tpu.memref_slice %arg5[%dma_start3A_954, %dma_start3A_955, %dma_start3A_959] : memref<80x1x128xi32, #tpu.memory_space<vmem>> -> memref<1x1x128xi32, #tpu.memory_space<vmem>>
    %dma_start3A_961 = tpu.memref_squeeze %dma_start3A_960 : memref<1x1x128xi32, #tpu.memory_space<vmem>> -> memref<128xi32, #tpu.memory_space<vmem>>
    %dma_start3A_962 = arith.constant 0 : i32
    %dma_start3A_963 = arith.constant 0 : i32
    %dma_start3A_964 = tpu.memref_slice %arg9[%dma_start3A_962, %dma_start3A_963] : memref<10240x16xf32, #tpu.memory_space<vmem_shared>> -> memref<10240x16xf32, #tpu.memory_space<vmem_shared>>
    tpu.enqueue_indirect_dma source(%dma_start3A_958 : memref<128x16xf32, #tpu.memory_space<vmem>>) target(%dma_start3A_964 : memref<10240x16xf32, #tpu.memory_space<vmem_shared>>) offsets(%dma_start3A_961 : memref<128xi32, #tpu.memory_space<vmem>>) semaphore(%arg12 : memref<!tpu.dma_semaphore, #tpu.memory_space<semaphore_mem>>) {add = true}
    %dma_start3A_965 = arith.constant 37 : i32
    %dma_start3A_966 = arith.constant 0 : i32
    %dma_start3A_967 = arith.constant 640 : i32
    %dma_start3A_968 = arith.constant 0 : i32
    %dma_start3A_969 = tpu.memref_slice %arg7[%dma_start3A_967, %dma_start3A_968] : memref<2048x16xf32, #tpu.memory_space<vmem>> -> memref<128x16xf32, #tpu.memory_space<vmem>>
    %dma_start3A_970 = arith.constant 0 : i32
    %dma_start3A_971 = tpu.memref_slice %arg5[%dma_start3A_965, %dma_start3A_966, %dma_start3A_970] : memref<80x1x128xi32, #tpu.memory_space<vmem>> -> memref<1x1x128xi32, #tpu.memory_space<vmem>>
    %dma_start3A_972 = tpu.memref_squeeze %dma_start3A_971 : memref<1x1x128xi32, #tpu.memory_space<vmem>> -> memref<128xi32, #tpu.memory_space<vmem>>
    %dma_start3A_973 = arith.constant 0 : i32
    %dma_start3A_974 = arith.constant 0 : i32
    %dma_start3A_975 = tpu.memref_slice %arg9[%dma_start3A_973, %dma_start3A_974] : memref<10240x16xf32, #tpu.memory_space<vmem_shared>> -> memref<10240x16xf32, #tpu.memory_space<vmem_shared>>
    tpu.enqueue_indirect_dma source(%dma_start3A_969 : memref<128x16xf32, #tpu.memory_space<vmem>>) target(%dma_start3A_975 : memref<10240x16xf32, #tpu.memory_space<vmem_shared>>) offsets(%dma_start3A_972 : memref<128xi32, #tpu.memory_space<vmem>>) semaphore(%arg12 : memref<!tpu.dma_semaphore, #tpu.memory_space<semaphore_mem>>) {add = true}
    %dma_start3A_976 = arith.constant 38 : i32
    %dma_start3A_977 = arith.constant 0 : i32
    %dma_start3A_978 = arith.constant 768 : i32
    %dma_start3A_979 = arith.constant 0 : i32
    %dma_start3A_980 = tpu.memref_slice %arg7[%dma_start3A_978, %dma_start3A_979] : memref<2048x16xf32, #tpu.memory_space<vmem>> -> memref<128x16xf32, #tpu.memory_space<vmem>>
    %dma_start3A_981 = arith.constant 0 : i32
    %dma_start3A_982 = tpu.memref_slice %arg5[%dma_start3A_976, %dma_start3A_977, %dma_start3A_981] : memref<80x1x128xi32, #tpu.memory_space<vmem>> -> memref<1x1x128xi32, #tpu.memory_space<vmem>>
    %dma_start3A_983 = tpu.memref_squeeze %dma_start3A_982 : memref<1x1x128xi32, #tpu.memory_space<vmem>> -> memref<128xi32, #tpu.memory_space<vmem>>
    %dma_start3A_984 = arith.constant 0 : i32
    %dma_start3A_985 = arith.constant 0 : i32
    %dma_start3A_986 = tpu.memref_slice %arg9[%dma_start3A_984, %dma_start3A_985] : memref<10240x16xf32, #tpu.memory_space<vmem_shared>> -> memref<10240x16xf32, #tpu.memory_space<vmem_shared>>
    tpu.enqueue_indirect_dma source(%dma_start3A_980 : memref<128x16xf32, #tpu.memory_space<vmem>>) target(%dma_start3A_986 : memref<10240x16xf32, #tpu.memory_space<vmem_shared>>) offsets(%dma_start3A_983 : memref<128xi32, #tpu.memory_space<vmem>>) semaphore(%arg12 : memref<!tpu.dma_semaphore, #tpu.memory_space<semaphore_mem>>) {add = true}
    %dma_start3A_987 = arith.constant 39 : i32
    %dma_start3A_988 = arith.constant 0 : i32
    %dma_start3A_989 = arith.constant 896 : i32
    %dma_start3A_990 = arith.constant 0 : i32
    %dma_start3A_991 = tpu.memref_slice %arg7[%dma_start3A_989, %dma_start3A_990] : memref<2048x16xf32, #tpu.memory_space<vmem>> -> memref<128x16xf32, #tpu.memory_space<vmem>>
    %dma_start3A_992 = arith.constant 0 : i32
    %dma_start3A_993 = tpu.memref_slice %arg5[%dma_start3A_987, %dma_start3A_988, %dma_start3A_992] : memref<80x1x128xi32, #tpu.memory_space<vmem>> -> memref<1x1x128xi32, #tpu.memory_space<vmem>>
    %dma_start3A_994 = tpu.memref_squeeze %dma_start3A_993 : memref<1x1x128xi32, #tpu.memory_space<vmem>> -> memref<128xi32, #tpu.memory_space<vmem>>
    %dma_start3A_995 = arith.constant 0 : i32
    %dma_start3A_996 = arith.constant 0 : i32
    %dma_start3A_997 = tpu.memref_slice %arg9[%dma_start3A_995, %dma_start3A_996] : memref<10240x16xf32, #tpu.memory_space<vmem_shared>> -> memref<10240x16xf32, #tpu.memory_space<vmem_shared>>
    tpu.enqueue_indirect_dma source(%dma_start3A_991 : memref<128x16xf32, #tpu.memory_space<vmem>>) target(%dma_start3A_997 : memref<10240x16xf32, #tpu.memory_space<vmem_shared>>) offsets(%dma_start3A_994 : memref<128xi32, #tpu.memory_space<vmem>>) semaphore(%arg12 : memref<!tpu.dma_semaphore, #tpu.memory_space<semaphore_mem>>) {add = true}
    %dma_start3A_998 = arith.constant 40 : i32
    %dma_start3A_999 = arith.constant 0 : i32
    %dma_start3A_1000 = arith.constant 1024 : i32
    %dma_start3A_1001 = arith.constant 0 : i32
    %dma_start3A_1002 = tpu.memref_slice %arg7[%dma_start3A_1000, %dma_start3A_1001] : memref<2048x16xf32, #tpu.memory_space<vmem>> -> memref<128x16xf32, #tpu.memory_space<vmem>>
    %dma_start3A_1003 = arith.constant 0 : i32
    %dma_start3A_1004 = tpu.memref_slice %arg5[%dma_start3A_998, %dma_start3A_999, %dma_start3A_1003] : memref<80x1x128xi32, #tpu.memory_space<vmem>> -> memref<1x1x128xi32, #tpu.memory_space<vmem>>
    %dma_start3A_1005 = tpu.memref_squeeze %dma_start3A_1004 : memref<1x1x128xi32, #tpu.memory_space<vmem>> -> memref<128xi32, #tpu.memory_space<vmem>>
    %dma_start3A_1006 = arith.constant 0 : i32
    %dma_start3A_1007 = arith.constant 0 : i32
    %dma_start3A_1008 = tpu.memref_slice %arg9[%dma_start3A_1006, %dma_start3A_1007] : memref<10240x16xf32, #tpu.memory_space<vmem_shared>> -> memref<10240x16xf32, #tpu.memory_space<vmem_shared>>
    tpu.enqueue_indirect_dma source(%dma_start3A_1002 : memref<128x16xf32, #tpu.memory_space<vmem>>) target(%dma_start3A_1008 : memref<10240x16xf32, #tpu.memory_space<vmem_shared>>) offsets(%dma_start3A_1005 : memref<128xi32, #tpu.memory_space<vmem>>) semaphore(%arg12 : memref<!tpu.dma_semaphore, #tpu.memory_space<semaphore_mem>>) {add = true}
    %dma_start3A_1009 = arith.constant 41 : i32
    %dma_start3A_1010 = arith.constant 0 : i32
    %dma_start3A_1011 = arith.constant 1152 : i32
    %dma_start3A_1012 = arith.constant 0 : i32
    %dma_start3A_1013 = tpu.memref_slice %arg7[%dma_start3A_1011, %dma_start3A_1012] : memref<2048x16xf32, #tpu.memory_space<vmem>> -> memref<128x16xf32, #tpu.memory_space<vmem>>
    %dma_start3A_1014 = arith.constant 0 : i32
    %dma_start3A_1015 = tpu.memref_slice %arg5[%dma_start3A_1009, %dma_start3A_1010, %dma_start3A_1014] : memref<80x1x128xi32, #tpu.memory_space<vmem>> -> memref<1x1x128xi32, #tpu.memory_space<vmem>>
    %dma_start3A_1016 = tpu.memref_squeeze %dma_start3A_1015 : memref<1x1x128xi32, #tpu.memory_space<vmem>> -> memref<128xi32, #tpu.memory_space<vmem>>
    %dma_start3A_1017 = arith.constant 0 : i32
    %dma_start3A_1018 = arith.constant 0 : i32
    %dma_start3A_1019 = tpu.memref_slice %arg9[%dma_start3A_1017, %dma_start3A_1018] : memref<10240x16xf32, #tpu.memory_space<vmem_shared>> -> memref<10240x16xf32, #tpu.memory_space<vmem_shared>>
    tpu.enqueue_indirect_dma source(%dma_start3A_1013 : memref<128x16xf32, #tpu.memory_space<vmem>>) target(%dma_start3A_1019 : memref<10240x16xf32, #tpu.memory_space<vmem_shared>>) offsets(%dma_start3A_1016 : memref<128xi32, #tpu.memory_space<vmem>>) semaphore(%arg12 : memref<!tpu.dma_semaphore, #tpu.memory_space<semaphore_mem>>) {add = true}
    %dma_start3A_1020 = arith.constant 42 : i32
    %dma_start3A_1021 = arith.constant 0 : i32
    %dma_start3A_1022 = arith.constant 1280 : i32
    %dma_start3A_1023 = arith.constant 0 : i32
    %dma_start3A_1024 = tpu.memref_slice %arg7[%dma_start3A_1022, %dma_start3A_1023] : memref<2048x16xf32, #tpu.memory_space<vmem>> -> memref<128x16xf32, #tpu.memory_space<vmem>>
    %dma_start3A_1025 = arith.constant 0 : i32
    %dma_start3A_1026 = tpu.memref_slice %arg5[%dma_start3A_1020, %dma_start3A_1021, %dma_start3A_1025] : memref<80x1x128xi32, #tpu.memory_space<vmem>> -> memref<1x1x128xi32, #tpu.memory_space<vmem>>
    %dma_start3A_1027 = tpu.memref_squeeze %dma_start3A_1026 : memref<1x1x128xi32, #tpu.memory_space<vmem>> -> memref<128xi32, #tpu.memory_space<vmem>>
    %dma_start3A_1028 = arith.constant 0 : i32
    %dma_start3A_1029 = arith.constant 0 : i32
    %dma_start3A_1030 = tpu.memref_slice %arg9[%dma_start3A_1028, %dma_start3A_1029] : memref<10240x16xf32, #tpu.memory_space<vmem_shared>> -> memref<10240x16xf32, #tpu.memory_space<vmem_shared>>
    tpu.enqueue_indirect_dma source(%dma_start3A_1024 : memref<128x16xf32, #tpu.memory_space<vmem>>) target(%dma_start3A_1030 : memref<10240x16xf32, #tpu.memory_space<vmem_shared>>) offsets(%dma_start3A_1027 : memref<128xi32, #tpu.memory_space<vmem>>) semaphore(%arg12 : memref<!tpu.dma_semaphore, #tpu.memory_space<semaphore_mem>>) {add = true}
    %dma_start3A_1031 = arith.constant 43 : i32
    %dma_start3A_1032 = arith.constant 0 : i32
    %dma_start3A_1033 = arith.constant 1408 : i32
    %dma_start3A_1034 = arith.constant 0 : i32
    %dma_start3A_1035 = tpu.memref_slice %arg7[%dma_start3A_1033, %dma_start3A_1034] : memref<2048x16xf32, #tpu.memory_space<vmem>> -> memref<128x16xf32, #tpu.memory_space<vmem>>
    %dma_start3A_1036 = arith.constant 0 : i32
    %dma_start3A_1037 = tpu.memref_slice %arg5[%dma_start3A_1031, %dma_start3A_1032, %dma_start3A_1036] : memref<80x1x128xi32, #tpu.memory_space<vmem>> -> memref<1x1x128xi32, #tpu.memory_space<vmem>>
    %dma_start3A_1038 = tpu.memref_squeeze %dma_start3A_1037 : memref<1x1x128xi32, #tpu.memory_space<vmem>> -> memref<128xi32, #tpu.memory_space<vmem>>
    %dma_start3A_1039 = arith.constant 0 : i32
    %dma_start3A_1040 = arith.constant 0 : i32
    %dma_start3A_1041 = tpu.memref_slice %arg9[%dma_start3A_1039, %dma_start3A_1040] : memref<10240x16xf32, #tpu.memory_space<vmem_shared>> -> memref<10240x16xf32, #tpu.memory_space<vmem_shared>>
    tpu.enqueue_indirect_dma source(%dma_start3A_1035 : memref<128x16xf32, #tpu.memory_space<vmem>>) target(%dma_start3A_1041 : memref<10240x16xf32, #tpu.memory_space<vmem_shared>>) offsets(%dma_start3A_1038 : memref<128xi32, #tpu.memory_space<vmem>>) semaphore(%arg12 : memref<!tpu.dma_semaphore, #tpu.memory_space<semaphore_mem>>) {add = true}
    %dma_start3A_1042 = arith.constant 44 : i32
    %dma_start3A_1043 = arith.constant 0 : i32
    %dma_start3A_1044 = arith.constant 1536 : i32
    %dma_start3A_1045 = arith.constant 0 : i32
    %dma_start3A_1046 = tpu.memref_slice %arg7[%dma_start3A_1044, %dma_start3A_1045] : memref<2048x16xf32, #tpu.memory_space<vmem>> -> memref<128x16xf32, #tpu.memory_space<vmem>>
    %dma_start3A_1047 = arith.constant 0 : i32
    %dma_start3A_1048 = tpu.memref_slice %arg5[%dma_start3A_1042, %dma_start3A_1043, %dma_start3A_1047] : memref<80x1x128xi32, #tpu.memory_space<vmem>> -> memref<1x1x128xi32, #tpu.memory_space<vmem>>
    %dma_start3A_1049 = tpu.memref_squeeze %dma_start3A_1048 : memref<1x1x128xi32, #tpu.memory_space<vmem>> -> memref<128xi32, #tpu.memory_space<vmem>>
    %dma_start3A_1050 = arith.constant 0 : i32
    %dma_start3A_1051 = arith.constant 0 : i32
    %dma_start3A_1052 = tpu.memref_slice %arg9[%dma_start3A_1050, %dma_start3A_1051] : memref<10240x16xf32, #tpu.memory_space<vmem_shared>> -> memref<10240x16xf32, #tpu.memory_space<vmem_shared>>
    tpu.enqueue_indirect_dma source(%dma_start3A_1046 : memref<128x16xf32, #tpu.memory_space<vmem>>) target(%dma_start3A_1052 : memref<10240x16xf32, #tpu.memory_space<vmem_shared>>) offsets(%dma_start3A_1049 : memref<128xi32, #tpu.memory_space<vmem>>) semaphore(%arg12 : memref<!tpu.dma_semaphore, #tpu.memory_space<semaphore_mem>>) {add = true}
    %dma_start3A_1053 = arith.constant 45 : i32
    %dma_start3A_1054 = arith.constant 0 : i32
    %dma_start3A_1055 = arith.constant 1664 : i32
    %dma_start3A_1056 = arith.constant 0 : i32
    %dma_start3A_1057 = tpu.memref_slice %arg7[%dma_start3A_1055, %dma_start3A_1056] : memref<2048x16xf32, #tpu.memory_space<vmem>> -> memref<128x16xf32, #tpu.memory_space<vmem>>
    %dma_start3A_1058 = arith.constant 0 : i32
    %dma_start3A_1059 = tpu.memref_slice %arg5[%dma_start3A_1053, %dma_start3A_1054, %dma_start3A_1058] : memref<80x1x128xi32, #tpu.memory_space<vmem>> -> memref<1x1x128xi32, #tpu.memory_space<vmem>>
    %dma_start3A_1060 = tpu.memref_squeeze %dma_start3A_1059 : memref<1x1x128xi32, #tpu.memory_space<vmem>> -> memref<128xi32, #tpu.memory_space<vmem>>
    %dma_start3A_1061 = arith.constant 0 : i32
    %dma_start3A_1062 = arith.constant 0 : i32
    %dma_start3A_1063 = tpu.memref_slice %arg9[%dma_start3A_1061, %dma_start3A_1062] : memref<10240x16xf32, #tpu.memory_space<vmem_shared>> -> memref<10240x16xf32, #tpu.memory_space<vmem_shared>>
    tpu.enqueue_indirect_dma source(%dma_start3A_1057 : memref<128x16xf32, #tpu.memory_space<vmem>>) target(%dma_start3A_1063 : memref<10240x16xf32, #tpu.memory_space<vmem_shared>>) offsets(%dma_start3A_1060 : memref<128xi32, #tpu.memory_space<vmem>>) semaphore(%arg12 : memref<!tpu.dma_semaphore, #tpu.memory_space<semaphore_mem>>) {add = true}
    %dma_start3A_1064 = arith.constant 46 : i32
    %dma_start3A_1065 = arith.constant 0 : i32
    %dma_start3A_1066 = arith.constant 1792 : i32
    %dma_start3A_1067 = arith.constant 0 : i32
    %dma_start3A_1068 = tpu.memref_slice %arg7[%dma_start3A_1066, %dma_start3A_1067] : memref<2048x16xf32, #tpu.memory_space<vmem>> -> memref<128x16xf32, #tpu.memory_space<vmem>>
    %dma_start3A_1069 = arith.constant 0 : i32
    %dma_start3A_1070 = tpu.memref_slice %arg5[%dma_start3A_1064, %dma_start3A_1065, %dma_start3A_1069] : memref<80x1x128xi32, #tpu.memory_space<vmem>> -> memref<1x1x128xi32, #tpu.memory_space<vmem>>
    %dma_start3A_1071 = tpu.memref_squeeze %dma_start3A_1070 : memref<1x1x128xi32, #tpu.memory_space<vmem>> -> memref<128xi32, #tpu.memory_space<vmem>>
    %dma_start3A_1072 = arith.constant 0 : i32
    %dma_start3A_1073 = arith.constant 0 : i32
    %dma_start3A_1074 = tpu.memref_slice %arg9[%dma_start3A_1072, %dma_start3A_1073] : memref<10240x16xf32, #tpu.memory_space<vmem_shared>> -> memref<10240x16xf32, #tpu.memory_space<vmem_shared>>
    tpu.enqueue_indirect_dma source(%dma_start3A_1068 : memref<128x16xf32, #tpu.memory_space<vmem>>) target(%dma_start3A_1074 : memref<10240x16xf32, #tpu.memory_space<vmem_shared>>) offsets(%dma_start3A_1071 : memref<128xi32, #tpu.memory_space<vmem>>) semaphore(%arg12 : memref<!tpu.dma_semaphore, #tpu.memory_space<semaphore_mem>>) {add = true}
    %dma_start3A_1075 = arith.constant 47 : i32
    %dma_start3A_1076 = arith.constant 0 : i32
    %dma_start3A_1077 = arith.constant 1920 : i32
    %dma_start3A_1078 = arith.constant 0 : i32
    %dma_start3A_1079 = tpu.memref_slice %arg7[%dma_start3A_1077, %dma_start3A_1078] : memref<2048x16xf32, #tpu.memory_space<vmem>> -> memref<128x16xf32, #tpu.memory_space<vmem>>
    %dma_start3A_1080 = arith.constant 0 : i32
    %dma_start3A_1081 = tpu.memref_slice %arg5[%dma_start3A_1075, %dma_start3A_1076, %dma_start3A_1080] : memref<80x1x128xi32, #tpu.memory_space<vmem>> -> memref<1x1x128xi32, #tpu.memory_space<vmem>>
    %dma_start3A_1082 = tpu.memref_squeeze %dma_start3A_1081 : memref<1x1x128xi32, #tpu.memory_space<vmem>> -> memref<128xi32, #tpu.memory_space<vmem>>
    %dma_start3A_1083 = arith.constant 0 : i32
    %dma_start3A_1084 = arith.constant 0 : i32
    %dma_start3A_1085 = tpu.memref_slice %arg9[%dma_start3A_1083, %dma_start3A_1084] : memref<10240x16xf32, #tpu.memory_space<vmem_shared>> -> memref<10240x16xf32, #tpu.memory_space<vmem_shared>>
    tpu.enqueue_indirect_dma source(%dma_start3A_1079 : memref<128x16xf32, #tpu.memory_space<vmem>>) target(%dma_start3A_1085 : memref<10240x16xf32, #tpu.memory_space<vmem_shared>>) offsets(%dma_start3A_1082 : memref<128xi32, #tpu.memory_space<vmem>>) semaphore(%arg12 : memref<!tpu.dma_semaphore, #tpu.memory_space<semaphore_mem>>) {add = true}
    %add3A_1086 = arith.addi %add3A_8, %add3A_4 : i32
    %sub3A_1087 = arith.constant 16 : i32
    %sub3A_1088 = arith.subi %add3A_1086, %sub3A_1087 : i32
    %mul3A_1089 = arith.constant 1024 : i32
    %mul3A_1090 = arith.muli %sub3A_1088, %mul3A_1089 : i32
    %dma_start3A_1091 = arith.constant 0 : i32
    %dma_start3A_1092 = arith.constant 0 : i32
    %dma_start3A_1093 = tpu.memref_slice %arg6[%dma_start3A_1091, %dma_start3A_1092] : memref<2x32768xf32, #tpu.memory_space<vmem>> -> memref<1x16384xf32, #tpu.memory_space<vmem>>
    %dma_start3A_1094 = tpu.memref_squeeze %dma_start3A_1093 : memref<1x16384xf32, #tpu.memory_space<vmem>> -> memref<16384xf32, #tpu.memory_space<vmem>>
    %dma_start3A_1095 = tpu.memref_slice %arg3[%mul3A_1090] : memref<5120000xf32, #tpu.memory_space<hbm>> -> memref<16384xf32, #tpu.memory_space<hbm>>
    %dma_start3A_1096 = arith.constant 0 : i32
    %dma_start3A_1097 = tpu.memref_slice %arg6[%dma_start3A_1091, %dma_start3A_1096] : memref<2x32768xf32, #tpu.memory_space<vmem>> -> memref<1x16384xf32, #tpu.memory_space<vmem>>
    %dma_start3A_1098 = tpu.memref_squeeze %dma_start3A_1097 : memref<1x16384xf32, #tpu.memory_space<vmem>> -> memref<16384xf32, #tpu.memory_space<vmem>>
    %dma_start3A_1099 = tpu.memref_slice %arg3[%mul3A_1090] : memref<5120000xf32, #tpu.memory_space<hbm>> -> memref<16384xf32, #tpu.memory_space<hbm>>
    tpu.enqueue_dma source(%dma_start3A_1099 : memref<16384xf32, #tpu.memory_space<hbm>>) target(%dma_start3A_1098 : memref<16384xf32, #tpu.memory_space<vmem>>) target_semaphore(%arg10 : memref<!tpu.dma_semaphore, #tpu.memory_space<semaphore_mem>>)
    %add3A_1100 = arith.constant 2560000 : i32
    %add3A_1101 = arith.addi %add3A_1100, %mul3A_1090 : i32
    %dma_start3A_1102 = arith.constant 0 : i32
    %dma_start3A_1103 = arith.constant 16384 : i32
    %dma_start3A_1104 = tpu.memref_slice %arg6[%dma_start3A_1102, %dma_start3A_1103] : memref<2x32768xf32, #tpu.memory_space<vmem>> -> memref<1x16384xf32, #tpu.memory_space<vmem>>
    %dma_start3A_1105 = tpu.memref_squeeze %dma_start3A_1104 : memref<1x16384xf32, #tpu.memory_space<vmem>> -> memref<16384xf32, #tpu.memory_space<vmem>>
    %dma_start3A_1106 = tpu.memref_slice %arg3[%add3A_1101] : memref<5120000xf32, #tpu.memory_space<hbm>> -> memref<16384xf32, #tpu.memory_space<hbm>>
    %dma_start3A_1107 = arith.constant 16384 : i32
    %dma_start3A_1108 = tpu.memref_slice %arg6[%dma_start3A_1102, %dma_start3A_1107] : memref<2x32768xf32, #tpu.memory_space<vmem>> -> memref<1x16384xf32, #tpu.memory_space<vmem>>
    %dma_start3A_1109 = tpu.memref_squeeze %dma_start3A_1108 : memref<1x16384xf32, #tpu.memory_space<vmem>> -> memref<16384xf32, #tpu.memory_space<vmem>>
    %dma_start3A_1110 = tpu.memref_slice %arg3[%add3A_1101] : memref<5120000xf32, #tpu.memory_space<hbm>> -> memref<16384xf32, #tpu.memory_space<hbm>>
    tpu.enqueue_dma source(%dma_start3A_1110 : memref<16384xf32, #tpu.memory_space<hbm>>) target(%dma_start3A_1109 : memref<16384xf32, #tpu.memory_space<vmem>>) target_semaphore(%arg10 : memref<!tpu.dma_semaphore, #tpu.memory_space<semaphore_mem>>)
    %dma_wait3A_1111 = arith.constant 1 : i32
    %dma_wait3A_1112 = arith.constant 0 : i32
    %dma_wait3A_1113 = tpu.memref_slice %arg6[%dma_wait3A_1111, %dma_wait3A_1112] : memref<2x32768xf32, #tpu.memory_space<vmem>> -> memref<1x16384xf32, #tpu.memory_space<vmem>>
    %dma_wait3A_1114 = tpu.memref_squeeze %dma_wait3A_1113 : memref<1x16384xf32, #tpu.memory_space<vmem>> -> memref<16384xf32, #tpu.memory_space<vmem>>
    %dma_wait3A_1115 = tpu.memref_slice %arg3[%mul3A_683] : memref<5120000xf32, #tpu.memory_space<hbm>> -> memref<16384xf32, #tpu.memory_space<hbm>>
    %dma_wait3A_1116 = arith.constant 0 : i32
    %dma_wait3A_1117 = tpu.memref_slice %arg6[%dma_wait3A_1111, %dma_wait3A_1116] : memref<2x32768xf32, #tpu.memory_space<vmem>> -> memref<1x16384xf32, #tpu.memory_space<vmem>>
    %dma_wait3A_1118 = tpu.memref_squeeze %dma_wait3A_1117 : memref<1x16384xf32, #tpu.memory_space<vmem>> -> memref<16384xf32, #tpu.memory_space<vmem>>
    %dma_wait3A_1119 = tpu.memref_slice %arg3[%mul3A_683] : memref<5120000xf32, #tpu.memory_space<hbm>> -> memref<16384xf32, #tpu.memory_space<hbm>>
    tpu.wait_dma2 semaphore(%arg11 : memref<!tpu.dma_semaphore, #tpu.memory_space<semaphore_mem>>) src(%dma_wait3A_1119 : memref<16384xf32, #tpu.memory_space<hbm>>) dst(%dma_wait3A_1118 : memref<16384xf32, #tpu.memory_space<vmem>>)
    %dma_wait3A_1120 = arith.constant 1 : i32
    %dma_wait3A_1121 = arith.constant 16384 : i32
    %dma_wait3A_1122 = tpu.memref_slice %arg6[%dma_wait3A_1120, %dma_wait3A_1121] : memref<2x32768xf32, #tpu.memory_space<vmem>> -> memref<1x16384xf32, #tpu.memory_space<vmem>>
    %dma_wait3A_1123 = tpu.memref_squeeze %dma_wait3A_1122 : memref<1x16384xf32, #tpu.memory_space<vmem>> -> memref<16384xf32, #tpu.memory_space<vmem>>
    %dma_wait3A_1124 = tpu.memref_slice %arg3[%add3A_694] : memref<5120000xf32, #tpu.memory_space<hbm>> -> memref<16384xf32, #tpu.memory_space<hbm>>
    %dma_wait3A_1125 = arith.constant 16384 : i32
    %dma_wait3A_1126 = tpu.memref_slice %arg6[%dma_wait3A_1120, %dma_wait3A_1125] : memref<2x32768xf32, #tpu.memory_space<vmem>> -> memref<1x16384xf32, #tpu.memory_space<vmem>>
    %dma_wait3A_1127 = tpu.memref_squeeze %dma_wait3A_1126 : memref<1x16384xf32, #tpu.memory_space<vmem>> -> memref<16384xf32, #tpu.memory_space<vmem>>
    %dma_wait3A_1128 = tpu.memref_slice %arg3[%add3A_694] : memref<5120000xf32, #tpu.memory_space<hbm>> -> memref<16384xf32, #tpu.memory_space<hbm>>
    tpu.wait_dma2 semaphore(%arg11 : memref<!tpu.dma_semaphore, #tpu.memory_space<semaphore_mem>>) src(%dma_wait3A_1128 : memref<16384xf32, #tpu.memory_space<hbm>>) dst(%dma_wait3A_1127 : memref<16384xf32, #tpu.memory_space<vmem>>)
    %dma_wait3A_1129 = arith.constant 32 : i32
    %dma_wait3A_1130 = arith.constant 0 : i32
    %dma_wait3A_1131 = arith.constant 0 : i32
    %dma_wait3A_1132 = arith.constant 0 : i32
    %dma_wait3A_1133 = tpu.memref_slice %arg7[%dma_wait3A_1131, %dma_wait3A_1132] : memref<2048x16xf32, #tpu.memory_space<vmem>> -> memref<128x16xf32, #tpu.memory_space<vmem>>
    %dma_wait3A_1134 = arith.constant 0 : i32
    %dma_wait3A_1135 = tpu.memref_slice %arg5[%dma_wait3A_1129, %dma_wait3A_1130, %dma_wait3A_1134] : memref<80x1x128xi32, #tpu.memory_space<vmem>> -> memref<1x1x128xi32, #tpu.memory_space<vmem>>
    %dma_wait3A_1136 = tpu.memref_squeeze %dma_wait3A_1135 : memref<1x1x128xi32, #tpu.memory_space<vmem>> -> memref<128xi32, #tpu.memory_space<vmem>>
    %dma_wait3A_1137 = arith.constant 0 : i32
    %dma_wait3A_1138 = arith.constant 0 : i32
    %dma_wait3A_1139 = tpu.memref_slice %arg9[%dma_wait3A_1137, %dma_wait3A_1138] : memref<10240x16xf32, #tpu.memory_space<vmem_shared>> -> memref<10240x16xf32, #tpu.memory_space<vmem_shared>>
    tpu.wait_indirect_dma semaphore(%arg12 : memref<!tpu.dma_semaphore, #tpu.memory_space<semaphore_mem>>) src(%dma_wait3A_1133 : memref<128x16xf32, #tpu.memory_space<vmem>>) dst(%dma_wait3A_1139 : memref<10240x16xf32, #tpu.memory_space<vmem_shared>>)
    %dma_wait3A_1140 = arith.constant 33 : i32
    %dma_wait3A_1141 = arith.constant 0 : i32
    %dma_wait3A_1142 = arith.constant 128 : i32
    %dma_wait3A_1143 = arith.constant 0 : i32
    %dma_wait3A_1144 = tpu.memref_slice %arg7[%dma_wait3A_1142, %dma_wait3A_1143] : memref<2048x16xf32, #tpu.memory_space<vmem>> -> memref<128x16xf32, #tpu.memory_space<vmem>>
    %dma_wait3A_1145 = arith.constant 0 : i32
    %dma_wait3A_1146 = tpu.memref_slice %arg5[%dma_wait3A_1140, %dma_wait3A_1141, %dma_wait3A_1145] : memref<80x1x128xi32, #tpu.memory_space<vmem>> -> memref<1x1x128xi32, #tpu.memory_space<vmem>>
    %dma_wait3A_1147 = tpu.memref_squeeze %dma_wait3A_1146 : memref<1x1x128xi32, #tpu.memory_space<vmem>> -> memref<128xi32, #tpu.memory_space<vmem>>
    %dma_wait3A_1148 = arith.constant 0 : i32
    %dma_wait3A_1149 = arith.constant 0 : i32
    %dma_wait3A_1150 = tpu.memref_slice %arg9[%dma_wait3A_1148, %dma_wait3A_1149] : memref<10240x16xf32, #tpu.memory_space<vmem_shared>> -> memref<10240x16xf32, #tpu.memory_space<vmem_shared>>
    tpu.wait_indirect_dma semaphore(%arg12 : memref<!tpu.dma_semaphore, #tpu.memory_space<semaphore_mem>>) src(%dma_wait3A_1144 : memref<128x16xf32, #tpu.memory_space<vmem>>) dst(%dma_wait3A_1150 : memref<10240x16xf32, #tpu.memory_space<vmem_shared>>)
    %dma_wait3A_1151 = arith.constant 34 : i32
    %dma_wait3A_1152 = arith.constant 0 : i32
    %dma_wait3A_1153 = arith.constant 256 : i32
    %dma_wait3A_1154 = arith.constant 0 : i32
    %dma_wait3A_1155 = tpu.memref_slice %arg7[%dma_wait3A_1153, %dma_wait3A_1154] : memref<2048x16xf32, #tpu.memory_space<vmem>> -> memref<128x16xf32, #tpu.memory_space<vmem>>
    %dma_wait3A_1156 = arith.constant 0 : i32
    %dma_wait3A_1157 = tpu.memref_slice %arg5[%dma_wait3A_1151, %dma_wait3A_1152, %dma_wait3A_1156] : memref<80x1x128xi32, #tpu.memory_space<vmem>> -> memref<1x1x128xi32, #tpu.memory_space<vmem>>
    %dma_wait3A_1158 = tpu.memref_squeeze %dma_wait3A_1157 : memref<1x1x128xi32, #tpu.memory_space<vmem>> -> memref<128xi32, #tpu.memory_space<vmem>>
    %dma_wait3A_1159 = arith.constant 0 : i32
    %dma_wait3A_1160 = arith.constant 0 : i32
    %dma_wait3A_1161 = tpu.memref_slice %arg9[%dma_wait3A_1159, %dma_wait3A_1160] : memref<10240x16xf32, #tpu.memory_space<vmem_shared>> -> memref<10240x16xf32, #tpu.memory_space<vmem_shared>>
    tpu.wait_indirect_dma semaphore(%arg12 : memref<!tpu.dma_semaphore, #tpu.memory_space<semaphore_mem>>) src(%dma_wait3A_1155 : memref<128x16xf32, #tpu.memory_space<vmem>>) dst(%dma_wait3A_1161 : memref<10240x16xf32, #tpu.memory_space<vmem_shared>>)
    %dma_wait3A_1162 = arith.constant 35 : i32
    %dma_wait3A_1163 = arith.constant 0 : i32
    %dma_wait3A_1164 = arith.constant 384 : i32
    %dma_wait3A_1165 = arith.constant 0 : i32
    %dma_wait3A_1166 = tpu.memref_slice %arg7[%dma_wait3A_1164, %dma_wait3A_1165] : memref<2048x16xf32, #tpu.memory_space<vmem>> -> memref<128x16xf32, #tpu.memory_space<vmem>>
    %dma_wait3A_1167 = arith.constant 0 : i32
    %dma_wait3A_1168 = tpu.memref_slice %arg5[%dma_wait3A_1162, %dma_wait3A_1163, %dma_wait3A_1167] : memref<80x1x128xi32, #tpu.memory_space<vmem>> -> memref<1x1x128xi32, #tpu.memory_space<vmem>>
    %dma_wait3A_1169 = tpu.memref_squeeze %dma_wait3A_1168 : memref<1x1x128xi32, #tpu.memory_space<vmem>> -> memref<128xi32, #tpu.memory_space<vmem>>
    %dma_wait3A_1170 = arith.constant 0 : i32
    %dma_wait3A_1171 = arith.constant 0 : i32
    %dma_wait3A_1172 = tpu.memref_slice %arg9[%dma_wait3A_1170, %dma_wait3A_1171] : memref<10240x16xf32, #tpu.memory_space<vmem_shared>> -> memref<10240x16xf32, #tpu.memory_space<vmem_shared>>
    tpu.wait_indirect_dma semaphore(%arg12 : memref<!tpu.dma_semaphore, #tpu.memory_space<semaphore_mem>>) src(%dma_wait3A_1166 : memref<128x16xf32, #tpu.memory_space<vmem>>) dst(%dma_wait3A_1172 : memref<10240x16xf32, #tpu.memory_space<vmem_shared>>)
    %dma_wait3A_1173 = arith.constant 36 : i32
    %dma_wait3A_1174 = arith.constant 0 : i32
    %dma_wait3A_1175 = arith.constant 512 : i32
    %dma_wait3A_1176 = arith.constant 0 : i32
    %dma_wait3A_1177 = tpu.memref_slice %arg7[%dma_wait3A_1175, %dma_wait3A_1176] : memref<2048x16xf32, #tpu.memory_space<vmem>> -> memref<128x16xf32, #tpu.memory_space<vmem>>
    %dma_wait3A_1178 = arith.constant 0 : i32
    %dma_wait3A_1179 = tpu.memref_slice %arg5[%dma_wait3A_1173, %dma_wait3A_1174, %dma_wait3A_1178] : memref<80x1x128xi32, #tpu.memory_space<vmem>> -> memref<1x1x128xi32, #tpu.memory_space<vmem>>
    %dma_wait3A_1180 = tpu.memref_squeeze %dma_wait3A_1179 : memref<1x1x128xi32, #tpu.memory_space<vmem>> -> memref<128xi32, #tpu.memory_space<vmem>>
    %dma_wait3A_1181 = arith.constant 0 : i32
    %dma_wait3A_1182 = arith.constant 0 : i32
    %dma_wait3A_1183 = tpu.memref_slice %arg9[%dma_wait3A_1181, %dma_wait3A_1182] : memref<10240x16xf32, #tpu.memory_space<vmem_shared>> -> memref<10240x16xf32, #tpu.memory_space<vmem_shared>>
    tpu.wait_indirect_dma semaphore(%arg12 : memref<!tpu.dma_semaphore, #tpu.memory_space<semaphore_mem>>) src(%dma_wait3A_1177 : memref<128x16xf32, #tpu.memory_space<vmem>>) dst(%dma_wait3A_1183 : memref<10240x16xf32, #tpu.memory_space<vmem_shared>>)
    %dma_wait3A_1184 = arith.constant 37 : i32
    %dma_wait3A_1185 = arith.constant 0 : i32
    %dma_wait3A_1186 = arith.constant 640 : i32
    %dma_wait3A_1187 = arith.constant 0 : i32
    %dma_wait3A_1188 = tpu.memref_slice %arg7[%dma_wait3A_1186, %dma_wait3A_1187] : memref<2048x16xf32, #tpu.memory_space<vmem>> -> memref<128x16xf32, #tpu.memory_space<vmem>>
    %dma_wait3A_1189 = arith.constant 0 : i32
    %dma_wait3A_1190 = tpu.memref_slice %arg5[%dma_wait3A_1184, %dma_wait3A_1185, %dma_wait3A_1189] : memref<80x1x128xi32, #tpu.memory_space<vmem>> -> memref<1x1x128xi32, #tpu.memory_space<vmem>>
    %dma_wait3A_1191 = tpu.memref_squeeze %dma_wait3A_1190 : memref<1x1x128xi32, #tpu.memory_space<vmem>> -> memref<128xi32, #tpu.memory_space<vmem>>
    %dma_wait3A_1192 = arith.constant 0 : i32
    %dma_wait3A_1193 = arith.constant 0 : i32
    %dma_wait3A_1194 = tpu.memref_slice %arg9[%dma_wait3A_1192, %dma_wait3A_1193] : memref<10240x16xf32, #tpu.memory_space<vmem_shared>> -> memref<10240x16xf32, #tpu.memory_space<vmem_shared>>
    tpu.wait_indirect_dma semaphore(%arg12 : memref<!tpu.dma_semaphore, #tpu.memory_space<semaphore_mem>>) src(%dma_wait3A_1188 : memref<128x16xf32, #tpu.memory_space<vmem>>) dst(%dma_wait3A_1194 : memref<10240x16xf32, #tpu.memory_space<vmem_shared>>)
    %dma_wait3A_1195 = arith.constant 38 : i32
    %dma_wait3A_1196 = arith.constant 0 : i32
    %dma_wait3A_1197 = arith.constant 768 : i32
    %dma_wait3A_1198 = arith.constant 0 : i32
    %dma_wait3A_1199 = tpu.memref_slice %arg7[%dma_wait3A_1197, %dma_wait3A_1198] : memref<2048x16xf32, #tpu.memory_space<vmem>> -> memref<128x16xf32, #tpu.memory_space<vmem>>
    %dma_wait3A_1200 = arith.constant 0 : i32
    %dma_wait3A_1201 = tpu.memref_slice %arg5[%dma_wait3A_1195, %dma_wait3A_1196, %dma_wait3A_1200] : memref<80x1x128xi32, #tpu.memory_space<vmem>> -> memref<1x1x128xi32, #tpu.memory_space<vmem>>
    %dma_wait3A_1202 = tpu.memref_squeeze %dma_wait3A_1201 : memref<1x1x128xi32, #tpu.memory_space<vmem>> -> memref<128xi32, #tpu.memory_space<vmem>>
    %dma_wait3A_1203 = arith.constant 0 : i32
    %dma_wait3A_1204 = arith.constant 0 : i32
    %dma_wait3A_1205 = tpu.memref_slice %arg9[%dma_wait3A_1203, %dma_wait3A_1204] : memref<10240x16xf32, #tpu.memory_space<vmem_shared>> -> memref<10240x16xf32, #tpu.memory_space<vmem_shared>>
    tpu.wait_indirect_dma semaphore(%arg12 : memref<!tpu.dma_semaphore, #tpu.memory_space<semaphore_mem>>) src(%dma_wait3A_1199 : memref<128x16xf32, #tpu.memory_space<vmem>>) dst(%dma_wait3A_1205 : memref<10240x16xf32, #tpu.memory_space<vmem_shared>>)
    %dma_wait3A_1206 = arith.constant 39 : i32
    %dma_wait3A_1207 = arith.constant 0 : i32
    %dma_wait3A_1208 = arith.constant 896 : i32
    %dma_wait3A_1209 = arith.constant 0 : i32
    %dma_wait3A_1210 = tpu.memref_slice %arg7[%dma_wait3A_1208, %dma_wait3A_1209] : memref<2048x16xf32, #tpu.memory_space<vmem>> -> memref<128x16xf32, #tpu.memory_space<vmem>>
    %dma_wait3A_1211 = arith.constant 0 : i32
    %dma_wait3A_1212 = tpu.memref_slice %arg5[%dma_wait3A_1206, %dma_wait3A_1207, %dma_wait3A_1211] : memref<80x1x128xi32, #tpu.memory_space<vmem>> -> memref<1x1x128xi32, #tpu.memory_space<vmem>>
    %dma_wait3A_1213 = tpu.memref_squeeze %dma_wait3A_1212 : memref<1x1x128xi32, #tpu.memory_space<vmem>> -> memref<128xi32, #tpu.memory_space<vmem>>
    %dma_wait3A_1214 = arith.constant 0 : i32
    %dma_wait3A_1215 = arith.constant 0 : i32
    %dma_wait3A_1216 = tpu.memref_slice %arg9[%dma_wait3A_1214, %dma_wait3A_1215] : memref<10240x16xf32, #tpu.memory_space<vmem_shared>> -> memref<10240x16xf32, #tpu.memory_space<vmem_shared>>
    tpu.wait_indirect_dma semaphore(%arg12 : memref<!tpu.dma_semaphore, #tpu.memory_space<semaphore_mem>>) src(%dma_wait3A_1210 : memref<128x16xf32, #tpu.memory_space<vmem>>) dst(%dma_wait3A_1216 : memref<10240x16xf32, #tpu.memory_space<vmem_shared>>)
    %dma_wait3A_1217 = arith.constant 40 : i32
    %dma_wait3A_1218 = arith.constant 0 : i32
    %dma_wait3A_1219 = arith.constant 1024 : i32
    %dma_wait3A_1220 = arith.constant 0 : i32
    %dma_wait3A_1221 = tpu.memref_slice %arg7[%dma_wait3A_1219, %dma_wait3A_1220] : memref<2048x16xf32, #tpu.memory_space<vmem>> -> memref<128x16xf32, #tpu.memory_space<vmem>>
    %dma_wait3A_1222 = arith.constant 0 : i32
    %dma_wait3A_1223 = tpu.memref_slice %arg5[%dma_wait3A_1217, %dma_wait3A_1218, %dma_wait3A_1222] : memref<80x1x128xi32, #tpu.memory_space<vmem>> -> memref<1x1x128xi32, #tpu.memory_space<vmem>>
    %dma_wait3A_1224 = tpu.memref_squeeze %dma_wait3A_1223 : memref<1x1x128xi32, #tpu.memory_space<vmem>> -> memref<128xi32, #tpu.memory_space<vmem>>
    %dma_wait3A_1225 = arith.constant 0 : i32
    %dma_wait3A_1226 = arith.constant 0 : i32
    %dma_wait3A_1227 = tpu.memref_slice %arg9[%dma_wait3A_1225, %dma_wait3A_1226] : memref<10240x16xf32, #tpu.memory_space<vmem_shared>> -> memref<10240x16xf32, #tpu.memory_space<vmem_shared>>
    tpu.wait_indirect_dma semaphore(%arg12 : memref<!tpu.dma_semaphore, #tpu.memory_space<semaphore_mem>>) src(%dma_wait3A_1221 : memref<128x16xf32, #tpu.memory_space<vmem>>) dst(%dma_wait3A_1227 : memref<10240x16xf32, #tpu.memory_space<vmem_shared>>)
    %dma_wait3A_1228 = arith.constant 41 : i32
    %dma_wait3A_1229 = arith.constant 0 : i32
    %dma_wait3A_1230 = arith.constant 1152 : i32
    %dma_wait3A_1231 = arith.constant 0 : i32
    %dma_wait3A_1232 = tpu.memref_slice %arg7[%dma_wait3A_1230, %dma_wait3A_1231] : memref<2048x16xf32, #tpu.memory_space<vmem>> -> memref<128x16xf32, #tpu.memory_space<vmem>>
    %dma_wait3A_1233 = arith.constant 0 : i32
    %dma_wait3A_1234 = tpu.memref_slice %arg5[%dma_wait3A_1228, %dma_wait3A_1229, %dma_wait3A_1233] : memref<80x1x128xi32, #tpu.memory_space<vmem>> -> memref<1x1x128xi32, #tpu.memory_space<vmem>>
    %dma_wait3A_1235 = tpu.memref_squeeze %dma_wait3A_1234 : memref<1x1x128xi32, #tpu.memory_space<vmem>> -> memref<128xi32, #tpu.memory_space<vmem>>
    %dma_wait3A_1236 = arith.constant 0 : i32
    %dma_wait3A_1237 = arith.constant 0 : i32
    %dma_wait3A_1238 = tpu.memref_slice %arg9[%dma_wait3A_1236, %dma_wait3A_1237] : memref<10240x16xf32, #tpu.memory_space<vmem_shared>> -> memref<10240x16xf32, #tpu.memory_space<vmem_shared>>
    tpu.wait_indirect_dma semaphore(%arg12 : memref<!tpu.dma_semaphore, #tpu.memory_space<semaphore_mem>>) src(%dma_wait3A_1232 : memref<128x16xf32, #tpu.memory_space<vmem>>) dst(%dma_wait3A_1238 : memref<10240x16xf32, #tpu.memory_space<vmem_shared>>)
    %dma_wait3A_1239 = arith.constant 42 : i32
    %dma_wait3A_1240 = arith.constant 0 : i32
    %dma_wait3A_1241 = arith.constant 1280 : i32
    %dma_wait3A_1242 = arith.constant 0 : i32
    %dma_wait3A_1243 = tpu.memref_slice %arg7[%dma_wait3A_1241, %dma_wait3A_1242] : memref<2048x16xf32, #tpu.memory_space<vmem>> -> memref<128x16xf32, #tpu.memory_space<vmem>>
    %dma_wait3A_1244 = arith.constant 0 : i32
    %dma_wait3A_1245 = tpu.memref_slice %arg5[%dma_wait3A_1239, %dma_wait3A_1240, %dma_wait3A_1244] : memref<80x1x128xi32, #tpu.memory_space<vmem>> -> memref<1x1x128xi32, #tpu.memory_space<vmem>>
    %dma_wait3A_1246 = tpu.memref_squeeze %dma_wait3A_1245 : memref<1x1x128xi32, #tpu.memory_space<vmem>> -> memref<128xi32, #tpu.memory_space<vmem>>
    %dma_wait3A_1247 = arith.constant 0 : i32
    %dma_wait3A_1248 = arith.constant 0 : i32
    %dma_wait3A_1249 = tpu.memref_slice %arg9[%dma_wait3A_1247, %dma_wait3A_1248] : memref<10240x16xf32, #tpu.memory_space<vmem_shared>> -> memref<10240x16xf32, #tpu.memory_space<vmem_shared>>
    tpu.wait_indirect_dma semaphore(%arg12 : memref<!tpu.dma_semaphore, #tpu.memory_space<semaphore_mem>>) src(%dma_wait3A_1243 : memref<128x16xf32, #tpu.memory_space<vmem>>) dst(%dma_wait3A_1249 : memref<10240x16xf32, #tpu.memory_space<vmem_shared>>)
    %dma_wait3A_1250 = arith.constant 43 : i32
    %dma_wait3A_1251 = arith.constant 0 : i32
    %dma_wait3A_1252 = arith.constant 1408 : i32
    %dma_wait3A_1253 = arith.constant 0 : i32
    %dma_wait3A_1254 = tpu.memref_slice %arg7[%dma_wait3A_1252, %dma_wait3A_1253] : memref<2048x16xf32, #tpu.memory_space<vmem>> -> memref<128x16xf32, #tpu.memory_space<vmem>>
    %dma_wait3A_1255 = arith.constant 0 : i32
    %dma_wait3A_1256 = tpu.memref_slice %arg5[%dma_wait3A_1250, %dma_wait3A_1251, %dma_wait3A_1255] : memref<80x1x128xi32, #tpu.memory_space<vmem>> -> memref<1x1x128xi32, #tpu.memory_space<vmem>>
    %dma_wait3A_1257 = tpu.memref_squeeze %dma_wait3A_1256 : memref<1x1x128xi32, #tpu.memory_space<vmem>> -> memref<128xi32, #tpu.memory_space<vmem>>
    %dma_wait3A_1258 = arith.constant 0 : i32
    %dma_wait3A_1259 = arith.constant 0 : i32
    %dma_wait3A_1260 = tpu.memref_slice %arg9[%dma_wait3A_1258, %dma_wait3A_1259] : memref<10240x16xf32, #tpu.memory_space<vmem_shared>> -> memref<10240x16xf32, #tpu.memory_space<vmem_shared>>
    tpu.wait_indirect_dma semaphore(%arg12 : memref<!tpu.dma_semaphore, #tpu.memory_space<semaphore_mem>>) src(%dma_wait3A_1254 : memref<128x16xf32, #tpu.memory_space<vmem>>) dst(%dma_wait3A_1260 : memref<10240x16xf32, #tpu.memory_space<vmem_shared>>)
    %dma_wait3A_1261 = arith.constant 44 : i32
    %dma_wait3A_1262 = arith.constant 0 : i32
    %dma_wait3A_1263 = arith.constant 1536 : i32
    %dma_wait3A_1264 = arith.constant 0 : i32
    %dma_wait3A_1265 = tpu.memref_slice %arg7[%dma_wait3A_1263, %dma_wait3A_1264] : memref<2048x16xf32, #tpu.memory_space<vmem>> -> memref<128x16xf32, #tpu.memory_space<vmem>>
    %dma_wait3A_1266 = arith.constant 0 : i32
    %dma_wait3A_1267 = tpu.memref_slice %arg5[%dma_wait3A_1261, %dma_wait3A_1262, %dma_wait3A_1266] : memref<80x1x128xi32, #tpu.memory_space<vmem>> -> memref<1x1x128xi32, #tpu.memory_space<vmem>>
    %dma_wait3A_1268 = tpu.memref_squeeze %dma_wait3A_1267 : memref<1x1x128xi32, #tpu.memory_space<vmem>> -> memref<128xi32, #tpu.memory_space<vmem>>
    %dma_wait3A_1269 = arith.constant 0 : i32
    %dma_wait3A_1270 = arith.constant 0 : i32
    %dma_wait3A_1271 = tpu.memref_slice %arg9[%dma_wait3A_1269, %dma_wait3A_1270] : memref<10240x16xf32, #tpu.memory_space<vmem_shared>> -> memref<10240x16xf32, #tpu.memory_space<vmem_shared>>
    tpu.wait_indirect_dma semaphore(%arg12 : memref<!tpu.dma_semaphore, #tpu.memory_space<semaphore_mem>>) src(%dma_wait3A_1265 : memref<128x16xf32, #tpu.memory_space<vmem>>) dst(%dma_wait3A_1271 : memref<10240x16xf32, #tpu.memory_space<vmem_shared>>)
    %dma_wait3A_1272 = arith.constant 45 : i32
    %dma_wait3A_1273 = arith.constant 0 : i32
    %dma_wait3A_1274 = arith.constant 1664 : i32
    %dma_wait3A_1275 = arith.constant 0 : i32
    %dma_wait3A_1276 = tpu.memref_slice %arg7[%dma_wait3A_1274, %dma_wait3A_1275] : memref<2048x16xf32, #tpu.memory_space<vmem>> -> memref<128x16xf32, #tpu.memory_space<vmem>>
    %dma_wait3A_1277 = arith.constant 0 : i32
    %dma_wait3A_1278 = tpu.memref_slice %arg5[%dma_wait3A_1272, %dma_wait3A_1273, %dma_wait3A_1277] : memref<80x1x128xi32, #tpu.memory_space<vmem>> -> memref<1x1x128xi32, #tpu.memory_space<vmem>>
    %dma_wait3A_1279 = tpu.memref_squeeze %dma_wait3A_1278 : memref<1x1x128xi32, #tpu.memory_space<vmem>> -> memref<128xi32, #tpu.memory_space<vmem>>
    %dma_wait3A_1280 = arith.constant 0 : i32
    %dma_wait3A_1281 = arith.constant 0 : i32
    %dma_wait3A_1282 = tpu.memref_slice %arg9[%dma_wait3A_1280, %dma_wait3A_1281] : memref<10240x16xf32, #tpu.memory_space<vmem_shared>> -> memref<10240x16xf32, #tpu.memory_space<vmem_shared>>
    tpu.wait_indirect_dma semaphore(%arg12 : memref<!tpu.dma_semaphore, #tpu.memory_space<semaphore_mem>>) src(%dma_wait3A_1276 : memref<128x16xf32, #tpu.memory_space<vmem>>) dst(%dma_wait3A_1282 : memref<10240x16xf32, #tpu.memory_space<vmem_shared>>)
    %dma_wait3A_1283 = arith.constant 46 : i32
    %dma_wait3A_1284 = arith.constant 0 : i32
    %dma_wait3A_1285 = arith.constant 1792 : i32
    %dma_wait3A_1286 = arith.constant 0 : i32
    %dma_wait3A_1287 = tpu.memref_slice %arg7[%dma_wait3A_1285, %dma_wait3A_1286] : memref<2048x16xf32, #tpu.memory_space<vmem>> -> memref<128x16xf32, #tpu.memory_space<vmem>>
    %dma_wait3A_1288 = arith.constant 0 : i32
    %dma_wait3A_1289 = tpu.memref_slice %arg5[%dma_wait3A_1283, %dma_wait3A_1284, %dma_wait3A_1288] : memref<80x1x128xi32, #tpu.memory_space<vmem>> -> memref<1x1x128xi32, #tpu.memory_space<vmem>>
    %dma_wait3A_1290 = tpu.memref_squeeze %dma_wait3A_1289 : memref<1x1x128xi32, #tpu.memory_space<vmem>> -> memref<128xi32, #tpu.memory_space<vmem>>
    %dma_wait3A_1291 = arith.constant 0 : i32
    %dma_wait3A_1292 = arith.constant 0 : i32
    %dma_wait3A_1293 = tpu.memref_slice %arg9[%dma_wait3A_1291, %dma_wait3A_1292] : memref<10240x16xf32, #tpu.memory_space<vmem_shared>> -> memref<10240x16xf32, #tpu.memory_space<vmem_shared>>
    tpu.wait_indirect_dma semaphore(%arg12 : memref<!tpu.dma_semaphore, #tpu.memory_space<semaphore_mem>>) src(%dma_wait3A_1287 : memref<128x16xf32, #tpu.memory_space<vmem>>) dst(%dma_wait3A_1293 : memref<10240x16xf32, #tpu.memory_space<vmem_shared>>)
    %dma_wait3A_1294 = arith.constant 47 : i32
    %dma_wait3A_1295 = arith.constant 0 : i32
    %dma_wait3A_1296 = arith.constant 1920 : i32
    %dma_wait3A_1297 = arith.constant 0 : i32
    %dma_wait3A_1298 = tpu.memref_slice %arg7[%dma_wait3A_1296, %dma_wait3A_1297] : memref<2048x16xf32, #tpu.memory_space<vmem>> -> memref<128x16xf32, #tpu.memory_space<vmem>>
    %dma_wait3A_1299 = arith.constant 0 : i32
    %dma_wait3A_1300 = tpu.memref_slice %arg5[%dma_wait3A_1294, %dma_wait3A_1295, %dma_wait3A_1299] : memref<80x1x128xi32, #tpu.memory_space<vmem>> -> memref<1x1x128xi32, #tpu.memory_space<vmem>>
    %dma_wait3A_1301 = tpu.memref_squeeze %dma_wait3A_1300 : memref<1x1x128xi32, #tpu.memory_space<vmem>> -> memref<128xi32, #tpu.memory_space<vmem>>
    %dma_wait3A_1302 = arith.constant 0 : i32
    %dma_wait3A_1303 = arith.constant 0 : i32
    %dma_wait3A_1304 = tpu.memref_slice %arg9[%dma_wait3A_1302, %dma_wait3A_1303] : memref<10240x16xf32, #tpu.memory_space<vmem_shared>> -> memref<10240x16xf32, #tpu.memory_space<vmem_shared>>
    tpu.wait_indirect_dma semaphore(%arg12 : memref<!tpu.dma_semaphore, #tpu.memory_space<semaphore_mem>>) src(%dma_wait3A_1298 : memref<128x16xf32, #tpu.memory_space<vmem>>) dst(%dma_wait3A_1304 : memref<10240x16xf32, #tpu.memory_space<vmem_shared>>)
    %broadcast_in_dim3A_1305 = arith.constant 16 : i32
    %broadcast_in_dim3A_1306 = vector.broadcast %broadcast_in_dim3A_1305 : i32 to vector<16xi32>
    %broadcast_in_dim3A_1307 = arith.constant 896 : i32
    %broadcast_in_dim3A_1308 = vector.broadcast %broadcast_in_dim3A_1307 : i32 to vector<16xi32>
    %scan3A_1309 = arith.constant 1 : i32
    %scan3A_1310 = arith.constant 0 : i32
    %scan3A_1311 = arith.constant 0 : i32
    %scan3A_1312 = arith.constant 16 : i32
    %scan3A_1313 = arith.addi %scan3A_1311, %scan3A_1312 : i32
    %scan3A_1314 = arith.constant 1 : i32
    %scan3A_1315 = scf.for %scan3A_1858 = %scan3A_1311 to %scan3A_1313 step %scan3A_1314 iter_args(%scan3A_1859 = %scan3A_1310) -> (i32)  : i32 {
      %add3A_1860 = vector.broadcast %scan3A_1858 : i32 to vector<16xi32>
      %add3A_1861 = arith.addi %iota3A, %add3A_1860 : vector<16xi32>
      %and3A = arith.constant 15 : i32
      %and3A_1862 = vector.broadcast %and3A : i32 to vector<16xi32>
      %and3A_1863 = arith.andi %add3A_1861, %and3A_1862 : vector<16xi32>
      %shift_right_arithmetic3A = arith.constant 3 : i32
      %shift_right_arithmetic3A_1864 = vector.broadcast %shift_right_arithmetic3A : i32 to vector<16xi32>
      %shift_right_arithmetic3A_1865 = arith.shrsi %and3A_1863, %shift_right_arithmetic3A_1864 : vector<16xi32>
      %mul3A_1866 = arith.constant 16384 : i32
      %mul3A_1867 = vector.broadcast %mul3A_1866 : i32 to vector<16xi32>
      %mul3A_1868 = arith.muli %shift_right_arithmetic3A_1865, %mul3A_1867 : vector<16xi32>
      %and3A_1869 = arith.constant 7 : i32
      %and3A_1870 = vector.broadcast %and3A_1869 : i32 to vector<16xi32>
      %and3A_1871 = arith.andi %and3A_1863, %and3A_1870 : vector<16xi32>
      %mul3A_1872 = arith.constant 128 : i32
      %mul3A_1873 = vector.broadcast %mul3A_1872 : i32 to vector<16xi32>
      %mul3A_1874 = arith.muli %and3A_1871, %mul3A_1873 : vector<16xi32>
      %add3A_1875 = arith.addi %mul3A_1868, %mul3A_1874 : vector<16xi32>
      %add3A_1876 = arith.addi %add3A_1875, %iota3A : vector<16xi32>
      %scan3A_1877 = arith.constant 0 : i32
      %scan3A_1878 = arith.constant 16 : i32
      %scan3A_1879 = arith.addi %scan3A_1877, %scan3A_1878 : i32
      %scan3A_1880 = arith.constant 1 : i32
      %scan3A_1881:2 = scf.for %scan3A_1884 = %scan3A_1877 to %scan3A_1879 step %scan3A_1880 iter_args(%scan3A_1885 = %add3A_1876, %scan3A_1886 = %iota3A) -> (vector<16xi32>, vector<16xi32>)  : i32 {
        %add3A_1887 = arith.constant 0 : i32
        %add3A_1888 = vector.broadcast %add3A_1887 : i32 to vector<16xi32>
        %add3A_1889 = arith.addi %scan3A_1885, %add3A_1888 : vector<16xi32>
        %gather3A = arith.constant 0 : i32
        %gather3A_1890 = tpu.memref_slice %arg6[%scan3A_1309, %gather3A] : memref<2x32768xf32, #tpu.memory_space<vmem>> -> memref<1x32768xf32, #tpu.memory_space<vmem>>
        %gather3A_1891 = tpu.memref_squeeze %gather3A_1890 : memref<1x32768xf32, #tpu.memory_space<vmem>> -> memref<32768xf32, #tpu.memory_space<vmem>>
        %gather3A_1892 = tpu.vector_load_idx %gather3A_1891[%add3A_1889] : memref<32768xf32, #tpu.memory_space<vmem>>[vector<16xi32>], vector<16xf32>,
        %add3A_1893 = arith.constant 16 : i32
        %add3A_1894 = vector.broadcast %add3A_1893 : i32 to vector<16xi32>
        %add3A_1895 = arith.addi %scan3A_1885, %add3A_1894 : vector<16xi32>
        %gather3A_1896 = arith.constant 0 : i32
        %gather3A_1897 = tpu.memref_slice %arg6[%scan3A_1309, %gather3A_1896] : memref<2x32768xf32, #tpu.memory_space<vmem>> -> memref<1x32768xf32, #tpu.memory_space<vmem>>
        %gather3A_1898 = tpu.memref_squeeze %gather3A_1897 : memref<1x32768xf32, #tpu.memory_space<vmem>> -> memref<32768xf32, #tpu.memory_space<vmem>>
        %gather3A_1899 = tpu.vector_load_idx %gather3A_1898[%add3A_1895] : memref<32768xf32, #tpu.memory_space<vmem>>[vector<16xi32>], vector<16xf32>,
        %add3A_1900 = arith.constant 32 : i32
        %add3A_1901 = vector.broadcast %add3A_1900 : i32 to vector<16xi32>
        %add3A_1902 = arith.addi %scan3A_1885, %add3A_1901 : vector<16xi32>
        %gather3A_1903 = arith.constant 0 : i32
        %gather3A_1904 = tpu.memref_slice %arg6[%scan3A_1309, %gather3A_1903] : memref<2x32768xf32, #tpu.memory_space<vmem>> -> memref<1x32768xf32, #tpu.memory_space<vmem>>
        %gather3A_1905 = tpu.memref_squeeze %gather3A_1904 : memref<1x32768xf32, #tpu.memory_space<vmem>> -> memref<32768xf32, #tpu.memory_space<vmem>>
        %gather3A_1906 = tpu.vector_load_idx %gather3A_1905[%add3A_1902] : memref<32768xf32, #tpu.memory_space<vmem>>[vector<16xi32>], vector<16xf32>,
        %add3A_1907 = arith.constant 48 : i32
        %add3A_1908 = vector.broadcast %add3A_1907 : i32 to vector<16xi32>
        %add3A_1909 = arith.addi %scan3A_1885, %add3A_1908 : vector<16xi32>
        %gather3A_1910 = arith.constant 0 : i32
        %gather3A_1911 = tpu.memref_slice %arg6[%scan3A_1309, %gather3A_1910] : memref<2x32768xf32, #tpu.memory_space<vmem>> -> memref<1x32768xf32, #tpu.memory_space<vmem>>
        %gather3A_1912 = tpu.memref_squeeze %gather3A_1911 : memref<1x32768xf32, #tpu.memory_space<vmem>> -> memref<32768xf32, #tpu.memory_space<vmem>>
        %gather3A_1913 = tpu.vector_load_idx %gather3A_1912[%add3A_1909] : memref<32768xf32, #tpu.memory_space<vmem>>[vector<16xi32>], vector<16xf32>,
        %add3A_1914 = arith.constant 64 : i32
        %add3A_1915 = vector.broadcast %add3A_1914 : i32 to vector<16xi32>
        %add3A_1916 = arith.addi %scan3A_1885, %add3A_1915 : vector<16xi32>
        %gather3A_1917 = arith.constant 0 : i32
        %gather3A_1918 = tpu.memref_slice %arg6[%scan3A_1309, %gather3A_1917] : memref<2x32768xf32, #tpu.memory_space<vmem>> -> memref<1x32768xf32, #tpu.memory_space<vmem>>
        %gather3A_1919 = tpu.memref_squeeze %gather3A_1918 : memref<1x32768xf32, #tpu.memory_space<vmem>> -> memref<32768xf32, #tpu.memory_space<vmem>>
        %gather3A_1920 = tpu.vector_load_idx %gather3A_1919[%add3A_1916] : memref<32768xf32, #tpu.memory_space<vmem>>[vector<16xi32>], vector<16xf32>,
        %add3A_1921 = arith.constant 80 : i32
        %add3A_1922 = vector.broadcast %add3A_1921 : i32 to vector<16xi32>
        %add3A_1923 = arith.addi %scan3A_1885, %add3A_1922 : vector<16xi32>
        %gather3A_1924 = arith.constant 0 : i32
        %gather3A_1925 = tpu.memref_slice %arg6[%scan3A_1309, %gather3A_1924] : memref<2x32768xf32, #tpu.memory_space<vmem>> -> memref<1x32768xf32, #tpu.memory_space<vmem>>
        %gather3A_1926 = tpu.memref_squeeze %gather3A_1925 : memref<1x32768xf32, #tpu.memory_space<vmem>> -> memref<32768xf32, #tpu.memory_space<vmem>>
        %gather3A_1927 = tpu.vector_load_idx %gather3A_1926[%add3A_1923] : memref<32768xf32, #tpu.memory_space<vmem>>[vector<16xi32>], vector<16xf32>,
        %add3A_1928 = arith.constant 96 : i32
        %add3A_1929 = vector.broadcast %add3A_1928 : i32 to vector<16xi32>
        %add3A_1930 = arith.addi %scan3A_1885, %add3A_1929 : vector<16xi32>
        %gather3A_1931 = arith.constant 0 : i32
        %gather3A_1932 = tpu.memref_slice %arg6[%scan3A_1309, %gather3A_1931] : memref<2x32768xf32, #tpu.memory_space<vmem>> -> memref<1x32768xf32, #tpu.memory_space<vmem>>
        %gather3A_1933 = tpu.memref_squeeze %gather3A_1932 : memref<1x32768xf32, #tpu.memory_space<vmem>> -> memref<32768xf32, #tpu.memory_space<vmem>>
        %gather3A_1934 = tpu.vector_load_idx %gather3A_1933[%add3A_1930] : memref<32768xf32, #tpu.memory_space<vmem>>[vector<16xi32>], vector<16xf32>,
        %add3A_1935 = arith.constant 112 : i32
        %add3A_1936 = vector.broadcast %add3A_1935 : i32 to vector<16xi32>
        %add3A_1937 = arith.addi %scan3A_1885, %add3A_1936 : vector<16xi32>
        %gather3A_1938 = arith.constant 0 : i32
        %gather3A_1939 = tpu.memref_slice %arg6[%scan3A_1309, %gather3A_1938] : memref<2x32768xf32, #tpu.memory_space<vmem>> -> memref<1x32768xf32, #tpu.memory_space<vmem>>
        %gather3A_1940 = tpu.memref_squeeze %gather3A_1939 : memref<1x32768xf32, #tpu.memory_space<vmem>> -> memref<32768xf32, #tpu.memory_space<vmem>>
        %gather3A_1941 = tpu.vector_load_idx %gather3A_1940[%add3A_1937] : memref<32768xf32, #tpu.memory_space<vmem>>[vector<16xi32>], vector<16xf32>,
        %add3A_1942 = arith.constant 0 : i32
        %add3A_1943 = vector.broadcast %add3A_1942 : i32 to vector<16xi32>
        %add3A_1944 = arith.addi %scan3A_1886, %add3A_1943 : vector<16xi32>
        tpu.vector_store_idx %arg7[%add3A_1944, %and3A_1863], %gather3A_1892 : memref<2048x16xf32, #tpu.memory_space<vmem>>[vector<16xi32>, vector<16xi32>], vector<16xf32>,
        %add3A_1945 = arith.constant 16 : i32
        %add3A_1946 = vector.broadcast %add3A_1945 : i32 to vector<16xi32>
        %add3A_1947 = arith.addi %scan3A_1886, %add3A_1946 : vector<16xi32>
        tpu.vector_store_idx %arg7[%add3A_1947, %and3A_1863], %gather3A_1899 : memref<2048x16xf32, #tpu.memory_space<vmem>>[vector<16xi32>, vector<16xi32>], vector<16xf32>,
        %add3A_1948 = arith.constant 32 : i32
        %add3A_1949 = vector.broadcast %add3A_1948 : i32 to vector<16xi32>
        %add3A_1950 = arith.addi %scan3A_1886, %add3A_1949 : vector<16xi32>
        tpu.vector_store_idx %arg7[%add3A_1950, %and3A_1863], %gather3A_1906 : memref<2048x16xf32, #tpu.memory_space<vmem>>[vector<16xi32>, vector<16xi32>], vector<16xf32>,
        %add3A_1951 = arith.constant 48 : i32
        %add3A_1952 = vector.broadcast %add3A_1951 : i32 to vector<16xi32>
        %add3A_1953 = arith.addi %scan3A_1886, %add3A_1952 : vector<16xi32>
        tpu.vector_store_idx %arg7[%add3A_1953, %and3A_1863], %gather3A_1913 : memref<2048x16xf32, #tpu.memory_space<vmem>>[vector<16xi32>, vector<16xi32>], vector<16xf32>,
        %add3A_1954 = arith.constant 64 : i32
        %add3A_1955 = vector.broadcast %add3A_1954 : i32 to vector<16xi32>
        %add3A_1956 = arith.addi %scan3A_1886, %add3A_1955 : vector<16xi32>
        tpu.vector_store_idx %arg7[%add3A_1956, %and3A_1863], %gather3A_1920 : memref<2048x16xf32, #tpu.memory_space<vmem>>[vector<16xi32>, vector<16xi32>], vector<16xf32>,
        %add3A_1957 = arith.constant 80 : i32
        %add3A_1958 = vector.broadcast %add3A_1957 : i32 to vector<16xi32>
        %add3A_1959 = arith.addi %scan3A_1886, %add3A_1958 : vector<16xi32>
        tpu.vector_store_idx %arg7[%add3A_1959, %and3A_1863], %gather3A_1927 : memref<2048x16xf32, #tpu.memory_space<vmem>>[vector<16xi32>, vector<16xi32>], vector<16xf32>,
        %add3A_1960 = arith.constant 96 : i32
        %add3A_1961 = vector.broadcast %add3A_1960 : i32 to vector<16xi32>
        %add3A_1962 = arith.addi %scan3A_1886, %add3A_1961 : vector<16xi32>
        tpu.vector_store_idx %arg7[%add3A_1962, %and3A_1863], %gather3A_1934 : memref<2048x16xf32, #tpu.memory_space<vmem>>[vector<16xi32>, vector<16xi32>], vector<16xf32>,
        %add3A_1963 = arith.constant 112 : i32
        %add3A_1964 = vector.broadcast %add3A_1963 : i32 to vector<16xi32>
        %add3A_1965 = arith.addi %scan3A_1886, %add3A_1964 : vector<16xi32>
        tpu.vector_store_idx %arg7[%add3A_1965, %and3A_1863], %gather3A_1941 : memref<2048x16xf32, #tpu.memory_space<vmem>>[vector<16xi32>, vector<16xi32>], vector<16xf32>,
        %add3A_1966 = arith.addi %scan3A_1885, %broadcast_in_dim3A_1308 : vector<16xi32>
        %mul3A_1967 = arith.constant 8 : i32
        %mul3A_1968 = vector.broadcast %mul3A_1967 : i32 to vector<16xi32>
        %mul3A_1969 = arith.muli %broadcast_in_dim3A_1306, %mul3A_1968 : vector<16xi32>
        %add3A_1970 = arith.addi %add3A_1966, %mul3A_1969 : vector<16xi32>
        %mul3A_1971 = arith.constant 8 : i32
        %mul3A_1972 = vector.broadcast %mul3A_1971 : i32 to vector<16xi32>
        %mul3A_1973 = arith.muli %broadcast_in_dim3A_1306, %mul3A_1972 : vector<16xi32>
        %add3A_1974 = arith.addi %scan3A_1886, %mul3A_1973 : vector<16xi32>
        scf.yield %add3A_1970, %add3A_1974 : vector<16xi32>, vector<16xi32>
      }
      %scan3A_1882 = arith.constant 16 : i32
      %scan3A_1883 = arith.constant 0 : i32
      scf.yield %scan3A_1883 : i32
    }
    %scan3A_1316 = arith.constant 16 : i32
    %dma_start3A_1317 = arith.constant 48 : i32
    %dma_start3A_1318 = arith.constant 0 : i32
    %dma_start3A_1319 = arith.constant 0 : i32
    %dma_start3A_1320 = arith.constant 0 : i32
    %dma_start3A_1321 = tpu.memref_slice %arg7[%dma_start3A_1319, %dma_start3A_1320] : memref<2048x16xf32, #tpu.memory_space<vmem>> -> memref<128x16xf32, #tpu.memory_space<vmem>>
    %dma_start3A_1322 = arith.constant 0 : i32
    %dma_start3A_1323 = tpu.memref_slice %arg5[%dma_start3A_1317, %dma_start3A_1318, %dma_start3A_1322] : memref<80x1x128xi32, #tpu.memory_space<vmem>> -> memref<1x1x128xi32, #tpu.memory_space<vmem>>
    %dma_start3A_1324 = tpu.memref_squeeze %dma_start3A_1323 : memref<1x1x128xi32, #tpu.memory_space<vmem>> -> memref<128xi32, #tpu.memory_space<vmem>>
    %dma_start3A_1325 = arith.constant 0 : i32
    %dma_start3A_1326 = arith.constant 0 : i32
    %dma_start3A_1327 = tpu.memref_slice %arg9[%dma_start3A_1325, %dma_start3A_1326] : memref<10240x16xf32, #tpu.memory_space<vmem_shared>> -> memref<10240x16xf32, #tpu.memory_space<vmem_shared>>
    tpu.enqueue_indirect_dma source(%dma_start3A_1321 : memref<128x16xf32, #tpu.memory_space<vmem>>) target(%dma_start3A_1327 : memref<10240x16xf32, #tpu.memory_space<vmem_shared>>) offsets(%dma_start3A_1324 : memref<128xi32, #tpu.memory_space<vmem>>) semaphore(%arg12 : memref<!tpu.dma_semaphore, #tpu.memory_space<semaphore_mem>>) {add = true}
    %dma_start3A_1328 = arith.constant 49 : i32
    %dma_start3A_1329 = arith.constant 0 : i32
    %dma_start3A_1330 = arith.constant 128 : i32
    %dma_start3A_1331 = arith.constant 0 : i32
    %dma_start3A_1332 = tpu.memref_slice %arg7[%dma_start3A_1330, %dma_start3A_1331] : memref<2048x16xf32, #tpu.memory_space<vmem>> -> memref<128x16xf32, #tpu.memory_space<vmem>>
    %dma_start3A_1333 = arith.constant 0 : i32
    %dma_start3A_1334 = tpu.memref_slice %arg5[%dma_start3A_1328, %dma_start3A_1329, %dma_start3A_1333] : memref<80x1x128xi32, #tpu.memory_space<vmem>> -> memref<1x1x128xi32, #tpu.memory_space<vmem>>
    %dma_start3A_1335 = tpu.memref_squeeze %dma_start3A_1334 : memref<1x1x128xi32, #tpu.memory_space<vmem>> -> memref<128xi32, #tpu.memory_space<vmem>>
    %dma_start3A_1336 = arith.constant 0 : i32
    %dma_start3A_1337 = arith.constant 0 : i32
    %dma_start3A_1338 = tpu.memref_slice %arg9[%dma_start3A_1336, %dma_start3A_1337] : memref<10240x16xf32, #tpu.memory_space<vmem_shared>> -> memref<10240x16xf32, #tpu.memory_space<vmem_shared>>
    tpu.enqueue_indirect_dma source(%dma_start3A_1332 : memref<128x16xf32, #tpu.memory_space<vmem>>) target(%dma_start3A_1338 : memref<10240x16xf32, #tpu.memory_space<vmem_shared>>) offsets(%dma_start3A_1335 : memref<128xi32, #tpu.memory_space<vmem>>) semaphore(%arg12 : memref<!tpu.dma_semaphore, #tpu.memory_space<semaphore_mem>>) {add = true}
    %dma_start3A_1339 = arith.constant 50 : i32
    %dma_start3A_1340 = arith.constant 0 : i32
    %dma_start3A_1341 = arith.constant 256 : i32
    %dma_start3A_1342 = arith.constant 0 : i32
    %dma_start3A_1343 = tpu.memref_slice %arg7[%dma_start3A_1341, %dma_start3A_1342] : memref<2048x16xf32, #tpu.memory_space<vmem>> -> memref<128x16xf32, #tpu.memory_space<vmem>>
    %dma_start3A_1344 = arith.constant 0 : i32
    %dma_start3A_1345 = tpu.memref_slice %arg5[%dma_start3A_1339, %dma_start3A_1340, %dma_start3A_1344] : memref<80x1x128xi32, #tpu.memory_space<vmem>> -> memref<1x1x128xi32, #tpu.memory_space<vmem>>
    %dma_start3A_1346 = tpu.memref_squeeze %dma_start3A_1345 : memref<1x1x128xi32, #tpu.memory_space<vmem>> -> memref<128xi32, #tpu.memory_space<vmem>>
    %dma_start3A_1347 = arith.constant 0 : i32
    %dma_start3A_1348 = arith.constant 0 : i32
    %dma_start3A_1349 = tpu.memref_slice %arg9[%dma_start3A_1347, %dma_start3A_1348] : memref<10240x16xf32, #tpu.memory_space<vmem_shared>> -> memref<10240x16xf32, #tpu.memory_space<vmem_shared>>
    tpu.enqueue_indirect_dma source(%dma_start3A_1343 : memref<128x16xf32, #tpu.memory_space<vmem>>) target(%dma_start3A_1349 : memref<10240x16xf32, #tpu.memory_space<vmem_shared>>) offsets(%dma_start3A_1346 : memref<128xi32, #tpu.memory_space<vmem>>) semaphore(%arg12 : memref<!tpu.dma_semaphore, #tpu.memory_space<semaphore_mem>>) {add = true}
    %dma_start3A_1350 = arith.constant 51 : i32
    %dma_start3A_1351 = arith.constant 0 : i32
    %dma_start3A_1352 = arith.constant 384 : i32
    %dma_start3A_1353 = arith.constant 0 : i32
    %dma_start3A_1354 = tpu.memref_slice %arg7[%dma_start3A_1352, %dma_start3A_1353] : memref<2048x16xf32, #tpu.memory_space<vmem>> -> memref<128x16xf32, #tpu.memory_space<vmem>>
    %dma_start3A_1355 = arith.constant 0 : i32
    %dma_start3A_1356 = tpu.memref_slice %arg5[%dma_start3A_1350, %dma_start3A_1351, %dma_start3A_1355] : memref<80x1x128xi32, #tpu.memory_space<vmem>> -> memref<1x1x128xi32, #tpu.memory_space<vmem>>
    %dma_start3A_1357 = tpu.memref_squeeze %dma_start3A_1356 : memref<1x1x128xi32, #tpu.memory_space<vmem>> -> memref<128xi32, #tpu.memory_space<vmem>>
    %dma_start3A_1358 = arith.constant 0 : i32
    %dma_start3A_1359 = arith.constant 0 : i32
    %dma_start3A_1360 = tpu.memref_slice %arg9[%dma_start3A_1358, %dma_start3A_1359] : memref<10240x16xf32, #tpu.memory_space<vmem_shared>> -> memref<10240x16xf32, #tpu.memory_space<vmem_shared>>
    tpu.enqueue_indirect_dma source(%dma_start3A_1354 : memref<128x16xf32, #tpu.memory_space<vmem>>) target(%dma_start3A_1360 : memref<10240x16xf32, #tpu.memory_space<vmem_shared>>) offsets(%dma_start3A_1357 : memref<128xi32, #tpu.memory_space<vmem>>) semaphore(%arg12 : memref<!tpu.dma_semaphore, #tpu.memory_space<semaphore_mem>>) {add = true}
    %dma_start3A_1361 = arith.constant 52 : i32
    %dma_start3A_1362 = arith.constant 0 : i32
    %dma_start3A_1363 = arith.constant 512 : i32
    %dma_start3A_1364 = arith.constant 0 : i32
    %dma_start3A_1365 = tpu.memref_slice %arg7[%dma_start3A_1363, %dma_start3A_1364] : memref<2048x16xf32, #tpu.memory_space<vmem>> -> memref<128x16xf32, #tpu.memory_space<vmem>>
    %dma_start3A_1366 = arith.constant 0 : i32
    %dma_start3A_1367 = tpu.memref_slice %arg5[%dma_start3A_1361, %dma_start3A_1362, %dma_start3A_1366] : memref<80x1x128xi32, #tpu.memory_space<vmem>> -> memref<1x1x128xi32, #tpu.memory_space<vmem>>
    %dma_start3A_1368 = tpu.memref_squeeze %dma_start3A_1367 : memref<1x1x128xi32, #tpu.memory_space<vmem>> -> memref<128xi32, #tpu.memory_space<vmem>>
    %dma_start3A_1369 = arith.constant 0 : i32
    %dma_start3A_1370 = arith.constant 0 : i32
    %dma_start3A_1371 = tpu.memref_slice %arg9[%dma_start3A_1369, %dma_start3A_1370] : memref<10240x16xf32, #tpu.memory_space<vmem_shared>> -> memref<10240x16xf32, #tpu.memory_space<vmem_shared>>
    tpu.enqueue_indirect_dma source(%dma_start3A_1365 : memref<128x16xf32, #tpu.memory_space<vmem>>) target(%dma_start3A_1371 : memref<10240x16xf32, #tpu.memory_space<vmem_shared>>) offsets(%dma_start3A_1368 : memref<128xi32, #tpu.memory_space<vmem>>) semaphore(%arg12 : memref<!tpu.dma_semaphore, #tpu.memory_space<semaphore_mem>>) {add = true}
    %dma_start3A_1372 = arith.constant 53 : i32
    %dma_start3A_1373 = arith.constant 0 : i32
    %dma_start3A_1374 = arith.constant 640 : i32
    %dma_start3A_1375 = arith.constant 0 : i32
    %dma_start3A_1376 = tpu.memref_slice %arg7[%dma_start3A_1374, %dma_start3A_1375] : memref<2048x16xf32, #tpu.memory_space<vmem>> -> memref<128x16xf32, #tpu.memory_space<vmem>>
    %dma_start3A_1377 = arith.constant 0 : i32
    %dma_start3A_1378 = tpu.memref_slice %arg5[%dma_start3A_1372, %dma_start3A_1373, %dma_start3A_1377] : memref<80x1x128xi32, #tpu.memory_space<vmem>> -> memref<1x1x128xi32, #tpu.memory_space<vmem>>
    %dma_start3A_1379 = tpu.memref_squeeze %dma_start3A_1378 : memref<1x1x128xi32, #tpu.memory_space<vmem>> -> memref<128xi32, #tpu.memory_space<vmem>>
    %dma_start3A_1380 = arith.constant 0 : i32
    %dma_start3A_1381 = arith.constant 0 : i32
    %dma_start3A_1382 = tpu.memref_slice %arg9[%dma_start3A_1380, %dma_start3A_1381] : memref<10240x16xf32, #tpu.memory_space<vmem_shared>> -> memref<10240x16xf32, #tpu.memory_space<vmem_shared>>
    tpu.enqueue_indirect_dma source(%dma_start3A_1376 : memref<128x16xf32, #tpu.memory_space<vmem>>) target(%dma_start3A_1382 : memref<10240x16xf32, #tpu.memory_space<vmem_shared>>) offsets(%dma_start3A_1379 : memref<128xi32, #tpu.memory_space<vmem>>) semaphore(%arg12 : memref<!tpu.dma_semaphore, #tpu.memory_space<semaphore_mem>>) {add = true}
    %dma_start3A_1383 = arith.constant 54 : i32
    %dma_start3A_1384 = arith.constant 0 : i32
    %dma_start3A_1385 = arith.constant 768 : i32
    %dma_start3A_1386 = arith.constant 0 : i32
    %dma_start3A_1387 = tpu.memref_slice %arg7[%dma_start3A_1385, %dma_start3A_1386] : memref<2048x16xf32, #tpu.memory_space<vmem>> -> memref<128x16xf32, #tpu.memory_space<vmem>>
    %dma_start3A_1388 = arith.constant 0 : i32
    %dma_start3A_1389 = tpu.memref_slice %arg5[%dma_start3A_1383, %dma_start3A_1384, %dma_start3A_1388] : memref<80x1x128xi32, #tpu.memory_space<vmem>> -> memref<1x1x128xi32, #tpu.memory_space<vmem>>
    %dma_start3A_1390 = tpu.memref_squeeze %dma_start3A_1389 : memref<1x1x128xi32, #tpu.memory_space<vmem>> -> memref<128xi32, #tpu.memory_space<vmem>>
    %dma_start3A_1391 = arith.constant 0 : i32
    %dma_start3A_1392 = arith.constant 0 : i32
    %dma_start3A_1393 = tpu.memref_slice %arg9[%dma_start3A_1391, %dma_start3A_1392] : memref<10240x16xf32, #tpu.memory_space<vmem_shared>> -> memref<10240x16xf32, #tpu.memory_space<vmem_shared>>
    tpu.enqueue_indirect_dma source(%dma_start3A_1387 : memref<128x16xf32, #tpu.memory_space<vmem>>) target(%dma_start3A_1393 : memref<10240x16xf32, #tpu.memory_space<vmem_shared>>) offsets(%dma_start3A_1390 : memref<128xi32, #tpu.memory_space<vmem>>) semaphore(%arg12 : memref<!tpu.dma_semaphore, #tpu.memory_space<semaphore_mem>>) {add = true}
    %dma_start3A_1394 = arith.constant 55 : i32
    %dma_start3A_1395 = arith.constant 0 : i32
    %dma_start3A_1396 = arith.constant 896 : i32
    %dma_start3A_1397 = arith.constant 0 : i32
    %dma_start3A_1398 = tpu.memref_slice %arg7[%dma_start3A_1396, %dma_start3A_1397] : memref<2048x16xf32, #tpu.memory_space<vmem>> -> memref<128x16xf32, #tpu.memory_space<vmem>>
    %dma_start3A_1399 = arith.constant 0 : i32
    %dma_start3A_1400 = tpu.memref_slice %arg5[%dma_start3A_1394, %dma_start3A_1395, %dma_start3A_1399] : memref<80x1x128xi32, #tpu.memory_space<vmem>> -> memref<1x1x128xi32, #tpu.memory_space<vmem>>
    %dma_start3A_1401 = tpu.memref_squeeze %dma_start3A_1400 : memref<1x1x128xi32, #tpu.memory_space<vmem>> -> memref<128xi32, #tpu.memory_space<vmem>>
    %dma_start3A_1402 = arith.constant 0 : i32
    %dma_start3A_1403 = arith.constant 0 : i32
    %dma_start3A_1404 = tpu.memref_slice %arg9[%dma_start3A_1402, %dma_start3A_1403] : memref<10240x16xf32, #tpu.memory_space<vmem_shared>> -> memref<10240x16xf32, #tpu.memory_space<vmem_shared>>
    tpu.enqueue_indirect_dma source(%dma_start3A_1398 : memref<128x16xf32, #tpu.memory_space<vmem>>) target(%dma_start3A_1404 : memref<10240x16xf32, #tpu.memory_space<vmem_shared>>) offsets(%dma_start3A_1401 : memref<128xi32, #tpu.memory_space<vmem>>) semaphore(%arg12 : memref<!tpu.dma_semaphore, #tpu.memory_space<semaphore_mem>>) {add = true}
    %dma_start3A_1405 = arith.constant 56 : i32
    %dma_start3A_1406 = arith.constant 0 : i32
    %dma_start3A_1407 = arith.constant 1024 : i32
    %dma_start3A_1408 = arith.constant 0 : i32
    %dma_start3A_1409 = tpu.memref_slice %arg7[%dma_start3A_1407, %dma_start3A_1408] : memref<2048x16xf32, #tpu.memory_space<vmem>> -> memref<128x16xf32, #tpu.memory_space<vmem>>
    %dma_start3A_1410 = arith.constant 0 : i32
    %dma_start3A_1411 = tpu.memref_slice %arg5[%dma_start3A_1405, %dma_start3A_1406, %dma_start3A_1410] : memref<80x1x128xi32, #tpu.memory_space<vmem>> -> memref<1x1x128xi32, #tpu.memory_space<vmem>>
    %dma_start3A_1412 = tpu.memref_squeeze %dma_start3A_1411 : memref<1x1x128xi32, #tpu.memory_space<vmem>> -> memref<128xi32, #tpu.memory_space<vmem>>
    %dma_start3A_1413 = arith.constant 0 : i32
    %dma_start3A_1414 = arith.constant 0 : i32
    %dma_start3A_1415 = tpu.memref_slice %arg9[%dma_start3A_1413, %dma_start3A_1414] : memref<10240x16xf32, #tpu.memory_space<vmem_shared>> -> memref<10240x16xf32, #tpu.memory_space<vmem_shared>>
    tpu.enqueue_indirect_dma source(%dma_start3A_1409 : memref<128x16xf32, #tpu.memory_space<vmem>>) target(%dma_start3A_1415 : memref<10240x16xf32, #tpu.memory_space<vmem_shared>>) offsets(%dma_start3A_1412 : memref<128xi32, #tpu.memory_space<vmem>>) semaphore(%arg12 : memref<!tpu.dma_semaphore, #tpu.memory_space<semaphore_mem>>) {add = true}
    %dma_start3A_1416 = arith.constant 57 : i32
    %dma_start3A_1417 = arith.constant 0 : i32
    %dma_start3A_1418 = arith.constant 1152 : i32
    %dma_start3A_1419 = arith.constant 0 : i32
    %dma_start3A_1420 = tpu.memref_slice %arg7[%dma_start3A_1418, %dma_start3A_1419] : memref<2048x16xf32, #tpu.memory_space<vmem>> -> memref<128x16xf32, #tpu.memory_space<vmem>>
    %dma_start3A_1421 = arith.constant 0 : i32
    %dma_start3A_1422 = tpu.memref_slice %arg5[%dma_start3A_1416, %dma_start3A_1417, %dma_start3A_1421] : memref<80x1x128xi32, #tpu.memory_space<vmem>> -> memref<1x1x128xi32, #tpu.memory_space<vmem>>
    %dma_start3A_1423 = tpu.memref_squeeze %dma_start3A_1422 : memref<1x1x128xi32, #tpu.memory_space<vmem>> -> memref<128xi32, #tpu.memory_space<vmem>>
    %dma_start3A_1424 = arith.constant 0 : i32
    %dma_start3A_1425 = arith.constant 0 : i32
    %dma_start3A_1426 = tpu.memref_slice %arg9[%dma_start3A_1424, %dma_start3A_1425] : memref<10240x16xf32, #tpu.memory_space<vmem_shared>> -> memref<10240x16xf32, #tpu.memory_space<vmem_shared>>
    tpu.enqueue_indirect_dma source(%dma_start3A_1420 : memref<128x16xf32, #tpu.memory_space<vmem>>) target(%dma_start3A_1426 : memref<10240x16xf32, #tpu.memory_space<vmem_shared>>) offsets(%dma_start3A_1423 : memref<128xi32, #tpu.memory_space<vmem>>) semaphore(%arg12 : memref<!tpu.dma_semaphore, #tpu.memory_space<semaphore_mem>>) {add = true}
    %dma_start3A_1427 = arith.constant 58 : i32
    %dma_start3A_1428 = arith.constant 0 : i32
    %dma_start3A_1429 = arith.constant 1280 : i32
    %dma_start3A_1430 = arith.constant 0 : i32
    %dma_start3A_1431 = tpu.memref_slice %arg7[%dma_start3A_1429, %dma_start3A_1430] : memref<2048x16xf32, #tpu.memory_space<vmem>> -> memref<128x16xf32, #tpu.memory_space<vmem>>
    %dma_start3A_1432 = arith.constant 0 : i32
    %dma_start3A_1433 = tpu.memref_slice %arg5[%dma_start3A_1427, %dma_start3A_1428, %dma_start3A_1432] : memref<80x1x128xi32, #tpu.memory_space<vmem>> -> memref<1x1x128xi32, #tpu.memory_space<vmem>>
    %dma_start3A_1434 = tpu.memref_squeeze %dma_start3A_1433 : memref<1x1x128xi32, #tpu.memory_space<vmem>> -> memref<128xi32, #tpu.memory_space<vmem>>
    %dma_start3A_1435 = arith.constant 0 : i32
    %dma_start3A_1436 = arith.constant 0 : i32
    %dma_start3A_1437 = tpu.memref_slice %arg9[%dma_start3A_1435, %dma_start3A_1436] : memref<10240x16xf32, #tpu.memory_space<vmem_shared>> -> memref<10240x16xf32, #tpu.memory_space<vmem_shared>>
    tpu.enqueue_indirect_dma source(%dma_start3A_1431 : memref<128x16xf32, #tpu.memory_space<vmem>>) target(%dma_start3A_1437 : memref<10240x16xf32, #tpu.memory_space<vmem_shared>>) offsets(%dma_start3A_1434 : memref<128xi32, #tpu.memory_space<vmem>>) semaphore(%arg12 : memref<!tpu.dma_semaphore, #tpu.memory_space<semaphore_mem>>) {add = true}
    %dma_start3A_1438 = arith.constant 59 : i32
    %dma_start3A_1439 = arith.constant 0 : i32
    %dma_start3A_1440 = arith.constant 1408 : i32
    %dma_start3A_1441 = arith.constant 0 : i32
    %dma_start3A_1442 = tpu.memref_slice %arg7[%dma_start3A_1440, %dma_start3A_1441] : memref<2048x16xf32, #tpu.memory_space<vmem>> -> memref<128x16xf32, #tpu.memory_space<vmem>>
    %dma_start3A_1443 = arith.constant 0 : i32
    %dma_start3A_1444 = tpu.memref_slice %arg5[%dma_start3A_1438, %dma_start3A_1439, %dma_start3A_1443] : memref<80x1x128xi32, #tpu.memory_space<vmem>> -> memref<1x1x128xi32, #tpu.memory_space<vmem>>
    %dma_start3A_1445 = tpu.memref_squeeze %dma_start3A_1444 : memref<1x1x128xi32, #tpu.memory_space<vmem>> -> memref<128xi32, #tpu.memory_space<vmem>>
    %dma_start3A_1446 = arith.constant 0 : i32
    %dma_start3A_1447 = arith.constant 0 : i32
    %dma_start3A_1448 = tpu.memref_slice %arg9[%dma_start3A_1446, %dma_start3A_1447] : memref<10240x16xf32, #tpu.memory_space<vmem_shared>> -> memref<10240x16xf32, #tpu.memory_space<vmem_shared>>
    tpu.enqueue_indirect_dma source(%dma_start3A_1442 : memref<128x16xf32, #tpu.memory_space<vmem>>) target(%dma_start3A_1448 : memref<10240x16xf32, #tpu.memory_space<vmem_shared>>) offsets(%dma_start3A_1445 : memref<128xi32, #tpu.memory_space<vmem>>) semaphore(%arg12 : memref<!tpu.dma_semaphore, #tpu.memory_space<semaphore_mem>>) {add = true}
    %dma_start3A_1449 = arith.constant 60 : i32
    %dma_start3A_1450 = arith.constant 0 : i32
    %dma_start3A_1451 = arith.constant 1536 : i32
    %dma_start3A_1452 = arith.constant 0 : i32
    %dma_start3A_1453 = tpu.memref_slice %arg7[%dma_start3A_1451, %dma_start3A_1452] : memref<2048x16xf32, #tpu.memory_space<vmem>> -> memref<128x16xf32, #tpu.memory_space<vmem>>
    %dma_start3A_1454 = arith.constant 0 : i32
    %dma_start3A_1455 = tpu.memref_slice %arg5[%dma_start3A_1449, %dma_start3A_1450, %dma_start3A_1454] : memref<80x1x128xi32, #tpu.memory_space<vmem>> -> memref<1x1x128xi32, #tpu.memory_space<vmem>>
    %dma_start3A_1456 = tpu.memref_squeeze %dma_start3A_1455 : memref<1x1x128xi32, #tpu.memory_space<vmem>> -> memref<128xi32, #tpu.memory_space<vmem>>
    %dma_start3A_1457 = arith.constant 0 : i32
    %dma_start3A_1458 = arith.constant 0 : i32
    %dma_start3A_1459 = tpu.memref_slice %arg9[%dma_start3A_1457, %dma_start3A_1458] : memref<10240x16xf32, #tpu.memory_space<vmem_shared>> -> memref<10240x16xf32, #tpu.memory_space<vmem_shared>>
    tpu.enqueue_indirect_dma source(%dma_start3A_1453 : memref<128x16xf32, #tpu.memory_space<vmem>>) target(%dma_start3A_1459 : memref<10240x16xf32, #tpu.memory_space<vmem_shared>>) offsets(%dma_start3A_1456 : memref<128xi32, #tpu.memory_space<vmem>>) semaphore(%arg12 : memref<!tpu.dma_semaphore, #tpu.memory_space<semaphore_mem>>) {add = true}
    %dma_start3A_1460 = arith.constant 61 : i32
    %dma_start3A_1461 = arith.constant 0 : i32
    %dma_start3A_1462 = arith.constant 1664 : i32
    %dma_start3A_1463 = arith.constant 0 : i32
    %dma_start3A_1464 = tpu.memref_slice %arg7[%dma_start3A_1462, %dma_start3A_1463] : memref<2048x16xf32, #tpu.memory_space<vmem>> -> memref<128x16xf32, #tpu.memory_space<vmem>>
    %dma_start3A_1465 = arith.constant 0 : i32
    %dma_start3A_1466 = tpu.memref_slice %arg5[%dma_start3A_1460, %dma_start3A_1461, %dma_start3A_1465] : memref<80x1x128xi32, #tpu.memory_space<vmem>> -> memref<1x1x128xi32, #tpu.memory_space<vmem>>
    %dma_start3A_1467 = tpu.memref_squeeze %dma_start3A_1466 : memref<1x1x128xi32, #tpu.memory_space<vmem>> -> memref<128xi32, #tpu.memory_space<vmem>>
    %dma_start3A_1468 = arith.constant 0 : i32
    %dma_start3A_1469 = arith.constant 0 : i32
    %dma_start3A_1470 = tpu.memref_slice %arg9[%dma_start3A_1468, %dma_start3A_1469] : memref<10240x16xf32, #tpu.memory_space<vmem_shared>> -> memref<10240x16xf32, #tpu.memory_space<vmem_shared>>
    tpu.enqueue_indirect_dma source(%dma_start3A_1464 : memref<128x16xf32, #tpu.memory_space<vmem>>) target(%dma_start3A_1470 : memref<10240x16xf32, #tpu.memory_space<vmem_shared>>) offsets(%dma_start3A_1467 : memref<128xi32, #tpu.memory_space<vmem>>) semaphore(%arg12 : memref<!tpu.dma_semaphore, #tpu.memory_space<semaphore_mem>>) {add = true}
    %dma_start3A_1471 = arith.constant 62 : i32
    %dma_start3A_1472 = arith.constant 0 : i32
    %dma_start3A_1473 = arith.constant 1792 : i32
    %dma_start3A_1474 = arith.constant 0 : i32
    %dma_start3A_1475 = tpu.memref_slice %arg7[%dma_start3A_1473, %dma_start3A_1474] : memref<2048x16xf32, #tpu.memory_space<vmem>> -> memref<128x16xf32, #tpu.memory_space<vmem>>
    %dma_start3A_1476 = arith.constant 0 : i32
    %dma_start3A_1477 = tpu.memref_slice %arg5[%dma_start3A_1471, %dma_start3A_1472, %dma_start3A_1476] : memref<80x1x128xi32, #tpu.memory_space<vmem>> -> memref<1x1x128xi32, #tpu.memory_space<vmem>>
    %dma_start3A_1478 = tpu.memref_squeeze %dma_start3A_1477 : memref<1x1x128xi32, #tpu.memory_space<vmem>> -> memref<128xi32, #tpu.memory_space<vmem>>
    %dma_start3A_1479 = arith.constant 0 : i32
    %dma_start3A_1480 = arith.constant 0 : i32
    %dma_start3A_1481 = tpu.memref_slice %arg9[%dma_start3A_1479, %dma_start3A_1480] : memref<10240x16xf32, #tpu.memory_space<vmem_shared>> -> memref<10240x16xf32, #tpu.memory_space<vmem_shared>>
    tpu.enqueue_indirect_dma source(%dma_start3A_1475 : memref<128x16xf32, #tpu.memory_space<vmem>>) target(%dma_start3A_1481 : memref<10240x16xf32, #tpu.memory_space<vmem_shared>>) offsets(%dma_start3A_1478 : memref<128xi32, #tpu.memory_space<vmem>>) semaphore(%arg12 : memref<!tpu.dma_semaphore, #tpu.memory_space<semaphore_mem>>) {add = true}
    %dma_start3A_1482 = arith.constant 63 : i32
    %dma_start3A_1483 = arith.constant 0 : i32
    %dma_start3A_1484 = arith.constant 1920 : i32
    %dma_start3A_1485 = arith.constant 0 : i32
    %dma_start3A_1486 = tpu.memref_slice %arg7[%dma_start3A_1484, %dma_start3A_1485] : memref<2048x16xf32, #tpu.memory_space<vmem>> -> memref<128x16xf32, #tpu.memory_space<vmem>>
    %dma_start3A_1487 = arith.constant 0 : i32
    %dma_start3A_1488 = tpu.memref_slice %arg5[%dma_start3A_1482, %dma_start3A_1483, %dma_start3A_1487] : memref<80x1x128xi32, #tpu.memory_space<vmem>> -> memref<1x1x128xi32, #tpu.memory_space<vmem>>
    %dma_start3A_1489 = tpu.memref_squeeze %dma_start3A_1488 : memref<1x1x128xi32, #tpu.memory_space<vmem>> -> memref<128xi32, #tpu.memory_space<vmem>>
    %dma_start3A_1490 = arith.constant 0 : i32
    %dma_start3A_1491 = arith.constant 0 : i32
    %dma_start3A_1492 = tpu.memref_slice %arg9[%dma_start3A_1490, %dma_start3A_1491] : memref<10240x16xf32, #tpu.memory_space<vmem_shared>> -> memref<10240x16xf32, #tpu.memory_space<vmem_shared>>
    tpu.enqueue_indirect_dma source(%dma_start3A_1486 : memref<128x16xf32, #tpu.memory_space<vmem>>) target(%dma_start3A_1492 : memref<10240x16xf32, #tpu.memory_space<vmem_shared>>) offsets(%dma_start3A_1489 : memref<128xi32, #tpu.memory_space<vmem>>) semaphore(%arg12 : memref<!tpu.dma_semaphore, #tpu.memory_space<semaphore_mem>>) {add = true}
    %dma_wait3A_1493 = arith.constant 0 : i32
    %dma_wait3A_1494 = arith.constant 0 : i32
    %dma_wait3A_1495 = tpu.memref_slice %arg6[%dma_wait3A_1493, %dma_wait3A_1494] : memref<2x32768xf32, #tpu.memory_space<vmem>> -> memref<1x16384xf32, #tpu.memory_space<vmem>>
    %dma_wait3A_1496 = tpu.memref_squeeze %dma_wait3A_1495 : memref<1x16384xf32, #tpu.memory_space<vmem>> -> memref<16384xf32, #tpu.memory_space<vmem>>
    %dma_wait3A_1497 = tpu.memref_slice %arg3[%mul3A_1090] : memref<5120000xf32, #tpu.memory_space<hbm>> -> memref<16384xf32, #tpu.memory_space<hbm>>
    %dma_wait3A_1498 = arith.constant 0 : i32
    %dma_wait3A_1499 = tpu.memref_slice %arg6[%dma_wait3A_1493, %dma_wait3A_1498] : memref<2x32768xf32, #tpu.memory_space<vmem>> -> memref<1x16384xf32, #tpu.memory_space<vmem>>
    %dma_wait3A_1500 = tpu.memref_squeeze %dma_wait3A_1499 : memref<1x16384xf32, #tpu.memory_space<vmem>> -> memref<16384xf32, #tpu.memory_space<vmem>>
    %dma_wait3A_1501 = tpu.memref_slice %arg3[%mul3A_1090] : memref<5120000xf32, #tpu.memory_space<hbm>> -> memref<16384xf32, #tpu.memory_space<hbm>>
    tpu.wait_dma2 semaphore(%arg10 : memref<!tpu.dma_semaphore, #tpu.memory_space<semaphore_mem>>) src(%dma_wait3A_1501 : memref<16384xf32, #tpu.memory_space<hbm>>) dst(%dma_wait3A_1500 : memref<16384xf32, #tpu.memory_space<vmem>>)
    %dma_wait3A_1502 = arith.constant 0 : i32
    %dma_wait3A_1503 = arith.constant 16384 : i32
    %dma_wait3A_1504 = tpu.memref_slice %arg6[%dma_wait3A_1502, %dma_wait3A_1503] : memref<2x32768xf32, #tpu.memory_space<vmem>> -> memref<1x16384xf32, #tpu.memory_space<vmem>>
    %dma_wait3A_1505 = tpu.memref_squeeze %dma_wait3A_1504 : memref<1x16384xf32, #tpu.memory_space<vmem>> -> memref<16384xf32, #tpu.memory_space<vmem>>
    %dma_wait3A_1506 = tpu.memref_slice %arg3[%add3A_1101] : memref<5120000xf32, #tpu.memory_space<hbm>> -> memref<16384xf32, #tpu.memory_space<hbm>>
    %dma_wait3A_1507 = arith.constant 16384 : i32
    %dma_wait3A_1508 = tpu.memref_slice %arg6[%dma_wait3A_1502, %dma_wait3A_1507] : memref<2x32768xf32, #tpu.memory_space<vmem>> -> memref<1x16384xf32, #tpu.memory_space<vmem>>
    %dma_wait3A_1509 = tpu.memref_squeeze %dma_wait3A_1508 : memref<1x16384xf32, #tpu.memory_space<vmem>> -> memref<16384xf32, #tpu.memory_space<vmem>>
    %dma_wait3A_1510 = tpu.memref_slice %arg3[%add3A_1101] : memref<5120000xf32, #tpu.memory_space<hbm>> -> memref<16384xf32, #tpu.memory_space<hbm>>
    tpu.wait_dma2 semaphore(%arg10 : memref<!tpu.dma_semaphore, #tpu.memory_space<semaphore_mem>>) src(%dma_wait3A_1510 : memref<16384xf32, #tpu.memory_space<hbm>>) dst(%dma_wait3A_1509 : memref<16384xf32, #tpu.memory_space<vmem>>)
    %dma_wait3A_1511 = arith.constant 48 : i32
    %dma_wait3A_1512 = arith.constant 0 : i32
    %dma_wait3A_1513 = arith.constant 0 : i32
    %dma_wait3A_1514 = arith.constant 0 : i32
    %dma_wait3A_1515 = tpu.memref_slice %arg7[%dma_wait3A_1513, %dma_wait3A_1514] : memref<2048x16xf32, #tpu.memory_space<vmem>> -> memref<128x16xf32, #tpu.memory_space<vmem>>
    %dma_wait3A_1516 = arith.constant 0 : i32
    %dma_wait3A_1517 = tpu.memref_slice %arg5[%dma_wait3A_1511, %dma_wait3A_1512, %dma_wait3A_1516] : memref<80x1x128xi32, #tpu.memory_space<vmem>> -> memref<1x1x128xi32, #tpu.memory_space<vmem>>
    %dma_wait3A_1518 = tpu.memref_squeeze %dma_wait3A_1517 : memref<1x1x128xi32, #tpu.memory_space<vmem>> -> memref<128xi32, #tpu.memory_space<vmem>>
    %dma_wait3A_1519 = arith.constant 0 : i32
    %dma_wait3A_1520 = arith.constant 0 : i32
    %dma_wait3A_1521 = tpu.memref_slice %arg9[%dma_wait3A_1519, %dma_wait3A_1520] : memref<10240x16xf32, #tpu.memory_space<vmem_shared>> -> memref<10240x16xf32, #tpu.memory_space<vmem_shared>>
    tpu.wait_indirect_dma semaphore(%arg12 : memref<!tpu.dma_semaphore, #tpu.memory_space<semaphore_mem>>) src(%dma_wait3A_1515 : memref<128x16xf32, #tpu.memory_space<vmem>>) dst(%dma_wait3A_1521 : memref<10240x16xf32, #tpu.memory_space<vmem_shared>>)
    %dma_wait3A_1522 = arith.constant 49 : i32
    %dma_wait3A_1523 = arith.constant 0 : i32
    %dma_wait3A_1524 = arith.constant 128 : i32
    %dma_wait3A_1525 = arith.constant 0 : i32
    %dma_wait3A_1526 = tpu.memref_slice %arg7[%dma_wait3A_1524, %dma_wait3A_1525] : memref<2048x16xf32, #tpu.memory_space<vmem>> -> memref<128x16xf32, #tpu.memory_space<vmem>>
    %dma_wait3A_1527 = arith.constant 0 : i32
    %dma_wait3A_1528 = tpu.memref_slice %arg5[%dma_wait3A_1522, %dma_wait3A_1523, %dma_wait3A_1527] : memref<80x1x128xi32, #tpu.memory_space<vmem>> -> memref<1x1x128xi32, #tpu.memory_space<vmem>>
    %dma_wait3A_1529 = tpu.memref_squeeze %dma_wait3A_1528 : memref<1x1x128xi32, #tpu.memory_space<vmem>> -> memref<128xi32, #tpu.memory_space<vmem>>
    %dma_wait3A_1530 = arith.constant 0 : i32
    %dma_wait3A_1531 = arith.constant 0 : i32
    %dma_wait3A_1532 = tpu.memref_slice %arg9[%dma_wait3A_1530, %dma_wait3A_1531] : memref<10240x16xf32, #tpu.memory_space<vmem_shared>> -> memref<10240x16xf32, #tpu.memory_space<vmem_shared>>
    tpu.wait_indirect_dma semaphore(%arg12 : memref<!tpu.dma_semaphore, #tpu.memory_space<semaphore_mem>>) src(%dma_wait3A_1526 : memref<128x16xf32, #tpu.memory_space<vmem>>) dst(%dma_wait3A_1532 : memref<10240x16xf32, #tpu.memory_space<vmem_shared>>)
    %dma_wait3A_1533 = arith.constant 50 : i32
    %dma_wait3A_1534 = arith.constant 0 : i32
    %dma_wait3A_1535 = arith.constant 256 : i32
    %dma_wait3A_1536 = arith.constant 0 : i32
    %dma_wait3A_1537 = tpu.memref_slice %arg7[%dma_wait3A_1535, %dma_wait3A_1536] : memref<2048x16xf32, #tpu.memory_space<vmem>> -> memref<128x16xf32, #tpu.memory_space<vmem>>
    %dma_wait3A_1538 = arith.constant 0 : i32
    %dma_wait3A_1539 = tpu.memref_slice %arg5[%dma_wait3A_1533, %dma_wait3A_1534, %dma_wait3A_1538] : memref<80x1x128xi32, #tpu.memory_space<vmem>> -> memref<1x1x128xi32, #tpu.memory_space<vmem>>
    %dma_wait3A_1540 = tpu.memref_squeeze %dma_wait3A_1539 : memref<1x1x128xi32, #tpu.memory_space<vmem>> -> memref<128xi32, #tpu.memory_space<vmem>>
    %dma_wait3A_1541 = arith.constant 0 : i32
    %dma_wait3A_1542 = arith.constant 0 : i32
    %dma_wait3A_1543 = tpu.memref_slice %arg9[%dma_wait3A_1541, %dma_wait3A_1542] : memref<10240x16xf32, #tpu.memory_space<vmem_shared>> -> memref<10240x16xf32, #tpu.memory_space<vmem_shared>>
    tpu.wait_indirect_dma semaphore(%arg12 : memref<!tpu.dma_semaphore, #tpu.memory_space<semaphore_mem>>) src(%dma_wait3A_1537 : memref<128x16xf32, #tpu.memory_space<vmem>>) dst(%dma_wait3A_1543 : memref<10240x16xf32, #tpu.memory_space<vmem_shared>>)
    %dma_wait3A_1544 = arith.constant 51 : i32
    %dma_wait3A_1545 = arith.constant 0 : i32
    %dma_wait3A_1546 = arith.constant 384 : i32
    %dma_wait3A_1547 = arith.constant 0 : i32
    %dma_wait3A_1548 = tpu.memref_slice %arg7[%dma_wait3A_1546, %dma_wait3A_1547] : memref<2048x16xf32, #tpu.memory_space<vmem>> -> memref<128x16xf32, #tpu.memory_space<vmem>>
    %dma_wait3A_1549 = arith.constant 0 : i32
    %dma_wait3A_1550 = tpu.memref_slice %arg5[%dma_wait3A_1544, %dma_wait3A_1545, %dma_wait3A_1549] : memref<80x1x128xi32, #tpu.memory_space<vmem>> -> memref<1x1x128xi32, #tpu.memory_space<vmem>>
    %dma_wait3A_1551 = tpu.memref_squeeze %dma_wait3A_1550 : memref<1x1x128xi32, #tpu.memory_space<vmem>> -> memref<128xi32, #tpu.memory_space<vmem>>
    %dma_wait3A_1552 = arith.constant 0 : i32
    %dma_wait3A_1553 = arith.constant 0 : i32
    %dma_wait3A_1554 = tpu.memref_slice %arg9[%dma_wait3A_1552, %dma_wait3A_1553] : memref<10240x16xf32, #tpu.memory_space<vmem_shared>> -> memref<10240x16xf32, #tpu.memory_space<vmem_shared>>
    tpu.wait_indirect_dma semaphore(%arg12 : memref<!tpu.dma_semaphore, #tpu.memory_space<semaphore_mem>>) src(%dma_wait3A_1548 : memref<128x16xf32, #tpu.memory_space<vmem>>) dst(%dma_wait3A_1554 : memref<10240x16xf32, #tpu.memory_space<vmem_shared>>)
    %dma_wait3A_1555 = arith.constant 52 : i32
    %dma_wait3A_1556 = arith.constant 0 : i32
    %dma_wait3A_1557 = arith.constant 512 : i32
    %dma_wait3A_1558 = arith.constant 0 : i32
    %dma_wait3A_1559 = tpu.memref_slice %arg7[%dma_wait3A_1557, %dma_wait3A_1558] : memref<2048x16xf32, #tpu.memory_space<vmem>> -> memref<128x16xf32, #tpu.memory_space<vmem>>
    %dma_wait3A_1560 = arith.constant 0 : i32
    %dma_wait3A_1561 = tpu.memref_slice %arg5[%dma_wait3A_1555, %dma_wait3A_1556, %dma_wait3A_1560] : memref<80x1x128xi32, #tpu.memory_space<vmem>> -> memref<1x1x128xi32, #tpu.memory_space<vmem>>
    %dma_wait3A_1562 = tpu.memref_squeeze %dma_wait3A_1561 : memref<1x1x128xi32, #tpu.memory_space<vmem>> -> memref<128xi32, #tpu.memory_space<vmem>>
    %dma_wait3A_1563 = arith.constant 0 : i32
    %dma_wait3A_1564 = arith.constant 0 : i32
    %dma_wait3A_1565 = tpu.memref_slice %arg9[%dma_wait3A_1563, %dma_wait3A_1564] : memref<10240x16xf32, #tpu.memory_space<vmem_shared>> -> memref<10240x16xf32, #tpu.memory_space<vmem_shared>>
    tpu.wait_indirect_dma semaphore(%arg12 : memref<!tpu.dma_semaphore, #tpu.memory_space<semaphore_mem>>) src(%dma_wait3A_1559 : memref<128x16xf32, #tpu.memory_space<vmem>>) dst(%dma_wait3A_1565 : memref<10240x16xf32, #tpu.memory_space<vmem_shared>>)
    %dma_wait3A_1566 = arith.constant 53 : i32
    %dma_wait3A_1567 = arith.constant 0 : i32
    %dma_wait3A_1568 = arith.constant 640 : i32
    %dma_wait3A_1569 = arith.constant 0 : i32
    %dma_wait3A_1570 = tpu.memref_slice %arg7[%dma_wait3A_1568, %dma_wait3A_1569] : memref<2048x16xf32, #tpu.memory_space<vmem>> -> memref<128x16xf32, #tpu.memory_space<vmem>>
    %dma_wait3A_1571 = arith.constant 0 : i32
    %dma_wait3A_1572 = tpu.memref_slice %arg5[%dma_wait3A_1566, %dma_wait3A_1567, %dma_wait3A_1571] : memref<80x1x128xi32, #tpu.memory_space<vmem>> -> memref<1x1x128xi32, #tpu.memory_space<vmem>>
    %dma_wait3A_1573 = tpu.memref_squeeze %dma_wait3A_1572 : memref<1x1x128xi32, #tpu.memory_space<vmem>> -> memref<128xi32, #tpu.memory_space<vmem>>
    %dma_wait3A_1574 = arith.constant 0 : i32
    %dma_wait3A_1575 = arith.constant 0 : i32
    %dma_wait3A_1576 = tpu.memref_slice %arg9[%dma_wait3A_1574, %dma_wait3A_1575] : memref<10240x16xf32, #tpu.memory_space<vmem_shared>> -> memref<10240x16xf32, #tpu.memory_space<vmem_shared>>
    tpu.wait_indirect_dma semaphore(%arg12 : memref<!tpu.dma_semaphore, #tpu.memory_space<semaphore_mem>>) src(%dma_wait3A_1570 : memref<128x16xf32, #tpu.memory_space<vmem>>) dst(%dma_wait3A_1576 : memref<10240x16xf32, #tpu.memory_space<vmem_shared>>)
    %dma_wait3A_1577 = arith.constant 54 : i32
    %dma_wait3A_1578 = arith.constant 0 : i32
    %dma_wait3A_1579 = arith.constant 768 : i32
    %dma_wait3A_1580 = arith.constant 0 : i32
    %dma_wait3A_1581 = tpu.memref_slice %arg7[%dma_wait3A_1579, %dma_wait3A_1580] : memref<2048x16xf32, #tpu.memory_space<vmem>> -> memref<128x16xf32, #tpu.memory_space<vmem>>
    %dma_wait3A_1582 = arith.constant 0 : i32
    %dma_wait3A_1583 = tpu.memref_slice %arg5[%dma_wait3A_1577, %dma_wait3A_1578, %dma_wait3A_1582] : memref<80x1x128xi32, #tpu.memory_space<vmem>> -> memref<1x1x128xi32, #tpu.memory_space<vmem>>
    %dma_wait3A_1584 = tpu.memref_squeeze %dma_wait3A_1583 : memref<1x1x128xi32, #tpu.memory_space<vmem>> -> memref<128xi32, #tpu.memory_space<vmem>>
    %dma_wait3A_1585 = arith.constant 0 : i32
    %dma_wait3A_1586 = arith.constant 0 : i32
    %dma_wait3A_1587 = tpu.memref_slice %arg9[%dma_wait3A_1585, %dma_wait3A_1586] : memref<10240x16xf32, #tpu.memory_space<vmem_shared>> -> memref<10240x16xf32, #tpu.memory_space<vmem_shared>>
    tpu.wait_indirect_dma semaphore(%arg12 : memref<!tpu.dma_semaphore, #tpu.memory_space<semaphore_mem>>) src(%dma_wait3A_1581 : memref<128x16xf32, #tpu.memory_space<vmem>>) dst(%dma_wait3A_1587 : memref<10240x16xf32, #tpu.memory_space<vmem_shared>>)
    %dma_wait3A_1588 = arith.constant 55 : i32
    %dma_wait3A_1589 = arith.constant 0 : i32
    %dma_wait3A_1590 = arith.constant 896 : i32
    %dma_wait3A_1591 = arith.constant 0 : i32
    %dma_wait3A_1592 = tpu.memref_slice %arg7[%dma_wait3A_1590, %dma_wait3A_1591] : memref<2048x16xf32, #tpu.memory_space<vmem>> -> memref<128x16xf32, #tpu.memory_space<vmem>>
    %dma_wait3A_1593 = arith.constant 0 : i32
    %dma_wait3A_1594 = tpu.memref_slice %arg5[%dma_wait3A_1588, %dma_wait3A_1589, %dma_wait3A_1593] : memref<80x1x128xi32, #tpu.memory_space<vmem>> -> memref<1x1x128xi32, #tpu.memory_space<vmem>>
    %dma_wait3A_1595 = tpu.memref_squeeze %dma_wait3A_1594 : memref<1x1x128xi32, #tpu.memory_space<vmem>> -> memref<128xi32, #tpu.memory_space<vmem>>
    %dma_wait3A_1596 = arith.constant 0 : i32
    %dma_wait3A_1597 = arith.constant 0 : i32
    %dma_wait3A_1598 = tpu.memref_slice %arg9[%dma_wait3A_1596, %dma_wait3A_1597] : memref<10240x16xf32, #tpu.memory_space<vmem_shared>> -> memref<10240x16xf32, #tpu.memory_space<vmem_shared>>
    tpu.wait_indirect_dma semaphore(%arg12 : memref<!tpu.dma_semaphore, #tpu.memory_space<semaphore_mem>>) src(%dma_wait3A_1592 : memref<128x16xf32, #tpu.memory_space<vmem>>) dst(%dma_wait3A_1598 : memref<10240x16xf32, #tpu.memory_space<vmem_shared>>)
    %dma_wait3A_1599 = arith.constant 56 : i32
    %dma_wait3A_1600 = arith.constant 0 : i32
    %dma_wait3A_1601 = arith.constant 1024 : i32
    %dma_wait3A_1602 = arith.constant 0 : i32
    %dma_wait3A_1603 = tpu.memref_slice %arg7[%dma_wait3A_1601, %dma_wait3A_1602] : memref<2048x16xf32, #tpu.memory_space<vmem>> -> memref<128x16xf32, #tpu.memory_space<vmem>>
    %dma_wait3A_1604 = arith.constant 0 : i32
    %dma_wait3A_1605 = tpu.memref_slice %arg5[%dma_wait3A_1599, %dma_wait3A_1600, %dma_wait3A_1604] : memref<80x1x128xi32, #tpu.memory_space<vmem>> -> memref<1x1x128xi32, #tpu.memory_space<vmem>>
    %dma_wait3A_1606 = tpu.memref_squeeze %dma_wait3A_1605 : memref<1x1x128xi32, #tpu.memory_space<vmem>> -> memref<128xi32, #tpu.memory_space<vmem>>
    %dma_wait3A_1607 = arith.constant 0 : i32
    %dma_wait3A_1608 = arith.constant 0 : i32
    %dma_wait3A_1609 = tpu.memref_slice %arg9[%dma_wait3A_1607, %dma_wait3A_1608] : memref<10240x16xf32, #tpu.memory_space<vmem_shared>> -> memref<10240x16xf32, #tpu.memory_space<vmem_shared>>
    tpu.wait_indirect_dma semaphore(%arg12 : memref<!tpu.dma_semaphore, #tpu.memory_space<semaphore_mem>>) src(%dma_wait3A_1603 : memref<128x16xf32, #tpu.memory_space<vmem>>) dst(%dma_wait3A_1609 : memref<10240x16xf32, #tpu.memory_space<vmem_shared>>)
    %dma_wait3A_1610 = arith.constant 57 : i32
    %dma_wait3A_1611 = arith.constant 0 : i32
    %dma_wait3A_1612 = arith.constant 1152 : i32
    %dma_wait3A_1613 = arith.constant 0 : i32
    %dma_wait3A_1614 = tpu.memref_slice %arg7[%dma_wait3A_1612, %dma_wait3A_1613] : memref<2048x16xf32, #tpu.memory_space<vmem>> -> memref<128x16xf32, #tpu.memory_space<vmem>>
    %dma_wait3A_1615 = arith.constant 0 : i32
    %dma_wait3A_1616 = tpu.memref_slice %arg5[%dma_wait3A_1610, %dma_wait3A_1611, %dma_wait3A_1615] : memref<80x1x128xi32, #tpu.memory_space<vmem>> -> memref<1x1x128xi32, #tpu.memory_space<vmem>>
    %dma_wait3A_1617 = tpu.memref_squeeze %dma_wait3A_1616 : memref<1x1x128xi32, #tpu.memory_space<vmem>> -> memref<128xi32, #tpu.memory_space<vmem>>
    %dma_wait3A_1618 = arith.constant 0 : i32
    %dma_wait3A_1619 = arith.constant 0 : i32
    %dma_wait3A_1620 = tpu.memref_slice %arg9[%dma_wait3A_1618, %dma_wait3A_1619] : memref<10240x16xf32, #tpu.memory_space<vmem_shared>> -> memref<10240x16xf32, #tpu.memory_space<vmem_shared>>
    tpu.wait_indirect_dma semaphore(%arg12 : memref<!tpu.dma_semaphore, #tpu.memory_space<semaphore_mem>>) src(%dma_wait3A_1614 : memref<128x16xf32, #tpu.memory_space<vmem>>) dst(%dma_wait3A_1620 : memref<10240x16xf32, #tpu.memory_space<vmem_shared>>)
    %dma_wait3A_1621 = arith.constant 58 : i32
    %dma_wait3A_1622 = arith.constant 0 : i32
    %dma_wait3A_1623 = arith.constant 1280 : i32
    %dma_wait3A_1624 = arith.constant 0 : i32
    %dma_wait3A_1625 = tpu.memref_slice %arg7[%dma_wait3A_1623, %dma_wait3A_1624] : memref<2048x16xf32, #tpu.memory_space<vmem>> -> memref<128x16xf32, #tpu.memory_space<vmem>>
    %dma_wait3A_1626 = arith.constant 0 : i32
    %dma_wait3A_1627 = tpu.memref_slice %arg5[%dma_wait3A_1621, %dma_wait3A_1622, %dma_wait3A_1626] : memref<80x1x128xi32, #tpu.memory_space<vmem>> -> memref<1x1x128xi32, #tpu.memory_space<vmem>>
    %dma_wait3A_1628 = tpu.memref_squeeze %dma_wait3A_1627 : memref<1x1x128xi32, #tpu.memory_space<vmem>> -> memref<128xi32, #tpu.memory_space<vmem>>
    %dma_wait3A_1629 = arith.constant 0 : i32
    %dma_wait3A_1630 = arith.constant 0 : i32
    %dma_wait3A_1631 = tpu.memref_slice %arg9[%dma_wait3A_1629, %dma_wait3A_1630] : memref<10240x16xf32, #tpu.memory_space<vmem_shared>> -> memref<10240x16xf32, #tpu.memory_space<vmem_shared>>
    tpu.wait_indirect_dma semaphore(%arg12 : memref<!tpu.dma_semaphore, #tpu.memory_space<semaphore_mem>>) src(%dma_wait3A_1625 : memref<128x16xf32, #tpu.memory_space<vmem>>) dst(%dma_wait3A_1631 : memref<10240x16xf32, #tpu.memory_space<vmem_shared>>)
    %dma_wait3A_1632 = arith.constant 59 : i32
    %dma_wait3A_1633 = arith.constant 0 : i32
    %dma_wait3A_1634 = arith.constant 1408 : i32
    %dma_wait3A_1635 = arith.constant 0 : i32
    %dma_wait3A_1636 = tpu.memref_slice %arg7[%dma_wait3A_1634, %dma_wait3A_1635] : memref<2048x16xf32, #tpu.memory_space<vmem>> -> memref<128x16xf32, #tpu.memory_space<vmem>>
    %dma_wait3A_1637 = arith.constant 0 : i32
    %dma_wait3A_1638 = tpu.memref_slice %arg5[%dma_wait3A_1632, %dma_wait3A_1633, %dma_wait3A_1637] : memref<80x1x128xi32, #tpu.memory_space<vmem>> -> memref<1x1x128xi32, #tpu.memory_space<vmem>>
    %dma_wait3A_1639 = tpu.memref_squeeze %dma_wait3A_1638 : memref<1x1x128xi32, #tpu.memory_space<vmem>> -> memref<128xi32, #tpu.memory_space<vmem>>
    %dma_wait3A_1640 = arith.constant 0 : i32
    %dma_wait3A_1641 = arith.constant 0 : i32
    %dma_wait3A_1642 = tpu.memref_slice %arg9[%dma_wait3A_1640, %dma_wait3A_1641] : memref<10240x16xf32, #tpu.memory_space<vmem_shared>> -> memref<10240x16xf32, #tpu.memory_space<vmem_shared>>
    tpu.wait_indirect_dma semaphore(%arg12 : memref<!tpu.dma_semaphore, #tpu.memory_space<semaphore_mem>>) src(%dma_wait3A_1636 : memref<128x16xf32, #tpu.memory_space<vmem>>) dst(%dma_wait3A_1642 : memref<10240x16xf32, #tpu.memory_space<vmem_shared>>)
    %dma_wait3A_1643 = arith.constant 60 : i32
    %dma_wait3A_1644 = arith.constant 0 : i32
    %dma_wait3A_1645 = arith.constant 1536 : i32
    %dma_wait3A_1646 = arith.constant 0 : i32
    %dma_wait3A_1647 = tpu.memref_slice %arg7[%dma_wait3A_1645, %dma_wait3A_1646] : memref<2048x16xf32, #tpu.memory_space<vmem>> -> memref<128x16xf32, #tpu.memory_space<vmem>>
    %dma_wait3A_1648 = arith.constant 0 : i32
    %dma_wait3A_1649 = tpu.memref_slice %arg5[%dma_wait3A_1643, %dma_wait3A_1644, %dma_wait3A_1648] : memref<80x1x128xi32, #tpu.memory_space<vmem>> -> memref<1x1x128xi32, #tpu.memory_space<vmem>>
    %dma_wait3A_1650 = tpu.memref_squeeze %dma_wait3A_1649 : memref<1x1x128xi32, #tpu.memory_space<vmem>> -> memref<128xi32, #tpu.memory_space<vmem>>
    %dma_wait3A_1651 = arith.constant 0 : i32
    %dma_wait3A_1652 = arith.constant 0 : i32
    %dma_wait3A_1653 = tpu.memref_slice %arg9[%dma_wait3A_1651, %dma_wait3A_1652] : memref<10240x16xf32, #tpu.memory_space<vmem_shared>> -> memref<10240x16xf32, #tpu.memory_space<vmem_shared>>
    tpu.wait_indirect_dma semaphore(%arg12 : memref<!tpu.dma_semaphore, #tpu.memory_space<semaphore_mem>>) src(%dma_wait3A_1647 : memref<128x16xf32, #tpu.memory_space<vmem>>) dst(%dma_wait3A_1653 : memref<10240x16xf32, #tpu.memory_space<vmem_shared>>)
    %dma_wait3A_1654 = arith.constant 61 : i32
    %dma_wait3A_1655 = arith.constant 0 : i32
    %dma_wait3A_1656 = arith.constant 1664 : i32
    %dma_wait3A_1657 = arith.constant 0 : i32
    %dma_wait3A_1658 = tpu.memref_slice %arg7[%dma_wait3A_1656, %dma_wait3A_1657] : memref<2048x16xf32, #tpu.memory_space<vmem>> -> memref<128x16xf32, #tpu.memory_space<vmem>>
    %dma_wait3A_1659 = arith.constant 0 : i32
    %dma_wait3A_1660 = tpu.memref_slice %arg5[%dma_wait3A_1654, %dma_wait3A_1655, %dma_wait3A_1659] : memref<80x1x128xi32, #tpu.memory_space<vmem>> -> memref<1x1x128xi32, #tpu.memory_space<vmem>>
    %dma_wait3A_1661 = tpu.memref_squeeze %dma_wait3A_1660 : memref<1x1x128xi32, #tpu.memory_space<vmem>> -> memref<128xi32, #tpu.memory_space<vmem>>
    %dma_wait3A_1662 = arith.constant 0 : i32
    %dma_wait3A_1663 = arith.constant 0 : i32
    %dma_wait3A_1664 = tpu.memref_slice %arg9[%dma_wait3A_1662, %dma_wait3A_1663] : memref<10240x16xf32, #tpu.memory_space<vmem_shared>> -> memref<10240x16xf32, #tpu.memory_space<vmem_shared>>
    tpu.wait_indirect_dma semaphore(%arg12 : memref<!tpu.dma_semaphore, #tpu.memory_space<semaphore_mem>>) src(%dma_wait3A_1658 : memref<128x16xf32, #tpu.memory_space<vmem>>) dst(%dma_wait3A_1664 : memref<10240x16xf32, #tpu.memory_space<vmem_shared>>)
    %dma_wait3A_1665 = arith.constant 62 : i32
    %dma_wait3A_1666 = arith.constant 0 : i32
    %dma_wait3A_1667 = arith.constant 1792 : i32
    %dma_wait3A_1668 = arith.constant 0 : i32
    %dma_wait3A_1669 = tpu.memref_slice %arg7[%dma_wait3A_1667, %dma_wait3A_1668] : memref<2048x16xf32, #tpu.memory_space<vmem>> -> memref<128x16xf32, #tpu.memory_space<vmem>>
    %dma_wait3A_1670 = arith.constant 0 : i32
    %dma_wait3A_1671 = tpu.memref_slice %arg5[%dma_wait3A_1665, %dma_wait3A_1666, %dma_wait3A_1670] : memref<80x1x128xi32, #tpu.memory_space<vmem>> -> memref<1x1x128xi32, #tpu.memory_space<vmem>>
    %dma_wait3A_1672 = tpu.memref_squeeze %dma_wait3A_1671 : memref<1x1x128xi32, #tpu.memory_space<vmem>> -> memref<128xi32, #tpu.memory_space<vmem>>
    %dma_wait3A_1673 = arith.constant 0 : i32
    %dma_wait3A_1674 = arith.constant 0 : i32
    %dma_wait3A_1675 = tpu.memref_slice %arg9[%dma_wait3A_1673, %dma_wait3A_1674] : memref<10240x16xf32, #tpu.memory_space<vmem_shared>> -> memref<10240x16xf32, #tpu.memory_space<vmem_shared>>
    tpu.wait_indirect_dma semaphore(%arg12 : memref<!tpu.dma_semaphore, #tpu.memory_space<semaphore_mem>>) src(%dma_wait3A_1669 : memref<128x16xf32, #tpu.memory_space<vmem>>) dst(%dma_wait3A_1675 : memref<10240x16xf32, #tpu.memory_space<vmem_shared>>)
    %dma_wait3A_1676 = arith.constant 63 : i32
    %dma_wait3A_1677 = arith.constant 0 : i32
    %dma_wait3A_1678 = arith.constant 1920 : i32
    %dma_wait3A_1679 = arith.constant 0 : i32
    %dma_wait3A_1680 = tpu.memref_slice %arg7[%dma_wait3A_1678, %dma_wait3A_1679] : memref<2048x16xf32, #tpu.memory_space<vmem>> -> memref<128x16xf32, #tpu.memory_space<vmem>>
    %dma_wait3A_1681 = arith.constant 0 : i32
    %dma_wait3A_1682 = tpu.memref_slice %arg5[%dma_wait3A_1676, %dma_wait3A_1677, %dma_wait3A_1681] : memref<80x1x128xi32, #tpu.memory_space<vmem>> -> memref<1x1x128xi32, #tpu.memory_space<vmem>>
    %dma_wait3A_1683 = tpu.memref_squeeze %dma_wait3A_1682 : memref<1x1x128xi32, #tpu.memory_space<vmem>> -> memref<128xi32, #tpu.memory_space<vmem>>
    %dma_wait3A_1684 = arith.constant 0 : i32
    %dma_wait3A_1685 = arith.constant 0 : i32
    %dma_wait3A_1686 = tpu.memref_slice %arg9[%dma_wait3A_1684, %dma_wait3A_1685] : memref<10240x16xf32, #tpu.memory_space<vmem_shared>> -> memref<10240x16xf32, #tpu.memory_space<vmem_shared>>
    tpu.wait_indirect_dma semaphore(%arg12 : memref<!tpu.dma_semaphore, #tpu.memory_space<semaphore_mem>>) src(%dma_wait3A_1680 : memref<128x16xf32, #tpu.memory_space<vmem>>) dst(%dma_wait3A_1686 : memref<10240x16xf32, #tpu.memory_space<vmem_shared>>)
    %broadcast_in_dim3A_1687 = arith.constant 16 : i32
    %broadcast_in_dim3A_1688 = vector.broadcast %broadcast_in_dim3A_1687 : i32 to vector<16xi32>
    %broadcast_in_dim3A_1689 = arith.constant 896 : i32
    %broadcast_in_dim3A_1690 = vector.broadcast %broadcast_in_dim3A_1689 : i32 to vector<16xi32>
    %scan3A_1691 = arith.constant 0 : i32
    %scan3A_1692 = arith.constant 0 : i32
    %scan3A_1693 = arith.constant 0 : i32
    %scan3A_1694 = arith.constant 16 : i32
    %scan3A_1695 = arith.addi %scan3A_1693, %scan3A_1694 : i32
    %scan3A_1696 = arith.constant 1 : i32
    %scan3A_1697 = scf.for %scan3A_1858 = %scan3A_1693 to %scan3A_1695 step %scan3A_1696 iter_args(%scan3A_1859 = %scan3A_1692) -> (i32)  : i32 {
      %add3A_1860 = vector.broadcast %scan3A_1858 : i32 to vector<16xi32>
      %add3A_1861 = arith.addi %iota3A, %add3A_1860 : vector<16xi32>
      %and3A = arith.constant 15 : i32
      %and3A_1862 = vector.broadcast %and3A : i32 to vector<16xi32>
      %and3A_1863 = arith.andi %add3A_1861, %and3A_1862 : vector<16xi32>
      %shift_right_arithmetic3A = arith.constant 3 : i32
      %shift_right_arithmetic3A_1864 = vector.broadcast %shift_right_arithmetic3A : i32 to vector<16xi32>
      %shift_right_arithmetic3A_1865 = arith.shrsi %and3A_1863, %shift_right_arithmetic3A_1864 : vector<16xi32>
      %mul3A_1866 = arith.constant 16384 : i32
      %mul3A_1867 = vector.broadcast %mul3A_1866 : i32 to vector<16xi32>
      %mul3A_1868 = arith.muli %shift_right_arithmetic3A_1865, %mul3A_1867 : vector<16xi32>
      %and3A_1869 = arith.constant 7 : i32
      %and3A_1870 = vector.broadcast %and3A_1869 : i32 to vector<16xi32>
      %and3A_1871 = arith.andi %and3A_1863, %and3A_1870 : vector<16xi32>
      %mul3A_1872 = arith.constant 128 : i32
      %mul3A_1873 = vector.broadcast %mul3A_1872 : i32 to vector<16xi32>
      %mul3A_1874 = arith.muli %and3A_1871, %mul3A_1873 : vector<16xi32>
      %add3A_1875 = arith.addi %mul3A_1868, %mul3A_1874 : vector<16xi32>
      %add3A_1876 = arith.addi %add3A_1875, %iota3A : vector<16xi32>
      %scan3A_1877 = arith.constant 0 : i32
      %scan3A_1878 = arith.constant 16 : i32
      %scan3A_1879 = arith.addi %scan3A_1877, %scan3A_1878 : i32
      %scan3A_1880 = arith.constant 1 : i32
      %scan3A_1881:2 = scf.for %scan3A_1884 = %scan3A_1877 to %scan3A_1879 step %scan3A_1880 iter_args(%scan3A_1885 = %add3A_1876, %scan3A_1886 = %iota3A) -> (vector<16xi32>, vector<16xi32>)  : i32 {
        %add3A_1887 = arith.constant 0 : i32
        %add3A_1888 = vector.broadcast %add3A_1887 : i32 to vector<16xi32>
        %add3A_1889 = arith.addi %scan3A_1885, %add3A_1888 : vector<16xi32>
        %gather3A = arith.constant 0 : i32
        %gather3A_1890 = tpu.memref_slice %arg6[%scan3A_1691, %gather3A] : memref<2x32768xf32, #tpu.memory_space<vmem>> -> memref<1x32768xf32, #tpu.memory_space<vmem>>
        %gather3A_1891 = tpu.memref_squeeze %gather3A_1890 : memref<1x32768xf32, #tpu.memory_space<vmem>> -> memref<32768xf32, #tpu.memory_space<vmem>>
        %gather3A_1892 = tpu.vector_load_idx %gather3A_1891[%add3A_1889] : memref<32768xf32, #tpu.memory_space<vmem>>[vector<16xi32>], vector<16xf32>,
        %add3A_1893 = arith.constant 16 : i32
        %add3A_1894 = vector.broadcast %add3A_1893 : i32 to vector<16xi32>
        %add3A_1895 = arith.addi %scan3A_1885, %add3A_1894 : vector<16xi32>
        %gather3A_1896 = arith.constant 0 : i32
        %gather3A_1897 = tpu.memref_slice %arg6[%scan3A_1691, %gather3A_1896] : memref<2x32768xf32, #tpu.memory_space<vmem>> -> memref<1x32768xf32, #tpu.memory_space<vmem>>
        %gather3A_1898 = tpu.memref_squeeze %gather3A_1897 : memref<1x32768xf32, #tpu.memory_space<vmem>> -> memref<32768xf32, #tpu.memory_space<vmem>>
        %gather3A_1899 = tpu.vector_load_idx %gather3A_1898[%add3A_1895] : memref<32768xf32, #tpu.memory_space<vmem>>[vector<16xi32>], vector<16xf32>,
        %add3A_1900 = arith.constant 32 : i32
        %add3A_1901 = vector.broadcast %add3A_1900 : i32 to vector<16xi32>
        %add3A_1902 = arith.addi %scan3A_1885, %add3A_1901 : vector<16xi32>
        %gather3A_1903 = arith.constant 0 : i32
        %gather3A_1904 = tpu.memref_slice %arg6[%scan3A_1691, %gather3A_1903] : memref<2x32768xf32, #tpu.memory_space<vmem>> -> memref<1x32768xf32, #tpu.memory_space<vmem>>
        %gather3A_1905 = tpu.memref_squeeze %gather3A_1904 : memref<1x32768xf32, #tpu.memory_space<vmem>> -> memref<32768xf32, #tpu.memory_space<vmem>>
        %gather3A_1906 = tpu.vector_load_idx %gather3A_1905[%add3A_1902] : memref<32768xf32, #tpu.memory_space<vmem>>[vector<16xi32>], vector<16xf32>,
        %add3A_1907 = arith.constant 48 : i32
        %add3A_1908 = vector.broadcast %add3A_1907 : i32 to vector<16xi32>
        %add3A_1909 = arith.addi %scan3A_1885, %add3A_1908 : vector<16xi32>
        %gather3A_1910 = arith.constant 0 : i32
        %gather3A_1911 = tpu.memref_slice %arg6[%scan3A_1691, %gather3A_1910] : memref<2x32768xf32, #tpu.memory_space<vmem>> -> memref<1x32768xf32, #tpu.memory_space<vmem>>
        %gather3A_1912 = tpu.memref_squeeze %gather3A_1911 : memref<1x32768xf32, #tpu.memory_space<vmem>> -> memref<32768xf32, #tpu.memory_space<vmem>>
        %gather3A_1913 = tpu.vector_load_idx %gather3A_1912[%add3A_1909] : memref<32768xf32, #tpu.memory_space<vmem>>[vector<16xi32>], vector<16xf32>,
        %add3A_1914 = arith.constant 64 : i32
        %add3A_1915 = vector.broadcast %add3A_1914 : i32 to vector<16xi32>
        %add3A_1916 = arith.addi %scan3A_1885, %add3A_1915 : vector<16xi32>
        %gather3A_1917 = arith.constant 0 : i32
        %gather3A_1918 = tpu.memref_slice %arg6[%scan3A_1691, %gather3A_1917] : memref<2x32768xf32, #tpu.memory_space<vmem>> -> memref<1x32768xf32, #tpu.memory_space<vmem>>
        %gather3A_1919 = tpu.memref_squeeze %gather3A_1918 : memref<1x32768xf32, #tpu.memory_space<vmem>> -> memref<32768xf32, #tpu.memory_space<vmem>>
        %gather3A_1920 = tpu.vector_load_idx %gather3A_1919[%add3A_1916] : memref<32768xf32, #tpu.memory_space<vmem>>[vector<16xi32>], vector<16xf32>,
        %add3A_1921 = arith.constant 80 : i32
        %add3A_1922 = vector.broadcast %add3A_1921 : i32 to vector<16xi32>
        %add3A_1923 = arith.addi %scan3A_1885, %add3A_1922 : vector<16xi32>
        %gather3A_1924 = arith.constant 0 : i32
        %gather3A_1925 = tpu.memref_slice %arg6[%scan3A_1691, %gather3A_1924] : memref<2x32768xf32, #tpu.memory_space<vmem>> -> memref<1x32768xf32, #tpu.memory_space<vmem>>
        %gather3A_1926 = tpu.memref_squeeze %gather3A_1925 : memref<1x32768xf32, #tpu.memory_space<vmem>> -> memref<32768xf32, #tpu.memory_space<vmem>>
        %gather3A_1927 = tpu.vector_load_idx %gather3A_1926[%add3A_1923] : memref<32768xf32, #tpu.memory_space<vmem>>[vector<16xi32>], vector<16xf32>,
        %add3A_1928 = arith.constant 96 : i32
        %add3A_1929 = vector.broadcast %add3A_1928 : i32 to vector<16xi32>
        %add3A_1930 = arith.addi %scan3A_1885, %add3A_1929 : vector<16xi32>
        %gather3A_1931 = arith.constant 0 : i32
        %gather3A_1932 = tpu.memref_slice %arg6[%scan3A_1691, %gather3A_1931] : memref<2x32768xf32, #tpu.memory_space<vmem>> -> memref<1x32768xf32, #tpu.memory_space<vmem>>
        %gather3A_1933 = tpu.memref_squeeze %gather3A_1932 : memref<1x32768xf32, #tpu.memory_space<vmem>> -> memref<32768xf32, #tpu.memory_space<vmem>>
        %gather3A_1934 = tpu.vector_load_idx %gather3A_1933[%add3A_1930] : memref<32768xf32, #tpu.memory_space<vmem>>[vector<16xi32>], vector<16xf32>,
        %add3A_1935 = arith.constant 112 : i32
        %add3A_1936 = vector.broadcast %add3A_1935 : i32 to vector<16xi32>
        %add3A_1937 = arith.addi %scan3A_1885, %add3A_1936 : vector<16xi32>
        %gather3A_1938 = arith.constant 0 : i32
        %gather3A_1939 = tpu.memref_slice %arg6[%scan3A_1691, %gather3A_1938] : memref<2x32768xf32, #tpu.memory_space<vmem>> -> memref<1x32768xf32, #tpu.memory_space<vmem>>
        %gather3A_1940 = tpu.memref_squeeze %gather3A_1939 : memref<1x32768xf32, #tpu.memory_space<vmem>> -> memref<32768xf32, #tpu.memory_space<vmem>>
        %gather3A_1941 = tpu.vector_load_idx %gather3A_1940[%add3A_1937] : memref<32768xf32, #tpu.memory_space<vmem>>[vector<16xi32>], vector<16xf32>,
        %add3A_1942 = arith.constant 0 : i32
        %add3A_1943 = vector.broadcast %add3A_1942 : i32 to vector<16xi32>
        %add3A_1944 = arith.addi %scan3A_1886, %add3A_1943 : vector<16xi32>
        tpu.vector_store_idx %arg7[%add3A_1944, %and3A_1863], %gather3A_1892 : memref<2048x16xf32, #tpu.memory_space<vmem>>[vector<16xi32>, vector<16xi32>], vector<16xf32>,
        %add3A_1945 = arith.constant 16 : i32
        %add3A_1946 = vector.broadcast %add3A_1945 : i32 to vector<16xi32>
        %add3A_1947 = arith.addi %scan3A_1886, %add3A_1946 : vector<16xi32>
        tpu.vector_store_idx %arg7[%add3A_1947, %and3A_1863], %gather3A_1899 : memref<2048x16xf32, #tpu.memory_space<vmem>>[vector<16xi32>, vector<16xi32>], vector<16xf32>,
        %add3A_1948 = arith.constant 32 : i32
        %add3A_1949 = vector.broadcast %add3A_1948 : i32 to vector<16xi32>
        %add3A_1950 = arith.addi %scan3A_1886, %add3A_1949 : vector<16xi32>
        tpu.vector_store_idx %arg7[%add3A_1950, %and3A_1863], %gather3A_1906 : memref<2048x16xf32, #tpu.memory_space<vmem>>[vector<16xi32>, vector<16xi32>], vector<16xf32>,
        %add3A_1951 = arith.constant 48 : i32
        %add3A_1952 = vector.broadcast %add3A_1951 : i32 to vector<16xi32>
        %add3A_1953 = arith.addi %scan3A_1886, %add3A_1952 : vector<16xi32>
        tpu.vector_store_idx %arg7[%add3A_1953, %and3A_1863], %gather3A_1913 : memref<2048x16xf32, #tpu.memory_space<vmem>>[vector<16xi32>, vector<16xi32>], vector<16xf32>,
        %add3A_1954 = arith.constant 64 : i32
        %add3A_1955 = vector.broadcast %add3A_1954 : i32 to vector<16xi32>
        %add3A_1956 = arith.addi %scan3A_1886, %add3A_1955 : vector<16xi32>
        tpu.vector_store_idx %arg7[%add3A_1956, %and3A_1863], %gather3A_1920 : memref<2048x16xf32, #tpu.memory_space<vmem>>[vector<16xi32>, vector<16xi32>], vector<16xf32>,
        %add3A_1957 = arith.constant 80 : i32
        %add3A_1958 = vector.broadcast %add3A_1957 : i32 to vector<16xi32>
        %add3A_1959 = arith.addi %scan3A_1886, %add3A_1958 : vector<16xi32>
        tpu.vector_store_idx %arg7[%add3A_1959, %and3A_1863], %gather3A_1927 : memref<2048x16xf32, #tpu.memory_space<vmem>>[vector<16xi32>, vector<16xi32>], vector<16xf32>,
        %add3A_1960 = arith.constant 96 : i32
        %add3A_1961 = vector.broadcast %add3A_1960 : i32 to vector<16xi32>
        %add3A_1962 = arith.addi %scan3A_1886, %add3A_1961 : vector<16xi32>
        tpu.vector_store_idx %arg7[%add3A_1962, %and3A_1863], %gather3A_1934 : memref<2048x16xf32, #tpu.memory_space<vmem>>[vector<16xi32>, vector<16xi32>], vector<16xf32>,
        %add3A_1963 = arith.constant 112 : i32
        %add3A_1964 = vector.broadcast %add3A_1963 : i32 to vector<16xi32>
        %add3A_1965 = arith.addi %scan3A_1886, %add3A_1964 : vector<16xi32>
        tpu.vector_store_idx %arg7[%add3A_1965, %and3A_1863], %gather3A_1941 : memref<2048x16xf32, #tpu.memory_space<vmem>>[vector<16xi32>, vector<16xi32>], vector<16xf32>,
        %add3A_1966 = arith.addi %scan3A_1885, %broadcast_in_dim3A_1690 : vector<16xi32>
        %mul3A_1967 = arith.constant 8 : i32
        %mul3A_1968 = vector.broadcast %mul3A_1967 : i32 to vector<16xi32>
        %mul3A_1969 = arith.muli %broadcast_in_dim3A_1688, %mul3A_1968 : vector<16xi32>
        %add3A_1970 = arith.addi %add3A_1966, %mul3A_1969 : vector<16xi32>
        %mul3A_1971 = arith.constant 8 : i32
        %mul3A_1972 = vector.broadcast %mul3A_1971 : i32 to vector<16xi32>
        %mul3A_1973 = arith.muli %broadcast_in_dim3A_1688, %mul3A_1972 : vector<16xi32>
        %add3A_1974 = arith.addi %scan3A_1886, %mul3A_1973 : vector<16xi32>
        scf.yield %add3A_1970, %add3A_1974 : vector<16xi32>, vector<16xi32>
      }
      %scan3A_1882 = arith.constant 16 : i32
      %scan3A_1883 = arith.constant 0 : i32
      scf.yield %scan3A_1883 : i32
    }
    %scan3A_1698 = arith.constant 16 : i32
    %gt3A = arith.constant 64 : i32
    %gt3A_1699 = arith.cmpi sgt, %add3A_4, %gt3A : i32
    %convert_element_type3A = arith.extui %gt3A_1699 : i1 to i32
    %cond3A = arith.constant 0 : i32
    %cond3A_1700 = arith.cmpi ne, %convert_element_type3A, %cond3A : i32
    scf.if %cond3A_1700 {
      %add3A_1858 = arith.constant 0 : i32
      %add3A_1859 = arith.addi %sub3A_44, %add3A_1858 : i32
      %mul3A_1860 = arith.constant 128 : i32
      %mul3A_1861 = arith.muli %add3A_1859, %mul3A_1860 : i32
      %add3A_1862 = arith.constant 64 : i32
      %add3A_1863 = arith.addi %add3A_1862, %sub3A_44 : i32
      %add3A_1864 = arith.constant 0 : i32
      %add3A_1865 = arith.addi %add3A_1863, %add3A_1864 : i32
      %dma_start3A_1866 = arith.constant 0 : i32
      %dma_start3A_1867 = arith.constant 0 : i32
      %dma_start3A_1868 = tpu.memref_slice %arg7[%mul3A_1861, %dma_start3A_1867] : memref<2048x16xf32, #tpu.memory_space<vmem>> -> memref<128x16xf32, #tpu.memory_space<vmem>>
      %dma_start3A_1869 = arith.constant 0 : i32
      %dma_start3A_1870 = tpu.memref_slice %arg5[%add3A_1865, %dma_start3A_1866, %dma_start3A_1869] : memref<80x1x128xi32, #tpu.memory_space<vmem>> -> memref<1x1x128xi32, #tpu.memory_space<vmem>>
      %dma_start3A_1871 = tpu.memref_squeeze %dma_start3A_1870 : memref<1x1x128xi32, #tpu.memory_space<vmem>> -> memref<128xi32, #tpu.memory_space<vmem>>
      %dma_start3A_1872 = arith.constant 0 : i32
      %dma_start3A_1873 = arith.constant 0 : i32
      %dma_start3A_1874 = tpu.memref_slice %arg9[%dma_start3A_1872, %dma_start3A_1873] : memref<10240x16xf32, #tpu.memory_space<vmem_shared>> -> memref<10240x16xf32, #tpu.memory_space<vmem_shared>>
      tpu.enqueue_indirect_dma source(%dma_start3A_1868 : memref<128x16xf32, #tpu.memory_space<vmem>>) target(%dma_start3A_1874 : memref<10240x16xf32, #tpu.memory_space<vmem_shared>>) offsets(%dma_start3A_1871 : memref<128xi32, #tpu.memory_space<vmem>>) semaphore(%arg12 : memref<!tpu.dma_semaphore, #tpu.memory_space<semaphore_mem>>) {add = true}
    } else {
    }
    %gt3A_1701 = arith.constant 65 : i32
    %gt3A_1702 = arith.cmpi sgt, %add3A_4, %gt3A_1701 : i32
    %convert_element_type3A_1703 = arith.extui %gt3A_1702 : i1 to i32
    %cond3A_1704 = arith.constant 0 : i32
    %cond3A_1705 = arith.cmpi ne, %convert_element_type3A_1703, %cond3A_1704 : i32
    scf.if %cond3A_1705 {
      %add3A_1858 = arith.constant 1 : i32
      %add3A_1859 = arith.addi %sub3A_44, %add3A_1858 : i32
      %mul3A_1860 = arith.constant 128 : i32
      %mul3A_1861 = arith.muli %add3A_1859, %mul3A_1860 : i32
      %add3A_1862 = arith.constant 64 : i32
      %add3A_1863 = arith.addi %add3A_1862, %sub3A_44 : i32
      %add3A_1864 = arith.constant 1 : i32
      %add3A_1865 = arith.addi %add3A_1863, %add3A_1864 : i32
      %dma_start3A_1866 = arith.constant 0 : i32
      %dma_start3A_1867 = arith.constant 0 : i32
      %dma_start3A_1868 = tpu.memref_slice %arg7[%mul3A_1861, %dma_start3A_1867] : memref<2048x16xf32, #tpu.memory_space<vmem>> -> memref<128x16xf32, #tpu.memory_space<vmem>>
      %dma_start3A_1869 = arith.constant 0 : i32
      %dma_start3A_1870 = tpu.memref_slice %arg5[%add3A_1865, %dma_start3A_1866, %dma_start3A_1869] : memref<80x1x128xi32, #tpu.memory_space<vmem>> -> memref<1x1x128xi32, #tpu.memory_space<vmem>>
      %dma_start3A_1871 = tpu.memref_squeeze %dma_start3A_1870 : memref<1x1x128xi32, #tpu.memory_space<vmem>> -> memref<128xi32, #tpu.memory_space<vmem>>
      %dma_start3A_1872 = arith.constant 0 : i32
      %dma_start3A_1873 = arith.constant 0 : i32
      %dma_start3A_1874 = tpu.memref_slice %arg9[%dma_start3A_1872, %dma_start3A_1873] : memref<10240x16xf32, #tpu.memory_space<vmem_shared>> -> memref<10240x16xf32, #tpu.memory_space<vmem_shared>>
      tpu.enqueue_indirect_dma source(%dma_start3A_1868 : memref<128x16xf32, #tpu.memory_space<vmem>>) target(%dma_start3A_1874 : memref<10240x16xf32, #tpu.memory_space<vmem_shared>>) offsets(%dma_start3A_1871 : memref<128xi32, #tpu.memory_space<vmem>>) semaphore(%arg12 : memref<!tpu.dma_semaphore, #tpu.memory_space<semaphore_mem>>) {add = true}
    } else {
    }
    %gt3A_1706 = arith.constant 66 : i32
    %gt3A_1707 = arith.cmpi sgt, %add3A_4, %gt3A_1706 : i32
    %convert_element_type3A_1708 = arith.extui %gt3A_1707 : i1 to i32
    %cond3A_1709 = arith.constant 0 : i32
    %cond3A_1710 = arith.cmpi ne, %convert_element_type3A_1708, %cond3A_1709 : i32
    scf.if %cond3A_1710 {
      %add3A_1858 = arith.constant 2 : i32
      %add3A_1859 = arith.addi %sub3A_44, %add3A_1858 : i32
      %mul3A_1860 = arith.constant 128 : i32
      %mul3A_1861 = arith.muli %add3A_1859, %mul3A_1860 : i32
      %add3A_1862 = arith.constant 64 : i32
      %add3A_1863 = arith.addi %add3A_1862, %sub3A_44 : i32
      %add3A_1864 = arith.constant 2 : i32
      %add3A_1865 = arith.addi %add3A_1863, %add3A_1864 : i32
      %dma_start3A_1866 = arith.constant 0 : i32
      %dma_start3A_1867 = arith.constant 0 : i32
      %dma_start3A_1868 = tpu.memref_slice %arg7[%mul3A_1861, %dma_start3A_1867] : memref<2048x16xf32, #tpu.memory_space<vmem>> -> memref<128x16xf32, #tpu.memory_space<vmem>>
      %dma_start3A_1869 = arith.constant 0 : i32
      %dma_start3A_1870 = tpu.memref_slice %arg5[%add3A_1865, %dma_start3A_1866, %dma_start3A_1869] : memref<80x1x128xi32, #tpu.memory_space<vmem>> -> memref<1x1x128xi32, #tpu.memory_space<vmem>>
      %dma_start3A_1871 = tpu.memref_squeeze %dma_start3A_1870 : memref<1x1x128xi32, #tpu.memory_space<vmem>> -> memref<128xi32, #tpu.memory_space<vmem>>
      %dma_start3A_1872 = arith.constant 0 : i32
      %dma_start3A_1873 = arith.constant 0 : i32
      %dma_start3A_1874 = tpu.memref_slice %arg9[%dma_start3A_1872, %dma_start3A_1873] : memref<10240x16xf32, #tpu.memory_space<vmem_shared>> -> memref<10240x16xf32, #tpu.memory_space<vmem_shared>>
      tpu.enqueue_indirect_dma source(%dma_start3A_1868 : memref<128x16xf32, #tpu.memory_space<vmem>>) target(%dma_start3A_1874 : memref<10240x16xf32, #tpu.memory_space<vmem_shared>>) offsets(%dma_start3A_1871 : memref<128xi32, #tpu.memory_space<vmem>>) semaphore(%arg12 : memref<!tpu.dma_semaphore, #tpu.memory_space<semaphore_mem>>) {add = true}
    } else {
    }
    %gt3A_1711 = arith.constant 67 : i32
    %gt3A_1712 = arith.cmpi sgt, %add3A_4, %gt3A_1711 : i32
    %convert_element_type3A_1713 = arith.extui %gt3A_1712 : i1 to i32
    %cond3A_1714 = arith.constant 0 : i32
    %cond3A_1715 = arith.cmpi ne, %convert_element_type3A_1713, %cond3A_1714 : i32
    scf.if %cond3A_1715 {
      %add3A_1858 = arith.constant 3 : i32
      %add3A_1859 = arith.addi %sub3A_44, %add3A_1858 : i32
      %mul3A_1860 = arith.constant 128 : i32
      %mul3A_1861 = arith.muli %add3A_1859, %mul3A_1860 : i32
      %add3A_1862 = arith.constant 64 : i32
      %add3A_1863 = arith.addi %add3A_1862, %sub3A_44 : i32
      %add3A_1864 = arith.constant 3 : i32
      %add3A_1865 = arith.addi %add3A_1863, %add3A_1864 : i32
      %dma_start3A_1866 = arith.constant 0 : i32
      %dma_start3A_1867 = arith.constant 0 : i32
      %dma_start3A_1868 = tpu.memref_slice %arg7[%mul3A_1861, %dma_start3A_1867] : memref<2048x16xf32, #tpu.memory_space<vmem>> -> memref<128x16xf32, #tpu.memory_space<vmem>>
      %dma_start3A_1869 = arith.constant 0 : i32
      %dma_start3A_1870 = tpu.memref_slice %arg5[%add3A_1865, %dma_start3A_1866, %dma_start3A_1869] : memref<80x1x128xi32, #tpu.memory_space<vmem>> -> memref<1x1x128xi32, #tpu.memory_space<vmem>>
      %dma_start3A_1871 = tpu.memref_squeeze %dma_start3A_1870 : memref<1x1x128xi32, #tpu.memory_space<vmem>> -> memref<128xi32, #tpu.memory_space<vmem>>
      %dma_start3A_1872 = arith.constant 0 : i32
      %dma_start3A_1873 = arith.constant 0 : i32
      %dma_start3A_1874 = tpu.memref_slice %arg9[%dma_start3A_1872, %dma_start3A_1873] : memref<10240x16xf32, #tpu.memory_space<vmem_shared>> -> memref<10240x16xf32, #tpu.memory_space<vmem_shared>>
      tpu.enqueue_indirect_dma source(%dma_start3A_1868 : memref<128x16xf32, #tpu.memory_space<vmem>>) target(%dma_start3A_1874 : memref<10240x16xf32, #tpu.memory_space<vmem_shared>>) offsets(%dma_start3A_1871 : memref<128xi32, #tpu.memory_space<vmem>>) semaphore(%arg12 : memref<!tpu.dma_semaphore, #tpu.memory_space<semaphore_mem>>) {add = true}
    } else {
    }
    %gt3A_1716 = arith.constant 68 : i32
    %gt3A_1717 = arith.cmpi sgt, %add3A_4, %gt3A_1716 : i32
    %convert_element_type3A_1718 = arith.extui %gt3A_1717 : i1 to i32
    %cond3A_1719 = arith.constant 0 : i32
    %cond3A_1720 = arith.cmpi ne, %convert_element_type3A_1718, %cond3A_1719 : i32
    scf.if %cond3A_1720 {
      %add3A_1858 = arith.constant 4 : i32
      %add3A_1859 = arith.addi %sub3A_44, %add3A_1858 : i32
      %mul3A_1860 = arith.constant 128 : i32
      %mul3A_1861 = arith.muli %add3A_1859, %mul3A_1860 : i32
      %add3A_1862 = arith.constant 64 : i32
      %add3A_1863 = arith.addi %add3A_1862, %sub3A_44 : i32
      %add3A_1864 = arith.constant 4 : i32
      %add3A_1865 = arith.addi %add3A_1863, %add3A_1864 : i32
      %dma_start3A_1866 = arith.constant 0 : i32
      %dma_start3A_1867 = arith.constant 0 : i32
      %dma_start3A_1868 = tpu.memref_slice %arg7[%mul3A_1861, %dma_start3A_1867] : memref<2048x16xf32, #tpu.memory_space<vmem>> -> memref<128x16xf32, #tpu.memory_space<vmem>>
      %dma_start3A_1869 = arith.constant 0 : i32
      %dma_start3A_1870 = tpu.memref_slice %arg5[%add3A_1865, %dma_start3A_1866, %dma_start3A_1869] : memref<80x1x128xi32, #tpu.memory_space<vmem>> -> memref<1x1x128xi32, #tpu.memory_space<vmem>>
      %dma_start3A_1871 = tpu.memref_squeeze %dma_start3A_1870 : memref<1x1x128xi32, #tpu.memory_space<vmem>> -> memref<128xi32, #tpu.memory_space<vmem>>
      %dma_start3A_1872 = arith.constant 0 : i32
      %dma_start3A_1873 = arith.constant 0 : i32
      %dma_start3A_1874 = tpu.memref_slice %arg9[%dma_start3A_1872, %dma_start3A_1873] : memref<10240x16xf32, #tpu.memory_space<vmem_shared>> -> memref<10240x16xf32, #tpu.memory_space<vmem_shared>>
      tpu.enqueue_indirect_dma source(%dma_start3A_1868 : memref<128x16xf32, #tpu.memory_space<vmem>>) target(%dma_start3A_1874 : memref<10240x16xf32, #tpu.memory_space<vmem_shared>>) offsets(%dma_start3A_1871 : memref<128xi32, #tpu.memory_space<vmem>>) semaphore(%arg12 : memref<!tpu.dma_semaphore, #tpu.memory_space<semaphore_mem>>) {add = true}
    } else {
    }
    %gt3A_1721 = arith.constant 69 : i32
    %gt3A_1722 = arith.cmpi sgt, %add3A_4, %gt3A_1721 : i32
    %convert_element_type3A_1723 = arith.extui %gt3A_1722 : i1 to i32
    %cond3A_1724 = arith.constant 0 : i32
    %cond3A_1725 = arith.cmpi ne, %convert_element_type3A_1723, %cond3A_1724 : i32
    scf.if %cond3A_1725 {
      %add3A_1858 = arith.constant 5 : i32
      %add3A_1859 = arith.addi %sub3A_44, %add3A_1858 : i32
      %mul3A_1860 = arith.constant 128 : i32
      %mul3A_1861 = arith.muli %add3A_1859, %mul3A_1860 : i32
      %add3A_1862 = arith.constant 64 : i32
      %add3A_1863 = arith.addi %add3A_1862, %sub3A_44 : i32
      %add3A_1864 = arith.constant 5 : i32
      %add3A_1865 = arith.addi %add3A_1863, %add3A_1864 : i32
      %dma_start3A_1866 = arith.constant 0 : i32
      %dma_start3A_1867 = arith.constant 0 : i32
      %dma_start3A_1868 = tpu.memref_slice %arg7[%mul3A_1861, %dma_start3A_1867] : memref<2048x16xf32, #tpu.memory_space<vmem>> -> memref<128x16xf32, #tpu.memory_space<vmem>>
      %dma_start3A_1869 = arith.constant 0 : i32
      %dma_start3A_1870 = tpu.memref_slice %arg5[%add3A_1865, %dma_start3A_1866, %dma_start3A_1869] : memref<80x1x128xi32, #tpu.memory_space<vmem>> -> memref<1x1x128xi32, #tpu.memory_space<vmem>>
      %dma_start3A_1871 = tpu.memref_squeeze %dma_start3A_1870 : memref<1x1x128xi32, #tpu.memory_space<vmem>> -> memref<128xi32, #tpu.memory_space<vmem>>
      %dma_start3A_1872 = arith.constant 0 : i32
      %dma_start3A_1873 = arith.constant 0 : i32
      %dma_start3A_1874 = tpu.memref_slice %arg9[%dma_start3A_1872, %dma_start3A_1873] : memref<10240x16xf32, #tpu.memory_space<vmem_shared>> -> memref<10240x16xf32, #tpu.memory_space<vmem_shared>>
      tpu.enqueue_indirect_dma source(%dma_start3A_1868 : memref<128x16xf32, #tpu.memory_space<vmem>>) target(%dma_start3A_1874 : memref<10240x16xf32, #tpu.memory_space<vmem_shared>>) offsets(%dma_start3A_1871 : memref<128xi32, #tpu.memory_space<vmem>>) semaphore(%arg12 : memref<!tpu.dma_semaphore, #tpu.memory_space<semaphore_mem>>) {add = true}
    } else {
    }
    %gt3A_1726 = arith.constant 70 : i32
    %gt3A_1727 = arith.cmpi sgt, %add3A_4, %gt3A_1726 : i32
    %convert_element_type3A_1728 = arith.extui %gt3A_1727 : i1 to i32
    %cond3A_1729 = arith.constant 0 : i32
    %cond3A_1730 = arith.cmpi ne, %convert_element_type3A_1728, %cond3A_1729 : i32
    scf.if %cond3A_1730 {
      %add3A_1858 = arith.constant 6 : i32
      %add3A_1859 = arith.addi %sub3A_44, %add3A_1858 : i32
      %mul3A_1860 = arith.constant 128 : i32
      %mul3A_1861 = arith.muli %add3A_1859, %mul3A_1860 : i32
      %add3A_1862 = arith.constant 64 : i32
      %add3A_1863 = arith.addi %add3A_1862, %sub3A_44 : i32
      %add3A_1864 = arith.constant 6 : i32
      %add3A_1865 = arith.addi %add3A_1863, %add3A_1864 : i32
      %dma_start3A_1866 = arith.constant 0 : i32
      %dma_start3A_1867 = arith.constant 0 : i32
      %dma_start3A_1868 = tpu.memref_slice %arg7[%mul3A_1861, %dma_start3A_1867] : memref<2048x16xf32, #tpu.memory_space<vmem>> -> memref<128x16xf32, #tpu.memory_space<vmem>>
      %dma_start3A_1869 = arith.constant 0 : i32
      %dma_start3A_1870 = tpu.memref_slice %arg5[%add3A_1865, %dma_start3A_1866, %dma_start3A_1869] : memref<80x1x128xi32, #tpu.memory_space<vmem>> -> memref<1x1x128xi32, #tpu.memory_space<vmem>>
      %dma_start3A_1871 = tpu.memref_squeeze %dma_start3A_1870 : memref<1x1x128xi32, #tpu.memory_space<vmem>> -> memref<128xi32, #tpu.memory_space<vmem>>
      %dma_start3A_1872 = arith.constant 0 : i32
      %dma_start3A_1873 = arith.constant 0 : i32
      %dma_start3A_1874 = tpu.memref_slice %arg9[%dma_start3A_1872, %dma_start3A_1873] : memref<10240x16xf32, #tpu.memory_space<vmem_shared>> -> memref<10240x16xf32, #tpu.memory_space<vmem_shared>>
      tpu.enqueue_indirect_dma source(%dma_start3A_1868 : memref<128x16xf32, #tpu.memory_space<vmem>>) target(%dma_start3A_1874 : memref<10240x16xf32, #tpu.memory_space<vmem_shared>>) offsets(%dma_start3A_1871 : memref<128xi32, #tpu.memory_space<vmem>>) semaphore(%arg12 : memref<!tpu.dma_semaphore, #tpu.memory_space<semaphore_mem>>) {add = true}
    } else {
    }
    %gt3A_1731 = arith.constant 71 : i32
    %gt3A_1732 = arith.cmpi sgt, %add3A_4, %gt3A_1731 : i32
    %convert_element_type3A_1733 = arith.extui %gt3A_1732 : i1 to i32
    %cond3A_1734 = arith.constant 0 : i32
    %cond3A_1735 = arith.cmpi ne, %convert_element_type3A_1733, %cond3A_1734 : i32
    scf.if %cond3A_1735 {
      %add3A_1858 = arith.constant 7 : i32
      %add3A_1859 = arith.addi %sub3A_44, %add3A_1858 : i32
      %mul3A_1860 = arith.constant 128 : i32
      %mul3A_1861 = arith.muli %add3A_1859, %mul3A_1860 : i32
      %add3A_1862 = arith.constant 64 : i32
      %add3A_1863 = arith.addi %add3A_1862, %sub3A_44 : i32
      %add3A_1864 = arith.constant 7 : i32
      %add3A_1865 = arith.addi %add3A_1863, %add3A_1864 : i32
      %dma_start3A_1866 = arith.constant 0 : i32
      %dma_start3A_1867 = arith.constant 0 : i32
      %dma_start3A_1868 = tpu.memref_slice %arg7[%mul3A_1861, %dma_start3A_1867] : memref<2048x16xf32, #tpu.memory_space<vmem>> -> memref<128x16xf32, #tpu.memory_space<vmem>>
      %dma_start3A_1869 = arith.constant 0 : i32
      %dma_start3A_1870 = tpu.memref_slice %arg5[%add3A_1865, %dma_start3A_1866, %dma_start3A_1869] : memref<80x1x128xi32, #tpu.memory_space<vmem>> -> memref<1x1x128xi32, #tpu.memory_space<vmem>>
      %dma_start3A_1871 = tpu.memref_squeeze %dma_start3A_1870 : memref<1x1x128xi32, #tpu.memory_space<vmem>> -> memref<128xi32, #tpu.memory_space<vmem>>
      %dma_start3A_1872 = arith.constant 0 : i32
      %dma_start3A_1873 = arith.constant 0 : i32
      %dma_start3A_1874 = tpu.memref_slice %arg9[%dma_start3A_1872, %dma_start3A_1873] : memref<10240x16xf32, #tpu.memory_space<vmem_shared>> -> memref<10240x16xf32, #tpu.memory_space<vmem_shared>>
      tpu.enqueue_indirect_dma source(%dma_start3A_1868 : memref<128x16xf32, #tpu.memory_space<vmem>>) target(%dma_start3A_1874 : memref<10240x16xf32, #tpu.memory_space<vmem_shared>>) offsets(%dma_start3A_1871 : memref<128xi32, #tpu.memory_space<vmem>>) semaphore(%arg12 : memref<!tpu.dma_semaphore, #tpu.memory_space<semaphore_mem>>) {add = true}
    } else {
    }
    %gt3A_1736 = arith.constant 72 : i32
    %gt3A_1737 = arith.cmpi sgt, %add3A_4, %gt3A_1736 : i32
    %convert_element_type3A_1738 = arith.extui %gt3A_1737 : i1 to i32
    %cond3A_1739 = arith.constant 0 : i32
    %cond3A_1740 = arith.cmpi ne, %convert_element_type3A_1738, %cond3A_1739 : i32
    scf.if %cond3A_1740 {
      %add3A_1858 = arith.constant 8 : i32
      %add3A_1859 = arith.addi %sub3A_44, %add3A_1858 : i32
      %mul3A_1860 = arith.constant 128 : i32
      %mul3A_1861 = arith.muli %add3A_1859, %mul3A_1860 : i32
      %add3A_1862 = arith.constant 64 : i32
      %add3A_1863 = arith.addi %add3A_1862, %sub3A_44 : i32
      %add3A_1864 = arith.constant 8 : i32
      %add3A_1865 = arith.addi %add3A_1863, %add3A_1864 : i32
      %dma_start3A_1866 = arith.constant 0 : i32
      %dma_start3A_1867 = arith.constant 0 : i32
      %dma_start3A_1868 = tpu.memref_slice %arg7[%mul3A_1861, %dma_start3A_1867] : memref<2048x16xf32, #tpu.memory_space<vmem>> -> memref<128x16xf32, #tpu.memory_space<vmem>>
      %dma_start3A_1869 = arith.constant 0 : i32
      %dma_start3A_1870 = tpu.memref_slice %arg5[%add3A_1865, %dma_start3A_1866, %dma_start3A_1869] : memref<80x1x128xi32, #tpu.memory_space<vmem>> -> memref<1x1x128xi32, #tpu.memory_space<vmem>>
      %dma_start3A_1871 = tpu.memref_squeeze %dma_start3A_1870 : memref<1x1x128xi32, #tpu.memory_space<vmem>> -> memref<128xi32, #tpu.memory_space<vmem>>
      %dma_start3A_1872 = arith.constant 0 : i32
      %dma_start3A_1873 = arith.constant 0 : i32
      %dma_start3A_1874 = tpu.memref_slice %arg9[%dma_start3A_1872, %dma_start3A_1873] : memref<10240x16xf32, #tpu.memory_space<vmem_shared>> -> memref<10240x16xf32, #tpu.memory_space<vmem_shared>>
      tpu.enqueue_indirect_dma source(%dma_start3A_1868 : memref<128x16xf32, #tpu.memory_space<vmem>>) target(%dma_start3A_1874 : memref<10240x16xf32, #tpu.memory_space<vmem_shared>>) offsets(%dma_start3A_1871 : memref<128xi32, #tpu.memory_space<vmem>>) semaphore(%arg12 : memref<!tpu.dma_semaphore, #tpu.memory_space<semaphore_mem>>) {add = true}
    } else {
    }
    %gt3A_1741 = arith.constant 73 : i32
    %gt3A_1742 = arith.cmpi sgt, %add3A_4, %gt3A_1741 : i32
    %convert_element_type3A_1743 = arith.extui %gt3A_1742 : i1 to i32
    %cond3A_1744 = arith.constant 0 : i32
    %cond3A_1745 = arith.cmpi ne, %convert_element_type3A_1743, %cond3A_1744 : i32
    scf.if %cond3A_1745 {
      %add3A_1858 = arith.constant 9 : i32
      %add3A_1859 = arith.addi %sub3A_44, %add3A_1858 : i32
      %mul3A_1860 = arith.constant 128 : i32
      %mul3A_1861 = arith.muli %add3A_1859, %mul3A_1860 : i32
      %add3A_1862 = arith.constant 64 : i32
      %add3A_1863 = arith.addi %add3A_1862, %sub3A_44 : i32
      %add3A_1864 = arith.constant 9 : i32
      %add3A_1865 = arith.addi %add3A_1863, %add3A_1864 : i32
      %dma_start3A_1866 = arith.constant 0 : i32
      %dma_start3A_1867 = arith.constant 0 : i32
      %dma_start3A_1868 = tpu.memref_slice %arg7[%mul3A_1861, %dma_start3A_1867] : memref<2048x16xf32, #tpu.memory_space<vmem>> -> memref<128x16xf32, #tpu.memory_space<vmem>>
      %dma_start3A_1869 = arith.constant 0 : i32
      %dma_start3A_1870 = tpu.memref_slice %arg5[%add3A_1865, %dma_start3A_1866, %dma_start3A_1869] : memref<80x1x128xi32, #tpu.memory_space<vmem>> -> memref<1x1x128xi32, #tpu.memory_space<vmem>>
      %dma_start3A_1871 = tpu.memref_squeeze %dma_start3A_1870 : memref<1x1x128xi32, #tpu.memory_space<vmem>> -> memref<128xi32, #tpu.memory_space<vmem>>
      %dma_start3A_1872 = arith.constant 0 : i32
      %dma_start3A_1873 = arith.constant 0 : i32
      %dma_start3A_1874 = tpu.memref_slice %arg9[%dma_start3A_1872, %dma_start3A_1873] : memref<10240x16xf32, #tpu.memory_space<vmem_shared>> -> memref<10240x16xf32, #tpu.memory_space<vmem_shared>>
      tpu.enqueue_indirect_dma source(%dma_start3A_1868 : memref<128x16xf32, #tpu.memory_space<vmem>>) target(%dma_start3A_1874 : memref<10240x16xf32, #tpu.memory_space<vmem_shared>>) offsets(%dma_start3A_1871 : memref<128xi32, #tpu.memory_space<vmem>>) semaphore(%arg12 : memref<!tpu.dma_semaphore, #tpu.memory_space<semaphore_mem>>) {add = true}
    } else {
    }
    %gt3A_1746 = arith.constant 74 : i32
    %gt3A_1747 = arith.cmpi sgt, %add3A_4, %gt3A_1746 : i32
    %convert_element_type3A_1748 = arith.extui %gt3A_1747 : i1 to i32
    %cond3A_1749 = arith.constant 0 : i32
    %cond3A_1750 = arith.cmpi ne, %convert_element_type3A_1748, %cond3A_1749 : i32
    scf.if %cond3A_1750 {
      %add3A_1858 = arith.constant 10 : i32
      %add3A_1859 = arith.addi %sub3A_44, %add3A_1858 : i32
      %mul3A_1860 = arith.constant 128 : i32
      %mul3A_1861 = arith.muli %add3A_1859, %mul3A_1860 : i32
      %add3A_1862 = arith.constant 64 : i32
      %add3A_1863 = arith.addi %add3A_1862, %sub3A_44 : i32
      %add3A_1864 = arith.constant 10 : i32
      %add3A_1865 = arith.addi %add3A_1863, %add3A_1864 : i32
      %dma_start3A_1866 = arith.constant 0 : i32
      %dma_start3A_1867 = arith.constant 0 : i32
      %dma_start3A_1868 = tpu.memref_slice %arg7[%mul3A_1861, %dma_start3A_1867] : memref<2048x16xf32, #tpu.memory_space<vmem>> -> memref<128x16xf32, #tpu.memory_space<vmem>>
      %dma_start3A_1869 = arith.constant 0 : i32
      %dma_start3A_1870 = tpu.memref_slice %arg5[%add3A_1865, %dma_start3A_1866, %dma_start3A_1869] : memref<80x1x128xi32, #tpu.memory_space<vmem>> -> memref<1x1x128xi32, #tpu.memory_space<vmem>>
      %dma_start3A_1871 = tpu.memref_squeeze %dma_start3A_1870 : memref<1x1x128xi32, #tpu.memory_space<vmem>> -> memref<128xi32, #tpu.memory_space<vmem>>
      %dma_start3A_1872 = arith.constant 0 : i32
      %dma_start3A_1873 = arith.constant 0 : i32
      %dma_start3A_1874 = tpu.memref_slice %arg9[%dma_start3A_1872, %dma_start3A_1873] : memref<10240x16xf32, #tpu.memory_space<vmem_shared>> -> memref<10240x16xf32, #tpu.memory_space<vmem_shared>>
      tpu.enqueue_indirect_dma source(%dma_start3A_1868 : memref<128x16xf32, #tpu.memory_space<vmem>>) target(%dma_start3A_1874 : memref<10240x16xf32, #tpu.memory_space<vmem_shared>>) offsets(%dma_start3A_1871 : memref<128xi32, #tpu.memory_space<vmem>>) semaphore(%arg12 : memref<!tpu.dma_semaphore, #tpu.memory_space<semaphore_mem>>) {add = true}
    } else {
    }
    %gt3A_1751 = arith.constant 75 : i32
    %gt3A_1752 = arith.cmpi sgt, %add3A_4, %gt3A_1751 : i32
    %convert_element_type3A_1753 = arith.extui %gt3A_1752 : i1 to i32
    %cond3A_1754 = arith.constant 0 : i32
    %cond3A_1755 = arith.cmpi ne, %convert_element_type3A_1753, %cond3A_1754 : i32
    scf.if %cond3A_1755 {
      %add3A_1858 = arith.constant 11 : i32
      %add3A_1859 = arith.addi %sub3A_44, %add3A_1858 : i32
      %mul3A_1860 = arith.constant 128 : i32
      %mul3A_1861 = arith.muli %add3A_1859, %mul3A_1860 : i32
      %add3A_1862 = arith.constant 64 : i32
      %add3A_1863 = arith.addi %add3A_1862, %sub3A_44 : i32
      %add3A_1864 = arith.constant 11 : i32
      %add3A_1865 = arith.addi %add3A_1863, %add3A_1864 : i32
      %dma_start3A_1866 = arith.constant 0 : i32
      %dma_start3A_1867 = arith.constant 0 : i32
      %dma_start3A_1868 = tpu.memref_slice %arg7[%mul3A_1861, %dma_start3A_1867] : memref<2048x16xf32, #tpu.memory_space<vmem>> -> memref<128x16xf32, #tpu.memory_space<vmem>>
      %dma_start3A_1869 = arith.constant 0 : i32
      %dma_start3A_1870 = tpu.memref_slice %arg5[%add3A_1865, %dma_start3A_1866, %dma_start3A_1869] : memref<80x1x128xi32, #tpu.memory_space<vmem>> -> memref<1x1x128xi32, #tpu.memory_space<vmem>>
      %dma_start3A_1871 = tpu.memref_squeeze %dma_start3A_1870 : memref<1x1x128xi32, #tpu.memory_space<vmem>> -> memref<128xi32, #tpu.memory_space<vmem>>
      %dma_start3A_1872 = arith.constant 0 : i32
      %dma_start3A_1873 = arith.constant 0 : i32
      %dma_start3A_1874 = tpu.memref_slice %arg9[%dma_start3A_1872, %dma_start3A_1873] : memref<10240x16xf32, #tpu.memory_space<vmem_shared>> -> memref<10240x16xf32, #tpu.memory_space<vmem_shared>>
      tpu.enqueue_indirect_dma source(%dma_start3A_1868 : memref<128x16xf32, #tpu.memory_space<vmem>>) target(%dma_start3A_1874 : memref<10240x16xf32, #tpu.memory_space<vmem_shared>>) offsets(%dma_start3A_1871 : memref<128xi32, #tpu.memory_space<vmem>>) semaphore(%arg12 : memref<!tpu.dma_semaphore, #tpu.memory_space<semaphore_mem>>) {add = true}
    } else {
    }
    %gt3A_1756 = arith.constant 76 : i32
    %gt3A_1757 = arith.cmpi sgt, %add3A_4, %gt3A_1756 : i32
    %convert_element_type3A_1758 = arith.extui %gt3A_1757 : i1 to i32
    %cond3A_1759 = arith.constant 0 : i32
    %cond3A_1760 = arith.cmpi ne, %convert_element_type3A_1758, %cond3A_1759 : i32
    scf.if %cond3A_1760 {
      %add3A_1858 = arith.constant 12 : i32
      %add3A_1859 = arith.addi %sub3A_44, %add3A_1858 : i32
      %mul3A_1860 = arith.constant 128 : i32
      %mul3A_1861 = arith.muli %add3A_1859, %mul3A_1860 : i32
      %add3A_1862 = arith.constant 64 : i32
      %add3A_1863 = arith.addi %add3A_1862, %sub3A_44 : i32
      %add3A_1864 = arith.constant 12 : i32
      %add3A_1865 = arith.addi %add3A_1863, %add3A_1864 : i32
      %dma_start3A_1866 = arith.constant 0 : i32
      %dma_start3A_1867 = arith.constant 0 : i32
      %dma_start3A_1868 = tpu.memref_slice %arg7[%mul3A_1861, %dma_start3A_1867] : memref<2048x16xf32, #tpu.memory_space<vmem>> -> memref<128x16xf32, #tpu.memory_space<vmem>>
      %dma_start3A_1869 = arith.constant 0 : i32
      %dma_start3A_1870 = tpu.memref_slice %arg5[%add3A_1865, %dma_start3A_1866, %dma_start3A_1869] : memref<80x1x128xi32, #tpu.memory_space<vmem>> -> memref<1x1x128xi32, #tpu.memory_space<vmem>>
      %dma_start3A_1871 = tpu.memref_squeeze %dma_start3A_1870 : memref<1x1x128xi32, #tpu.memory_space<vmem>> -> memref<128xi32, #tpu.memory_space<vmem>>
      %dma_start3A_1872 = arith.constant 0 : i32
      %dma_start3A_1873 = arith.constant 0 : i32
      %dma_start3A_1874 = tpu.memref_slice %arg9[%dma_start3A_1872, %dma_start3A_1873] : memref<10240x16xf32, #tpu.memory_space<vmem_shared>> -> memref<10240x16xf32, #tpu.memory_space<vmem_shared>>
      tpu.enqueue_indirect_dma source(%dma_start3A_1868 : memref<128x16xf32, #tpu.memory_space<vmem>>) target(%dma_start3A_1874 : memref<10240x16xf32, #tpu.memory_space<vmem_shared>>) offsets(%dma_start3A_1871 : memref<128xi32, #tpu.memory_space<vmem>>) semaphore(%arg12 : memref<!tpu.dma_semaphore, #tpu.memory_space<semaphore_mem>>) {add = true}
    } else {
    }
    %gt3A_1761 = arith.constant 77 : i32
    %gt3A_1762 = arith.cmpi sgt, %add3A_4, %gt3A_1761 : i32
    %convert_element_type3A_1763 = arith.extui %gt3A_1762 : i1 to i32
    %cond3A_1764 = arith.constant 0 : i32
    %cond3A_1765 = arith.cmpi ne, %convert_element_type3A_1763, %cond3A_1764 : i32
    scf.if %cond3A_1765 {
      %add3A_1858 = arith.constant 13 : i32
      %add3A_1859 = arith.addi %sub3A_44, %add3A_1858 : i32
      %mul3A_1860 = arith.constant 128 : i32
      %mul3A_1861 = arith.muli %add3A_1859, %mul3A_1860 : i32
      %add3A_1862 = arith.constant 64 : i32
      %add3A_1863 = arith.addi %add3A_1862, %sub3A_44 : i32
      %add3A_1864 = arith.constant 13 : i32
      %add3A_1865 = arith.addi %add3A_1863, %add3A_1864 : i32
      %dma_start3A_1866 = arith.constant 0 : i32
      %dma_start3A_1867 = arith.constant 0 : i32
      %dma_start3A_1868 = tpu.memref_slice %arg7[%mul3A_1861, %dma_start3A_1867] : memref<2048x16xf32, #tpu.memory_space<vmem>> -> memref<128x16xf32, #tpu.memory_space<vmem>>
      %dma_start3A_1869 = arith.constant 0 : i32
      %dma_start3A_1870 = tpu.memref_slice %arg5[%add3A_1865, %dma_start3A_1866, %dma_start3A_1869] : memref<80x1x128xi32, #tpu.memory_space<vmem>> -> memref<1x1x128xi32, #tpu.memory_space<vmem>>
      %dma_start3A_1871 = tpu.memref_squeeze %dma_start3A_1870 : memref<1x1x128xi32, #tpu.memory_space<vmem>> -> memref<128xi32, #tpu.memory_space<vmem>>
      %dma_start3A_1872 = arith.constant 0 : i32
      %dma_start3A_1873 = arith.constant 0 : i32
      %dma_start3A_1874 = tpu.memref_slice %arg9[%dma_start3A_1872, %dma_start3A_1873] : memref<10240x16xf32, #tpu.memory_space<vmem_shared>> -> memref<10240x16xf32, #tpu.memory_space<vmem_shared>>
      tpu.enqueue_indirect_dma source(%dma_start3A_1868 : memref<128x16xf32, #tpu.memory_space<vmem>>) target(%dma_start3A_1874 : memref<10240x16xf32, #tpu.memory_space<vmem_shared>>) offsets(%dma_start3A_1871 : memref<128xi32, #tpu.memory_space<vmem>>) semaphore(%arg12 : memref<!tpu.dma_semaphore, #tpu.memory_space<semaphore_mem>>) {add = true}
    } else {
    }
    %gt3A_1766 = arith.constant 78 : i32
    %gt3A_1767 = arith.cmpi sgt, %add3A_4, %gt3A_1766 : i32
    %convert_element_type3A_1768 = arith.extui %gt3A_1767 : i1 to i32
    %cond3A_1769 = arith.constant 0 : i32
    %cond3A_1770 = arith.cmpi ne, %convert_element_type3A_1768, %cond3A_1769 : i32
    scf.if %cond3A_1770 {
      %add3A_1858 = arith.constant 14 : i32
      %add3A_1859 = arith.addi %sub3A_44, %add3A_1858 : i32
      %mul3A_1860 = arith.constant 128 : i32
      %mul3A_1861 = arith.muli %add3A_1859, %mul3A_1860 : i32
      %add3A_1862 = arith.constant 64 : i32
      %add3A_1863 = arith.addi %add3A_1862, %sub3A_44 : i32
      %add3A_1864 = arith.constant 14 : i32
      %add3A_1865 = arith.addi %add3A_1863, %add3A_1864 : i32
      %dma_start3A_1866 = arith.constant 0 : i32
      %dma_start3A_1867 = arith.constant 0 : i32
      %dma_start3A_1868 = tpu.memref_slice %arg7[%mul3A_1861, %dma_start3A_1867] : memref<2048x16xf32, #tpu.memory_space<vmem>> -> memref<128x16xf32, #tpu.memory_space<vmem>>
      %dma_start3A_1869 = arith.constant 0 : i32
      %dma_start3A_1870 = tpu.memref_slice %arg5[%add3A_1865, %dma_start3A_1866, %dma_start3A_1869] : memref<80x1x128xi32, #tpu.memory_space<vmem>> -> memref<1x1x128xi32, #tpu.memory_space<vmem>>
      %dma_start3A_1871 = tpu.memref_squeeze %dma_start3A_1870 : memref<1x1x128xi32, #tpu.memory_space<vmem>> -> memref<128xi32, #tpu.memory_space<vmem>>
      %dma_start3A_1872 = arith.constant 0 : i32
      %dma_start3A_1873 = arith.constant 0 : i32
      %dma_start3A_1874 = tpu.memref_slice %arg9[%dma_start3A_1872, %dma_start3A_1873] : memref<10240x16xf32, #tpu.memory_space<vmem_shared>> -> memref<10240x16xf32, #tpu.memory_space<vmem_shared>>
      tpu.enqueue_indirect_dma source(%dma_start3A_1868 : memref<128x16xf32, #tpu.memory_space<vmem>>) target(%dma_start3A_1874 : memref<10240x16xf32, #tpu.memory_space<vmem_shared>>) offsets(%dma_start3A_1871 : memref<128xi32, #tpu.memory_space<vmem>>) semaphore(%arg12 : memref<!tpu.dma_semaphore, #tpu.memory_space<semaphore_mem>>) {add = true}
    } else {
    }
    %gt3A_1771 = arith.constant 64 : i32
    %gt3A_1772 = arith.cmpi sgt, %add3A_4, %gt3A_1771 : i32
    %convert_element_type3A_1773 = arith.extui %gt3A_1772 : i1 to i32
    %cond3A_1774 = arith.constant 0 : i32
    %cond3A_1775 = arith.cmpi ne, %convert_element_type3A_1773, %cond3A_1774 : i32
    scf.if %cond3A_1775 {
      %add3A_1858 = arith.constant 0 : i32
      %add3A_1859 = arith.addi %sub3A_44, %add3A_1858 : i32
      %mul3A_1860 = arith.constant 128 : i32
      %mul3A_1861 = arith.muli %add3A_1859, %mul3A_1860 : i32
      %add3A_1862 = arith.constant 64 : i32
      %add3A_1863 = arith.addi %add3A_1862, %sub3A_44 : i32
      %add3A_1864 = arith.constant 0 : i32
      %add3A_1865 = arith.addi %add3A_1863, %add3A_1864 : i32
      %dma_wait3A_1866 = arith.constant 0 : i32
      %dma_wait3A_1867 = arith.constant 0 : i32
      %dma_wait3A_1868 = tpu.memref_slice %arg7[%mul3A_1861, %dma_wait3A_1867] : memref<2048x16xf32, #tpu.memory_space<vmem>> -> memref<128x16xf32, #tpu.memory_space<vmem>>
      %dma_wait3A_1869 = arith.constant 0 : i32
      %dma_wait3A_1870 = tpu.memref_slice %arg5[%add3A_1865, %dma_wait3A_1866, %dma_wait3A_1869] : memref<80x1x128xi32, #tpu.memory_space<vmem>> -> memref<1x1x128xi32, #tpu.memory_space<vmem>>
      %dma_wait3A_1871 = tpu.memref_squeeze %dma_wait3A_1870 : memref<1x1x128xi32, #tpu.memory_space<vmem>> -> memref<128xi32, #tpu.memory_space<vmem>>
      %dma_wait3A_1872 = arith.constant 0 : i32
      %dma_wait3A_1873 = arith.constant 0 : i32
      %dma_wait3A_1874 = tpu.memref_slice %arg9[%dma_wait3A_1872, %dma_wait3A_1873] : memref<10240x16xf32, #tpu.memory_space<vmem_shared>> -> memref<10240x16xf32, #tpu.memory_space<vmem_shared>>
      tpu.wait_indirect_dma semaphore(%arg12 : memref<!tpu.dma_semaphore, #tpu.memory_space<semaphore_mem>>) src(%dma_wait3A_1868 : memref<128x16xf32, #tpu.memory_space<vmem>>) dst(%dma_wait3A_1874 : memref<10240x16xf32, #tpu.memory_space<vmem_shared>>)
    } else {
    }
    %gt3A_1776 = arith.constant 65 : i32
    %gt3A_1777 = arith.cmpi sgt, %add3A_4, %gt3A_1776 : i32
    %convert_element_type3A_1778 = arith.extui %gt3A_1777 : i1 to i32
    %cond3A_1779 = arith.constant 0 : i32
    %cond3A_1780 = arith.cmpi ne, %convert_element_type3A_1778, %cond3A_1779 : i32
    scf.if %cond3A_1780 {
      %add3A_1858 = arith.constant 1 : i32
      %add3A_1859 = arith.addi %sub3A_44, %add3A_1858 : i32
      %mul3A_1860 = arith.constant 128 : i32
      %mul3A_1861 = arith.muli %add3A_1859, %mul3A_1860 : i32
      %add3A_1862 = arith.constant 64 : i32
      %add3A_1863 = arith.addi %add3A_1862, %sub3A_44 : i32
      %add3A_1864 = arith.constant 1 : i32
      %add3A_1865 = arith.addi %add3A_1863, %add3A_1864 : i32
      %dma_wait3A_1866 = arith.constant 0 : i32
      %dma_wait3A_1867 = arith.constant 0 : i32
      %dma_wait3A_1868 = tpu.memref_slice %arg7[%mul3A_1861, %dma_wait3A_1867] : memref<2048x16xf32, #tpu.memory_space<vmem>> -> memref<128x16xf32, #tpu.memory_space<vmem>>
      %dma_wait3A_1869 = arith.constant 0 : i32
      %dma_wait3A_1870 = tpu.memref_slice %arg5[%add3A_1865, %dma_wait3A_1866, %dma_wait3A_1869] : memref<80x1x128xi32, #tpu.memory_space<vmem>> -> memref<1x1x128xi32, #tpu.memory_space<vmem>>
      %dma_wait3A_1871 = tpu.memref_squeeze %dma_wait3A_1870 : memref<1x1x128xi32, #tpu.memory_space<vmem>> -> memref<128xi32, #tpu.memory_space<vmem>>
      %dma_wait3A_1872 = arith.constant 0 : i32
      %dma_wait3A_1873 = arith.constant 0 : i32
      %dma_wait3A_1874 = tpu.memref_slice %arg9[%dma_wait3A_1872, %dma_wait3A_1873] : memref<10240x16xf32, #tpu.memory_space<vmem_shared>> -> memref<10240x16xf32, #tpu.memory_space<vmem_shared>>
      tpu.wait_indirect_dma semaphore(%arg12 : memref<!tpu.dma_semaphore, #tpu.memory_space<semaphore_mem>>) src(%dma_wait3A_1868 : memref<128x16xf32, #tpu.memory_space<vmem>>) dst(%dma_wait3A_1874 : memref<10240x16xf32, #tpu.memory_space<vmem_shared>>)
    } else {
    }
    %gt3A_1781 = arith.constant 66 : i32
    %gt3A_1782 = arith.cmpi sgt, %add3A_4, %gt3A_1781 : i32
    %convert_element_type3A_1783 = arith.extui %gt3A_1782 : i1 to i32
    %cond3A_1784 = arith.constant 0 : i32
    %cond3A_1785 = arith.cmpi ne, %convert_element_type3A_1783, %cond3A_1784 : i32
    scf.if %cond3A_1785 {
      %add3A_1858 = arith.constant 2 : i32
      %add3A_1859 = arith.addi %sub3A_44, %add3A_1858 : i32
      %mul3A_1860 = arith.constant 128 : i32
      %mul3A_1861 = arith.muli %add3A_1859, %mul3A_1860 : i32
      %add3A_1862 = arith.constant 64 : i32
      %add3A_1863 = arith.addi %add3A_1862, %sub3A_44 : i32
      %add3A_1864 = arith.constant 2 : i32
      %add3A_1865 = arith.addi %add3A_1863, %add3A_1864 : i32
      %dma_wait3A_1866 = arith.constant 0 : i32
      %dma_wait3A_1867 = arith.constant 0 : i32
      %dma_wait3A_1868 = tpu.memref_slice %arg7[%mul3A_1861, %dma_wait3A_1867] : memref<2048x16xf32, #tpu.memory_space<vmem>> -> memref<128x16xf32, #tpu.memory_space<vmem>>
      %dma_wait3A_1869 = arith.constant 0 : i32
      %dma_wait3A_1870 = tpu.memref_slice %arg5[%add3A_1865, %dma_wait3A_1866, %dma_wait3A_1869] : memref<80x1x128xi32, #tpu.memory_space<vmem>> -> memref<1x1x128xi32, #tpu.memory_space<vmem>>
      %dma_wait3A_1871 = tpu.memref_squeeze %dma_wait3A_1870 : memref<1x1x128xi32, #tpu.memory_space<vmem>> -> memref<128xi32, #tpu.memory_space<vmem>>
      %dma_wait3A_1872 = arith.constant 0 : i32
      %dma_wait3A_1873 = arith.constant 0 : i32
      %dma_wait3A_1874 = tpu.memref_slice %arg9[%dma_wait3A_1872, %dma_wait3A_1873] : memref<10240x16xf32, #tpu.memory_space<vmem_shared>> -> memref<10240x16xf32, #tpu.memory_space<vmem_shared>>
      tpu.wait_indirect_dma semaphore(%arg12 : memref<!tpu.dma_semaphore, #tpu.memory_space<semaphore_mem>>) src(%dma_wait3A_1868 : memref<128x16xf32, #tpu.memory_space<vmem>>) dst(%dma_wait3A_1874 : memref<10240x16xf32, #tpu.memory_space<vmem_shared>>)
    } else {
    }
    %gt3A_1786 = arith.constant 67 : i32
    %gt3A_1787 = arith.cmpi sgt, %add3A_4, %gt3A_1786 : i32
    %convert_element_type3A_1788 = arith.extui %gt3A_1787 : i1 to i32
    %cond3A_1789 = arith.constant 0 : i32
    %cond3A_1790 = arith.cmpi ne, %convert_element_type3A_1788, %cond3A_1789 : i32
    scf.if %cond3A_1790 {
      %add3A_1858 = arith.constant 3 : i32
      %add3A_1859 = arith.addi %sub3A_44, %add3A_1858 : i32
      %mul3A_1860 = arith.constant 128 : i32
      %mul3A_1861 = arith.muli %add3A_1859, %mul3A_1860 : i32
      %add3A_1862 = arith.constant 64 : i32
      %add3A_1863 = arith.addi %add3A_1862, %sub3A_44 : i32
      %add3A_1864 = arith.constant 3 : i32
      %add3A_1865 = arith.addi %add3A_1863, %add3A_1864 : i32
      %dma_wait3A_1866 = arith.constant 0 : i32
      %dma_wait3A_1867 = arith.constant 0 : i32
      %dma_wait3A_1868 = tpu.memref_slice %arg7[%mul3A_1861, %dma_wait3A_1867] : memref<2048x16xf32, #tpu.memory_space<vmem>> -> memref<128x16xf32, #tpu.memory_space<vmem>>
      %dma_wait3A_1869 = arith.constant 0 : i32
      %dma_wait3A_1870 = tpu.memref_slice %arg5[%add3A_1865, %dma_wait3A_1866, %dma_wait3A_1869] : memref<80x1x128xi32, #tpu.memory_space<vmem>> -> memref<1x1x128xi32, #tpu.memory_space<vmem>>
      %dma_wait3A_1871 = tpu.memref_squeeze %dma_wait3A_1870 : memref<1x1x128xi32, #tpu.memory_space<vmem>> -> memref<128xi32, #tpu.memory_space<vmem>>
      %dma_wait3A_1872 = arith.constant 0 : i32
      %dma_wait3A_1873 = arith.constant 0 : i32
      %dma_wait3A_1874 = tpu.memref_slice %arg9[%dma_wait3A_1872, %dma_wait3A_1873] : memref<10240x16xf32, #tpu.memory_space<vmem_shared>> -> memref<10240x16xf32, #tpu.memory_space<vmem_shared>>
      tpu.wait_indirect_dma semaphore(%arg12 : memref<!tpu.dma_semaphore, #tpu.memory_space<semaphore_mem>>) src(%dma_wait3A_1868 : memref<128x16xf32, #tpu.memory_space<vmem>>) dst(%dma_wait3A_1874 : memref<10240x16xf32, #tpu.memory_space<vmem_shared>>)
    } else {
    }
    %gt3A_1791 = arith.constant 68 : i32
    %gt3A_1792 = arith.cmpi sgt, %add3A_4, %gt3A_1791 : i32
    %convert_element_type3A_1793 = arith.extui %gt3A_1792 : i1 to i32
    %cond3A_1794 = arith.constant 0 : i32
    %cond3A_1795 = arith.cmpi ne, %convert_element_type3A_1793, %cond3A_1794 : i32
    scf.if %cond3A_1795 {
      %add3A_1858 = arith.constant 4 : i32
      %add3A_1859 = arith.addi %sub3A_44, %add3A_1858 : i32
      %mul3A_1860 = arith.constant 128 : i32
      %mul3A_1861 = arith.muli %add3A_1859, %mul3A_1860 : i32
      %add3A_1862 = arith.constant 64 : i32
      %add3A_1863 = arith.addi %add3A_1862, %sub3A_44 : i32
      %add3A_1864 = arith.constant 4 : i32
      %add3A_1865 = arith.addi %add3A_1863, %add3A_1864 : i32
      %dma_wait3A_1866 = arith.constant 0 : i32
      %dma_wait3A_1867 = arith.constant 0 : i32
      %dma_wait3A_1868 = tpu.memref_slice %arg7[%mul3A_1861, %dma_wait3A_1867] : memref<2048x16xf32, #tpu.memory_space<vmem>> -> memref<128x16xf32, #tpu.memory_space<vmem>>
      %dma_wait3A_1869 = arith.constant 0 : i32
      %dma_wait3A_1870 = tpu.memref_slice %arg5[%add3A_1865, %dma_wait3A_1866, %dma_wait3A_1869] : memref<80x1x128xi32, #tpu.memory_space<vmem>> -> memref<1x1x128xi32, #tpu.memory_space<vmem>>
      %dma_wait3A_1871 = tpu.memref_squeeze %dma_wait3A_1870 : memref<1x1x128xi32, #tpu.memory_space<vmem>> -> memref<128xi32, #tpu.memory_space<vmem>>
      %dma_wait3A_1872 = arith.constant 0 : i32
      %dma_wait3A_1873 = arith.constant 0 : i32
      %dma_wait3A_1874 = tpu.memref_slice %arg9[%dma_wait3A_1872, %dma_wait3A_1873] : memref<10240x16xf32, #tpu.memory_space<vmem_shared>> -> memref<10240x16xf32, #tpu.memory_space<vmem_shared>>
      tpu.wait_indirect_dma semaphore(%arg12 : memref<!tpu.dma_semaphore, #tpu.memory_space<semaphore_mem>>) src(%dma_wait3A_1868 : memref<128x16xf32, #tpu.memory_space<vmem>>) dst(%dma_wait3A_1874 : memref<10240x16xf32, #tpu.memory_space<vmem_shared>>)
    } else {
    }
    %gt3A_1796 = arith.constant 69 : i32
    %gt3A_1797 = arith.cmpi sgt, %add3A_4, %gt3A_1796 : i32
    %convert_element_type3A_1798 = arith.extui %gt3A_1797 : i1 to i32
    %cond3A_1799 = arith.constant 0 : i32
    %cond3A_1800 = arith.cmpi ne, %convert_element_type3A_1798, %cond3A_1799 : i32
    scf.if %cond3A_1800 {
      %add3A_1858 = arith.constant 5 : i32
      %add3A_1859 = arith.addi %sub3A_44, %add3A_1858 : i32
      %mul3A_1860 = arith.constant 128 : i32
      %mul3A_1861 = arith.muli %add3A_1859, %mul3A_1860 : i32
      %add3A_1862 = arith.constant 64 : i32
      %add3A_1863 = arith.addi %add3A_1862, %sub3A_44 : i32
      %add3A_1864 = arith.constant 5 : i32
      %add3A_1865 = arith.addi %add3A_1863, %add3A_1864 : i32
      %dma_wait3A_1866 = arith.constant 0 : i32
      %dma_wait3A_1867 = arith.constant 0 : i32
      %dma_wait3A_1868 = tpu.memref_slice %arg7[%mul3A_1861, %dma_wait3A_1867] : memref<2048x16xf32, #tpu.memory_space<vmem>> -> memref<128x16xf32, #tpu.memory_space<vmem>>
      %dma_wait3A_1869 = arith.constant 0 : i32
      %dma_wait3A_1870 = tpu.memref_slice %arg5[%add3A_1865, %dma_wait3A_1866, %dma_wait3A_1869] : memref<80x1x128xi32, #tpu.memory_space<vmem>> -> memref<1x1x128xi32, #tpu.memory_space<vmem>>
      %dma_wait3A_1871 = tpu.memref_squeeze %dma_wait3A_1870 : memref<1x1x128xi32, #tpu.memory_space<vmem>> -> memref<128xi32, #tpu.memory_space<vmem>>
      %dma_wait3A_1872 = arith.constant 0 : i32
      %dma_wait3A_1873 = arith.constant 0 : i32
      %dma_wait3A_1874 = tpu.memref_slice %arg9[%dma_wait3A_1872, %dma_wait3A_1873] : memref<10240x16xf32, #tpu.memory_space<vmem_shared>> -> memref<10240x16xf32, #tpu.memory_space<vmem_shared>>
      tpu.wait_indirect_dma semaphore(%arg12 : memref<!tpu.dma_semaphore, #tpu.memory_space<semaphore_mem>>) src(%dma_wait3A_1868 : memref<128x16xf32, #tpu.memory_space<vmem>>) dst(%dma_wait3A_1874 : memref<10240x16xf32, #tpu.memory_space<vmem_shared>>)
    } else {
    }
    %gt3A_1801 = arith.constant 70 : i32
    %gt3A_1802 = arith.cmpi sgt, %add3A_4, %gt3A_1801 : i32
    %convert_element_type3A_1803 = arith.extui %gt3A_1802 : i1 to i32
    %cond3A_1804 = arith.constant 0 : i32
    %cond3A_1805 = arith.cmpi ne, %convert_element_type3A_1803, %cond3A_1804 : i32
    scf.if %cond3A_1805 {
      %add3A_1858 = arith.constant 6 : i32
      %add3A_1859 = arith.addi %sub3A_44, %add3A_1858 : i32
      %mul3A_1860 = arith.constant 128 : i32
      %mul3A_1861 = arith.muli %add3A_1859, %mul3A_1860 : i32
      %add3A_1862 = arith.constant 64 : i32
      %add3A_1863 = arith.addi %add3A_1862, %sub3A_44 : i32
      %add3A_1864 = arith.constant 6 : i32
      %add3A_1865 = arith.addi %add3A_1863, %add3A_1864 : i32
      %dma_wait3A_1866 = arith.constant 0 : i32
      %dma_wait3A_1867 = arith.constant 0 : i32
      %dma_wait3A_1868 = tpu.memref_slice %arg7[%mul3A_1861, %dma_wait3A_1867] : memref<2048x16xf32, #tpu.memory_space<vmem>> -> memref<128x16xf32, #tpu.memory_space<vmem>>
      %dma_wait3A_1869 = arith.constant 0 : i32
      %dma_wait3A_1870 = tpu.memref_slice %arg5[%add3A_1865, %dma_wait3A_1866, %dma_wait3A_1869] : memref<80x1x128xi32, #tpu.memory_space<vmem>> -> memref<1x1x128xi32, #tpu.memory_space<vmem>>
      %dma_wait3A_1871 = tpu.memref_squeeze %dma_wait3A_1870 : memref<1x1x128xi32, #tpu.memory_space<vmem>> -> memref<128xi32, #tpu.memory_space<vmem>>
      %dma_wait3A_1872 = arith.constant 0 : i32
      %dma_wait3A_1873 = arith.constant 0 : i32
      %dma_wait3A_1874 = tpu.memref_slice %arg9[%dma_wait3A_1872, %dma_wait3A_1873] : memref<10240x16xf32, #tpu.memory_space<vmem_shared>> -> memref<10240x16xf32, #tpu.memory_space<vmem_shared>>
      tpu.wait_indirect_dma semaphore(%arg12 : memref<!tpu.dma_semaphore, #tpu.memory_space<semaphore_mem>>) src(%dma_wait3A_1868 : memref<128x16xf32, #tpu.memory_space<vmem>>) dst(%dma_wait3A_1874 : memref<10240x16xf32, #tpu.memory_space<vmem_shared>>)
    } else {
    }
    %gt3A_1806 = arith.constant 71 : i32
    %gt3A_1807 = arith.cmpi sgt, %add3A_4, %gt3A_1806 : i32
    %convert_element_type3A_1808 = arith.extui %gt3A_1807 : i1 to i32
    %cond3A_1809 = arith.constant 0 : i32
    %cond3A_1810 = arith.cmpi ne, %convert_element_type3A_1808, %cond3A_1809 : i32
    scf.if %cond3A_1810 {
      %add3A_1858 = arith.constant 7 : i32
      %add3A_1859 = arith.addi %sub3A_44, %add3A_1858 : i32
      %mul3A_1860 = arith.constant 128 : i32
      %mul3A_1861 = arith.muli %add3A_1859, %mul3A_1860 : i32
      %add3A_1862 = arith.constant 64 : i32
      %add3A_1863 = arith.addi %add3A_1862, %sub3A_44 : i32
      %add3A_1864 = arith.constant 7 : i32
      %add3A_1865 = arith.addi %add3A_1863, %add3A_1864 : i32
      %dma_wait3A_1866 = arith.constant 0 : i32
      %dma_wait3A_1867 = arith.constant 0 : i32
      %dma_wait3A_1868 = tpu.memref_slice %arg7[%mul3A_1861, %dma_wait3A_1867] : memref<2048x16xf32, #tpu.memory_space<vmem>> -> memref<128x16xf32, #tpu.memory_space<vmem>>
      %dma_wait3A_1869 = arith.constant 0 : i32
      %dma_wait3A_1870 = tpu.memref_slice %arg5[%add3A_1865, %dma_wait3A_1866, %dma_wait3A_1869] : memref<80x1x128xi32, #tpu.memory_space<vmem>> -> memref<1x1x128xi32, #tpu.memory_space<vmem>>
      %dma_wait3A_1871 = tpu.memref_squeeze %dma_wait3A_1870 : memref<1x1x128xi32, #tpu.memory_space<vmem>> -> memref<128xi32, #tpu.memory_space<vmem>>
      %dma_wait3A_1872 = arith.constant 0 : i32
      %dma_wait3A_1873 = arith.constant 0 : i32
      %dma_wait3A_1874 = tpu.memref_slice %arg9[%dma_wait3A_1872, %dma_wait3A_1873] : memref<10240x16xf32, #tpu.memory_space<vmem_shared>> -> memref<10240x16xf32, #tpu.memory_space<vmem_shared>>
      tpu.wait_indirect_dma semaphore(%arg12 : memref<!tpu.dma_semaphore, #tpu.memory_space<semaphore_mem>>) src(%dma_wait3A_1868 : memref<128x16xf32, #tpu.memory_space<vmem>>) dst(%dma_wait3A_1874 : memref<10240x16xf32, #tpu.memory_space<vmem_shared>>)
    } else {
    }
    %gt3A_1811 = arith.constant 72 : i32
    %gt3A_1812 = arith.cmpi sgt, %add3A_4, %gt3A_1811 : i32
    %convert_element_type3A_1813 = arith.extui %gt3A_1812 : i1 to i32
    %cond3A_1814 = arith.constant 0 : i32
    %cond3A_1815 = arith.cmpi ne, %convert_element_type3A_1813, %cond3A_1814 : i32
    scf.if %cond3A_1815 {
      %add3A_1858 = arith.constant 8 : i32
      %add3A_1859 = arith.addi %sub3A_44, %add3A_1858 : i32
      %mul3A_1860 = arith.constant 128 : i32
      %mul3A_1861 = arith.muli %add3A_1859, %mul3A_1860 : i32
      %add3A_1862 = arith.constant 64 : i32
      %add3A_1863 = arith.addi %add3A_1862, %sub3A_44 : i32
      %add3A_1864 = arith.constant 8 : i32
      %add3A_1865 = arith.addi %add3A_1863, %add3A_1864 : i32
      %dma_wait3A_1866 = arith.constant 0 : i32
      %dma_wait3A_1867 = arith.constant 0 : i32
      %dma_wait3A_1868 = tpu.memref_slice %arg7[%mul3A_1861, %dma_wait3A_1867] : memref<2048x16xf32, #tpu.memory_space<vmem>> -> memref<128x16xf32, #tpu.memory_space<vmem>>
      %dma_wait3A_1869 = arith.constant 0 : i32
      %dma_wait3A_1870 = tpu.memref_slice %arg5[%add3A_1865, %dma_wait3A_1866, %dma_wait3A_1869] : memref<80x1x128xi32, #tpu.memory_space<vmem>> -> memref<1x1x128xi32, #tpu.memory_space<vmem>>
      %dma_wait3A_1871 = tpu.memref_squeeze %dma_wait3A_1870 : memref<1x1x128xi32, #tpu.memory_space<vmem>> -> memref<128xi32, #tpu.memory_space<vmem>>
      %dma_wait3A_1872 = arith.constant 0 : i32
      %dma_wait3A_1873 = arith.constant 0 : i32
      %dma_wait3A_1874 = tpu.memref_slice %arg9[%dma_wait3A_1872, %dma_wait3A_1873] : memref<10240x16xf32, #tpu.memory_space<vmem_shared>> -> memref<10240x16xf32, #tpu.memory_space<vmem_shared>>
      tpu.wait_indirect_dma semaphore(%arg12 : memref<!tpu.dma_semaphore, #tpu.memory_space<semaphore_mem>>) src(%dma_wait3A_1868 : memref<128x16xf32, #tpu.memory_space<vmem>>) dst(%dma_wait3A_1874 : memref<10240x16xf32, #tpu.memory_space<vmem_shared>>)
    } else {
    }
    %gt3A_1816 = arith.constant 73 : i32
    %gt3A_1817 = arith.cmpi sgt, %add3A_4, %gt3A_1816 : i32
    %convert_element_type3A_1818 = arith.extui %gt3A_1817 : i1 to i32
    %cond3A_1819 = arith.constant 0 : i32
    %cond3A_1820 = arith.cmpi ne, %convert_element_type3A_1818, %cond3A_1819 : i32
    scf.if %cond3A_1820 {
      %add3A_1858 = arith.constant 9 : i32
      %add3A_1859 = arith.addi %sub3A_44, %add3A_1858 : i32
      %mul3A_1860 = arith.constant 128 : i32
      %mul3A_1861 = arith.muli %add3A_1859, %mul3A_1860 : i32
      %add3A_1862 = arith.constant 64 : i32
      %add3A_1863 = arith.addi %add3A_1862, %sub3A_44 : i32
      %add3A_1864 = arith.constant 9 : i32
      %add3A_1865 = arith.addi %add3A_1863, %add3A_1864 : i32
      %dma_wait3A_1866 = arith.constant 0 : i32
      %dma_wait3A_1867 = arith.constant 0 : i32
      %dma_wait3A_1868 = tpu.memref_slice %arg7[%mul3A_1861, %dma_wait3A_1867] : memref<2048x16xf32, #tpu.memory_space<vmem>> -> memref<128x16xf32, #tpu.memory_space<vmem>>
      %dma_wait3A_1869 = arith.constant 0 : i32
      %dma_wait3A_1870 = tpu.memref_slice %arg5[%add3A_1865, %dma_wait3A_1866, %dma_wait3A_1869] : memref<80x1x128xi32, #tpu.memory_space<vmem>> -> memref<1x1x128xi32, #tpu.memory_space<vmem>>
      %dma_wait3A_1871 = tpu.memref_squeeze %dma_wait3A_1870 : memref<1x1x128xi32, #tpu.memory_space<vmem>> -> memref<128xi32, #tpu.memory_space<vmem>>
      %dma_wait3A_1872 = arith.constant 0 : i32
      %dma_wait3A_1873 = arith.constant 0 : i32
      %dma_wait3A_1874 = tpu.memref_slice %arg9[%dma_wait3A_1872, %dma_wait3A_1873] : memref<10240x16xf32, #tpu.memory_space<vmem_shared>> -> memref<10240x16xf32, #tpu.memory_space<vmem_shared>>
      tpu.wait_indirect_dma semaphore(%arg12 : memref<!tpu.dma_semaphore, #tpu.memory_space<semaphore_mem>>) src(%dma_wait3A_1868 : memref<128x16xf32, #tpu.memory_space<vmem>>) dst(%dma_wait3A_1874 : memref<10240x16xf32, #tpu.memory_space<vmem_shared>>)
    } else {
    }
    %gt3A_1821 = arith.constant 74 : i32
    %gt3A_1822 = arith.cmpi sgt, %add3A_4, %gt3A_1821 : i32
    %convert_element_type3A_1823 = arith.extui %gt3A_1822 : i1 to i32
    %cond3A_1824 = arith.constant 0 : i32
    %cond3A_1825 = arith.cmpi ne, %convert_element_type3A_1823, %cond3A_1824 : i32
    scf.if %cond3A_1825 {
      %add3A_1858 = arith.constant 10 : i32
      %add3A_1859 = arith.addi %sub3A_44, %add3A_1858 : i32
      %mul3A_1860 = arith.constant 128 : i32
      %mul3A_1861 = arith.muli %add3A_1859, %mul3A_1860 : i32
      %add3A_1862 = arith.constant 64 : i32
      %add3A_1863 = arith.addi %add3A_1862, %sub3A_44 : i32
      %add3A_1864 = arith.constant 10 : i32
      %add3A_1865 = arith.addi %add3A_1863, %add3A_1864 : i32
      %dma_wait3A_1866 = arith.constant 0 : i32
      %dma_wait3A_1867 = arith.constant 0 : i32
      %dma_wait3A_1868 = tpu.memref_slice %arg7[%mul3A_1861, %dma_wait3A_1867] : memref<2048x16xf32, #tpu.memory_space<vmem>> -> memref<128x16xf32, #tpu.memory_space<vmem>>
      %dma_wait3A_1869 = arith.constant 0 : i32
      %dma_wait3A_1870 = tpu.memref_slice %arg5[%add3A_1865, %dma_wait3A_1866, %dma_wait3A_1869] : memref<80x1x128xi32, #tpu.memory_space<vmem>> -> memref<1x1x128xi32, #tpu.memory_space<vmem>>
      %dma_wait3A_1871 = tpu.memref_squeeze %dma_wait3A_1870 : memref<1x1x128xi32, #tpu.memory_space<vmem>> -> memref<128xi32, #tpu.memory_space<vmem>>
      %dma_wait3A_1872 = arith.constant 0 : i32
      %dma_wait3A_1873 = arith.constant 0 : i32
      %dma_wait3A_1874 = tpu.memref_slice %arg9[%dma_wait3A_1872, %dma_wait3A_1873] : memref<10240x16xf32, #tpu.memory_space<vmem_shared>> -> memref<10240x16xf32, #tpu.memory_space<vmem_shared>>
      tpu.wait_indirect_dma semaphore(%arg12 : memref<!tpu.dma_semaphore, #tpu.memory_space<semaphore_mem>>) src(%dma_wait3A_1868 : memref<128x16xf32, #tpu.memory_space<vmem>>) dst(%dma_wait3A_1874 : memref<10240x16xf32, #tpu.memory_space<vmem_shared>>)
    } else {
    }
    %gt3A_1826 = arith.constant 75 : i32
    %gt3A_1827 = arith.cmpi sgt, %add3A_4, %gt3A_1826 : i32
    %convert_element_type3A_1828 = arith.extui %gt3A_1827 : i1 to i32
    %cond3A_1829 = arith.constant 0 : i32
    %cond3A_1830 = arith.cmpi ne, %convert_element_type3A_1828, %cond3A_1829 : i32
    scf.if %cond3A_1830 {
      %add3A_1858 = arith.constant 11 : i32
      %add3A_1859 = arith.addi %sub3A_44, %add3A_1858 : i32
      %mul3A_1860 = arith.constant 128 : i32
      %mul3A_1861 = arith.muli %add3A_1859, %mul3A_1860 : i32
      %add3A_1862 = arith.constant 64 : i32
      %add3A_1863 = arith.addi %add3A_1862, %sub3A_44 : i32
      %add3A_1864 = arith.constant 11 : i32
      %add3A_1865 = arith.addi %add3A_1863, %add3A_1864 : i32
      %dma_wait3A_1866 = arith.constant 0 : i32
      %dma_wait3A_1867 = arith.constant 0 : i32
      %dma_wait3A_1868 = tpu.memref_slice %arg7[%mul3A_1861, %dma_wait3A_1867] : memref<2048x16xf32, #tpu.memory_space<vmem>> -> memref<128x16xf32, #tpu.memory_space<vmem>>
      %dma_wait3A_1869 = arith.constant 0 : i32
      %dma_wait3A_1870 = tpu.memref_slice %arg5[%add3A_1865, %dma_wait3A_1866, %dma_wait3A_1869] : memref<80x1x128xi32, #tpu.memory_space<vmem>> -> memref<1x1x128xi32, #tpu.memory_space<vmem>>
      %dma_wait3A_1871 = tpu.memref_squeeze %dma_wait3A_1870 : memref<1x1x128xi32, #tpu.memory_space<vmem>> -> memref<128xi32, #tpu.memory_space<vmem>>
      %dma_wait3A_1872 = arith.constant 0 : i32
      %dma_wait3A_1873 = arith.constant 0 : i32
      %dma_wait3A_1874 = tpu.memref_slice %arg9[%dma_wait3A_1872, %dma_wait3A_1873] : memref<10240x16xf32, #tpu.memory_space<vmem_shared>> -> memref<10240x16xf32, #tpu.memory_space<vmem_shared>>
      tpu.wait_indirect_dma semaphore(%arg12 : memref<!tpu.dma_semaphore, #tpu.memory_space<semaphore_mem>>) src(%dma_wait3A_1868 : memref<128x16xf32, #tpu.memory_space<vmem>>) dst(%dma_wait3A_1874 : memref<10240x16xf32, #tpu.memory_space<vmem_shared>>)
    } else {
    }
    %gt3A_1831 = arith.constant 76 : i32
    %gt3A_1832 = arith.cmpi sgt, %add3A_4, %gt3A_1831 : i32
    %convert_element_type3A_1833 = arith.extui %gt3A_1832 : i1 to i32
    %cond3A_1834 = arith.constant 0 : i32
    %cond3A_1835 = arith.cmpi ne, %convert_element_type3A_1833, %cond3A_1834 : i32
    scf.if %cond3A_1835 {
      %add3A_1858 = arith.constant 12 : i32
      %add3A_1859 = arith.addi %sub3A_44, %add3A_1858 : i32
      %mul3A_1860 = arith.constant 128 : i32
      %mul3A_1861 = arith.muli %add3A_1859, %mul3A_1860 : i32
      %add3A_1862 = arith.constant 64 : i32
      %add3A_1863 = arith.addi %add3A_1862, %sub3A_44 : i32
      %add3A_1864 = arith.constant 12 : i32
      %add3A_1865 = arith.addi %add3A_1863, %add3A_1864 : i32
      %dma_wait3A_1866 = arith.constant 0 : i32
      %dma_wait3A_1867 = arith.constant 0 : i32
      %dma_wait3A_1868 = tpu.memref_slice %arg7[%mul3A_1861, %dma_wait3A_1867] : memref<2048x16xf32, #tpu.memory_space<vmem>> -> memref<128x16xf32, #tpu.memory_space<vmem>>
      %dma_wait3A_1869 = arith.constant 0 : i32
      %dma_wait3A_1870 = tpu.memref_slice %arg5[%add3A_1865, %dma_wait3A_1866, %dma_wait3A_1869] : memref<80x1x128xi32, #tpu.memory_space<vmem>> -> memref<1x1x128xi32, #tpu.memory_space<vmem>>
      %dma_wait3A_1871 = tpu.memref_squeeze %dma_wait3A_1870 : memref<1x1x128xi32, #tpu.memory_space<vmem>> -> memref<128xi32, #tpu.memory_space<vmem>>
      %dma_wait3A_1872 = arith.constant 0 : i32
      %dma_wait3A_1873 = arith.constant 0 : i32
      %dma_wait3A_1874 = tpu.memref_slice %arg9[%dma_wait3A_1872, %dma_wait3A_1873] : memref<10240x16xf32, #tpu.memory_space<vmem_shared>> -> memref<10240x16xf32, #tpu.memory_space<vmem_shared>>
      tpu.wait_indirect_dma semaphore(%arg12 : memref<!tpu.dma_semaphore, #tpu.memory_space<semaphore_mem>>) src(%dma_wait3A_1868 : memref<128x16xf32, #tpu.memory_space<vmem>>) dst(%dma_wait3A_1874 : memref<10240x16xf32, #tpu.memory_space<vmem_shared>>)
    } else {
    }
    %gt3A_1836 = arith.constant 77 : i32
    %gt3A_1837 = arith.cmpi sgt, %add3A_4, %gt3A_1836 : i32
    %convert_element_type3A_1838 = arith.extui %gt3A_1837 : i1 to i32
    %cond3A_1839 = arith.constant 0 : i32
    %cond3A_1840 = arith.cmpi ne, %convert_element_type3A_1838, %cond3A_1839 : i32
    scf.if %cond3A_1840 {
      %add3A_1858 = arith.constant 13 : i32
      %add3A_1859 = arith.addi %sub3A_44, %add3A_1858 : i32
      %mul3A_1860 = arith.constant 128 : i32
      %mul3A_1861 = arith.muli %add3A_1859, %mul3A_1860 : i32
      %add3A_1862 = arith.constant 64 : i32
      %add3A_1863 = arith.addi %add3A_1862, %sub3A_44 : i32
      %add3A_1864 = arith.constant 13 : i32
      %add3A_1865 = arith.addi %add3A_1863, %add3A_1864 : i32
      %dma_wait3A_1866 = arith.constant 0 : i32
      %dma_wait3A_1867 = arith.constant 0 : i32
      %dma_wait3A_1868 = tpu.memref_slice %arg7[%mul3A_1861, %dma_wait3A_1867] : memref<2048x16xf32, #tpu.memory_space<vmem>> -> memref<128x16xf32, #tpu.memory_space<vmem>>
      %dma_wait3A_1869 = arith.constant 0 : i32
      %dma_wait3A_1870 = tpu.memref_slice %arg5[%add3A_1865, %dma_wait3A_1866, %dma_wait3A_1869] : memref<80x1x128xi32, #tpu.memory_space<vmem>> -> memref<1x1x128xi32, #tpu.memory_space<vmem>>
      %dma_wait3A_1871 = tpu.memref_squeeze %dma_wait3A_1870 : memref<1x1x128xi32, #tpu.memory_space<vmem>> -> memref<128xi32, #tpu.memory_space<vmem>>
      %dma_wait3A_1872 = arith.constant 0 : i32
      %dma_wait3A_1873 = arith.constant 0 : i32
      %dma_wait3A_1874 = tpu.memref_slice %arg9[%dma_wait3A_1872, %dma_wait3A_1873] : memref<10240x16xf32, #tpu.memory_space<vmem_shared>> -> memref<10240x16xf32, #tpu.memory_space<vmem_shared>>
      tpu.wait_indirect_dma semaphore(%arg12 : memref<!tpu.dma_semaphore, #tpu.memory_space<semaphore_mem>>) src(%dma_wait3A_1868 : memref<128x16xf32, #tpu.memory_space<vmem>>) dst(%dma_wait3A_1874 : memref<10240x16xf32, #tpu.memory_space<vmem_shared>>)
    } else {
    }
    %gt3A_1841 = arith.constant 78 : i32
    %gt3A_1842 = arith.cmpi sgt, %add3A_4, %gt3A_1841 : i32
    %convert_element_type3A_1843 = arith.extui %gt3A_1842 : i1 to i32
    %cond3A_1844 = arith.constant 0 : i32
    %cond3A_1845 = arith.cmpi ne, %convert_element_type3A_1843, %cond3A_1844 : i32
    scf.if %cond3A_1845 {
      %add3A_1858 = arith.constant 14 : i32
      %add3A_1859 = arith.addi %sub3A_44, %add3A_1858 : i32
      %mul3A_1860 = arith.constant 128 : i32
      %mul3A_1861 = arith.muli %add3A_1859, %mul3A_1860 : i32
      %add3A_1862 = arith.constant 64 : i32
      %add3A_1863 = arith.addi %add3A_1862, %sub3A_44 : i32
      %add3A_1864 = arith.constant 14 : i32
      %add3A_1865 = arith.addi %add3A_1863, %add3A_1864 : i32
      %dma_wait3A_1866 = arith.constant 0 : i32
      %dma_wait3A_1867 = arith.constant 0 : i32
      %dma_wait3A_1868 = tpu.memref_slice %arg7[%mul3A_1861, %dma_wait3A_1867] : memref<2048x16xf32, #tpu.memory_space<vmem>> -> memref<128x16xf32, #tpu.memory_space<vmem>>
      %dma_wait3A_1869 = arith.constant 0 : i32
      %dma_wait3A_1870 = tpu.memref_slice %arg5[%add3A_1865, %dma_wait3A_1866, %dma_wait3A_1869] : memref<80x1x128xi32, #tpu.memory_space<vmem>> -> memref<1x1x128xi32, #tpu.memory_space<vmem>>
      %dma_wait3A_1871 = tpu.memref_squeeze %dma_wait3A_1870 : memref<1x1x128xi32, #tpu.memory_space<vmem>> -> memref<128xi32, #tpu.memory_space<vmem>>
      %dma_wait3A_1872 = arith.constant 0 : i32
      %dma_wait3A_1873 = arith.constant 0 : i32
      %dma_wait3A_1874 = tpu.memref_slice %arg9[%dma_wait3A_1872, %dma_wait3A_1873] : memref<10240x16xf32, #tpu.memory_space<vmem_shared>> -> memref<10240x16xf32, #tpu.memory_space<vmem_shared>>
      tpu.wait_indirect_dma semaphore(%arg12 : memref<!tpu.dma_semaphore, #tpu.memory_space<semaphore_mem>>) src(%dma_wait3A_1868 : memref<128x16xf32, #tpu.memory_space<vmem>>) dst(%dma_wait3A_1874 : memref<10240x16xf32, #tpu.memory_space<vmem_shared>>)
    } else {
    }
    %barrier3A_1846 = arith.constant 0 : index
    tpu.barrier barrier_id(%barrier3A_1846)
    %mul3A_1847 = arith.constant 640 : i32
    %mul3A_1848 = arith.muli %arg1, %mul3A_1847 : i32
    "tpu.region"() ({
      %run_scoped3A = tpu.sem_alloc : memref<!tpu.dma_semaphore, #tpu.memory_space<semaphore_mem>>
      %dma_start3A_1858 = arith.constant 0 : i32
      %dma_start3A_1859 = arith.constant 0 : i32
      %dma_start3A_1860 = tpu.memref_slice %arg7[%dma_start3A_1858, %dma_start3A_1859] : memref<2048x16xf32, #tpu.memory_space<vmem>> -> memref<640x16xf32, #tpu.memory_space<vmem>>
      %dma_start3A_1861 = arith.constant 0 : i32
      %dma_start3A_1862 = tpu.memref_slice %arg9[%mul3A_1848, %dma_start3A_1861] : memref<10240x16xf32, #tpu.memory_space<vmem_shared>> -> memref<640x16xf32, #tpu.memory_space<vmem_shared>>
      %dma_start3A_1863 = arith.constant 0 : i32
      %dma_start3A_1864 = arith.constant 0 : i32
      %dma_start3A_1865 = tpu.memref_slice %arg7[%dma_start3A_1863, %dma_start3A_1864] : memref<2048x16xf32, #tpu.memory_space<vmem>> -> memref<640x16xf32, #tpu.memory_space<vmem>>
      %dma_start3A_1866 = arith.constant 0 : i32
      %dma_start3A_1867 = tpu.memref_slice %arg9[%mul3A_1848, %dma_start3A_1866] : memref<10240x16xf32, #tpu.memory_space<vmem_shared>> -> memref<640x16xf32, #tpu.memory_space<vmem_shared>>
      tpu.enqueue_dma source(%dma_start3A_1867 : memref<640x16xf32, #tpu.memory_space<vmem_shared>>) target(%dma_start3A_1865 : memref<640x16xf32, #tpu.memory_space<vmem>>) target_semaphore(%run_scoped3A : memref<!tpu.dma_semaphore, #tpu.memory_space<semaphore_mem>>)
      %dma_wait3A_1868 = arith.constant 0 : i32
      %dma_wait3A_1869 = arith.constant 0 : i32
      %dma_wait3A_1870 = tpu.memref_slice %arg7[%dma_wait3A_1868, %dma_wait3A_1869] : memref<2048x16xf32, #tpu.memory_space<vmem>> -> memref<640x16xf32, #tpu.memory_space<vmem>>
      %dma_wait3A_1871 = arith.constant 0 : i32
      %dma_wait3A_1872 = tpu.memref_slice %arg9[%mul3A_1848, %dma_wait3A_1871] : memref<10240x16xf32, #tpu.memory_space<vmem_shared>> -> memref<640x16xf32, #tpu.memory_space<vmem_shared>>
      %dma_wait3A_1873 = arith.constant 0 : i32
      %dma_wait3A_1874 = arith.constant 0 : i32
      %dma_wait3A_1875 = tpu.memref_slice %arg7[%dma_wait3A_1873, %dma_wait3A_1874] : memref<2048x16xf32, #tpu.memory_space<vmem>> -> memref<640x16xf32, #tpu.memory_space<vmem>>
      %dma_wait3A_1876 = arith.constant 0 : i32
      %dma_wait3A_1877 = tpu.memref_slice %arg9[%mul3A_1848, %dma_wait3A_1876] : memref<10240x16xf32, #tpu.memory_space<vmem_shared>> -> memref<640x16xf32, #tpu.memory_space<vmem_shared>>
      tpu.wait_dma2 semaphore(%run_scoped3A : memref<!tpu.dma_semaphore, #tpu.memory_space<semaphore_mem>>) src(%dma_wait3A_1877 : memref<640x16xf32, #tpu.memory_space<vmem_shared>>) dst(%dma_wait3A_1875 : memref<640x16xf32, #tpu.memory_space<vmem>>)
      tpu.yield
    }) : () -> ()
    %scan3A_1849 = arith.constant 0 : i32
    %scan3A_1850 = arith.constant 0 : i32
    %scan3A_1851 = arith.constant 80 : i32
    %scan3A_1852 = arith.addi %scan3A_1850, %scan3A_1851 : i32
    %scan3A_1853 = arith.constant 1 : i32
    %scan3A_1854 = scf.for %scan3A_1858 = %scan3A_1850 to %scan3A_1852 step %scan3A_1853 iter_args(%scan3A_1859 = %scan3A_1849) -> (i32)  : i32 {
      %mul3A_1860 = arith.constant 8 : i32
      %mul3A_1861 = arith.muli %scan3A_1858, %mul3A_1860 : i32
      %add3A_1862 = arith.constant 0 : i32
      %add3A_1863 = arith.addi %mul3A_1861, %add3A_1862 : i32
      %get3A = arith.index_cast %add3A_1863 : i32 to index
      %get3A_1864 = arith.constant 0 : index
      %get3A_1865 = tpu.vector_load %arg7[%get3A, %get3A_1864] {strides = array<i32>} : memref<2048x16xf32, #tpu.memory_space<vmem>>, vector<16xf32>,
      %swap3A = arith.index_cast %scan3A_1858 : i32 to index
      %swap3A_1866 = arith.constant 0 : index
      %swap3A_1867 = tpu.vector_load %arg8[%swap3A, %swap3A_1866] {strides = array<i32>} : memref<80x128xf32, #tpu.memory_space<vmem>>, vector<16xf32>,
      tpu.vector_store %arg8[%swap3A, %swap3A_1866], %get3A_1865 {strides = array<i32>} : memref<80x128xf32, #tpu.memory_space<vmem>>, vector<16xf32>,
      %mul3A_1868 = arith.constant 8 : i32
      %mul3A_1869 = arith.muli %scan3A_1858, %mul3A_1868 : i32
      %add3A_1870 = arith.constant 1 : i32
      %add3A_1871 = arith.addi %mul3A_1869, %add3A_1870 : i32
      %get3A_1872 = arith.index_cast %add3A_1871 : i32 to index
      %get3A_1873 = arith.constant 0 : index
      %get3A_1874 = tpu.vector_load %arg7[%get3A_1872, %get3A_1873] {strides = array<i32>} : memref<2048x16xf32, #tpu.memory_space<vmem>>, vector<16xf32>,
      %swap3A_1875 = arith.index_cast %scan3A_1858 : i32 to index
      %swap3A_1876 = arith.constant 16 : index
      %swap3A_1877 = tpu.vector_load %arg8[%swap3A_1875, %swap3A_1876] {strides = array<i32>} : memref<80x128xf32, #tpu.memory_space<vmem>>, vector<16xf32>,
      tpu.vector_store %arg8[%swap3A_1875, %swap3A_1876], %get3A_1874 {strides = array<i32>} : memref<80x128xf32, #tpu.memory_space<vmem>>, vector<16xf32>,
      %mul3A_1878 = arith.constant 8 : i32
      %mul3A_1879 = arith.muli %scan3A_1858, %mul3A_1878 : i32
      %add3A_1880 = arith.constant 2 : i32
      %add3A_1881 = arith.addi %mul3A_1879, %add3A_1880 : i32
      %get3A_1882 = arith.index_cast %add3A_1881 : i32 to index
      %get3A_1883 = arith.constant 0 : index
      %get3A_1884 = tpu.vector_load %arg7[%get3A_1882, %get3A_1883] {strides = array<i32>} : memref<2048x16xf32, #tpu.memory_space<vmem>>, vector<16xf32>,
      %swap3A_1885 = arith.index_cast %scan3A_1858 : i32 to index
      %swap3A_1886 = arith.constant 32 : index
      %swap3A_1887 = tpu.vector_load %arg8[%swap3A_1885, %swap3A_1886] {strides = array<i32>} : memref<80x128xf32, #tpu.memory_space<vmem>>, vector<16xf32>,
      tpu.vector_store %arg8[%swap3A_1885, %swap3A_1886], %get3A_1884 {strides = array<i32>} : memref<80x128xf32, #tpu.memory_space<vmem>>, vector<16xf32>,
      %mul3A_1888 = arith.constant 8 : i32
      %mul3A_1889 = arith.muli %scan3A_1858, %mul3A_1888 : i32
      %add3A_1890 = arith.constant 3 : i32
      %add3A_1891 = arith.addi %mul3A_1889, %add3A_1890 : i32
      %get3A_1892 = arith.index_cast %add3A_1891 : i32 to index
      %get3A_1893 = arith.constant 0 : index
      %get3A_1894 = tpu.vector_load %arg7[%get3A_1892, %get3A_1893] {strides = array<i32>} : memref<2048x16xf32, #tpu.memory_space<vmem>>, vector<16xf32>,
      %swap3A_1895 = arith.index_cast %scan3A_1858 : i32 to index
      %swap3A_1896 = arith.constant 48 : index
      %swap3A_1897 = tpu.vector_load %arg8[%swap3A_1895, %swap3A_1896] {strides = array<i32>} : memref<80x128xf32, #tpu.memory_space<vmem>>, vector<16xf32>,
      tpu.vector_store %arg8[%swap3A_1895, %swap3A_1896], %get3A_1894 {strides = array<i32>} : memref<80x128xf32, #tpu.memory_space<vmem>>, vector<16xf32>,
      %mul3A_1898 = arith.constant 8 : i32
      %mul3A_1899 = arith.muli %scan3A_1858, %mul3A_1898 : i32
      %add3A_1900 = arith.constant 4 : i32
      %add3A_1901 = arith.addi %mul3A_1899, %add3A_1900 : i32
      %get3A_1902 = arith.index_cast %add3A_1901 : i32 to index
      %get3A_1903 = arith.constant 0 : index
      %get3A_1904 = tpu.vector_load %arg7[%get3A_1902, %get3A_1903] {strides = array<i32>} : memref<2048x16xf32, #tpu.memory_space<vmem>>, vector<16xf32>,
      %swap3A_1905 = arith.index_cast %scan3A_1858 : i32 to index
      %swap3A_1906 = arith.constant 64 : index
      %swap3A_1907 = tpu.vector_load %arg8[%swap3A_1905, %swap3A_1906] {strides = array<i32>} : memref<80x128xf32, #tpu.memory_space<vmem>>, vector<16xf32>,
      tpu.vector_store %arg8[%swap3A_1905, %swap3A_1906], %get3A_1904 {strides = array<i32>} : memref<80x128xf32, #tpu.memory_space<vmem>>, vector<16xf32>,
      %mul3A_1908 = arith.constant 8 : i32
      %mul3A_1909 = arith.muli %scan3A_1858, %mul3A_1908 : i32
      %add3A_1910 = arith.constant 5 : i32
      %add3A_1911 = arith.addi %mul3A_1909, %add3A_1910 : i32
      %get3A_1912 = arith.index_cast %add3A_1911 : i32 to index
      %get3A_1913 = arith.constant 0 : index
      %get3A_1914 = tpu.vector_load %arg7[%get3A_1912, %get3A_1913] {strides = array<i32>} : memref<2048x16xf32, #tpu.memory_space<vmem>>, vector<16xf32>,
      %swap3A_1915 = arith.index_cast %scan3A_1858 : i32 to index
      %swap3A_1916 = arith.constant 80 : index
      %swap3A_1917 = tpu.vector_load %arg8[%swap3A_1915, %swap3A_1916] {strides = array<i32>} : memref<80x128xf32, #tpu.memory_space<vmem>>, vector<16xf32>,
      tpu.vector_store %arg8[%swap3A_1915, %swap3A_1916], %get3A_1914 {strides = array<i32>} : memref<80x128xf32, #tpu.memory_space<vmem>>, vector<16xf32>,
      %mul3A_1918 = arith.constant 8 : i32
      %mul3A_1919 = arith.muli %scan3A_1858, %mul3A_1918 : i32
      %add3A_1920 = arith.constant 6 : i32
      %add3A_1921 = arith.addi %mul3A_1919, %add3A_1920 : i32
      %get3A_1922 = arith.index_cast %add3A_1921 : i32 to index
      %get3A_1923 = arith.constant 0 : index
      %get3A_1924 = tpu.vector_load %arg7[%get3A_1922, %get3A_1923] {strides = array<i32>} : memref<2048x16xf32, #tpu.memory_space<vmem>>, vector<16xf32>,
      %swap3A_1925 = arith.index_cast %scan3A_1858 : i32 to index
      %swap3A_1926 = arith.constant 96 : index
      %swap3A_1927 = tpu.vector_load %arg8[%swap3A_1925, %swap3A_1926] {strides = array<i32>} : memref<80x128xf32, #tpu.memory_space<vmem>>, vector<16xf32>,
      tpu.vector_store %arg8[%swap3A_1925, %swap3A_1926], %get3A_1924 {strides = array<i32>} : memref<80x128xf32, #tpu.memory_space<vmem>>, vector<16xf32>,
      %mul3A_1928 = arith.constant 8 : i32
      %mul3A_1929 = arith.muli %scan3A_1858, %mul3A_1928 : i32
      %add3A_1930 = arith.constant 7 : i32
      %add3A_1931 = arith.addi %mul3A_1929, %add3A_1930 : i32
      %get3A_1932 = arith.index_cast %add3A_1931 : i32 to index
      %get3A_1933 = arith.constant 0 : index
      %get3A_1934 = tpu.vector_load %arg7[%get3A_1932, %get3A_1933] {strides = array<i32>} : memref<2048x16xf32, #tpu.memory_space<vmem>>, vector<16xf32>,
      %swap3A_1935 = arith.index_cast %scan3A_1858 : i32 to index
      %swap3A_1936 = arith.constant 112 : index
      %swap3A_1937 = tpu.vector_load %arg8[%swap3A_1935, %swap3A_1936] {strides = array<i32>} : memref<80x128xf32, #tpu.memory_space<vmem>>, vector<16xf32>,
      tpu.vector_store %arg8[%swap3A_1935, %swap3A_1936], %get3A_1934 {strides = array<i32>} : memref<80x128xf32, #tpu.memory_space<vmem>>, vector<16xf32>,
      %scan3A_1938 = arith.constant 0 : i32
      scf.yield %scan3A_1938 : i32
    }
    %scan3A_1855 = arith.constant 80 : i32
    %mul3A_1856 = arith.constant 80 : i32
    %mul3A_1857 = arith.muli %arg1, %mul3A_1856 : i32
    "tpu.region"() ({
      %run_scoped3A = tpu.sem_alloc : memref<!tpu.dma_semaphore, #tpu.memory_space<semaphore_mem>>
      %dma_start3A_1858 = arith.constant 0 : i32
      %dma_start3A_1859 = tpu.memref_slice %arg4[%arg0, %mul3A_1857, %dma_start3A_1858] : memref<2x1280x128xf32, #tpu.memory_space<hbm>> -> memref<1x80x128xf32, #tpu.memory_space<hbm>>
      %dma_start3A_1860 = tpu.memref_squeeze %dma_start3A_1859 : memref<1x80x128xf32, #tpu.memory_space<hbm>> -> memref<80x128xf32, #tpu.memory_space<hbm>>
      %dma_start3A_1861 = arith.constant 0 : i32
      %dma_start3A_1862 = tpu.memref_slice %arg4[%arg0, %mul3A_1857, %dma_start3A_1861] : memref<2x1280x128xf32, #tpu.memory_space<hbm>> -> memref<1x80x128xf32, #tpu.memory_space<hbm>>
      %dma_start3A_1863 = tpu.memref_squeeze %dma_start3A_1862 : memref<1x80x128xf32, #tpu.memory_space<hbm>> -> memref<80x128xf32, #tpu.memory_space<hbm>>
      tpu.enqueue_dma source(%arg8 : memref<80x128xf32, #tpu.memory_space<vmem>>) target(%dma_start3A_1863 : memref<80x128xf32, #tpu.memory_space<hbm>>) target_semaphore(%run_scoped3A : memref<!tpu.dma_semaphore, #tpu.memory_space<semaphore_mem>>)
      %dma_wait3A_1864 = arith.constant 0 : i32
      %dma_wait3A_1865 = tpu.memref_slice %arg4[%arg0, %mul3A_1857, %dma_wait3A_1864] : memref<2x1280x128xf32, #tpu.memory_space<hbm>> -> memref<1x80x128xf32, #tpu.memory_space<hbm>>
      %dma_wait3A_1866 = tpu.memref_squeeze %dma_wait3A_1865 : memref<1x80x128xf32, #tpu.memory_space<hbm>> -> memref<80x128xf32, #tpu.memory_space<hbm>>
      %dma_wait3A_1867 = arith.constant 0 : i32
      %dma_wait3A_1868 = tpu.memref_slice %arg4[%arg0, %mul3A_1857, %dma_wait3A_1867] : memref<2x1280x128xf32, #tpu.memory_space<hbm>> -> memref<1x80x128xf32, #tpu.memory_space<hbm>>
      %dma_wait3A_1869 = tpu.memref_squeeze %dma_wait3A_1868 : memref<1x80x128xf32, #tpu.memory_space<hbm>> -> memref<80x128xf32, #tpu.memory_space<hbm>>
      tpu.wait_dma2 semaphore(%run_scoped3A : memref<!tpu.dma_semaphore, #tpu.memory_space<semaphore_mem>>) src(%arg8 : memref<80x128xf32, #tpu.memory_space<vmem>>) dst(%dma_wait3A_1869 : memref<80x128xf32, #tpu.memory_space<hbm>>)
      tpu.yield
    }) : () -> ()
    return
  }
}

module attributes {stable_mosaic.version = 14 : i64} {
  func.func @_tc_mlp_body(%arg0: i32, %arg1: memref<2000x128xf32, #tpu.memory_space<vmem>>, %arg2: memref<2000x16xf32, #tpu.memory_space<vmem>>, %arg3: memref<2000x16xf32, #tpu.memory_space<vmem>>, %arg4: memref<128x128xf32, #tpu.memory_space<vmem>>, %arg5: memref<16x128xf32, #tpu.memory_space<vmem>>, %arg6: memref<128x128xf32, #tpu.memory_space<vmem>>, %arg7: memref<1x128xf32, #tpu.memory_space<vmem>>, %arg8: memref<1x128xf32, #tpu.memory_space<vmem>>, %arg9: memref<2000x128xf32, #tpu.memory_space<vmem>>) attributes {dimension_semantics = [#tpu.dimension_semantics<arbitrary>], iteration_bounds = array<i64: 5>, scalar_prefetch = 0 : i64, scratch_operands = 0 : i64, tpu.core_type = #tpu.core_type<tc>, window_params = [{transform_indices = @transform_0, window_bounds = array<i64: 2000, 128>}, {transform_indices = @transform_1, window_bounds = array<i64: 2000, 16>}, {transform_indices = @transform_2, window_bounds = array<i64: 2000, 16>}, {pipeline_mode = #tpu.pipeline_mode<synchronous>, transform_indices = @transform_3, window_bounds = array<i64: 128, 128>}, {pipeline_mode = #tpu.pipeline_mode<synchronous>, transform_indices = @transform_4, window_bounds = array<i64: 16, 128>}, {pipeline_mode = #tpu.pipeline_mode<synchronous>, transform_indices = @transform_5, window_bounds = array<i64: 128, 128>}, {pipeline_mode = #tpu.pipeline_mode<synchronous>, transform_indices = @transform_6, window_bounds = array<i64: 1, 128>}, {pipeline_mode = #tpu.pipeline_mode<synchronous>, transform_indices = @transform_7, window_bounds = array<i64: 1, 128>}, {transform_indices = @transform_8, window_bounds = array<i64: 2000, 128>}]} {
    %get3A = arith.constant 0 : index
    %get3A_0 = arith.constant 0 : index
    %get3A_1 = vector.load %arg2[%get3A, %get3A_0] : memref<2000x16xf32, #tpu.memory_space<vmem>>, vector<2000x16xf32>
    %get3A_2 = arith.constant 0 : index
    %get3A_3 = arith.constant 0 : index
    %get3A_4 = vector.load %arg3[%get3A_2, %get3A_3] : memref<2000x16xf32, #tpu.memory_space<vmem>>, vector<2000x16xf32>
    %add3A = arith.addf %get3A_1, %get3A_4 : vector<2000x16xf32>
    %get3A_5 = arith.constant 0 : index
    %get3A_6 = arith.constant 0 : index
    %get3A_7 = vector.load %arg1[%get3A_5, %get3A_6] : memref<2000x128xf32, #tpu.memory_space<vmem>>, vector<2000x128xf32>
    %get3A_8 = arith.constant 0 : index
    %get3A_9 = arith.constant 0 : index
    %get3A_10 = vector.load %arg4[%get3A_8, %get3A_9] : memref<128x128xf32, #tpu.memory_space<vmem>>, vector<128x128xf32>
    %dot_general3A = arith.constant dense<0.000000e+00> : vector<2000x128xf32>
    %dot_general3A_11 = tpu.matmul %get3A_7, %get3A_10, %dot_general3A {dimension_numbers = #tpu.dot_dimension_numbers<[1], [0], [0], [1], [0, 0, 1, 1], [], []>, transpose_lhs_hint = false} : vector<2000x128xf32>, vector<128x128xf32>, vector<2000x128xf32> -> vector<2000x128xf32>
    %get3A_12 = arith.constant 0 : index
    %get3A_13 = arith.constant 0 : index
    %get3A_14 = vector.load %arg5[%get3A_12, %get3A_13] : memref<16x128xf32, #tpu.memory_space<vmem>>, vector<16x128xf32>
    %dot_general3A_15 = arith.constant dense<0.000000e+00> : vector<2000x128xf32>
    %dot_general3A_16 = tpu.matmul %add3A, %get3A_14, %dot_general3A_15 {dimension_numbers = #tpu.dot_dimension_numbers<[1], [0], [0], [1], [0, 0, 1, 1], [], []>, transpose_lhs_hint = false} : vector<2000x16xf32>, vector<16x128xf32>, vector<2000x128xf32> -> vector<2000x128xf32>
    %add3A_17 = arith.addf %dot_general3A_11, %dot_general3A_16 : vector<2000x128xf32>
    %get3A_18 = arith.constant 0 : index
    %get3A_19 = arith.constant 0 : index
    %get3A_20 = vector.load %arg7[%get3A_18, %get3A_19] : memref<1x128xf32, #tpu.memory_space<vmem>>, vector<1x128xf32>
    %add3A_21 = vector.broadcast %get3A_20 : vector<1x128xf32> to vector<2000x128xf32>
    %add3A_22 = arith.addf %add3A_17, %add3A_21 : vector<2000x128xf32>
    %get3A_23 = arith.constant 0 : index
    %get3A_24 = arith.constant 0 : index
    %get3A_25 = vector.load %arg6[%get3A_23, %get3A_24] : memref<128x128xf32, #tpu.memory_space<vmem>>, vector<128x128xf32>
    %dot_general3A_26 = arith.constant dense<0.000000e+00> : vector<2000x128xf32>
    %dot_general3A_27 = tpu.matmul %add3A_22, %get3A_25, %dot_general3A_26 {dimension_numbers = #tpu.dot_dimension_numbers<[1], [0], [0], [1], [0, 0, 1, 1], [], []>, transpose_lhs_hint = false} : vector<2000x128xf32>, vector<128x128xf32>, vector<2000x128xf32> -> vector<2000x128xf32>
    %get3A_28 = arith.constant 0 : index
    %get3A_29 = arith.constant 0 : index
    %get3A_30 = vector.load %arg8[%get3A_28, %get3A_29] : memref<1x128xf32, #tpu.memory_space<vmem>>, vector<1x128xf32>
    %add3A_31 = vector.broadcast %get3A_30 : vector<1x128xf32> to vector<2000x128xf32>
    %add3A_32 = arith.addf %dot_general3A_27, %add3A_31 : vector<2000x128xf32>
    %swap3A = arith.constant 0 : index
    %swap3A_33 = arith.constant 0 : index
    %swap3A_34 = vector.load %arg9[%swap3A, %swap3A_33] : memref<2000x128xf32, #tpu.memory_space<vmem>>, vector<2000x128xf32>
    tpu.vector_store %arg9[%swap3A, %swap3A_33], %add3A_32 {strides = array<i32>} : memref<2000x128xf32, #tpu.memory_space<vmem>>, vector<2000x128xf32>,
    return
  }
  func.func @transform_0(%arg0: i32) -> (i32, i32) {
    %c0_i32 = arith.constant 0 : i32
    %c0_i32_0 = arith.constant 0 : i32
    return %arg0, %c0_i32 : i32, i32
  }
  func.func @transform_1(%arg0: i32) -> (i32, i32) {
    %c0_i32 = arith.constant 0 : i32
    %c0_i32_0 = arith.constant 0 : i32
    return %arg0, %c0_i32 : i32, i32
  }
  func.func @transform_2(%arg0: i32) -> (i32, i32) {
    %c0_i32 = arith.constant 0 : i32
    %c0_i32_0 = arith.constant 0 : i32
    return %arg0, %c0_i32 : i32, i32
  }
  func.func @transform_3(%arg0: i32) -> (i32, i32) {
    %c0_i32 = arith.constant 0 : i32
    %c0_i32_0 = arith.constant 0 : i32
    %c0_i32_1 = arith.constant 0 : i32
    return %c0_i32, %c0_i32_0 : i32, i32
  }
  func.func @transform_4(%arg0: i32) -> (i32, i32) {
    %c0_i32 = arith.constant 0 : i32
    %c0_i32_0 = arith.constant 0 : i32
    %c0_i32_1 = arith.constant 0 : i32
    return %c0_i32, %c0_i32_0 : i32, i32
  }
  func.func @transform_5(%arg0: i32) -> (i32, i32) {
    %c0_i32 = arith.constant 0 : i32
    %c0_i32_0 = arith.constant 0 : i32
    %c0_i32_1 = arith.constant 0 : i32
    return %c0_i32, %c0_i32_0 : i32, i32
  }
  func.func @transform_6(%arg0: i32) -> (i32, i32) {
    %c0_i32 = arith.constant 0 : i32
    %c0_i32_0 = arith.constant 0 : i32
    %c0_i32_1 = arith.constant 0 : i32
    return %c0_i32, %c0_i32_0 : i32, i32
  }
  func.func @transform_7(%arg0: i32) -> (i32, i32) {
    %c0_i32 = arith.constant 0 : i32
    %c0_i32_0 = arith.constant 0 : i32
    %c0_i32_1 = arith.constant 0 : i32
    return %c0_i32, %c0_i32_0 : i32, i32
  }
  func.func @transform_8(%arg0: i32) -> (i32, i32) {
    %c0_i32 = arith.constant 0 : i32
    %c0_i32_0 = arith.constant 0 : i32
    return %arg0, %c0_i32 : i32, i32
  }
}

</mosaic_0001>

<sc_bundles>
// kernel: kernel.4.cloned.1.call-start
scs
__scs_entry_jumppad:
0x0: {  	(pc) =	sbr.rel $0x88, $3  }
0x1: {  	(tag) =	ssettag $0x0;
	lr =	simm.s32 $0x1  }
0x2: {  	[smem:$0x3F9A] =	sst lr;
	_ =	strace $0xD0000000  }
0x3: {  	_ = 	snop  }
0x4: {  	_ = 	snop  }
0x5: {  	_ = 	snop  }
0x6: {  	_ = 	snop  }
0x7: {  	_ = 	snop  }
__scs_overlays_trampoline_lowered:
0x8: {  	[smem:$0x3FA9] =	sst s0  }
0x9: {  	[smem:$0x3FAA] =	sst s1  }
0xa: {  	[smem:$0x3FAB] =	sst s2  }
0xb: {  	[smem:$0x3FAC] =	sst s3  }
0xc: {  	[smem:$0x3FAD] =	sst s4  }
0xd: {  	[smem:$0x3FAE] =	sst s5  }
0xe: {  	[smem:$0x3FAF] =	sst s6  }
0xf: {  	[smem:$0x3FB0] =	sst s7  }
0x10: {  	[smem:$0x3FB1] =	sst s8  }
0x11: {  	[smem:$0x3FB2] =	sst s9;
	s0 =	simm.s32 @!p0 $0x0  }
0x12: {  	s1 =	sld [smem:$0x3F98];
	s0 =	simm.s32 @p0 $0x1  }
0x13: {  	[smem:$0x3FB3] =	sst s0;
	s0 =	simm.s32 @!p1 $0x0  }
0x14: {  	s2 =	sld [smem:$0x3F97];
	s0 =	simm.s32 @p1 $0x1  }
0x15: {  	[smem:$0x3FB4] =	sst s0;
	s0 =	simm.s32 @!p2 $0x0  }
0x16: {  	s3 =	sld [smem:$0x3FDB];
	s0 =	simm.s32 @p2 $0x1  }
0x17: {  	s4 =	simm.s32 $0x1BF5;
	[smem:$0x3FB6] =	sst s0  }
0x18: {  	s0 =	sld [smem:$0x3F99];
	_ =	swait.ge [sflag:s4], $0x0  }
0x19: {  	s7 =	sld [smem:$0x3F9A]  }
0x1a: {  	s8 =	sadd.s32 $0xFFFFE003, lr  }
0x1b: {  	s9 =	sadd.s32 $0xFFFFFEF7, lr;
	s5 =	simm.s32 $0xFFFFFFFF;
	p2 =	slt.u32 s8, $0xFFFFF086  }
0x1c: {  	p1 =	slt.u32 s9, $0xF7A;
	s5 =	simm.s32 @!p2 $0x0  }
0x1d: {  	s5 =	simm.s32 @p1 $0x1;
	p0 =	seq.s32 s7, s2  }
0x1e: {  	s7 =	smul.u32 @!p0 $0xF7A, s2;
	p2 =	seq.s32 @!p0 s5, $0x0  }
0x1f: {  	s9 =	smul.u32 $0xF7A, s1;
	s8 =	simm.s32 @!p0 $0x1BF5;
	p2 =	por !p2, p0  }
0x20: {  	[sflag:s8] =	ssyncset.s32 @!p0 $0xFFFFF086;
	s6 =	sadd.s32 @!p0 s3, s7;
	s7 =	simm.s32 @!p0 $0x108  }
0x21: {  	s3 =	sadd.s32 s3, s9;
	s6 =	sadd.s32 @!p0 $0x88, s6;
	s7 =	simm.s32 @p2 $0x1082  }
0x22: {  	[simem:s7], [sflag:s8] =	dma.local @!p0 [hbm:s6], $0xF7A  }
0x23: {  	s9 =	sor.u32 $0xD0000000, s2;
	s6 =	simm.s32 $0x108;
	_ =	swait.ge @!p0 [sflag:s8], $0x0  }
0x24: {  	s3 =	sadd.s32 $0x88, s3;
	s6 =	simm.s32 @!p1 $0x1082;
	[sflag:s4] =	ssyncset.s32 $0xFFFFF086  }
0x25: {  	[simem:s6], [sflag:s4] =	dma.local [hbm:s3], $0xF7A  }
0x26: {  	[smem:$0x3F9A] =	sst s1;
	(tag) =	ssettag s2;
	_ =	strace s9  }
0x27: {  	s1 =	sld [smem:$0x3FAA]  }
0x28: {  	s2 =	sld [smem:$0x3FAB]  }
0x29: {  	s4 =	sld [smem:$0x3FAD]  }
0x2a: {  	p0 =	seq.s32 s5, $0x0;
	s5 =	sld [smem:$0x3FAE]  }
0x2b: {  	s6 =	sld [smem:$0x3FAF]  }
0x2c: {  	s7 =	sld [smem:$0x3FB0]  }
0x2d: {  	s3 =	simm.s32 $0x108;
	s8 =	sld [smem:$0x3FB1]  }
0x2e: {  	s3 =	simm.s32 @!p0 $0x1082;
	s9 =	sld [smem:$0x3FB2]  }
0x2f: {  	lr =	sadd.s32 s0, s3;
	s0 =	sld [smem:$0x3FA9]  }
0x30: {  	s3 =	sld [smem:$0x3FAC]  }
0x31: {  	[smem:$0x3FB5] =	sst s10  }
0x32: {  	s10 =	sld [smem:$0x3FB3];
	_ =	sdelay $0x3  }
0x33: {  	p0 =	seq.s32 s10, $0x1;
	s10 =	sld [smem:$0x3FB5];
	_ =	sdelay $0x3  }
0x34: {  	[smem:$0x3FB5] =	sst s10  }
0x35: {  	s10 =	sld [smem:$0x3FB4];
	_ =	sdelay $0x3  }
0x36: {  	p1 =	seq.s32 s10, $0x1;
	s10 =	sld [smem:$0x3FB5];
	_ =	sdelay $0x3  }
0x37: {  	[smem:$0x3FB5] =	sst s10  }
0x38: {  	s10 =	sld [smem:$0x3FB6]  }
0x39: {  	_ = 	snop;
	(pc) =	sbr.ind lr, $3  }
0x3a: {  	_ = 	snop  }
0x3b: {  	_ = 	snop  }
0x3c: {  	p2 =	seq.s32 s10, $0x1;
	s10 =	sld [smem:$0x3FB5]  }
0x3d: {  	_ =	shalt  }
0x3e: {  	_ =	shalt  }
0x3f: {  	_ =	shalt  }
0x40: {  	_ =	shalt  }
0x41: {  	_ =	shalt  }
0x42: {  	_ =	shalt  }
0x43: {  	_ =	shalt  }
0x44: {  	_ =	shalt  }
0x45: {  	_ =	shalt  }
0x46: {  	_ =	shalt  }
0x47: {  	_ =	shalt  }
0x48: {  	_ =	shalt  }
0x49: {  	_ =	shalt  }
0x4a: {  	_ =	shalt  }
0x4b: {  	_ =	shalt  }
0x4c: {  	_ =	shalt  }
0x4d: {  	_ =	shalt  }
0x4e: {  	_ =	shalt  }
0x4f: {  	_ =	shalt  }
0x50: {  	_ =	shalt  }
0x51: {  	_ =	shalt  }
0x52: {  	_ =	shalt  }
0x53: {  	_ =	shalt  }
0x54: {  	_ =	shalt  }
0x55: {  	_ =	shalt  }
0x56: {  	_ =	shalt  }
0x57: {  	_ =	shalt  }
0x58: {  	_ =	shalt  }
0x59: {  	_ =	shalt  }
0x5a: {  	_ =	shalt  }
0x5b: {  	_ =	shalt  }
0x5c: {  	_ =	shalt  }
0x5d: {  	_ =	shalt  }
0x5e: {  	_ =	shalt  }
0x5f: {  	_ =	shalt  }
0x60: {  	_ =	shalt  }
0x61: {  	_ =	shalt  }
0x62: {  	_ =	shalt  }
0x63: {  	_ =	shalt  }
0x64: {  	_ =	shalt  }
0x65: {  	_ =	shalt  }
0x66: {  	_ =	shalt  }
0x67: {  	_ =	shalt  }
0x68: {  	_ =	shalt  }
0x69: {  	_ =	shalt  }
0x6a: {  	_ =	shalt  }
0x6b: {  	_ =	shalt  }
0x6c: {  	_ =	shalt  }
0x6d: {  	_ =	shalt  }
0x6e: {  	_ =	shalt  }
0x6f: {  	_ =	shalt  }
0x70: {  	_ =	shalt  }
0x71: {  	_ =	shalt  }
0x72: {  	_ =	shalt  }
0x73: {  	_ =	shalt  }
0x74: {  	_ =	shalt  }
0x75: {  	_ =	shalt  }
0x76: {  	_ =	shalt  }
0x77: {  	_ =	shalt  }
0x78: {  	_ =	shalt  }
0x79: {  	_ =	shalt  }
0x7a: {  	_ =	shalt  }
0x7b: {  	_ =	shalt  }
0x7c: {  	_ =	shalt  }
0x7d: {  	_ =	shalt  }
0x7e: {  	_ =	shalt  }
0x7f: {  	_ =	shalt  }
0x80: {  	_ =	shalt  }
0x81: {  	_ =	shalt  }
0x82: {  	_ =	shalt  }
0x83: {  	_ =	shalt  }
0x84: {  	_ =	shalt  }
0x85: {  	_ =	shalt  }
0x86: {  	_ =	shalt  }
0x87: {  	_ =	shalt  }
.Lfunc_end0:
.L_simem_size_0:
called_computation_lowered:
.L_overlay_start_0:
0x88: {  	s2 =	sld [smem:$0x3FD9]  }
0x89: {  	s3 =	sld [smem:$0x3FFE];
	_ =	sdelay $0x1  }
0x8a: {  	s1 =	srdreg.scid  }
0x8b: {  	s0 =	sand.u32 $0x1, s1  }
0x8c: {  	s18 =	sshll.u32 s0, $0xA;
	s2 =	sadd.s32 s3, s2  }
0x8d: {  	s2 =	sadd.s32 s2, s18  }
0x8e: {  	[smem:$0x3FC1] =	sst s2  }
0x8f: {  	_ = 	snop  }
0x90: {  	s2 =	sld [smem:$0x3FC8]  }
0x91: {  	s19 =	sld [smem:$0x3FC7]  }
0x92: {  	s4 =	sld [smem:$0x3FD0];
	(tm) =	ssettm $0x1  }
0x93: {  	s5 =	sld [smem:$0x3FFB];
	_ =	sdelay $0x3  }
0x94: {  	_ =	strace s5  }
0x95: {  	s5 =	sld [smem:$0x3FFC];
	_ =	sdelay $0x3  }
0x96: {  	_ =	strace s5  }
0x97: {  	s5 =	sld [smem:$0x3FFD];
	_ =	sdelay $0x3  }
0x98: {  	_ =	strace s5  }
0x99: {  	_ =	strace $0x8FFFFFFF  }
0x9a: {  	s20 =	sld [smem:$0x3FDB];
	_ =	sdelay $0x1  }
0x9b: {  	s6 =	simm.s32 $_scs_section_size  }
0x9c: {  	s7 =	simm.s32 $_size__tile_overlayer_lowered;
	s8 =	simm.s32 $_tile_overlayer_lowered  }
0x9d: {  	s23 =	simm.s32 $0x1BFF;
	s22 =	sshll.u32 s8, $0x1;
	s5 =	sadd.s32 s6, s20  }
0x9e: {  	s9 =	simm.s32 $0x0;
	s21 =	sshll.u32 s7, $0x1;
	s7 =	sadd.s32 s22, s5  }
0x9f: {  	[timem:s9], [sflag:s23] =	dma.local [hbm:s7], s21  }
0xa0: {  	_ =	swait.ge [sflag:s23], s21  }
0xa1: {  	s6 =	ssub.s32 $0x0, s21;
	[sflag:s23] =	ssyncset.done $0x0  }
0xa2: {  	[sflag:s23] =	ssyncadd.s32 s6;
	_ =	sdelay $0x1  }
0xa3: {  	s24 =	simm.s32 $0x1B8B  }
0xa4: {  	_ =	swait.ge [sflag:s24], $0x1  }
0xa5: {  	[sflag:s24] =	ssyncset.done $0x0  }
0xa6: {  	s25 =	simm.s32 $0x1B8E;
	[sflag:s24] =	ssyncadd.s32 $0xFFFFFFFF  }
0xa7: {  	s26 =	simm.s32 $execute0_lowered;
	[smem:$0x3FD2] =	sst s25  }
0xa8: {  	s6 =	sshll.u32 s26, $0x1;
	_ =	strace $0x80000046;
	[dreg:$0x1] =	wrdreg $0xFFFFFFFF  }
0xa9: {  	s28 =	simm.s32 $_size_execute0_lowered;
	s5 =	sadd.s32 s5, s6;
	[dreg:$0x0] =	wrdreg $0x0  }
0xaa: {  	s6 =	sshll.u32 s28, $0x1;
	[dreg:$0x2] =	wrdreg s5  }
0xab: {  	[dreg:$0x3] =	wrdreg s6  }
0xac: {  	[dreg:$0x4] =	wrdreg $0xC0  }
0xad: {  	_ =	task [dreg:s9], $0x5FFFF  }
0xae: {  	[dreg:$0x1] =	wrdreg $0xFFFFFFFF  }
0xaf: {  	[dreg:$0x0] =	wrdreg $0x60  }
0xb0: {  	[dreg:$0x2] =	wrdreg s2  }
0xb1: {  	[dreg:$0x3] =	wrdreg s19  }
0xb2: {  	[dreg:$0x4] =	wrdreg s4  }
0xb3: {  	[dreg:$0x5] =	wrdreg $0x1D0000  }
0xb4: {  	[dreg:$0x6] =	wrdreg $0x9  }
0xb5: {  	_ =	task.clear_ibuf [dreg:s9], $0x7FFFF;
	_ =	strace $0x90000046  }
0xb6: {  	s29 =	simm.s32 $0x9;
	_ =	strace $0x80000048  }
0xb7: {  	_ =	swait.ge [sflag:s29], $0x1  }
0xb8: {  	[sflag:s29] =	ssyncadd.s32 $0xFFFFFFFF  }
0xb9: {  	_ =	strace $0x90000048  }
0xba: {  	_ =	sfence  }
0xbb: {  	s30 =	sld [smem:$0x0];
	_ =	sdelay $0x2  }
0xbc: {  	s31 =	sshll.u32 s1, $0xD;
	s1 =	sshrl.u32 s1, $0x2  }
0xbd: {  	s3 =	sand.u32 $0x4000, s31;
	s1 =	sadd.s32 s1, s30  }
0xbe: {  	s0 =	sor.u32 s3, s0;
	s1 =	sshll.u32 s1, $0x11  }
0xbf: {  	s0 =	sor.u32 s1, s0  }
0xc0: {  	s0 =	sadd.s32 $0x8F2B, s0  }
0xc1: {  	[sflag:s0] =	ssyncadd.remote.s32 $0x1  }
0xc2: {  	_ =	sfence.sel $0xFFFF  }
0xc3: {  	[dreg:$0x0] =	wrdreg $0xFFFFFFFF;
	(pc) =	sbr.abs _section_cstart, $3  }
0xc4: {  	[dreg:$0x1] =	wrdreg $0xFFFFFFFF  }
0xc5: {  	_ =	task.clear_ibuf [dreg:s9], $0x2FFFF;
	_ =	strace $0x9FFFFFFF  }
0xc6: {  	(tm) =	ssettm $0x7FFFFFFF  }
0xc7: {  	_ =	shalt  }
tec
execute0_lowered:
.L_overlay_start_1:
0x0: {  	(tag) =	ssettag $0x1  }
0x1: {  	s3 =	rddreg [dreg:$0x0]  }
0x2: {  	s4 =	rddreg [dreg:$0x1]  }
0x3: {  	s1 =	rddreg [dreg:$0x2]  }
0x4: {  	s2 =	rddreg [dreg:$0x3]  }
0x5: {  	s0 =	srdreg.scid;
	s11 =	stileid.u32  }
0x6: {  	s5 =	simm.s32 $0x0;
	s9 =	simm.s32 $0x3F;
	s28 =	simm.s32 $0x12800  }
0x7: {  	s29 =	simm.s32 $0x4;
	s30 =	simm.s32 $0x80;
	s31 =	simm.s32 $0x100  }
0x8: {  	s6 =	sand.u32 $0x1, s0;
	s24 =	sshll.u32 s11, $0x1;
	s10 =	smul.u32 $0xA000, s11  }
0x9: {  	[smem:$0x7FF] =	sst s5;
	p0 =	slt.u32 s11, $0x2;
	s17 =	smul.u32 $0x2800, s11  }
0xa: {  	s25 =	ssub.s32 $0x2, s6;
	s0 =	sor.u32 s6, s24;
	_ =	strace $0x80000047  }
0xb: {  	s9 =	simm.s32 @!p0 $0x3E;
	s6 =	smul.u32 $0x28000, s6;
	s7 =	sshrl.u32 s25, $0x1  }
0xc: {  	s8 =	smul.u32 $0x4E, s0;
	s0 =	smin.u32 s0, $0x4;
	s15 =	sshrl.u32 s10, $0x2  }
0xd: {  	s10 =	simm.s32 $0x13800;
	s26 =	ssub.s32 s25, s7;
	s5 =	sadd.s32 s15, s2  }
0xe: {  	s18 =	sadd.s32 s17, s6;
	s6 =	simm.s32 $0x2380;
	s15 =	simm.s32 $0x16000  }
0xf: {  	s17 =	simm.s32 $0x17000;
	s7 =	simm.s32 $0x2;
	s8 =	sadd.s32 s0, s8  }
0x10: {  	s6 =	simm.s32 @!p0 $0x2400;
	s0 =	smax.u32 s26, $0x1;
	s13 =	sshll.u32 s8, $0x7  }
0x11: {  	s14 =	sadd.s32 s8, s9;
	s8 =	sshll.u32 s8, $0x5;
	[dreg:$0x16] =	wrdreg s6  }
0x12: {  	s6 =	simm.s32 $0x2400;
	[smem:$0x7F5] =	sst s0;
	s0 =	simm.s32 $0xA800  }
0x13: {  	s12 =	sadd.s32 s4, s13;
	s9 =	sshll.u32 s14, $0x5;
	s8 =	sadd.s32 s3, s8  }
0x14: {  	s16 =	sshll.u32 s14, $0x7;
	s6 =	simm.s32 @!p0 $0x2480;
	[dreg:$0x6] =	wrdreg s8  }
0x15: {  	s13 =	simm.s32 $0x15000;
	s14 =	simm.s32 $0x15800;
	[dreg:$0x19] =	wrdreg s6  }
0x16: {  	s9 =	sand.u32 $0x1FFFFFE0, s9;
	s19 =	sadd.s32 $0x4E200, s12;
	[dreg:$0x5] =	wrdreg s12  }
0x17: {  	s8 =	simm.s32 $0x13800;
	s20 =	sadd.s32 $0x800, s12;
	[smem:$0x7F6] =	sst s19  }
0x18: {  	s4 =	sadd.s32 s4, s16;
	s21 =	sadd.s32 $0x4EA00, s12;
	[smem:$0x7F7] =	sst s20  }
0x19: {  	s6 =	simm.s32 $0x17800;
	s22 =	sadd.s32 $0x1000, s12;
	[smem:$0x7F8] =	sst s21  }
0x1a: {  	s23 =	sadd.s32 $0x4F200, s12;
	s24 =	sadd.s32 $0x1800, s12;
	[smem:$0x7F9] =	sst s22  }
0x1b: {  	s25 =	sadd.s32 $0x4FA00, s12;
	s12 =	simm.s32 $0x14800;
	[smem:$0x7FA] =	sst s23  }
0x1c: {  	s16 =	simm.s32 $0x16800;
	s3 =	sadd.s32 s3, s9;
	[smem:$0x7FB] =	sst s24  }
0x1d: {  	s8 =	simm.s32 @!p0 $0x14000;
	[dreg:$0x7] =	wrdreg s3;
	s3 =	simm.s32 $0x13000  }
0x1e: {  	s9 =	simm.s32 $0x2300;
	[smem:$0x7FC] =	sst s25;
	s3 =	simm.s32 @!p0 $0x13800  }
0x1f: {  	s6 =	simm.s32 @!p0 $0x18000;
	[dreg:$0x8] =	wrdreg s3;
	s3 =	simm.s32 $0x2080  }
0x20: {  	[dreg:$0x14] =	wrdreg s4;
	s26 =	sadd.s32 $0x4E200, s4;
	s3 =	simm.s32 @!p0 $0x2100  }
0x21: {  	s19 =	simm.s32 $0x18000;
	[dreg:$0x9] =	wrdreg s3;
	s3 =	simm.s32 $0x2100  }
0x22: {  	s21 =	simm.s32 $0x18800;
	s22 =	simm.s32 $0x19000;
	s3 =	simm.s32 @!p0 $0x2180  }
0x23: {  	s24 =	simm.s32 $0x19800;
	[dreg:$0xb] =	wrdreg s3;
	s3 =	simm.s32 $0x14000  }
0x24: {  	s25 =	simm.s32 $0x2800;
	[dreg:$0xa] =	wrdreg s8;
	s3 =	simm.s32 @!p0 $0x14800  }
0x25: {  	s23 =	simm.s32 $0x3;
	[dreg:$0xc] =	wrdreg s3;
	s3 =	simm.s32 $0x14800  }
0x26: {  	s20 =	simm.s32 $0x0;
	[dreg:$0x1c] =	wrdreg s6;
	s3 =	simm.s32 @!p0 $0x15000  }
0x27: {  	s8 =	simm.s32 $0x2180;
	[dreg:$0xe] =	wrdreg s3;
	s3 =	simm.s32 $0x2200  }
0x28: {  	s9 =	simm.s32 @!p0 $0x2380;
	[smem:$0x7FD] =	sst s26;
	s3 =	simm.s32 @!p0 $0x2280  }
0x29: {  	s6 =	simm.s32 $0x2580;
	[dreg:$0xf] =	wrdreg s3;
	s3 =	sshrl.u32 s18, $0x3  }
0x2a: {  	s26 =	simm.s32 $0x6800;
	[dreg:$0x13] =	wrdreg s9;
	s1 =	sadd.s32 s1, s3  }
0x2b: {  	s8 =	simm.s32 @!p0 $0x2200;
	[dreg:$0x17] =	wrdreg s1;
	s1 =	simm.s32 $0x16800  }
0x2c: {  	s6 =	simm.s32 @!p0 $0x2600;
	[dreg:$0xd] =	wrdreg s8;
	s1 =	simm.s32 @!p0 $0x17000  }
0x2d: {  	s9 =	simm.s32 $0x13000;
	[dreg:$0x18] =	wrdreg s1;
	s1 =	simm.s32 $0x17000  }
0x2e: {  	s8 =	simm.s32 $0x15000;
	[dreg:$0x1f] =	wrdreg s6;
	s1 =	simm.s32 @!p0 $0x17800  }
0x2f: {  	s8 =	simm.s32 @!p0 $0x15800;
	[dreg:$0x1a] =	wrdreg s1;
	s1 =	simm.s32 $0x2480  }
0x30: {  	s6 =	simm.s32 $0x19000;
	[dreg:$0x10] =	wrdreg s8;
	s1 =	simm.s32 @!p0 $0x2500  }
0x31: {  	s6 =	simm.s32 @!p0 $0x19800;
	[dreg:$0x1b] =	wrdreg s1;
	s1 =	simm.s32 $0x2500  }
0x32: {  	s8 =	simm.s32 $0x2280;
	[smem:$0x7F1] =	sst s6;
	s1 =	simm.s32 @!p0 $0x2580  }
0x33: {  	s8 =	simm.s32 @!p0 $0x2300;
	[dreg:$0x1d] =	wrdreg s1;
	s1 =	simm.s32 $0x18000  }
0x34: {  	s6 =	simm.s32 $0x2700;
	[dreg:$0x11] =	wrdreg s8;
	s1 =	simm.s32 @!p0 $0x18800  }
0x35: {  	s6 =	simm.s32 @!p0 $0x2780;
	[dreg:$0x1e] =	wrdreg s1;
	s1 =	simm.s32 $0x18800  }
0x36: {  	s8 =	simm.s32 $0x15800;
	[smem:$0x7F4] =	sst s6;
	s1 =	simm.s32 @!p0 $0x19000  }
0x37: {  	s8 =	simm.s32 @!p0 $0x16000;
	[smem:$0x7EF] =	sst s1;
	s1 =	simm.s32 $0x2600  }
0x38: {  	[dreg:$0x12] =	wrdreg s8;
	s8 =	simm.s32 $0x16000;
	s1 =	simm.s32 @!p0 $0x2680  }
0x39: {  	s8 =	simm.s32 @!p0 $0x16800;
	[smem:$0x7F0] =	sst s1;
	s1 =	simm.s32 $0x2680  }
0x3a: {  	s6 =	simm.s32 $0x1A000;
	[dreg:$0x15] =	wrdreg s8;
	s1 =	simm.s32 @!p0 $0x2700  }
0x3b: {  	s18 =	simm.s32 $0x17800;
	[smem:$0x7F2] =	sst s1;
	s1 =	simm.s32 $0x19800  }
0x3c: {  	s3 =	simm.s32 $0x0;
	s1 =	simm.s32 @!p0 $0x1A000;
	p0 =	sgt.u32 s11, $0x1  }
0x3d: {  	v0 =	vimm.f32 $0.0e+00;
	s11 =	simm.s32 $0x14000;
	[smem:$0x7F3] =	sst s1;
	s1 =	simm.s32 $0x1  }
.LBB2_1:
0x3e: {  	s4 =	rddreg [dreg:$0x5]  }
0x3f: {  	s8 =	sld [smem:$0x7F6]  }
0x40: {  	[tilespmem:s25], [sflag:$0x1] =	stream.linear.gather [hbm4b:s4+s3], $0x4000, $0x38;
	[tilespmem:$0x1F800] =	vst v63  }
0x41: {  	_ = 	snop  }
0x42: {  	[tilespmem:s26], [sflag:$0x1] =	stream.linear.gather [hbm4b:s8+s3], $0x4000, $0x38;
	[tilespmem:$0x1F800] =	vst v63  }
0x43: {  	s3 =	simm.s32 $0x12840  }
0x44: {  	[tilespmem:s3+$0xFFFFFFC0] =	vst v0  }
0x45: {  	[tilespmem:s3+$0x30] =	vst v0  }
0x46: {  	[tilespmem:s3+$0x20] =	vst v0  }
0x47: {  	[tilespmem:s3+$0x10] =	vst v0  }
0x48: {  	[tilespmem:s3+$0x0] =	vst v0  }
0x49: {  	[tilespmem:s3+$0xFFFFFFF0] =	vst v0  }
0x4a: {  	s4 =	simm.s32 $0x0;
	[tilespmem:s3+$0xFFFFFFE0] =	vst v0  }
.LBB2_2:
0x4b: {  	s4 =	sadd.s32 $0x8, s4;
	[tilespmem:s3+$0xFFFFFFD0] =	vst v0;
	s3 =	sadd.s32 $0x80, s3  }
0x4c: {  	[tilespmem:s3+$0xFFFFFFC0] =	vst v0;
	p1 =	slt.u32 s4, $0x278  }
0x4d: {  	[tilespmem:s3+$0x30] =	vst v0  }
.Ltmp0:
0x4e: {  	[tilespmem:s3+$0x20] =	vst v0;
	(pc) =	sbr.rel @p1 .LBB2_2-.Ltmp0, $4  }
0x4f: {  	[tilespmem:s3+$0x10] =	vst v0  }
0x50: {  	[tilespmem:s3+$0x0] =	vst v0  }
0x51: {  	[tilespmem:s3+$0xFFFFFFF0] =	vst v0  }
0x52: {  	[tilespmem:s3+$0xFFFFFFE0] =	vst v0  }
0x53: {  	[tilespmem:s3+$0xFFFFFFD0] =	vst v0  }
0x54: {  	[spmem:s5] =	stream.linear.scatter [tilespmem:s28], [sflag:$0x4], $0x2800, $0x38;
	[tilespmem:$0x1F800] =	vst v63  }
0x55: {  	_ =	swait.ge [sflag:s29], $0x2800  }
0x56: {  	[sflag:s29] =	ssyncset.done $0x0  }
0x57: {  	s8 =	simm.s32 $0x0;
	s4 =	rddreg [dreg:$0x6];
	[sflag:s29] =	ssyncadd.s32 $0xFFFFD800  }
0x58: {  	[tilespmem:s8], [sflag:$0x4] =	stream.strided.gather [hbm4b:s4+s30], $0x2000, s31, s30, $0x38;
	[tilespmem:$0x1F800] =	vst v63  }
0x59: {  	_ =	swait.ge [sflag:s29], $0x2000  }
0x5a: {  	[sflag:s29] =	ssyncset.done $0x0  }
0x5b: {  	s4 =	simm.s32 $0x2000;
	s3 =	rddreg [dreg:$0x7];
	[sflag:s29] =	ssyncadd.s32 $0xFFFFE000  }
0x5c: {  	[tilespmem:s4], [sflag:$0x4] =	stream.strided.gather [hbm4b:s3+s30], $0x800, s31, s30, $0x38;
	[tilespmem:$0x1F800] =	vst v63  }
0x5d: {  	_ =	swait.ge [sflag:s29], $0x800  }
0x5e: {  	[sflag:s29] =	ssyncset.done $0x0  }
0x5f: {  	[sflag:s29] =	ssyncadd.s32 $0xFFFFF800  }
0x60: {  	[bflag:$0x0] =	sbarrier.arrive $0xFFFF  }
0x61: {  	s4 =	sld [smem:$0x7F7];
	_ =	sdelay $0x1  }
0x62: {  	s3 =	sld [smem:$0x7F8]  }
0x63: {  	[tilespmem:s0], [sflag:$0x2] =	stream.linear.gather [hbm4b:s4+s8], $0x4000, $0x38;
	[tilespmem:$0x1F800] =	vst v63  }
0x64: {  	s4 =	simm.s32 $0xE800  }
0x65: {  	[tilespmem:s4], [sflag:$0x2] =	stream.linear.gather [hbm4b:s3+s8], $0x4000, $0x38;
	[tilespmem:$0x1F800] =	vst v63  }
0x66: {  	_ =	swait.ge [sflag:s1], $0x4000  }
0x67: {  	[sflag:s1] =	ssyncset.done $0x0  }
0x68: {  	[sflag:s1] =	ssyncadd.s32 $0xFFFFC000  }
0x69: {  	_ =	swait.ge [sflag:s1], $0x4000  }
0x6a: {  	[sflag:s1] =	ssyncset.done $0x0  }
0x6b: {  	[sflag:s1] =	ssyncadd.s32 $0xFFFFC000  }
.LBB2_4:
0x6c: {  	v1 =	vlaneseq.u32  }
0x6d: {  	v2 =	vadd.s32 s8, v1  }
0x6e: {  	v3 =	vshll.u32 v2, $0xB;
	v4 =	vshll.u32 v2, $0x7  }
0x6f: {  	v3 =	vand.u32 $0x4000, v3;
	v4 =	vand.u32 $0x380, v4  }
0x70: {  	v3 =	vor.u32 v3, v4  }
0x71: {  	v11 =	vor.u32 v1, v3  }
0x72: {  	v3 =	vadd.s32 $0x50, v11  }
0x73: {  	v4 =	vadd.s32 $0x70, v11  }
0x74: {  	v5 =	vadd.s32 $0x10, v11  }
0x75: {  	v6 =	vadd.s32 $0x20, v11  }
0x76: {  	v7 =	vadd.s32 $0x30, v11;
	v9 =	vld.idx.msk [tilespmem:v11+s25+$0x0], $0xffff  }
0x77: {  	v14 =	vshll.u32 v1, $0x4;
	v2 =	vand.u32 $0xF, v2;
	v8 =	vadd.s32 $0x40, v11;
	v13 =	vld.idx.msk [tilespmem:v3+s25+$0x0], $0xffff  }
0x78: {  	v16 =	vor.u32 v14, v2;
	v12 =	vadd.s32 $0x60, v11;
	v10 =	vld.idx.msk [tilespmem:v4+s25+$0x0], $0xffff;
	v3 =	vor.u32 $0x100, v2  }
0x79: {  	v15 =	vld.idx.msk [tilespmem:v5+s25+$0x0], $0xffff;
	v4 =	vor.u32 $0x200, v2;
	v18 =	vadd.s32 v3, v14  }
0x7a: {  	v17 =	vld.idx.msk [tilespmem:v6+s25+$0x0], $0xffff;
	v5 =	vor.u32 $0x300, v2;
	v20 =	vadd.s32 v4, v14  }
0x7b: {  	v19 =	vld.idx.msk [tilespmem:v7+s25+$0x0], $0xffff;
	v6 =	vor.u32 $0x400, v2;
	v22 =	vadd.s32 v5, v14  }
0x7c: {  	v21 =	vld.idx.msk [tilespmem:v8+s25+$0x0], $0xffff;
	v7 =	vor.u32 $0x500, v2;
	v24 =	vadd.s32 v6, v14  }
0x7d: {  	v23 =	vld.idx.msk [tilespmem:v12+s25+$0x0], $0xffff;
	[tilespmem:v16+s28+$0x0] =	vst.idx.msk $0xffff, v9;
	v16 =	vadd.s32 v7, v14  }
0x7e: {  	v8 =	vor.u32 $0x600, v2;
	[tilespmem:v18+s28+$0x0] =	vst.idx.msk $0xffff, v15  }
0x7f: {  	v9 =	vor.u32 $0x700, v2;
	v18 =	vadd.s32 v8, v14;
	[tilespmem:v20+s28+$0x0] =	vst.idx.msk $0xffff, v17  }
0x80: {  	v12 =	vadd.s32 $0x400, v11;
	v17 =	vadd.s32 v9, v14;
	[tilespmem:v22+s28+$0x0] =	vst.idx.msk $0xffff, v19  }
0x81: {  	v15 =	vadd.s32 $0x50, v12;
	[tilespmem:v24+s28+$0x0] =	vst.idx.msk $0xffff, v21  }
0x82: {  	[tilespmem:v16+s28+$0x0] =	vst.idx.msk $0xffff, v13;
	v16 =	vadd.s32 $0x70, v12;
	_ =	sdelay $0x1  }
0x83: {  	s4 =	simm.s32 $0xE;
	v11 =	vadd.s32 $0x20, v12;
	v14 =	vadd.s32 $0x10, v12;
	v13 =	vadd.s32 $0x400, v12;
	[tilespmem:v18+s28+$0x0] =	vst.idx.msk $0xffff, v23  }
.LBB2_5:
0x84: {  	v18 =	vadd.s32 $0x20, v13;
	p1 =	sne.s32 s4, $0x1;
	s4 =	sadd.s32 $0xFFFFFFFF, s4;
	[tilespmem:v17+s28+$0x0] =	vst.idx.msk $0xffff, v10;
	v1 =	vadd.s32 $0x80, v1  }
0x85: {  	v17 =	vadd.s32 $0x30, v12;
	v19 =	vld.idx.msk [tilespmem:v15+s25+$0x0], $0xffff  }
0x86: {  	v15 =	vadd.s32 $0x40, v12;
	v10 =	vld.idx.msk [tilespmem:v16+s25+$0x0], $0xffff  }
0x87: {  	v20 =	vadd.s32 $0x60, v12;
	v21 =	vshll.u32 v1, $0x4;
	v16 =	vld.idx.msk [tilespmem:v12+s25+$0x0], $0xffff;
	v12 =	vmov v13  }
0x88: {  	v22 =	vor.u32 v21, v2;
	v14 =	vld.idx.msk [tilespmem:v14+s25+$0x0], $0xffff  }
0x89: {  	v24 =	vadd.s32 v3, v21;
	v23 =	vld.idx.msk [tilespmem:v11+s25+$0x0], $0xffff;
	v11 =	vmov v18  }
0x8a: {  	v18 =	vld.idx.msk [tilespmem:v17+s25+$0x0], $0xffff;
	v17 =	vadd.s32 v4, v21  }
0x8b: {  	v26 =	vadd.s32 v5, v21;
	v25 =	vld.idx.msk [tilespmem:v15+s25+$0x0], $0xffff  }
0x8c: {  	v27 =	vadd.s32 v6, v21;
	v20 =	vld.idx.msk [tilespmem:v20+s25+$0x0], $0xffff  }
0x8d: {  	[tilespmem:v22+s28+$0x0] =	vst.idx.msk $0xffff, v16;
	v22 =	vadd.s32 v7, v21  }
0x8e: {  	[tilespmem:v24+s28+$0x0] =	vst.idx.msk $0xffff, v14;
	v24 =	vadd.s32 v8, v21  }
.Ltmp1:
0x8f: {  	[tilespmem:v17+s28+$0x0] =	vst.idx.msk $0xffff, v23;
	v17 =	vadd.s32 v9, v21;
	(pc) =	sbr.rel @p1 .LBB2_5-.Ltmp1, $4  }
0x90: {  	v15 =	vadd.s32 $0x50, v13;
	[tilespmem:v26+s28+$0x0] =	vst.idx.msk $0xffff, v18  }
0x91: {  	v16 =	vadd.s32 $0x70, v13;
	[tilespmem:v27+s28+$0x0] =	vst.idx.msk $0xffff, v25  }
0x92: {  	[tilespmem:v22+s28+$0x0] =	vst.idx.msk $0xffff, v19  }
0x93: {  	v13 =	vadd.s32 $0x400, v13;
	v14 =	vadd.s32 $0x10, v12;
	[tilespmem:v24+s28+$0x0] =	vst.idx.msk $0xffff, v20  }
0x94: {  	_ =	sdelay $0x3  }
0x95: {  	[tilespmem:v17+s28+$0x0] =	vst.idx.msk $0xffff, v10  }
0x96: {  	v61 =	vadd.s32 $0x30, v12;
	v1 =	vadd.s32 $0x80, v1;
	v13 =	vld.idx.msk [tilespmem:v15+s25+$0x0], $0xffff  }
0x97: {  	v62 =	vadd.s32 $0x40, v12;
	v16 =	vld.idx.msk [tilespmem:v16+s25+$0x0], $0xffff;
	v1 =	vshll.u32 v1, $0x4  }
0x98: {  	v63 =	vadd.s32 $0x60, v12;
	v17 =	vld.idx.msk [tilespmem:v12+s25+$0x0], $0xffff;
	v2 =	vor.u32 v1, v2  }
0x99: {  	v14 =	vld.idx.msk [tilespmem:v14+s25+$0x0], $0xffff;
	v3 =	vadd.s32 v3, v1  }
0x9a: {  	v11 =	vld.idx.msk [tilespmem:v11+s25+$0x0], $0xffff;
	v4 =	vadd.s32 v4, v1  }
0x9b: {  	v5 =	vadd.s32 v5, v1;
	v10 =	vld.idx.msk [tilespmem:v61+s25+$0x0], $0xffff  }
0x9c: {  	v6 =	vadd.s32 v6, v1;
	v15 =	vld.idx.msk [tilespmem:v62+s25+$0x0], $0xffff  }
0x9d: {  	v12 =	vld.idx.msk [tilespmem:v63+s25+$0x0], $0xffff;
	[tilespmem:v2+s28+$0x0] =	vst.idx.msk $0xffff, v17;
	v2 =	vadd.s32 v7, v1  }
0x9e: {  	s8 =	sadd.s32 $0x1, s8;
	[tilespmem:v3+s28+$0x0] =	vst.idx.msk $0xffff, v14;
	v3 =	vadd.s32 v8, v1  }
0x9f: {  	p1 =	sne.s32 s8, $0x10;
	v1 =	vadd.s32 v9, v1;
	[tilespmem:v4+s28+$0x0] =	vst.idx.msk $0xffff, v11  }
.Ltmp2:
0xa0: {  	[tilespmem:v5+s28+$0x0] =	vst.idx.msk $0xffff, v10;
	(pc) =	sbr.rel @p1 .LBB2_4-.Ltmp2, $4  }
0xa1: {  	[tilespmem:v6+s28+$0x0] =	vst.idx.msk $0xffff, v15  }
0xa2: {  	[tilespmem:v2+s28+$0x0] =	vst.idx.msk $0xffff, v13  }
0xa3: {  	[tilespmem:v3+s28+$0x0] =	vst.idx.msk $0xffff, v12  }
0xa4: {  	[tilespmem:v1+s28+$0x0] =	vst.idx.msk $0xffff, v16  }
0xa5: {  	s8 =	simm.s32 $0x0  }
0xa6: {  	[spmem:s2] =	stream.indirect.scatter.add.f32 [tilespmem:s28], [sflag:$0x3], $0x10, s8, s30, $0xb8;
	[tilespmem:$0x1F800] =	vst v63  }
0xa7: {  	_ = 	snop  }
0xa8: {  	[spmem:s2] =	stream.indirect.scatter.add.f32 [tilespmem:s9], [sflag:$0x3], $0x10, s30, s30, $0xb8;
	[tilespmem:$0x1F800] =	vst v63  }
0xa9: {  	_ = 	snop  }
0xaa: {  	[spmem:s2] =	stream.indirect.scatter.add.f32 [tilespmem:s10], [sflag:$0x3], $0x10, s31, s30, $0xb8;
	[tilespmem:$0x1F800] =	vst v63  }
0xab: {  	s3 =	simm.s32 $0x180  }
0xac: {  	[spmem:s2] =	stream.indirect.scatter.add.f32 [tilespmem:s11], [sflag:$0x3], $0x10, s3, s30, $0xb8;
	[tilespmem:$0x1F800] =	vst v63  }
0xad: {  	s4 =	simm.s32 $0x200  }
0xae: {  	[spmem:s2] =	stream.indirect.scatter.add.f32 [tilespmem:s12], [sflag:$0x3], $0x10, s4, s30, $0xb8;
	[tilespmem:$0x1F800] =	vst v63  }
0xaf: {  	s4 =	simm.s32 $0x280  }
0xb0: {  	[spmem:s2] =	stream.indirect.scatter.add.f32 [tilespmem:s13], [sflag:$0x3], $0x10, s4, s30, $0xb8;
	[tilespmem:$0x1F800] =	vst v63  }
0xb1: {  	s4 =	simm.s32 $0x300  }
0xb2: {  	[spmem:s2] =	stream.indirect.scatter.add.f32 [tilespmem:s14], [sflag:$0x3], $0x10, s4, s30, $0xb8;
	[tilespmem:$0x1F800] =	vst v63  }
0xb3: {  	s4 =	simm.s32 $0x380  }
0xb4: {  	[spmem:s2] =	stream.indirect.scatter.add.f32 [tilespmem:s15], [sflag:$0x3], $0x10, s4, s30, $0xb8;
	[tilespmem:$0x1F800] =	vst v63  }
0xb5: {  	s4 =	simm.s32 $0x400  }
0xb6: {  	[spmem:s2] =	stream.indirect.scatter.add.f32 [tilespmem:s16], [sflag:$0x3], $0x10, s4, s30, $0xb8;
	[tilespmem:$0x1F800] =	vst v63  }
0xb7: {  	s4 =	simm.s32 $0x480  }
0xb8: {  	[spmem:s2] =	stream.indirect.scatter.add.f32 [tilespmem:s17], [sflag:$0x3], $0x10, s4, s30, $0xb8;
	[tilespmem:$0x1F800] =	vst v63  }
0xb9: {  	s4 =	simm.s32 $0x500  }
0xba: {  	[spmem:s2] =	stream.indirect.scatter.add.f32 [tilespmem:s18], [sflag:$0x3], $0x10, s4, s30, $0xb8;
	[tilespmem:$0x1F800] =	vst v63  }
0xbb: {  	s4 =	simm.s32 $0x580  }
0xbc: {  	[spmem:s2] =	stream.indirect.scatter.add.f32 [tilespmem:s19], [sflag:$0x3], $0x10, s4, s30, $0xb8;
	[tilespmem:$0x1F800] =	vst v63  }
0xbd: {  	s4 =	simm.s32 $0x600  }
0xbe: {  	[spmem:s2] =	stream.indirect.scatter.add.f32 [tilespmem:s21], [sflag:$0x3], $0x10, s4, s30, $0xb8;
	[tilespmem:$0x1F800] =	vst v63  }
0xbf: {  	s4 =	simm.s32 $0x680  }
0xc0: {  	[spmem:s2] =	stream.indirect.scatter.add.f32 [tilespmem:s22], [sflag:$0x3], $0x10, s4, s30, $0xb8;
	[tilespmem:$0x1F800] =	vst v63  }
0xc1: {  	s4 =	simm.s32 $0x700  }
0xc2: {  	[spmem:s2] =	stream.indirect.scatter.add.f32 [tilespmem:s24], [sflag:$0x3], $0x10, s4, s30, $0xb8;
	[tilespmem:$0x1F800] =	vst v63  }
0xc3: {  	s4 =	simm.s32 $0x780  }
0xc4: {  	[spmem:s2] =	stream.indirect.scatter.add.f32 [tilespmem:s6], [sflag:$0x3], $0x10, s4, s30, $0xb8;
	[tilespmem:$0x1F800] =	vst v63  }
0xc5: {  	s4 =	sld [smem:$0x7F9];
	_ =	sdelay $0x2  }
0xc6: {  	[tilespmem:s25], [sflag:$0x1] =	stream.linear.gather [hbm4b:s4+s8], $0x4000, $0x38;
	[tilespmem:$0x1F800] =	vst v63  }
0xc7: {  	s4 =	sld [smem:$0x7FA];
	_ =	sdelay $0x2  }
0xc8: {  	[tilespmem:s26], [sflag:$0x1] =	stream.linear.gather [hbm4b:s4+s8], $0x4000, $0x38;
	[tilespmem:$0x1F800] =	vst v63  }
0xc9: {  	_ =	swait.ge [sflag:s7], $0x4000  }
0xca: {  	[sflag:s7] =	ssyncset.done $0x0  }
0xcb: {  	[sflag:s7] =	ssyncadd.s32 $0xFFFFC000  }
0xcc: {  	_ =	swait.ge [sflag:s7], $0x4000  }
0xcd: {  	[sflag:s7] =	ssyncset.done $0x0  }
0xce: {  	[sflag:s7] =	ssyncadd.s32 $0xFFFFC000  }
0xcf: {  	_ =	swait.ge [sflag:s23], $0x800  }
0xd0: {  	[sflag:s23] =	ssyncset.done $0x0  }
0xd1: {  	[sflag:s23] =	ssyncadd.s32 $0xFFFFF800  }
0xd2: {  	_ =	swait.ge [sflag:s23], $0x800  }
0xd3: {  	[sflag:s23] =	ssyncset.done $0x0  }
0xd4: {  	[sflag:s23] =	ssyncadd.s32 $0xFFFFF800  }
0xd5: {  	_ =	swait.ge [sflag:s23], $0x800  }
0xd6: {  	[sflag:s23] =	ssyncset.done $0x0  }
0xd7: {  	[sflag:s23] =	ssyncadd.s32 $0xFFFFF800  }
0xd8: {  	_ =	swait.ge [sflag:s23], $0x800  }
0xd9: {  	[sflag:s23] =	ssyncset.done $0x0  }
0xda: {  	[sflag:s23] =	ssyncadd.s32 $0xFFFFF800  }
0xdb: {  	_ =	swait.ge [sflag:s23], $0x800  }
0xdc: {  	[sflag:s23] =	ssyncset.done $0x0  }
0xdd: {  	[sflag:s23] =	ssyncadd.s32 $0xFFFFF800  }
0xde: {  	_ =	swait.ge [sflag:s23], $0x800  }
0xdf: {  	[sflag:s23] =	ssyncset.done $0x0  }
0xe0: {  	[sflag:s23] =	ssyncadd.s32 $0xFFFFF800  }
0xe1: {  	_ =	swait.ge [sflag:s23], $0x800  }
0xe2: {  	[sflag:s23] =	ssyncset.done $0x0  }
0xe3: {  	[sflag:s23] =	ssyncadd.s32 $0xFFFFF800  }
0xe4: {  	_ =	swait.ge [sflag:s23], $0x800  }
0xe5: {  	[sflag:s23] =	ssyncset.done $0x0  }
0xe6: {  	[sflag:s23] =	ssyncadd.s32 $0xFFFFF800  }
0xe7: {  	_ =	swait.ge [sflag:s23], $0x800  }
0xe8: {  	[sflag:s23] =	ssyncset.done $0x0  }
0xe9: {  	[sflag:s23] =	ssyncadd.s32 $0xFFFFF800  }
0xea: {  	_ =	swait.ge [sflag:s23], $0x800  }
0xeb: {  	[sflag:s23] =	ssyncset.done $0x0  }
0xec: {  	[sflag:s23] =	ssyncadd.s32 $0xFFFFF800  }
0xed: {  	_ =	swait.ge [sflag:s23], $0x800  }
0xee: {  	[sflag:s23] =	ssyncset.done $0x0  }
0xef: {  	[sflag:s23] =	ssyncadd.s32 $0xFFFFF800  }
0xf0: {  	_ =	swait.ge [sflag:s23], $0x800  }
0xf1: {  	[sflag:s23] =	ssyncset.done $0x0  }
0xf2: {  	[sflag:s23] =	ssyncadd.s32 $0xFFFFF800  }
0xf3: {  	_ =	swait.ge [sflag:s23], $0x800  }
0xf4: {  	[sflag:s23] =	ssyncset.done $0x0  }
0xf5: {  	[sflag:s23] =	ssyncadd.s32 $0xFFFFF800  }
0xf6: {  	_ =	swait.ge [sflag:s23], $0x800  }
0xf7: {  	[sflag:s23] =	ssyncset.done $0x0  }
0xf8: {  	[sflag:s23] =	ssyncadd.s32 $0xFFFFF800  }
0xf9: {  	_ =	swait.ge [sflag:s23], $0x800  }
0xfa: {  	[sflag:s23] =	ssyncset.done $0x0  }
0xfb: {  	[sflag:s23] =	ssyncadd.s32 $0xFFFFF800  }
0xfc: {  	_ =	swait.ge [sflag:s23], $0x800  }
0xfd: {  	[sflag:s23] =	ssyncset.done $0x0  }
0xfe: {  	[sflag:s23] =	ssyncadd.s32 $0xFFFFF800  }
.LBB2_8:
0xff: {  	v1 =	vlaneseq.u32  }
0x100: {  	v2 =	vadd.s32 s8, v1  }
0x101: {  	v3 =	vshll.u32 v2, $0xB;
	v4 =	vshll.u32 v2, $0x7  }
0x102: {  	v3 =	vand.u32 $0x4000, v3;
	v4 =	vand.u32 $0x380, v4  }
0x103: {  	v3 =	vor.u32 v3, v4  }
0x104: {  	v11 =	vor.u32 v1, v3  }
0x105: {  	v3 =	vadd.s32 $0x50, v11  }
0x106: {  	v4 =	vadd.s32 $0x70, v11  }
0x107: {  	v5 =	vadd.s32 $0x10, v11  }
0x108: {  	v6 =	vadd.s32 $0x20, v11  }
0x109: {  	v7 =	vadd.s32 $0x30, v11;
	v9 =	vld.idx.msk [tilespmem:v11+s0+$0x0], $0xffff  }
0x10a: {  	v14 =	vshll.u32 v1, $0x4;
	v2 =	vand.u32 $0xF, v2;
	v8 =	vadd.s32 $0x40, v11;
	v13 =	vld.idx.msk [tilespmem:v3+s0+$0x0], $0xffff  }
0x10b: {  	v16 =	vor.u32 v14, v2;
	v12 =	vadd.s32 $0x60, v11;
	v10 =	vld.idx.msk [tilespmem:v4+s0+$0x0], $0xffff;
	v3 =	vor.u32 $0x100, v2  }
0x10c: {  	v15 =	vld.idx.msk [tilespmem:v5+s0+$0x0], $0xffff;
	v4 =	vor.u32 $0x200, v2;
	v18 =	vadd.s32 v3, v14  }
0x10d: {  	v17 =	vld.idx.msk [tilespmem:v6+s0+$0x0], $0xffff;
	v5 =	vor.u32 $0x300, v2;
	v20 =	vadd.s32 v4, v14  }
0x10e: {  	v19 =	vld.idx.msk [tilespmem:v7+s0+$0x0], $0xffff;
	v6 =	vor.u32 $0x400, v2;
	v22 =	vadd.s32 v5, v14  }
0x10f: {  	v21 =	vld.idx.msk [tilespmem:v8+s0+$0x0], $0xffff;
	v7 =	vor.u32 $0x500, v2;
	v24 =	vadd.s32 v6, v14  }
0x110: {  	v23 =	vld.idx.msk [tilespmem:v12+s0+$0x0], $0xffff;
	[tilespmem:v16+s28+$0x0] =	vst.idx.msk $0xffff, v9;
	v16 =	vadd.s32 v7, v14  }
0x111: {  	v8 =	vor.u32 $0x600, v2;
	[tilespmem:v18+s28+$0x0] =	vst.idx.msk $0xffff, v15  }
0x112: {  	v9 =	vor.u32 $0x700, v2;
	v18 =	vadd.s32 v8, v14;
	[tilespmem:v20+s28+$0x0] =	vst.idx.msk $0xffff, v17  }
0x113: {  	v12 =	vadd.s32 $0x400, v11;
	v17 =	vadd.s32 v9, v14;
	[tilespmem:v22+s28+$0x0] =	vst.idx.msk $0xffff, v19  }
0x114: {  	v15 =	vadd.s32 $0x50, v12;
	[tilespmem:v24+s28+$0x0] =	vst.idx.msk $0xffff, v21  }
0x115: {  	[tilespmem:v16+s28+$0x0] =	vst.idx.msk $0xffff, v13;
	v16 =	vadd.s32 $0x70, v12;
	_ =	sdelay $0x1  }
0x116: {  	s4 =	simm.s32 $0xE;
	v11 =	vadd.s32 $0x20, v12;
	v14 =	vadd.s32 $0x10, v12;
	v13 =	vadd.s32 $0x400, v12;
	[tilespmem:v18+s28+$0x0] =	vst.idx.msk $0xffff, v23  }
.LBB2_9:
0x117: {  	v18 =	vadd.s32 $0x20, v13;
	p1 =	sne.s32 s4, $0x1;
	s4 =	sadd.s32 $0xFFFFFFFF, s4;
	[tilespmem:v17+s28+$0x0] =	vst.idx.msk $0xffff, v10;
	v1 =	vadd.s32 $0x80, v1  }
0x118: {  	v17 =	vadd.s32 $0x30, v12;
	v19 =	vld.idx.msk [tilespmem:v15+s0+$0x0], $0xffff  }
0x119: {  	v15 =	vadd.s32 $0x40, v12;
	v10 =	vld.idx.msk [tilespmem:v16+s0+$0x0], $0xffff  }
0x11a: {  	v20 =	vadd.s32 $0x60, v12;
	v21 =	vshll.u32 v1, $0x4;
	v16 =	vld.idx.msk [tilespmem:v12+s0+$0x0], $0xffff;
	v12 =	vmov v13  }
0x11b: {  	v22 =	vor.u32 v21, v2;
	v14 =	vld.idx.msk [tilespmem:v14+s0+$0x0], $0xffff  }
0x11c: {  	v24 =	vadd.s32 v3, v21;
	v23 =	vld.idx.msk [tilespmem:v11+s0+$0x0], $0xffff;
	v11 =	vmov v18  }
0x11d: {  	v18 =	vld.idx.msk [tilespmem:v17+s0+$0x0], $0xffff;
	v17 =	vadd.s32 v4, v21  }
0x11e: {  	v26 =	vadd.s32 v5, v21;
	v25 =	vld.idx.msk [tilespmem:v15+s0+$0x0], $0xffff  }
0x11f: {  	v27 =	vadd.s32 v6, v21;
	v20 =	vld.idx.msk [tilespmem:v20+s0+$0x0], $0xffff  }
0x120: {  	[tilespmem:v22+s28+$0x0] =	vst.idx.msk $0xffff, v16;
	v22 =	vadd.s32 v7, v21  }
0x121: {  	[tilespmem:v24+s28+$0x0] =	vst.idx.msk $0xffff, v14;
	v24 =	vadd.s32 v8, v21  }
.Ltmp3:
0x122: {  	[tilespmem:v17+s28+$0x0] =	vst.idx.msk $0xffff, v23;
	v17 =	vadd.s32 v9, v21;
	(pc) =	sbr.rel @p1 .LBB2_9-.Ltmp3, $4  }
0x123: {  	v15 =	vadd.s32 $0x50, v13;
	[tilespmem:v26+s28+$0x0] =	vst.idx.msk $0xffff, v18  }
0x124: {  	v16 =	vadd.s32 $0x70, v13;
	[tilespmem:v27+s28+$0x0] =	vst.idx.msk $0xffff, v25  }
0x125: {  	[tilespmem:v22+s28+$0x0] =	vst.idx.msk $0xffff, v19  }
0x126: {  	v13 =	vadd.s32 $0x400, v13;
	v14 =	vadd.s32 $0x10, v12;
	[tilespmem:v24+s28+$0x0] =	vst.idx.msk $0xffff, v20  }
0x127: {  	_ =	sdelay $0x3  }
0x128: {  	[tilespmem:v17+s28+$0x0] =	vst.idx.msk $0xffff, v10  }
0x129: {  	v61 =	vadd.s32 $0x30, v12;
	v1 =	vadd.s32 $0x80, v1;
	v13 =	vld.idx.msk [tilespmem:v15+s0+$0x0], $0xffff  }
0x12a: {  	v62 =	vadd.s32 $0x40, v12;
	v16 =	vld.idx.msk [tilespmem:v16+s0+$0x0], $0xffff;
	v1 =	vshll.u32 v1, $0x4  }
0x12b: {  	v63 =	vadd.s32 $0x60, v12;
	v17 =	vld.idx.msk [tilespmem:v12+s0+$0x0], $0xffff;
	v2 =	vor.u32 v1, v2  }
0x12c: {  	v14 =	vld.idx.msk [tilespmem:v14+s0+$0x0], $0xffff;
	v3 =	vadd.s32 v3, v1  }
0x12d: {  	v11 =	vld.idx.msk [tilespmem:v11+s0+$0x0], $0xffff;
	v4 =	vadd.s32 v4, v1  }
0x12e: {  	v5 =	vadd.s32 v5, v1;
	v10 =	vld.idx.msk [tilespmem:v61+s0+$0x0], $0xffff  }
0x12f: {  	v6 =	vadd.s32 v6, v1;
	v15 =	vld.idx.msk [tilespmem:v62+s0+$0x0], $0xffff  }
0x130: {  	v12 =	vld.idx.msk [tilespmem:v63+s0+$0x0], $0xffff;
	[tilespmem:v2+s28+$0x0] =	vst.idx.msk $0xffff, v17;
	v2 =	vadd.s32 v7, v1  }
0x131: {  	s8 =	sadd.s32 $0x1, s8;
	[tilespmem:v3+s28+$0x0] =	vst.idx.msk $0xffff, v14;
	v3 =	vadd.s32 v8, v1  }
0x132: {  	p1 =	sne.s32 s8, $0x10;
	v1 =	vadd.s32 v9, v1;
	[tilespmem:v4+s28+$0x0] =	vst.idx.msk $0xffff, v11  }
.Ltmp4:
0x133: {  	[tilespmem:v5+s28+$0x0] =	vst.idx.msk $0xffff, v10;
	(pc) =	sbr.rel @p1 .LBB2_8-.Ltmp4, $4  }
0x134: {  	[tilespmem:v6+s28+$0x0] =	vst.idx.msk $0xffff, v15  }
0x135: {  	[tilespmem:v2+s28+$0x0] =	vst.idx.msk $0xffff, v13  }
0x136: {  	[tilespmem:v3+s28+$0x0] =	vst.idx.msk $0xffff, v12  }
0x137: {  	[tilespmem:v1+s28+$0x0] =	vst.idx.msk $0xffff, v16  }
0x138: {  	s3 =	simm.s32 $0x800  }
0x139: {  	[spmem:s2] =	stream.indirect.scatter.add.f32 [tilespmem:s28], [sflag:$0x3], $0x10, s3, s30, $0xb8;
	[tilespmem:$0x1F800] =	vst v63  }
0x13a: {  	s8 =	simm.s32 $0x880  }
0x13b: {  	[spmem:s2] =	stream.indirect.scatter.add.f32 [tilespmem:s9], [sflag:$0x3], $0x10, s8, s30, $0xb8;
	[tilespmem:$0x1F800] =	vst v63  }
0x13c: {  	s4 =	simm.s32 $0x900  }
0x13d: {  	[spmem:s2] =	stream.indirect.scatter.add.f32 [tilespmem:s10], [sflag:$0x3], $0x10, s4, s30, $0xb8;
	[tilespmem:$0x1F800] =	vst v63  }
0x13e: {  	s8 =	simm.s32 $0x980  }
0x13f: {  	[spmem:s2] =	stream.indirect.scatter.add.f32 [tilespmem:s11], [sflag:$0x3], $0x10, s8, s30, $0xb8;
	[tilespmem:$0x1F800] =	vst v63  }
0x140: {  	s4 =	simm.s32 $0xA00  }
0x141: {  	[spmem:s2] =	stream.indirect.scatter.add.f32 [tilespmem:s12], [sflag:$0x3], $0x10, s4, s30, $0xb8;
	[tilespmem:$0x1F800] =	vst v63  }
0x142: {  	s8 =	simm.s32 $0xA80  }
0x143: {  	[spmem:s2] =	stream.indirect.scatter.add.f32 [tilespmem:s13], [sflag:$0x3], $0x10, s8, s30, $0xb8;
	[tilespmem:$0x1F800] =	vst v63  }
0x144: {  	s4 =	simm.s32 $0xB00  }
0x145: {  	[spmem:s2] =	stream.indirect.scatter.add.f32 [tilespmem:s14], [sflag:$0x3], $0x10, s4, s30, $0xb8;
	[tilespmem:$0x1F800] =	vst v63  }
0x146: {  	s8 =	simm.s32 $0xB80  }
0x147: {  	[spmem:s2] =	stream.indirect.scatter.add.f32 [tilespmem:s15], [sflag:$0x3], $0x10, s8, s30, $0xb8;
	[tilespmem:$0x1F800] =	vst v63  }
0x148: {  	s4 =	simm.s32 $0xC00  }
0x149: {  	[spmem:s2] =	stream.indirect.scatter.add.f32 [tilespmem:s16], [sflag:$0x3], $0x10, s4, s30, $0xb8;
	[tilespmem:$0x1F800] =	vst v63  }
0x14a: {  	s8 =	simm.s32 $0xC80  }
0x14b: {  	[spmem:s2] =	stream.indirect.scatter.add.f32 [tilespmem:s17], [sflag:$0x3], $0x10, s8, s30, $0xb8;
	[tilespmem:$0x1F800] =	vst v63  }
0x14c: {  	s4 =	simm.s32 $0xD00  }
0x14d: {  	[spmem:s2] =	stream.indirect.scatter.add.f32 [tilespmem:s18], [sflag:$0x3], $0x10, s4, s30, $0xb8;
	[tilespmem:$0x1F800] =	vst v63  }
0x14e: {  	s8 =	simm.s32 $0xD80  }
0x14f: {  	[spmem:s2] =	stream.indirect.scatter.add.f32 [tilespmem:s19], [sflag:$0x3], $0x10, s8, s30, $0xb8;
	[tilespmem:$0x1F800] =	vst v63  }
0x150: {  	s4 =	simm.s32 $0xE00  }
0x151: {  	[spmem:s2] =	stream.indirect.scatter.add.f32 [tilespmem:s21], [sflag:$0x3], $0x10, s4, s30, $0xb8;
	[tilespmem:$0x1F800] =	vst v63  }
0x152: {  	s8 =	simm.s32 $0xE80  }
0x153: {  	[spmem:s2] =	stream.indirect.scatter.add.f32 [tilespmem:s22], [sflag:$0x3], $0x10, s8, s30, $0xb8;
	[tilespmem:$0x1F800] =	vst v63  }
0x154: {  	s4 =	simm.s32 $0xF00  }
0x155: {  	[spmem:s2] =	stream.indirect.scatter.add.f32 [tilespmem:s24], [sflag:$0x3], $0x10, s4, s30, $0xb8;
	[tilespmem:$0x1F800] =	vst v63  }
0x156: {  	s8 =	simm.s32 $0xF80;
	s4 =	sld [smem:$0x7FB]  }
0x157: {  	[spmem:s2] =	stream.indirect.scatter.add.f32 [tilespmem:s6], [sflag:$0x3], $0x10, s8, s30, $0xb8;
	[tilespmem:$0x1F800] =	vst v63  }
0x158: {  	s3 =	sld [smem:$0x7FC];
	s8 =	simm.s32 $0x0  }
0x159: {  	[tilespmem:s0], [sflag:$0x2] =	stream.linear.gather [hbm4b:s4+s8], $0x4000, $0x38;
	[tilespmem:$0x1F800] =	vst v63  }
0x15a: {  	s4 =	simm.s32 $0xE800  }
0x15b: {  	[tilespmem:s4], [sflag:$0x2] =	stream.linear.gather [hbm4b:s3+s8], $0x4000, $0x38;
	[tilespmem:$0x1F800] =	vst v63  }
0x15c: {  	_ =	swait.ge [sflag:s1], $0x4000  }
0x15d: {  	[sflag:s1] =	ssyncset.done $0x0  }
0x15e: {  	[sflag:s1] =	ssyncadd.s32 $0xFFFFC000  }
0x15f: {  	_ =	swait.ge [sflag:s1], $0x4000  }
0x160: {  	[sflag:s1] =	ssyncset.done $0x0  }
0x161: {  	[sflag:s1] =	ssyncadd.s32 $0xFFFFC000  }
0x162: {  	_ =	swait.ge [sflag:s23], $0x800  }
0x163: {  	[sflag:s23] =	ssyncset.done $0x0  }
0x164: {  	[sflag:s23] =	ssyncadd.s32 $0xFFFFF800  }
0x165: {  	_ =	swait.ge [sflag:s23], $0x800  }
0x166: {  	[sflag:s23] =	ssyncset.done $0x0  }
0x167: {  	[sflag:s23] =	ssyncadd.s32 $0xFFFFF800  }
0x168: {  	_ =	swait.ge [sflag:s23], $0x800  }
0x169: {  	[sflag:s23] =	ssyncset.done $0x0  }
0x16a: {  	[sflag:s23] =	ssyncadd.s32 $0xFFFFF800  }
0x16b: {  	_ =	swait.ge [sflag:s23], $0x800  }
0x16c: {  	[sflag:s23] =	ssyncset.done $0x0  }
0x16d: {  	[sflag:s23] =	ssyncadd.s32 $0xFFFFF800  }
0x16e: {  	_ =	swait.ge [sflag:s23], $0x800  }
0x16f: {  	[sflag:s23] =	ssyncset.done $0x0  }
0x170: {  	[sflag:s23] =	ssyncadd.s32 $0xFFFFF800  }
0x171: {  	_ =	swait.ge [sflag:s23], $0x800  }
0x172: {  	[sflag:s23] =	ssyncset.done $0x0  }
0x173: {  	[sflag:s23] =	ssyncadd.s32 $0xFFFFF800  }
0x174: {  	_ =	swait.ge [sflag:s23], $0x800  }
0x175: {  	[sflag:s23] =	ssyncset.done $0x0  }
0x176: {  	[sflag:s23] =	ssyncadd.s32 $0xFFFFF800  }
0x177: {  	_ =	swait.ge [sflag:s23], $0x800  }
0x178: {  	[sflag:s23] =	ssyncset.done $0x0  }
0x179: {  	[sflag:s23] =	ssyncadd.s32 $0xFFFFF800  }
0x17a: {  	_ =	swait.ge [sflag:s23], $0x800  }
0x17b: {  	[sflag:s23] =	ssyncset.done $0x0  }
0x17c: {  	[sflag:s23] =	ssyncadd.s32 $0xFFFFF800  }
0x17d: {  	_ =	swait.ge [sflag:s23], $0x800  }
0x17e: {  	[sflag:s23] =	ssyncset.done $0x0  }
0x17f: {  	[sflag:s23] =	ssyncadd.s32 $0xFFFFF800  }
0x180: {  	_ =	swait.ge [sflag:s23], $0x800  }
0x181: {  	[sflag:s23] =	ssyncset.done $0x0  }
0x182: {  	[sflag:s23] =	ssyncadd.s32 $0xFFFFF800  }
0x183: {  	_ =	swait.ge [sflag:s23], $0x800  }
0x184: {  	[sflag:s23] =	ssyncset.done $0x0  }
0x185: {  	[sflag:s23] =	ssyncadd.s32 $0xFFFFF800  }
0x186: {  	_ =	swait.ge [sflag:s23], $0x800  }
0x187: {  	[sflag:s23] =	ssyncset.done $0x0  }
0x188: {  	[sflag:s23] =	ssyncadd.s32 $0xFFFFF800  }
0x189: {  	_ =	swait.ge [sflag:s23], $0x800  }
0x18a: {  	[sflag:s23] =	ssyncset.done $0x0  }
0x18b: {  	[sflag:s23] =	ssyncadd.s32 $0xFFFFF800  }
0x18c: {  	_ =	swait.ge [sflag:s23], $0x800  }
0x18d: {  	[sflag:s23] =	ssyncset.done $0x0  }
0x18e: {  	[sflag:s23] =	ssyncadd.s32 $0xFFFFF800  }
0x18f: {  	_ =	swait.ge [sflag:s23], $0x800  }
0x190: {  	[sflag:s23] =	ssyncset.done $0x0  }
0x191: {  	[sflag:s23] =	ssyncadd.s32 $0xFFFFF800  }
.LBB2_12:
0x192: {  	v1 =	vlaneseq.u32  }
0x193: {  	v2 =	vadd.s32 s8, v1  }
0x194: {  	v3 =	vshll.u32 v2, $0xB;
	v4 =	vshll.u32 v2, $0x7  }
0x195: {  	v3 =	vand.u32 $0x4000, v3;
	v4 =	vand.u32 $0x380, v4  }
0x196: {  	v3 =	vor.u32 v3, v4  }
0x197: {  	v11 =	vor.u32 v1, v3  }
0x198: {  	v3 =	vadd.s32 $0x50, v11  }
0x199: {  	v4 =	vadd.s32 $0x70, v11  }
0x19a: {  	v5 =	vadd.s32 $0x10, v11  }
0x19b: {  	v6 =	vadd.s32 $0x20, v11  }
0x19c: {  	v7 =	vadd.s32 $0x30, v11;
	v9 =	vld.idx.msk [tilespmem:v11+s25+$0x0], $0xffff  }
0x19d: {  	v14 =	vshll.u32 v1, $0x4;
	v2 =	vand.u32 $0xF, v2;
	v8 =	vadd.s32 $0x40, v11;
	v13 =	vld.idx.msk [tilespmem:v3+s25+$0x0], $0xffff  }
0x19e: {  	v16 =	vor.u32 v14, v2;
	v12 =	vadd.s32 $0x60, v11;
	v10 =	vld.idx.msk [tilespmem:v4+s25+$0x0], $0xffff;
	v3 =	vor.u32 $0x100, v2  }
0x19f: {  	v15 =	vld.idx.msk [tilespmem:v5+s25+$0x0], $0xffff;
	v4 =	vor.u32 $0x200, v2;
	v18 =	vadd.s32 v3, v14  }
0x1a0: {  	v17 =	vld.idx.msk [tilespmem:v6+s25+$0x0], $0xffff;
	v5 =	vor.u32 $0x300, v2;
	v20 =	vadd.s32 v4, v14  }
0x1a1: {  	v19 =	vld.idx.msk [tilespmem:v7+s25+$0x0], $0xffff;
	v6 =	vor.u32 $0x400, v2;
	v22 =	vadd.s32 v5, v14  }
0x1a2: {  	v21 =	vld.idx.msk [tilespmem:v8+s25+$0x0], $0xffff;
	v7 =	vor.u32 $0x500, v2;
	v24 =	vadd.s32 v6, v14  }
0x1a3: {  	v23 =	vld.idx.msk [tilespmem:v12+s25+$0x0], $0xffff;
	[tilespmem:v16+s28+$0x0] =	vst.idx.msk $0xffff, v9;
	v16 =	vadd.s32 v7, v14  }
0x1a4: {  	v8 =	vor.u32 $0x600, v2;
	[tilespmem:v18+s28+$0x0] =	vst.idx.msk $0xffff, v15  }
0x1a5: {  	v9 =	vor.u32 $0x700, v2;
	v18 =	vadd.s32 v8, v14;
	[tilespmem:v20+s28+$0x0] =	vst.idx.msk $0xffff, v17  }
0x1a6: {  	v12 =	vadd.s32 $0x400, v11;
	v17 =	vadd.s32 v9, v14;
	[tilespmem:v22+s28+$0x0] =	vst.idx.msk $0xffff, v19  }
0x1a7: {  	v15 =	vadd.s32 $0x50, v12;
	[tilespmem:v24+s28+$0x0] =	vst.idx.msk $0xffff, v21  }
0x1a8: {  	[tilespmem:v16+s28+$0x0] =	vst.idx.msk $0xffff, v13;
	v16 =	vadd.s32 $0x70, v12;
	_ =	sdelay $0x1  }
0x1a9: {  	s4 =	simm.s32 $0xE;
	v11 =	vadd.s32 $0x20, v12;
	v14 =	vadd.s32 $0x10, v12;
	v13 =	vadd.s32 $0x400, v12;
	[tilespmem:v18+s28+$0x0] =	vst.idx.msk $0xffff, v23  }
.LBB2_13:
0x1aa: {  	v18 =	vadd.s32 $0x20, v13;
	p1 =	sne.s32 s4, $0x1;
	s4 =	sadd.s32 $0xFFFFFFFF, s4;
	[tilespmem:v17+s28+$0x0] =	vst.idx.msk $0xffff, v10;
	v1 =	vadd.s32 $0x80, v1  }
0x1ab: {  	v17 =	vadd.s32 $0x30, v12;
	v19 =	vld.idx.msk [tilespmem:v15+s25+$0x0], $0xffff  }
0x1ac: {  	v15 =	vadd.s32 $0x40, v12;
	v10 =	vld.idx.msk [tilespmem:v16+s25+$0x0], $0xffff  }
0x1ad: {  	v20 =	vadd.s32 $0x60, v12;
	v21 =	vshll.u32 v1, $0x4;
	v16 =	vld.idx.msk [tilespmem:v12+s25+$0x0], $0xffff;
	v12 =	vmov v13  }
0x1ae: {  	v22 =	vor.u32 v21, v2;
	v14 =	vld.idx.msk [tilespmem:v14+s25+$0x0], $0xffff  }
0x1af: {  	v24 =	vadd.s32 v3, v21;
	v23 =	vld.idx.msk [tilespmem:v11+s25+$0x0], $0xffff;
	v11 =	vmov v18  }
0x1b0: {  	v18 =	vld.idx.msk [tilespmem:v17+s25+$0x0], $0xffff;
	v17 =	vadd.s32 v4, v21  }
0x1b1: {  	v26 =	vadd.s32 v5, v21;
	v25 =	vld.idx.msk [tilespmem:v15+s25+$0x0], $0xffff  }
0x1b2: {  	v27 =	vadd.s32 v6, v21;
	v20 =	vld.idx.msk [tilespmem:v20+s25+$0x0], $0xffff  }
0x1b3: {  	[tilespmem:v22+s28+$0x0] =	vst.idx.msk $0xffff, v16;
	v22 =	vadd.s32 v7, v21  }
0x1b4: {  	[tilespmem:v24+s28+$0x0] =	vst.idx.msk $0xffff, v14;
	v24 =	vadd.s32 v8, v21  }
.Ltmp5:
0x1b5: {  	[tilespmem:v17+s28+$0x0] =	vst.idx.msk $0xffff, v23;
	v17 =	vadd.s32 v9, v21;
	(pc) =	sbr.rel @p1 .LBB2_13-.Ltmp5, $4  }
0x1b6: {  	v15 =	vadd.s32 $0x50, v13;
	[tilespmem:v26+s28+$0x0] =	vst.idx.msk $0xffff, v18  }
0x1b7: {  	v16 =	vadd.s32 $0x70, v13;
	[tilespmem:v27+s28+$0x0] =	vst.idx.msk $0xffff, v25  }
0x1b8: {  	[tilespmem:v22+s28+$0x0] =	vst.idx.msk $0xffff, v19  }
0x1b9: {  	v13 =	vadd.s32 $0x400, v13;
	v14 =	vadd.s32 $0x10, v12;
	[tilespmem:v24+s28+$0x0] =	vst.idx.msk $0xffff, v20  }
0x1ba: {  	_ =	sdelay $0x3  }
0x1bb: {  	[tilespmem:v17+s28+$0x0] =	vst.idx.msk $0xffff, v10  }
0x1bc: {  	v61 =	vadd.s32 $0x30, v12;
	v1 =	vadd.s32 $0x80, v1;
	v13 =	vld.idx.msk [tilespmem:v15+s25+$0x0], $0xffff  }
0x1bd: {  	v62 =	vadd.s32 $0x40, v12;
	v16 =	vld.idx.msk [tilespmem:v16+s25+$0x0], $0xffff;
	v1 =	vshll.u32 v1, $0x4  }
0x1be: {  	v63 =	vadd.s32 $0x60, v12;
	v17 =	vld.idx.msk [tilespmem:v12+s25+$0x0], $0xffff;
	v2 =	vor.u32 v1, v2  }
0x1bf: {  	v14 =	vld.idx.msk [tilespmem:v14+s25+$0x0], $0xffff;
	v3 =	vadd.s32 v3, v1  }
0x1c0: {  	v11 =	vld.idx.msk [tilespmem:v11+s25+$0x0], $0xffff;
	v4 =	vadd.s32 v4, v1  }
0x1c1: {  	v5 =	vadd.s32 v5, v1;
	v10 =	vld.idx.msk [tilespmem:v61+s25+$0x0], $0xffff  }
0x1c2: {  	v6 =	vadd.s32 v6, v1;
	v15 =	vld.idx.msk [tilespmem:v62+s25+$0x0], $0xffff  }
0x1c3: {  	v12 =	vld.idx.msk [tilespmem:v63+s25+$0x0], $0xffff;
	[tilespmem:v2+s28+$0x0] =	vst.idx.msk $0xffff, v17;
	v2 =	vadd.s32 v7, v1  }
0x1c4: {  	s8 =	sadd.s32 $0x1, s8;
	[tilespmem:v3+s28+$0x0] =	vst.idx.msk $0xffff, v14;
	v3 =	vadd.s32 v8, v1  }
0x1c5: {  	p1 =	sne.s32 s8, $0x10;
	v1 =	vadd.s32 v9, v1;
	[tilespmem:v4+s28+$0x0] =	vst.idx.msk $0xffff, v11  }
.Ltmp6:
0x1c6: {  	[tilespmem:v5+s28+$0x0] =	vst.idx.msk $0xffff, v10;
	(pc) =	sbr.rel @p1 .LBB2_12-.Ltmp6, $4  }
0x1c7: {  	[tilespmem:v6+s28+$0x0] =	vst.idx.msk $0xffff, v15  }
0x1c8: {  	[tilespmem:v2+s28+$0x0] =	vst.idx.msk $0xffff, v13  }
0x1c9: {  	[tilespmem:v3+s28+$0x0] =	vst.idx.msk $0xffff, v12  }
0x1ca: {  	[tilespmem:v1+s28+$0x0] =	vst.idx.msk $0xffff, v16  }
0x1cb: {  	s3 =	simm.s32 $0x1000  }
0x1cc: {  	[spmem:s2] =	stream.indirect.scatter.add.f32 [tilespmem:s28], [sflag:$0x3], $0x10, s3, s30, $0xb8;
	[tilespmem:$0x1F800] =	vst v63  }
0x1cd: {  	s8 =	simm.s32 $0x1080  }
0x1ce: {  	[spmem:s2] =	stream.indirect.scatter.add.f32 [tilespmem:s9], [sflag:$0x3], $0x10, s8, s30, $0xb8;
	[tilespmem:$0x1F800] =	vst v63  }
0x1cf: {  	s4 =	simm.s32 $0x1100  }
0x1d0: {  	[spmem:s2] =	stream.indirect.scatter.add.f32 [tilespmem:s10], [sflag:$0x3], $0x10, s4, s30, $0xb8;
	[tilespmem:$0x1F800] =	vst v63  }
0x1d1: {  	s8 =	simm.s32 $0x1180  }
0x1d2: {  	[spmem:s2] =	stream.indirect.scatter.add.f32 [tilespmem:s11], [sflag:$0x3], $0x10, s8, s30, $0xb8;
	[tilespmem:$0x1F800] =	vst v63  }
0x1d3: {  	s4 =	simm.s32 $0x1200  }
0x1d4: {  	[spmem:s2] =	stream.indirect.scatter.add.f32 [tilespmem:s12], [sflag:$0x3], $0x10, s4, s30, $0xb8;
	[tilespmem:$0x1F800] =	vst v63  }
0x1d5: {  	s8 =	simm.s32 $0x1280  }
0x1d6: {  	[spmem:s2] =	stream.indirect.scatter.add.f32 [tilespmem:s13], [sflag:$0x3], $0x10, s8, s30, $0xb8;
	[tilespmem:$0x1F800] =	vst v63  }
0x1d7: {  	s4 =	simm.s32 $0x1300  }
0x1d8: {  	[spmem:s2] =	stream.indirect.scatter.add.f32 [tilespmem:s14], [sflag:$0x3], $0x10, s4, s30, $0xb8;
	[tilespmem:$0x1F800] =	vst v63  }
0x1d9: {  	s8 =	simm.s32 $0x1380  }
0x1da: {  	[spmem:s2] =	stream.indirect.scatter.add.f32 [tilespmem:s15], [sflag:$0x3], $0x10, s8, s30, $0xb8;
	[tilespmem:$0x1F800] =	vst v63  }
0x1db: {  	s4 =	simm.s32 $0x1400  }
0x1dc: {  	[spmem:s2] =	stream.indirect.scatter.add.f32 [tilespmem:s16], [sflag:$0x3], $0x10, s4, s30, $0xb8;
	[tilespmem:$0x1F800] =	vst v63  }
0x1dd: {  	s8 =	simm.s32 $0x1480  }
0x1de: {  	[spmem:s2] =	stream.indirect.scatter.add.f32 [tilespmem:s17], [sflag:$0x3], $0x10, s8, s30, $0xb8;
	[tilespmem:$0x1F800] =	vst v63  }
0x1df: {  	s4 =	simm.s32 $0x1500  }
0x1e0: {  	[spmem:s2] =	stream.indirect.scatter.add.f32 [tilespmem:s18], [sflag:$0x3], $0x10, s4, s30, $0xb8;
	[tilespmem:$0x1F800] =	vst v63  }
0x1e1: {  	s8 =	simm.s32 $0x1580  }
0x1e2: {  	[spmem:s2] =	stream.indirect.scatter.add.f32 [tilespmem:s19], [sflag:$0x3], $0x10, s8, s30, $0xb8;
	[tilespmem:$0x1F800] =	vst v63  }
0x1e3: {  	s4 =	simm.s32 $0x1600  }
0x1e4: {  	[spmem:s2] =	stream.indirect.scatter.add.f32 [tilespmem:s21], [sflag:$0x3], $0x10, s4, s30, $0xb8;
	[tilespmem:$0x1F800] =	vst v63  }
0x1e5: {  	s8 =	simm.s32 $0x1680  }
0x1e6: {  	[spmem:s2] =	stream.indirect.scatter.add.f32 [tilespmem:s22], [sflag:$0x3], $0x10, s8, s30, $0xb8;
	[tilespmem:$0x1F800] =	vst v63  }
0x1e7: {  	s4 =	simm.s32 $0x1700  }
0x1e8: {  	[spmem:s2] =	stream.indirect.scatter.add.f32 [tilespmem:s24], [sflag:$0x3], $0x10, s4, s30, $0xb8;
	[tilespmem:$0x1F800] =	vst v63  }
0x1e9: {  	s8 =	simm.s32 $0x1780  }
0x1ea: {  	[spmem:s2] =	stream.indirect.scatter.add.f32 [tilespmem:s6], [sflag:$0x3], $0x10, s8, s30, $0xb8;
	[tilespmem:$0x1F800] =	vst v63  }
0x1eb: {  	s4 =	rddreg [dreg:$0x14];
	s8 =	simm.s32 $0x0  }
0x1ec: {  	[tilespmem:s25], [sflag:$0x1] =	stream.linear.gather [hbm4b:s4+s8], $0x4000, $0x38;
	[tilespmem:$0x1F800] =	vst v63  }
0x1ed: {  	s4 =	sld [smem:$0x7FD];
	_ =	sdelay $0x2  }
0x1ee: {  	[tilespmem:s26], [sflag:$0x1] =	stream.linear.gather [hbm4b:s4+s8], $0x4000, $0x38;
	[tilespmem:$0x1F800] =	vst v63  }
0x1ef: {  	_ =	swait.ge [sflag:s7], $0x4000  }
0x1f0: {  	[sflag:s7] =	ssyncset.done $0x0  }
0x1f1: {  	[sflag:s7] =	ssyncadd.s32 $0xFFFFC000  }
0x1f2: {  	_ =	swait.ge [sflag:s7], $0x4000  }
0x1f3: {  	[sflag:s7] =	ssyncset.done $0x0  }
0x1f4: {  	[sflag:s7] =	ssyncadd.s32 $0xFFFFC000  }
0x1f5: {  	_ =	swait.ge [sflag:s23], $0x800  }
0x1f6: {  	[sflag:s23] =	ssyncset.done $0x0  }
0x1f7: {  	[sflag:s23] =	ssyncadd.s32 $0xFFFFF800  }
0x1f8: {  	_ =	swait.ge [sflag:s23], $0x800  }
0x1f9: {  	[sflag:s23] =	ssyncset.done $0x0  }
0x1fa: {  	[sflag:s23] =	ssyncadd.s32 $0xFFFFF800  }
0x1fb: {  	_ =	swait.ge [sflag:s23], $0x800  }
0x1fc: {  	[sflag:s23] =	ssyncset.done $0x0  }
0x1fd: {  	[sflag:s23] =	ssyncadd.s32 $0xFFFFF800  }
0x1fe: {  	_ =	swait.ge [sflag:s23], $0x800  }
0x1ff: {  	[sflag:s23] =	ssyncset.done $0x0  }
0x200: {  	[sflag:s23] =	ssyncadd.s32 $0xFFFFF800  }
0x201: {  	_ =	swait.ge [sflag:s23], $0x800  }
0x202: {  	[sflag:s23] =	ssyncset.done $0x0  }
0x203: {  	[sflag:s23] =	ssyncadd.s32 $0xFFFFF800  }
0x204: {  	_ =	swait.ge [sflag:s23], $0x800  }
0x205: {  	[sflag:s23] =	ssyncset.done $0x0  }
0x206: {  	[sflag:s23] =	ssyncadd.s32 $0xFFFFF800  }
0x207: {  	_ =	swait.ge [sflag:s23], $0x800  }
0x208: {  	[sflag:s23] =	ssyncset.done $0x0  }
0x209: {  	[sflag:s23] =	ssyncadd.s32 $0xFFFFF800  }
0x20a: {  	_ =	swait.ge [sflag:s23], $0x800  }
0x20b: {  	[sflag:s23] =	ssyncset.done $0x0  }
0x20c: {  	[sflag:s23] =	ssyncadd.s32 $0xFFFFF800  }
0x20d: {  	_ =	swait.ge [sflag:s23], $0x800  }
0x20e: {  	[sflag:s23] =	ssyncset.done $0x0  }
0x20f: {  	[sflag:s23] =	ssyncadd.s32 $0xFFFFF800  }
0x210: {  	_ =	swait.ge [sflag:s23], $0x800  }
0x211: {  	[sflag:s23] =	ssyncset.done $0x0  }
0x212: {  	[sflag:s23] =	ssyncadd.s32 $0xFFFFF800  }
0x213: {  	_ =	swait.ge [sflag:s23], $0x800  }
0x214: {  	[sflag:s23] =	ssyncset.done $0x0  }
0x215: {  	[sflag:s23] =	ssyncadd.s32 $0xFFFFF800  }
0x216: {  	_ =	swait.ge [sflag:s23], $0x800  }
0x217: {  	[sflag:s23] =	ssyncset.done $0x0  }
0x218: {  	[sflag:s23] =	ssyncadd.s32 $0xFFFFF800  }
0x219: {  	_ =	swait.ge [sflag:s23], $0x800  }
0x21a: {  	[sflag:s23] =	ssyncset.done $0x0  }
0x21b: {  	[sflag:s23] =	ssyncadd.s32 $0xFFFFF800  }
0x21c: {  	_ =	swait.ge [sflag:s23], $0x800  }
0x21d: {  	[sflag:s23] =	ssyncset.done $0x0  }
0x21e: {  	[sflag:s23] =	ssyncadd.s32 $0xFFFFF800  }
0x21f: {  	_ =	swait.ge [sflag:s23], $0x800  }
0x220: {  	[sflag:s23] =	ssyncset.done $0x0  }
0x221: {  	[sflag:s23] =	ssyncadd.s32 $0xFFFFF800  }
0x222: {  	_ =	swait.ge [sflag:s23], $0x800  }
0x223: {  	[sflag:s23] =	ssyncset.done $0x0  }
0x224: {  	[sflag:s23] =	ssyncadd.s32 $0xFFFFF800  }
.LBB2_16:
0x225: {  	v1 =	vlaneseq.u32  }
0x226: {  	v2 =	vadd.s32 s8, v1  }
0x227: {  	v3 =	vshll.u32 v2, $0xB;
	v4 =	vshll.u32 v2, $0x7  }
0x228: {  	v3 =	vand.u32 $0x4000, v3;
	v4 =	vand.u32 $0x380, v4  }
0x229: {  	v3 =	vor.u32 v3, v4  }
0x22a: {  	v11 =	vor.u32 v1, v3  }
0x22b: {  	v3 =	vadd.s32 $0x50, v11  }
0x22c: {  	v4 =	vadd.s32 $0x70, v11  }
0x22d: {  	v5 =	vadd.s32 $0x10, v11  }
0x22e: {  	v6 =	vadd.s32 $0x20, v11  }
0x22f: {  	v7 =	vadd.s32 $0x30, v11;
	v9 =	vld.idx.msk [tilespmem:v11+s0+$0x0], $0xffff  }
0x230: {  	v14 =	vshll.u32 v1, $0x4;
	v2 =	vand.u32 $0xF, v2;
	v8 =	vadd.s32 $0x40, v11;
	v13 =	vld.idx.msk [tilespmem:v3+s0+$0x0], $0xffff  }
0x231: {  	v16 =	vor.u32 v14, v2;
	v12 =	vadd.s32 $0x60, v11;
	v10 =	vld.idx.msk [tilespmem:v4+s0+$0x0], $0xffff;
	v3 =	vor.u32 $0x100, v2  }
0x232: {  	v15 =	vld.idx.msk [tilespmem:v5+s0+$0x0], $0xffff;
	v4 =	vor.u32 $0x200, v2;
	v18 =	vadd.s32 v3, v14  }
0x233: {  	v17 =	vld.idx.msk [tilespmem:v6+s0+$0x0], $0xffff;
	v5 =	vor.u32 $0x300, v2;
	v20 =	vadd.s32 v4, v14  }
0x234: {  	v19 =	vld.idx.msk [tilespmem:v7+s0+$0x0], $0xffff;
	v6 =	vor.u32 $0x400, v2;
	v22 =	vadd.s32 v5, v14  }
0x235: {  	v21 =	vld.idx.msk [tilespmem:v8+s0+$0x0], $0xffff;
	v7 =	vor.u32 $0x500, v2;
	v24 =	vadd.s32 v6, v14  }
0x236: {  	v23 =	vld.idx.msk [tilespmem:v12+s0+$0x0], $0xffff;
	[tilespmem:v16+s28+$0x0] =	vst.idx.msk $0xffff, v9;
	v16 =	vadd.s32 v7, v14  }
0x237: {  	v8 =	vor.u32 $0x600, v2;
	[tilespmem:v18+s28+$0x0] =	vst.idx.msk $0xffff, v15  }
0x238: {  	v9 =	vor.u32 $0x700, v2;
	v18 =	vadd.s32 v8, v14;
	[tilespmem:v20+s28+$0x0] =	vst.idx.msk $0xffff, v17  }
0x239: {  	v12 =	vadd.s32 $0x400, v11;
	v17 =	vadd.s32 v9, v14;
	[tilespmem:v22+s28+$0x0] =	vst.idx.msk $0xffff, v19  }
0x23a: {  	v15 =	vadd.s32 $0x50, v12;
	[tilespmem:v24+s28+$0x0] =	vst.idx.msk $0xffff, v21  }
0x23b: {  	[tilespmem:v16+s28+$0x0] =	vst.idx.msk $0xffff, v13;
	v16 =	vadd.s32 $0x70, v12;
	_ =	sdelay $0x1  }
0x23c: {  	s4 =	simm.s32 $0xE;
	v11 =	vadd.s32 $0x20, v12;
	v14 =	vadd.s32 $0x10, v12;
	v13 =	vadd.s32 $0x400, v12;
	[tilespmem:v18+s28+$0x0] =	vst.idx.msk $0xffff, v23  }
.LBB2_17:
0x23d: {  	v18 =	vadd.s32 $0x20, v13;
	p1 =	sne.s32 s4, $0x1;
	s4 =	sadd.s32 $0xFFFFFFFF, s4;
	[tilespmem:v17+s28+$0x0] =	vst.idx.msk $0xffff, v10;
	v1 =	vadd.s32 $0x80, v1  }
0x23e: {  	v17 =	vadd.s32 $0x30, v12;
	v19 =	vld.idx.msk [tilespmem:v15+s0+$0x0], $0xffff  }
0x23f: {  	v15 =	vadd.s32 $0x40, v12;
	v10 =	vld.idx.msk [tilespmem:v16+s0+$0x0], $0xffff  }
0x240: {  	v20 =	vadd.s32 $0x60, v12;
	v21 =	vshll.u32 v1, $0x4;
	v16 =	vld.idx.msk [tilespmem:v12+s0+$0x0], $0xffff;
	v12 =	vmov v13  }
0x241: {  	v22 =	vor.u32 v21, v2;
	v14 =	vld.idx.msk [tilespmem:v14+s0+$0x0], $0xffff  }
0x242: {  	v24 =	vadd.s32 v3, v21;
	v23 =	vld.idx.msk [tilespmem:v11+s0+$0x0], $0xffff;
	v11 =	vmov v18  }
0x243: {  	v18 =	vld.idx.msk [tilespmem:v17+s0+$0x0], $0xffff;
	v17 =	vadd.s32 v4, v21  }
0x244: {  	v26 =	vadd.s32 v5, v21;
	v25 =	vld.idx.msk [tilespmem:v15+s0+$0x0], $0xffff  }
0x245: {  	v27 =	vadd.s32 v6, v21;
	v20 =	vld.idx.msk [tilespmem:v20+s0+$0x0], $0xffff  }
0x246: {  	[tilespmem:v22+s28+$0x0] =	vst.idx.msk $0xffff, v16;
	v22 =	vadd.s32 v7, v21  }
0x247: {  	[tilespmem:v24+s28+$0x0] =	vst.idx.msk $0xffff, v14;
	v24 =	vadd.s32 v8, v21  }
.Ltmp7:
0x248: {  	[tilespmem:v17+s28+$0x0] =	vst.idx.msk $0xffff, v23;
	v17 =	vadd.s32 v9, v21;
	(pc) =	sbr.rel @p1 .LBB2_17-.Ltmp7, $4  }
0x249: {  	v15 =	vadd.s32 $0x50, v13;
	[tilespmem:v26+s28+$0x0] =	vst.idx.msk $0xffff, v18  }
0x24a: {  	v16 =	vadd.s32 $0x70, v13;
	[tilespmem:v27+s28+$0x0] =	vst.idx.msk $0xffff, v25  }
0x24b: {  	[tilespmem:v22+s28+$0x0] =	vst.idx.msk $0xffff, v19  }
0x24c: {  	v13 =	vadd.s32 $0x400, v13;
	v14 =	vadd.s32 $0x10, v12;
	[tilespmem:v24+s28+$0x0] =	vst.idx.msk $0xffff, v20  }
0x24d: {  	_ =	sdelay $0x3  }
0x24e: {  	[tilespmem:v17+s28+$0x0] =	vst.idx.msk $0xffff, v10  }
0x24f: {  	v61 =	vadd.s32 $0x30, v12;
	v1 =	vadd.s32 $0x80, v1;
	v13 =	vld.idx.msk [tilespmem:v15+s0+$0x0], $0xffff  }
0x250: {  	v62 =	vadd.s32 $0x40, v12;
	v16 =	vld.idx.msk [tilespmem:v16+s0+$0x0], $0xffff;
	v1 =	vshll.u32 v1, $0x4  }
0x251: {  	v63 =	vadd.s32 $0x60, v12;
	v17 =	vld.idx.msk [tilespmem:v12+s0+$0x0], $0xffff;
	v2 =	vor.u32 v1, v2  }
0x252: {  	v14 =	vld.idx.msk [tilespmem:v14+s0+$0x0], $0xffff;
	v3 =	vadd.s32 v3, v1  }
0x253: {  	v11 =	vld.idx.msk [tilespmem:v11+s0+$0x0], $0xffff;
	v4 =	vadd.s32 v4, v1  }
0x254: {  	v5 =	vadd.s32 v5, v1;
	v10 =	vld.idx.msk [tilespmem:v61+s0+$0x0], $0xffff  }
0x255: {  	v6 =	vadd.s32 v6, v1;
	v15 =	vld.idx.msk [tilespmem:v62+s0+$0x0], $0xffff  }
0x256: {  	v12 =	vld.idx.msk [tilespmem:v63+s0+$0x0], $0xffff;
	[tilespmem:v2+s28+$0x0] =	vst.idx.msk $0xffff, v17;
	v2 =	vadd.s32 v7, v1  }
0x257: {  	s8 =	sadd.s32 $0x1, s8;
	[tilespmem:v3+s28+$0x0] =	vst.idx.msk $0xffff, v14;
	v3 =	vadd.s32 v8, v1  }
0x258: {  	p1 =	sne.s32 s8, $0x10;
	v1 =	vadd.s32 v9, v1;
	[tilespmem:v4+s28+$0x0] =	vst.idx.msk $0xffff, v11  }
.Ltmp8:
0x259: {  	[tilespmem:v5+s28+$0x0] =	vst.idx.msk $0xffff, v10;
	(pc) =	sbr.rel @p1 .LBB2_16-.Ltmp8, $4  }
0x25a: {  	[tilespmem:v6+s28+$0x0] =	vst.idx.msk $0xffff, v15  }
0x25b: {  	[tilespmem:v2+s28+$0x0] =	vst.idx.msk $0xffff, v13  }
0x25c: {  	[tilespmem:v3+s28+$0x0] =	vst.idx.msk $0xffff, v12  }
0x25d: {  	[tilespmem:v1+s28+$0x0] =	vst.idx.msk $0xffff, v16  }
0x25e: {  	s3 =	simm.s32 $0x1800  }
0x25f: {  	[spmem:s2] =	stream.indirect.scatter.add.f32 [tilespmem:s28], [sflag:$0x3], $0x10, s3, s30, $0xb8;
	[tilespmem:$0x1F800] =	vst v63  }
0x260: {  	s8 =	simm.s32 $0x1880  }
0x261: {  	[spmem:s2] =	stream.indirect.scatter.add.f32 [tilespmem:s9], [sflag:$0x3], $0x10, s8, s30, $0xb8;
	[tilespmem:$0x1F800] =	vst v63  }
0x262: {  	s4 =	simm.s32 $0x1900  }
0x263: {  	[spmem:s2] =	stream.indirect.scatter.add.f32 [tilespmem:s10], [sflag:$0x3], $0x10, s4, s30, $0xb8;
	[tilespmem:$0x1F800] =	vst v63  }
0x264: {  	s8 =	simm.s32 $0x1980  }
0x265: {  	[spmem:s2] =	stream.indirect.scatter.add.f32 [tilespmem:s11], [sflag:$0x3], $0x10, s8, s30, $0xb8;
	[tilespmem:$0x1F800] =	vst v63  }
0x266: {  	s4 =	simm.s32 $0x1A00  }
0x267: {  	[spmem:s2] =	stream.indirect.scatter.add.f32 [tilespmem:s12], [sflag:$0x3], $0x10, s4, s30, $0xb8;
	[tilespmem:$0x1F800] =	vst v63  }
0x268: {  	s8 =	simm.s32 $0x1A80  }
0x269: {  	[spmem:s2] =	stream.indirect.scatter.add.f32 [tilespmem:s13], [sflag:$0x3], $0x10, s8, s30, $0xb8;
	[tilespmem:$0x1F800] =	vst v63  }
0x26a: {  	s4 =	simm.s32 $0x1B00  }
0x26b: {  	[spmem:s2] =	stream.indirect.scatter.add.f32 [tilespmem:s14], [sflag:$0x3], $0x10, s4, s30, $0xb8;
	[tilespmem:$0x1F800] =	vst v63  }
0x26c: {  	s8 =	simm.s32 $0x1B80  }
0x26d: {  	[spmem:s2] =	stream.indirect.scatter.add.f32 [tilespmem:s15], [sflag:$0x3], $0x10, s8, s30, $0xb8;
	[tilespmem:$0x1F800] =	vst v63  }
0x26e: {  	s4 =	simm.s32 $0x1C00  }
0x26f: {  	[spmem:s2] =	stream.indirect.scatter.add.f32 [tilespmem:s16], [sflag:$0x3], $0x10, s4, s30, $0xb8;
	[tilespmem:$0x1F800] =	vst v63  }
0x270: {  	s8 =	simm.s32 $0x1C80  }
0x271: {  	[spmem:s2] =	stream.indirect.scatter.add.f32 [tilespmem:s17], [sflag:$0x3], $0x10, s8, s30, $0xb8;
	[tilespmem:$0x1F800] =	vst v63  }
0x272: {  	s4 =	simm.s32 $0x1D00  }
0x273: {  	[spmem:s2] =	stream.indirect.scatter.add.f32 [tilespmem:s18], [sflag:$0x3], $0x10, s4, s30, $0xb8;
	[tilespmem:$0x1F800] =	vst v63  }
0x274: {  	s8 =	simm.s32 $0x1D80  }
0x275: {  	[spmem:s2] =	stream.indirect.scatter.add.f32 [tilespmem:s19], [sflag:$0x3], $0x10, s8, s30, $0xb8;
	[tilespmem:$0x1F800] =	vst v63  }
0x276: {  	s4 =	simm.s32 $0x1E00  }
0x277: {  	[spmem:s2] =	stream.indirect.scatter.add.f32 [tilespmem:s21], [sflag:$0x3], $0x10, s4, s30, $0xb8;
	[tilespmem:$0x1F800] =	vst v63  }
0x278: {  	s8 =	simm.s32 $0x1E80  }
0x279: {  	[spmem:s2] =	stream.indirect.scatter.add.f32 [tilespmem:s22], [sflag:$0x3], $0x10, s8, s30, $0xb8;
	[tilespmem:$0x1F800] =	vst v63  }
0x27a: {  	s4 =	simm.s32 $0x1F00  }
0x27b: {  	[spmem:s2] =	stream.indirect.scatter.add.f32 [tilespmem:s24], [sflag:$0x3], $0x10, s4, s30, $0xb8;
	[tilespmem:$0x1F800] =	vst v63  }
0x27c: {  	s8 =	simm.s32 $0x1F80  }
0x27d: {  	[spmem:s2] =	stream.indirect.scatter.add.f32 [tilespmem:s6], [sflag:$0x3], $0x10, s8, s30, $0xb8;
	[tilespmem:$0x1F800] =	vst v63  }
0x27e: {  	_ =	swait.ge [sflag:s1], $0x4000  }
0x27f: {  	[sflag:s1] =	ssyncset.done $0x0  }
0x280: {  	[sflag:s1] =	ssyncadd.s32 $0xFFFFC000  }
0x281: {  	_ =	swait.ge [sflag:s1], $0x4000  }
0x282: {  	[sflag:s1] =	ssyncset.done $0x0  }
0x283: {  	[sflag:s1] =	ssyncadd.s32 $0xFFFFC000  }
0x284: {  	_ =	swait.ge [sflag:s23], $0x800  }
0x285: {  	[sflag:s23] =	ssyncset.done $0x0  }
0x286: {  	[sflag:s23] =	ssyncadd.s32 $0xFFFFF800  }
0x287: {  	_ =	swait.ge [sflag:s23], $0x800  }
0x288: {  	[sflag:s23] =	ssyncset.done $0x0  }
0x289: {  	[sflag:s23] =	ssyncadd.s32 $0xFFFFF800  }
0x28a: {  	_ =	swait.ge [sflag:s23], $0x800  }
0x28b: {  	[sflag:s23] =	ssyncset.done $0x0  }
0x28c: {  	[sflag:s23] =	ssyncadd.s32 $0xFFFFF800  }
0x28d: {  	_ =	swait.ge [sflag:s23], $0x800  }
0x28e: {  	[sflag:s23] =	ssyncset.done $0x0  }
0x28f: {  	[sflag:s23] =	ssyncadd.s32 $0xFFFFF800  }
0x290: {  	_ =	swait.ge [sflag:s23], $0x800  }
0x291: {  	[sflag:s23] =	ssyncset.done $0x0  }
0x292: {  	[sflag:s23] =	ssyncadd.s32 $0xFFFFF800  }
0x293: {  	_ =	swait.ge [sflag:s23], $0x800  }
0x294: {  	[sflag:s23] =	ssyncset.done $0x0  }
0x295: {  	[sflag:s23] =	ssyncadd.s32 $0xFFFFF800  }
0x296: {  	_ =	swait.ge [sflag:s23], $0x800  }
0x297: {  	[sflag:s23] =	ssyncset.done $0x0  }
0x298: {  	[sflag:s23] =	ssyncadd.s32 $0xFFFFF800  }
0x299: {  	_ =	swait.ge [sflag:s23], $0x800  }
0x29a: {  	[sflag:s23] =	ssyncset.done $0x0  }
0x29b: {  	[sflag:s23] =	ssyncadd.s32 $0xFFFFF800  }
0x29c: {  	_ =	swait.ge [sflag:s23], $0x800  }
0x29d: {  	[sflag:s23] =	ssyncset.done $0x0  }
0x29e: {  	[sflag:s23] =	ssyncadd.s32 $0xFFFFF800  }
0x29f: {  	_ =	swait.ge [sflag:s23], $0x800  }
0x2a0: {  	[sflag:s23] =	ssyncset.done $0x0  }
0x2a1: {  	[sflag:s23] =	ssyncadd.s32 $0xFFFFF800  }
0x2a2: {  	_ =	swait.ge [sflag:s23], $0x800  }
0x2a3: {  	[sflag:s23] =	ssyncset.done $0x0  }
0x2a4: {  	[sflag:s23] =	ssyncadd.s32 $0xFFFFF800  }
0x2a5: {  	_ =	swait.ge [sflag:s23], $0x800  }
0x2a6: {  	[sflag:s23] =	ssyncset.done $0x0  }
0x2a7: {  	[sflag:s23] =	ssyncadd.s32 $0xFFFFF800  }
0x2a8: {  	_ =	swait.ge [sflag:s23], $0x800  }
0x2a9: {  	[sflag:s23] =	ssyncset.done $0x0  }
0x2aa: {  	[sflag:s23] =	ssyncadd.s32 $0xFFFFF800  }
0x2ab: {  	_ =	swait.ge [sflag:s23], $0x800  }
0x2ac: {  	[sflag:s23] =	ssyncset.done $0x0  }
0x2ad: {  	[sflag:s23] =	ssyncadd.s32 $0xFFFFF800  }
0x2ae: {  	_ =	swait.ge [sflag:s23], $0x800  }
0x2af: {  	[sflag:s23] =	ssyncset.done $0x0  }
0x2b0: {  	[sflag:s23] =	ssyncadd.s32 $0xFFFFF800  }
0x2b1: {  	_ =	swait.ge [sflag:s23], $0x800  }
0x2b2: {  	[sflag:s23] =	ssyncset.done $0x0  }
0x2b3: {  	s8 =	simm.s32 $0x0;
	[sflag:s23] =	ssyncadd.s32 $0xFFFFF800  }
.LBB2_20:
0x2b4: {  	v1 =	vlaneseq.u32  }
0x2b5: {  	v2 =	vadd.s32 s8, v1  }
0x2b6: {  	v3 =	vshll.u32 v2, $0xB;
	v4 =	vshll.u32 v2, $0x7  }
0x2b7: {  	v3 =	vand.u32 $0x4000, v3;
	v4 =	vand.u32 $0x380, v4  }
0x2b8: {  	v3 =	vor.u32 v3, v4  }
0x2b9: {  	v11 =	vor.u32 v1, v3  }
0x2ba: {  	v3 =	vadd.s32 $0x50, v11  }
0x2bb: {  	v4 =	vadd.s32 $0x70, v11  }
0x2bc: {  	v5 =	vadd.s32 $0x10, v11  }
0x2bd: {  	v6 =	vadd.s32 $0x20, v11  }
0x2be: {  	v7 =	vadd.s32 $0x30, v11;
	v9 =	vld.idx.msk [tilespmem:v11+s25+$0x0], $0xffff  }
0x2bf: {  	v14 =	vshll.u32 v1, $0x4;
	v2 =	vand.u32 $0xF, v2;
	v8 =	vadd.s32 $0x40, v11;
	v13 =	vld.idx.msk [tilespmem:v3+s25+$0x0], $0xffff  }
0x2c0: {  	v16 =	vor.u32 v14, v2;
	v12 =	vadd.s32 $0x60, v11;
	v10 =	vld.idx.msk [tilespmem:v4+s25+$0x0], $0xffff;
	v3 =	vor.u32 $0x100, v2  }
0x2c1: {  	v15 =	vld.idx.msk [tilespmem:v5+s25+$0x0], $0xffff;
	v4 =	vor.u32 $0x200, v2;
	v18 =	vadd.s32 v3, v14  }
0x2c2: {  	v17 =	vld.idx.msk [tilespmem:v6+s25+$0x0], $0xffff;
	v5 =	vor.u32 $0x300, v2;
	v20 =	vadd.s32 v4, v14  }
0x2c3: {  	v19 =	vld.idx.msk [tilespmem:v7+s25+$0x0], $0xffff;
	v6 =	vor.u32 $0x400, v2;
	v22 =	vadd.s32 v5, v14  }
0x2c4: {  	v21 =	vld.idx.msk [tilespmem:v8+s25+$0x0], $0xffff;
	v7 =	vor.u32 $0x500, v2;
	v24 =	vadd.s32 v6, v14  }
0x2c5: {  	v23 =	vld.idx.msk [tilespmem:v12+s25+$0x0], $0xffff;
	[tilespmem:v16+s28+$0x0] =	vst.idx.msk $0xffff, v9;
	v16 =	vadd.s32 v7, v14  }
0x2c6: {  	v8 =	vor.u32 $0x600, v2;
	[tilespmem:v18+s28+$0x0] =	vst.idx.msk $0xffff, v15  }
0x2c7: {  	v9 =	vor.u32 $0x700, v2;
	v18 =	vadd.s32 v8, v14;
	[tilespmem:v20+s28+$0x0] =	vst.idx.msk $0xffff, v17  }
0x2c8: {  	v12 =	vadd.s32 $0x400, v11;
	v17 =	vadd.s32 v9, v14;
	[tilespmem:v22+s28+$0x0] =	vst.idx.msk $0xffff, v19  }
0x2c9: {  	v15 =	vadd.s32 $0x50, v12;
	[tilespmem:v24+s28+$0x0] =	vst.idx.msk $0xffff, v21  }
0x2ca: {  	[tilespmem:v16+s28+$0x0] =	vst.idx.msk $0xffff, v13;
	v16 =	vadd.s32 $0x70, v12;
	_ =	sdelay $0x1  }
0x2cb: {  	s4 =	simm.s32 $0xE;
	v11 =	vadd.s32 $0x20, v12;
	v14 =	vadd.s32 $0x10, v12;
	v13 =	vadd.s32 $0x400, v12;
	[tilespmem:v18+s28+$0x0] =	vst.idx.msk $0xffff, v23  }
.LBB2_21:
0x2cc: {  	v18 =	vadd.s32 $0x20, v13;
	p1 =	sne.s32 s4, $0x1;
	s4 =	sadd.s32 $0xFFFFFFFF, s4;
	[tilespmem:v17+s28+$0x0] =	vst.idx.msk $0xffff, v10;
	v1 =	vadd.s32 $0x80, v1  }
0x2cd: {  	v17 =	vadd.s32 $0x30, v12;
	v19 =	vld.idx.msk [tilespmem:v15+s25+$0x0], $0xffff  }
0x2ce: {  	v15 =	vadd.s32 $0x40, v12;
	v10 =	vld.idx.msk [tilespmem:v16+s25+$0x0], $0xffff  }
0x2cf: {  	v20 =	vadd.s32 $0x60, v12;
	v21 =	vshll.u32 v1, $0x4;
	v16 =	vld.idx.msk [tilespmem:v12+s25+$0x0], $0xffff;
	v12 =	vmov v13  }
0x2d0: {  	v22 =	vor.u32 v21, v2;
	v14 =	vld.idx.msk [tilespmem:v14+s25+$0x0], $0xffff  }
0x2d1: {  	v24 =	vadd.s32 v3, v21;
	v23 =	vld.idx.msk [tilespmem:v11+s25+$0x0], $0xffff;
	v11 =	vmov v18  }
0x2d2: {  	v18 =	vld.idx.msk [tilespmem:v17+s25+$0x0], $0xffff;
	v17 =	vadd.s32 v4, v21  }
0x2d3: {  	v26 =	vadd.s32 v5, v21;
	v25 =	vld.idx.msk [tilespmem:v15+s25+$0x0], $0xffff  }
0x2d4: {  	v27 =	vadd.s32 v6, v21;
	v20 =	vld.idx.msk [tilespmem:v20+s25+$0x0], $0xffff  }
0x2d5: {  	[tilespmem:v22+s28+$0x0] =	vst.idx.msk $0xffff, v16;
	v22 =	vadd.s32 v7, v21  }
0x2d6: {  	[tilespmem:v24+s28+$0x0] =	vst.idx.msk $0xffff, v14;
	v24 =	vadd.s32 v8, v21  }
.Ltmp9:
0x2d7: {  	[tilespmem:v17+s28+$0x0] =	vst.idx.msk $0xffff, v23;
	v17 =	vadd.s32 v9, v21;
	(pc) =	sbr.rel @p1 .LBB2_21-.Ltmp9, $4  }
0x2d8: {  	v15 =	vadd.s32 $0x50, v13;
	[tilespmem:v26+s28+$0x0] =	vst.idx.msk $0xffff, v18  }
0x2d9: {  	v16 =	vadd.s32 $0x70, v13;
	[tilespmem:v27+s28+$0x0] =	vst.idx.msk $0xffff, v25  }
0x2da: {  	[tilespmem:v22+s28+$0x0] =	vst.idx.msk $0xffff, v19  }
0x2db: {  	v13 =	vadd.s32 $0x400, v13;
	v14 =	vadd.s32 $0x10, v12;
	[tilespmem:v24+s28+$0x0] =	vst.idx.msk $0xffff, v20  }
0x2dc: {  	_ =	sdelay $0x3  }
0x2dd: {  	[tilespmem:v17+s28+$0x0] =	vst.idx.msk $0xffff, v10  }
0x2de: {  	v61 =	vadd.s32 $0x30, v12;
	v1 =	vadd.s32 $0x80, v1;
	v13 =	vld.idx.msk [tilespmem:v15+s25+$0x0], $0xffff  }
0x2df: {  	v62 =	vadd.s32 $0x40, v12;
	v16 =	vld.idx.msk [tilespmem:v16+s25+$0x0], $0xffff;
	v1 =	vshll.u32 v1, $0x4  }
0x2e0: {  	v63 =	vadd.s32 $0x60, v12;
	v17 =	vld.idx.msk [tilespmem:v12+s25+$0x0], $0xffff;
	v2 =	vor.u32 v1, v2  }
0x2e1: {  	v14 =	vld.idx.msk [tilespmem:v14+s25+$0x0], $0xffff;
	v3 =	vadd.s32 v3, v1  }
0x2e2: {  	v11 =	vld.idx.msk [tilespmem:v11+s25+$0x0], $0xffff;
	v4 =	vadd.s32 v4, v1  }
0x2e3: {  	v5 =	vadd.s32 v5, v1;
	v10 =	vld.idx.msk [tilespmem:v61+s25+$0x0], $0xffff  }
0x2e4: {  	v6 =	vadd.s32 v6, v1;
	v15 =	vld.idx.msk [tilespmem:v62+s25+$0x0], $0xffff  }
0x2e5: {  	v12 =	vld.idx.msk [tilespmem:v63+s25+$0x0], $0xffff;
	[tilespmem:v2+s28+$0x0] =	vst.idx.msk $0xffff, v17;
	v2 =	vadd.s32 v7, v1  }
0x2e6: {  	s8 =	sadd.s32 $0x1, s8;
	[tilespmem:v3+s28+$0x0] =	vst.idx.msk $0xffff, v14;
	v3 =	vadd.s32 v8, v1  }
0x2e7: {  	p1 =	sne.s32 s8, $0x10;
	v1 =	vadd.s32 v9, v1;
	[tilespmem:v4+s28+$0x0] =	vst.idx.msk $0xffff, v11  }
.Ltmp10:
0x2e8: {  	[tilespmem:v5+s28+$0x0] =	vst.idx.msk $0xffff, v10;
	(pc) =	sbr.rel @p1 .LBB2_20-.Ltmp10, $4  }
0x2e9: {  	[tilespmem:v6+s28+$0x0] =	vst.idx.msk $0xffff, v15  }
0x2ea: {  	[tilespmem:v2+s28+$0x0] =	vst.idx.msk $0xffff, v13  }
0x2eb: {  	[tilespmem:v3+s28+$0x0] =	vst.idx.msk $0xffff, v12  }
0x2ec: {  	[tilespmem:v1+s28+$0x0] =	vst.idx.msk $0xffff, v16  }
0x2ed: {  	s3 =	rddreg [dreg:$0x8]  }
0x2ee: {  	s4 =	rddreg [dreg:$0x9]  }
0x2ef: {  	s8 =	rddreg [dreg:$0xb]  }
0x2f0: {  	[spmem:s2] =	stream.indirect.scatter.add.f32 [tilespmem:s3], [sflag:$0x3], $0x10, s4, s30, $0xb8;
	[tilespmem:$0x1F800] =	vst v63  }
0x2f1: {  	s4 =	rddreg [dreg:$0xa]  }
0x2f2: {  	[spmem:s2] =	stream.indirect.scatter.add.f32 [tilespmem:s4], [sflag:$0x3], $0x10, s8, s30, $0xb8;
	[tilespmem:$0x1F800] =	vst v63  }
0x2f3: {  	s4 =	rddreg [dreg:$0xc]  }
0x2f4: {  	s8 =	rddreg [dreg:$0xd]  }
0x2f5: {  	[spmem:s2] =	stream.indirect.scatter.add.f32 [tilespmem:s4], [sflag:$0x3], $0x10, s8, s30, $0xb8;
	[tilespmem:$0x1F800] =	vst v63  }
0x2f6: {  	s4 =	rddreg [dreg:$0xe]  }
0x2f7: {  	s8 =	rddreg [dreg:$0xf]  }
0x2f8: {  	[spmem:s2] =	stream.indirect.scatter.add.f32 [tilespmem:s4], [sflag:$0x3], $0x10, s8, s30, $0xb8;
	[tilespmem:$0x1F800] =	vst v63  }
0x2f9: {  	s4 =	rddreg [dreg:$0x10]  }
0x2fa: {  	s8 =	rddreg [dreg:$0x11]  }
0x2fb: {  	[spmem:s2] =	stream.indirect.scatter.add.f32 [tilespmem:s4], [sflag:$0x3], $0x10, s8, s30, $0xb8;
	[tilespmem:$0x1F800] =	vst v63  }
0x2fc: {  	s4 =	rddreg [dreg:$0x12]  }
0x2fd: {  	s8 =	rddreg [dreg:$0x13]  }
0x2fe: {  	[spmem:s2] =	stream.indirect.scatter.add.f32 [tilespmem:s4], [sflag:$0x3], $0x10, s8, s30, $0xb8;
	[tilespmem:$0x1F800] =	vst v63  }
0x2ff: {  	s4 =	rddreg [dreg:$0x15]  }
0x300: {  	s8 =	rddreg [dreg:$0x16]  }
0x301: {  	[spmem:s2] =	stream.indirect.scatter.add.f32 [tilespmem:s4], [sflag:$0x3], $0x10, s8, s30, $0xb8;
	[tilespmem:$0x1F800] =	vst v63  }
0x302: {  	s4 =	rddreg [dreg:$0x18]  }
0x303: {  	s8 =	rddreg [dreg:$0x19]  }
0x304: {  	[spmem:s2] =	stream.indirect.scatter.add.f32 [tilespmem:s4], [sflag:$0x3], $0x10, s8, s30, $0xb8;
	[tilespmem:$0x1F800] =	vst v63  }
0x305: {  	s4 =	rddreg [dreg:$0x1a]  }
0x306: {  	s8 =	rddreg [dreg:$0x1b]  }
0x307: {  	[spmem:s2] =	stream.indirect.scatter.add.f32 [tilespmem:s4], [sflag:$0x3], $0x10, s8, s30, $0xb8;
	[tilespmem:$0x1F800] =	vst v63  }
0x308: {  	s4 =	rddreg [dreg:$0x1c]  }
0x309: {  	s8 =	rddreg [dreg:$0x1d]  }
0x30a: {  	[spmem:s2] =	stream.indirect.scatter.add.f32 [tilespmem:s4], [sflag:$0x3], $0x10, s8, s30, $0xb8;
	[tilespmem:$0x1F800] =	vst v63  }
0x30b: {  	s4 =	rddreg [dreg:$0x1e]  }
0x30c: {  	s8 =	rddreg [dreg:$0x1f]  }
0x30d: {  	[spmem:s2] =	stream.indirect.scatter.add.f32 [tilespmem:s4], [sflag:$0x3], $0x10, s8, s30, $0xb8;
	[tilespmem:$0x1F800] =	vst v63  }
0x30e: {  	s4 =	sld [smem:$0x7EF]  }
0x30f: {  	s8 =	sld [smem:$0x7F0];
	_ =	sdelay $0x2  }
0x310: {  	[spmem:s2] =	stream.indirect.scatter.add.f32 [tilespmem:s4], [sflag:$0x3], $0x10, s8, s30, $0xb8;
	[tilespmem:$0x1F800] =	vst v63  }
0x311: {  	s4 =	sld [smem:$0x7F1]  }
0x312: {  	s8 =	sld [smem:$0x7F2];
	_ =	sdelay $0x2  }
0x313: {  	[spmem:s2] =	stream.indirect.scatter.add.f32 [tilespmem:s4], [sflag:$0x3], $0x10, s8, s30, $0xb8;
	[tilespmem:$0x1F800] =	vst v63  }
0x314: {  	s4 =	sld [smem:$0x7F3]  }
0x315: {  	s8 =	sld [smem:$0x7F4];
	_ =	sdelay $0x2  }
0x316: {  	[spmem:s2] =	stream.indirect.scatter.add.f32 [tilespmem:s4], [sflag:$0x3], $0x10, s8, s30, $0xb8;
	[tilespmem:$0x1F800] =	vst v63  }
0x317: {  	s3 =	simm.s32 @!p0 $0x80;
	s4 =	simm.s32 @!p0 $0x2780;
	s8 =	simm.s32 @!p0 $0x1A000  }
0x318: {  	[spmem:s2] =	stream.indirect.scatter.add.f32 @!p0 [tilespmem:s8], [sflag:$0x3], $0x10, s4, s3, $0xb8;
	[tilespmem:$0x1F800] =	vst v63  }
0x319: {  	_ =	swait.ge [sflag:s23], $0x800  }
0x31a: {  	[sflag:s23] =	ssyncset.done $0x0  }
0x31b: {  	[sflag:s23] =	ssyncadd.s32 $0xFFFFF800  }
0x31c: {  	_ =	swait.ge [sflag:s23], $0x800  }
0x31d: {  	[sflag:s23] =	ssyncset.done $0x0  }
0x31e: {  	[sflag:s23] =	ssyncadd.s32 $0xFFFFF800  }
0x31f: {  	_ =	swait.ge [sflag:s23], $0x800  }
0x320: {  	[sflag:s23] =	ssyncset.done $0x0  }
0x321: {  	[sflag:s23] =	ssyncadd.s32 $0xFFFFF800  }
0x322: {  	_ =	swait.ge [sflag:s23], $0x800  }
0x323: {  	[sflag:s23] =	ssyncset.done $0x0  }
0x324: {  	[sflag:s23] =	ssyncadd.s32 $0xFFFFF800  }
0x325: {  	_ =	swait.ge [sflag:s23], $0x800  }
0x326: {  	[sflag:s23] =	ssyncset.done $0x0  }
0x327: {  	[sflag:s23] =	ssyncadd.s32 $0xFFFFF800  }
0x328: {  	_ =	swait.ge [sflag:s23], $0x800  }
0x329: {  	[sflag:s23] =	ssyncset.done $0x0  }
0x32a: {  	[sflag:s23] =	ssyncadd.s32 $0xFFFFF800  }
0x32b: {  	_ =	swait.ge [sflag:s23], $0x800  }
0x32c: {  	[sflag:s23] =	ssyncset.done $0x0  }
0x32d: {  	[sflag:s23] =	ssyncadd.s32 $0xFFFFF800  }
0x32e: {  	_ =	swait.ge [sflag:s23], $0x800  }
0x32f: {  	[sflag:s23] =	ssyncset.done $0x0  }
0x330: {  	[sflag:s23] =	ssyncadd.s32 $0xFFFFF800  }
0x331: {  	_ =	swait.ge [sflag:s23], $0x800  }
0x332: {  	[sflag:s23] =	ssyncset.done $0x0  }
0x333: {  	[sflag:s23] =	ssyncadd.s32 $0xFFFFF800  }
0x334: {  	_ =	swait.ge [sflag:s23], $0x800  }
0x335: {  	[sflag:s23] =	ssyncset.done $0x0  }
0x336: {  	[sflag:s23] =	ssyncadd.s32 $0xFFFFF800  }
0x337: {  	_ =	swait.ge [sflag:s23], $0x800  }
0x338: {  	[sflag:s23] =	ssyncset.done $0x0  }
0x339: {  	[sflag:s23] =	ssyncadd.s32 $0xFFFFF800  }
0x33a: {  	_ =	swait.ge [sflag:s23], $0x800  }
0x33b: {  	[sflag:s23] =	ssyncset.done $0x0  }
0x33c: {  	[sflag:s23] =	ssyncadd.s32 $0xFFFFF800  }
0x33d: {  	_ =	swait.ge [sflag:s23], $0x800  }
0x33e: {  	[sflag:s23] =	ssyncset.done $0x0  }
0x33f: {  	[sflag:s23] =	ssyncadd.s32 $0xFFFFF800  }
0x340: {  	_ =	swait.ge [sflag:s23], $0x800  }
0x341: {  	[sflag:s23] =	ssyncset.done $0x0  }
0x342: {  	s3 =	simm.s32 @!p0 $0x3;
	[sflag:s23] =	ssyncadd.s32 $0xFFFFF800  }
0x343: {  	_ =	swait.ge @!p0 [sflag:s3], $0x800  }
0x344: {  	[sflag:s3] =	ssyncset.done @!p0 $0x0  }
0x345: {  	[sflag:s3] =	ssyncadd.s32 @!p0 $0xFFFFF800  }
0x346: {  	[bflag:$0x0] =	sbarrier.arrive $0xFFFF  }
0x347: {  	[tilespmem:s28], [sflag:$0x4] =	stream.linear.gather [spmem:s5], $0x2800, $0x38;
	[tilespmem:$0x1F800] =	vst v63  }
0x348: {  	_ =	swait.ge [sflag:s29], $0x2800  }
0x349: {  	[sflag:s29] =	ssyncset.done $0x0  }
0x34a: {  	s4 =	simm.s32 $0x0;
	[sflag:s29] =	ssyncadd.s32 $0xFFFFD800  }
0x34b: {  	v4 =	vld [tilespmem:s4+$0x12870]  }
0x34c: {  	v5 =	vld [tilespmem:s4+$0x12800]  }
0x34d: {  	v6 =	vld [tilespmem:s4+$0x12810]  }
0x34e: {  	v3 =	vld [tilespmem:s4+$0x12820]  }
0x34f: {  	v1 =	vld [tilespmem:s4+$0x12830]  }
0x350: {  	v2 =	vld [tilespmem:s4+$0x12840];
	[tilespmem:s4+$0x1A870] =	vst v4  }
0x351: {  	[tilespmem:s4+$0x1A800] =	vst v5;
	v4 =	vld [tilespmem:s4+$0x12850]  }
0x352: {  	s8 =	simm.s32 $0x80;
	s3 =	simm.s32 $0x400;
	[tilespmem:s4+$0x1A810] =	vst v6;
	v5 =	vld [tilespmem:s4+$0x12860]  }
.LBB2_24:
0x353: {  	p1 =	sne.s32 s3, $0x9E00;
	v6 =	vld [tilespmem:s8+$0x12870];
	[tilespmem:s4+$0x1A820] =	vst v3  }
0x354: {  	v7 =	vld [tilespmem:s8+$0x12800];
	[tilespmem:s4+$0x1A830] =	vst v1  }
0x355: {  	v8 =	vld [tilespmem:s8+$0x12810];
	[tilespmem:s4+$0x1A840] =	vst v2  }
.Ltmp11:
0x356: {  	v3 =	vld [tilespmem:s8+$0x12820];
	[tilespmem:s4+$0x1A850] =	vst v4;
	(pc) =	sbr.rel @p1 .LBB2_24-.Ltmp11, $4  }
0x357: {  	v1 =	vld [tilespmem:s8+$0x12830];
	[tilespmem:s4+$0x1A860] =	vst v5;
	s4 =	smov.u32 s8  }
0x358: {  	v2 =	vld [tilespmem:s4+$0x12840];
	[tilespmem:s4+$0x1A870] =	vst v6  }
0x359: {  	[tilespmem:s4+$0x1A800] =	vst v7;
	v4 =	vld [tilespmem:s4+$0x12850]  }
0x35a: {  	s8 =	sshra.s32 s3, $0x2;
	s3 =	sadd.s32 $0x200, s3;
	[tilespmem:s4+$0x1A810] =	vst v8;
	v5 =	vld [tilespmem:s4+$0x12860]  }
0x35b: {  	v6 =	vld [tilespmem:s8+$0x12870];
	[tilespmem:s4+$0x1A820] =	vst v3  }
0x35c: {  	v3 =	vld [tilespmem:s8+$0x12800];
	[tilespmem:s4+$0x1A830] =	vst v1  }
0x35d: {  	v1 =	vld [tilespmem:s8+$0x12810];
	[tilespmem:s4+$0x1A840] =	vst v2  }
0x35e: {  	v2 =	vld [tilespmem:s8+$0x12820];
	[tilespmem:s4+$0x1A850] =	vst v4  }
0x35f: {  	v4 =	vld [tilespmem:s8+$0x12830];
	[tilespmem:s4+$0x1A860] =	vst v5  }
0x360: {  	v5 =	vld [tilespmem:s8+$0x12840];
	[tilespmem:s8+$0x1A870] =	vst v6  }
0x361: {  	[tilespmem:s8+$0x1A800] =	vst v3;
	v3 =	vld [tilespmem:s8+$0x12850]  }
0x362: {  	[tilespmem:s8+$0x1A810] =	vst v1;
	v1 =	vld [tilespmem:s8+$0x12860]  }
0x363: {  	[tilespmem:s8+$0x1A820] =	vst v2  }
0x364: {  	[tilespmem:s8+$0x1A830] =	vst v4  }
0x365: {  	[tilespmem:s8+$0x1A840] =	vst v5  }
0x366: {  	[tilespmem:s8+$0x1A850] =	vst v3  }
0x367: {  	s3 =	simm.s32 $0x0;
	s4 =	rddreg [dreg:$0x17];
	[tilespmem:s8+$0x1A860] =	vst v1;
	s8 =	simm.s32 $0x1A800  }
0x368: {  	[hbm4b:s4+s3] =	stream.linear.scatter [tilespmem:s8], [sflag:$0x4], $0x2800, $0x38;
	[tilespmem:$0x1F800] =	vst v63  }
0x369: {  	_ =	swait.ge [sflag:s29], $0x2800  }
0x36a: {  	s8 =	sld [smem:$0x7F5];
	_ =	sdelay $0x1  }
0x36b: {  	s20 =	sadd.s32 $0x1, s20  }
0x36c: {  	p1 =	sne.s32 s20, s8  }
.Ltmp12:
0x36d: {  	_ = 	snop;
	(pc) =	sbr.rel @p1 .LBB2_1-.Ltmp12, $3  }
0x36e: {  	_ =	sdelay $0x1  }
0x36f: {  	[sflag:s29] =	ssyncset.done $0x0  }
0x370: {  	[sflag:s29] =	ssyncadd.s32 $0xFFFFD800  }
0x371: {  	_ =	sfence.sel $0x180000  }
0x372: {  	[bflag:$0x0] =	sbarrier.arrive $0xFFFF  }
0x373: {  	_ =	strace $0x90000047  }
0x374: {  	s0 =	stileid.u32;
	[bflag:$0x2] =	sbarrier.arrive $0xFFFF  }
0x375: {  	p0 =	sne.s32 s0, $0x0;
	s0 =	rddreg [dreg:$0x4]  }
0x376: {  	s0 =	sadd.s32 @!p0 $0x100000, s0  }
0x377: {  	[sflag:s0] =	ssyncadd.tile.s32 @!p0 $0x1;
	_ =	shalt  }
.Lfunc_end2:
_tile_overlayer_lowered:
.L_overlay_start_2:
0x378: {  	(tag) =	ssettag $0x2  }
0x379: {  	s0 =	rddreg [dreg:$0x0];
	s2 =	stileid.u32  }
0x37a: {  	s1 =	rddreg [dreg:$0x1];
	p0 =	sne.s32 s2, $0x0  }
0x37b: {  	s3 =	rddreg [dreg:$0x2];
	[bflag:$0x3] =	sbarrier.arrive $0xFFFF;
	s2 =	simm.s32 @!p0 $0x1C04  }
0x37c: {  	[timem:s3], [sflag:s2] =	dma.local @!p0 [hbm:s0], s1  }
0x37d: {  	s0 =	simm.s32 @!p0 $0x4  }
0x37e: {  	_ =	swait.ge @!p0 [sflag:s0], s1  }
0x37f: {  	s1 =	ssub.s32 @!p0 $0x0, s1;
	[sflag:s0] =	ssyncset.done @!p0 $0x0  }
0x380: {  	[sflag:s0] =	ssyncadd.s32 @!p0 s1  }
0x381: {  	[bflag:$0x3] =	sbarrier.arrive $0xFFFF  }
0x382: {  	_ =	shalt  }

</sc_bundles>
